<compile_context>
chip_gen: v7x
topology: tpu7x:2x2x1
jax: 0.10.2.dev20260603
libtpu: 0.0.44.dev20260713+nightly
codegen_flags: <defaults>
</compile_context>

<pallas_src>
import functools

import jax
import jax.numpy as jnp
from jax import lax
from jax.experimental import pallas as pl
from jax.experimental.pallas import tpu as pltpu
from jax.experimental.pallas import tpu_sc as plsc

KNB = 16
DIN = 64
DOUT = 128
N2 = 2048
QT = 128
RT = 2048
MT = 128

_HIGH = lax.Precision.HIGHEST


RLOC = 5
CW = 128


def _topk_indices(p, qT):
    B, N, _ = p.shape
    NCH = N // CW
    INF = float("inf")
    NBIG = 1 << 30

    def rmin01(a):
        return jnp.min(jnp.min(a, axis=1, keepdims=True), axis=0,
                       keepdims=True)

    def body(p_ref, qT_ref, idx_ref, d2_ref, pn_ref, gidx_ref):
        b = pl.program_id(0)
        qb = pl.program_id(1)

        @pl.when(jnp.logical_and(b == 0, qb == 0))
        def _():
            gidx_ref[...] = (
                lax.broadcasted_iota(jnp.int32, (NCH, CW, QT), 0) * CW
                + lax.broadcasted_iota(jnp.int32, (NCH, CW, QT), 1))

        @pl.when(qb == 0)
        def _():
            pp = p_ref[0]
            pn2 = jnp.sum(pp * pp, axis=1, keepdims=True)
            pn_ref[...] = pn2.reshape(NCH, CW, 1)

        q = qT_ref[0]
        qn = jnp.sum(q * q, axis=0, keepdims=True)
        qn3 = qn.reshape(1, 1, QT)
        cross = lax.dot_general(p_ref[0], q, (((1,), (0,)), ((), ())),
                                preferred_element_type=jnp.float32)
        d2_ref[...] = (pn_ref[...] + qn3) - 2.0 * cross.reshape(NCH, CW, QT)

        gidx = gidx_ref[...]
        boff = b * N
        lms, las = [], []
        for r in range(RLOC):
            d2 = d2_ref[...]
            lm = jnp.min(d2, axis=1, keepdims=True)
            la = jnp.min(jnp.where(d2 <= lm, gidx, NBIG), axis=1,
                         keepdims=True)
            lms.append(lm)
            las.append(la)
            if r + 1 < RLOC:
                d2_ref[...] = jnp.where(gidx == la, INF, d2)

        topv = jnp.concatenate(lms, axis=1)
        topi = jnp.concatenate(las, axis=1)
        m16 = None
        for k in range(KNB):
            m16 = rmin01(topv)
            nsel = rmin01(jnp.where(topv <= m16, topi, NBIG))
            idx_ref[0, k:k + 1, :] = (nsel + boff).reshape(1, QT)
            if k + 1 < KNB:
                topv = jnp.where(topi == nsel, INF, topv)

        suspect = jnp.any(lms[RLOC - 1] <= m16)

        @pl.when(suspect)
        def _():
            cr = lax.dot_general(p_ref[0], q, (((1,), (0,)), ((), ())),
                                 preferred_element_type=jnp.float32)
            d2_ref[...] = (pn_ref[...] + qn3) - 2.0 * cr.reshape(NCH, CW, QT)
            for k in range(KNB):
                d2 = d2_ref[...]
                m = rmin01(d2)
                am = rmin01(jnp.where(d2 <= m, gidx, NBIG))
                idx_ref[0, k:k + 1, :] = (am + boff).reshape(1, QT)
                if k + 1 < KNB:
                    d2_ref[...] = jnp.where(gidx == am, INF, d2)

    return pl.pallas_call(
        body,
        grid=(B, N2 // QT),
        in_specs=[
            pl.BlockSpec((1, N, 3), lambda b, qb: (b, 0, 0)),
            pl.BlockSpec((1, 3, QT), lambda b, qb: (b, 0, qb)),
        ],
        out_specs=pl.BlockSpec((1, KNB, QT), lambda b, qb: (b, 0, qb)),
        out_shape=jax.ShapeDtypeStruct((B, KNB, N2), jnp.int32),
        scratch_shapes=[
            pltpu.VMEM((NCH, CW, QT), jnp.float32),
            pltpu.VMEM((NCH, CW, 1), jnp.float32),
            pltpu.VMEM((NCH, CW, QT), jnp.int32),
        ],
    )(p, qT)


def _linear1(x_flat, W1, b1):
    V = x_flat.shape[0]

    def body(x_ref, w_ref, b_ref, out_ref):
        out_ref[...] = jnp.dot(
            x_ref[...], w_ref[...], precision=_HIGH,
            preferred_element_type=jnp.float32) + b_ref[...]

    return pl.pallas_call(
        body,
        grid=(V // RT,),
        in_specs=[
            pl.BlockSpec((RT, DIN), lambda i: (i, 0)),
            pl.BlockSpec((DIN, DOUT), lambda i: (0, 0)),
            pl.BlockSpec((1, DOUT), lambda i: (0, 0)),
        ],
        out_specs=pl.BlockSpec((RT, DOUT), lambda i: (i, 0)),
        out_shape=jax.ShapeDtypeStruct((V, DOUT), jnp.float32),
    )(x_flat, W1, b1.reshape(1, DOUT))


def _sc_gather(h_flat, idxf):
    info = plsc.get_sparse_core_info()
    nc, ns = info.num_cores, info.num_subcores
    nw = nc * ns
    M = idxf.shape[0]
    CH = 128
    rows_per_w = M // nw
    nch = rows_per_w // CH
    mesh = plsc.VectorSubcoreMesh(core_axis_name="c", subcore_axis_name="s")

    @functools.partial(
        pl.kernel,
        mesh=mesh,
        out_type=jax.ShapeDtypeStruct((M, DOUT), jnp.float32),
        scratch_types=[
            pltpu.VMEM((CH,), jnp.int32),
            pltpu.VMEM((CH, DOUT), jnp.float32),
            pltpu.SemaphoreType.DMA,
        ],
    )
    def gather_k(h_hbm, idx_hbm, out_hbm, idx_v, rows_v, sem):
        wid = lax.axis_index("s") * nc + lax.axis_index("c")
        base = wid * rows_per_w
        for c in range(nch):
            off = base + c * CH
            pltpu.sync_copy(idx_hbm.at[pl.ds(off, CH)], idx_v)
            pltpu.async_copy(h_hbm.at[idx_v], rows_v, sem).wait()
            pltpu.sync_copy(rows_v, out_hbm.at[pl.ds(off, CH)])

    return gather_k(h_flat, idxf)


def _stats(x2h):
    M = x2h.shape[0]

    def body(x_ref, s1_ref, s2_ref):
        @pl.when(pl.program_id(0) == 0)
        def _():
            s1_ref[...] = jnp.zeros_like(s1_ref)
            s2_ref[...] = jnp.zeros_like(s2_ref)

        xb = x_ref[...]
        s1_ref[...] += jnp.sum(xb, axis=0, keepdims=True)
        s2_ref[...] += jnp.sum(xb * xb, axis=0, keepdims=True)

    return pl.pallas_call(
        body,
        grid=(M // RT,),
        in_specs=[pl.BlockSpec((RT, DOUT), lambda i: (i, 0))],
        out_specs=[
            pl.BlockSpec((1, DOUT), lambda i: (0, 0)),
            pl.BlockSpec((1, DOUT), lambda i: (0, 0)),
        ],
        out_shape=[
            jax.ShapeDtypeStruct((1, DOUT), jnp.float32),
            jax.ShapeDtypeStruct((1, DOUT), jnp.float32),
        ],
    )(x2h)


def _mlp_maxpool(x2k, scale, shift, W2, b2p):
    BQ = x2k.shape[0]

    def body(x_ref, s_ref, t_ref, w2_ref, b2_ref, out_ref):
        s = s_ref[...]
        t = t_ref[...]
        w2 = w2_ref[...]
        acc = jnp.full((MT, DOUT), -jnp.inf, jnp.float32)
        for k in range(KNB):
            hk = jnp.maximum(x_ref[:, k, :] * s + t, 0.0)
            g = jnp.dot(hk, w2, precision=_HIGH,
                        preferred_element_type=jnp.float32)
            acc = jnp.maximum(acc, g)
        out_ref[...] = acc + b2_ref[...]

    return pl.pallas_call(
        body,
        grid=(BQ // MT,),
        in_specs=[
            pl.BlockSpec((MT, KNB, DOUT), lambda i: (i, 0, 0)),
            pl.BlockSpec((1, DOUT), lambda i: (0, 0)),
            pl.BlockSpec((1, DOUT), lambda i: (0, 0)),
            pl.BlockSpec((DOUT, DOUT), lambda i: (0, 0)),
            pl.BlockSpec((1, DOUT), lambda i: (0, 0)),
        ],
        out_specs=pl.BlockSpec((MT, DOUT), lambda i: (i, 0)),
        out_shape=jax.ShapeDtypeStruct((BQ, DOUT), jnp.float32),
    )(x2k, scale, shift, W2, b2p)


def kernel(x, p, n2, W1, b1, gamma, beta, W2, b2):
    B, N, _ = x.shape
    stride = N // N2
    p2 = p[:, ::stride, :]
    qT = jnp.transpose(p2, (0, 2, 1))

    idxT = _topk_indices(p, qT)
    x_flat = x.reshape(B * N, DIN)
    idxf = jnp.transpose(idxT, (0, 2, 1)).reshape(B * N2 * KNB)

    h1 = _linear1(x_flat, W1, b1)
    x2h = _sc_gather(h1, idxf)

    M = B * N2 * KNB
    s1, s2 = _stats(x2h)
    mean = s1[0] / M
    var = s2[0] / M - mean * mean
    scale = gamma / jnp.sqrt(var + 1e-5)
    shift = beta - mean * scale

    out = _mlp_maxpool(x2h.reshape(B * N2, KNB, DOUT),
                       scale.reshape(1, DOUT), shift.reshape(1, DOUT),
                       W2, b2.reshape(1, DOUT))
    return out.reshape(B, N2, DOUT), p2

# --- scband reference (transcript-rebuilt; emitter-appended) ---
"""Pipeline reference for scband-transition-down-module-51651276702288 (READ-ONLY COPY).

The authoritative reference and input builder live on the scoring server;
editing this copy changes nothing except your own understanding.
"""

import jax, jax.numpy as jnp
import numpy as np

K_NEIGHBORS = 16
DIN = 64
DOUT = 128
N2_STATIC = 2048

def setup_inputs(seed: int = 0) -> dict:
    key = jax.random.key(seed)
    ks = jax.random.split(key, 6)
    B, N = 4, 8192
    x = jax.random.normal(ks[0], (B, N, DIN), dtype=jnp.float32)
    p = jax.random.uniform(ks[1], (B, N, 3), dtype=jnp.float32)
    W1 = jax.random.normal(ks[2], (DIN, DOUT), dtype=jnp.float32) * (1.0 / np.sqrt(DIN))
    b1 = jnp.zeros((DOUT,), dtype=jnp.float32)
    gamma = jnp.ones((DOUT,), dtype=jnp.float32)
    beta = jnp.zeros((DOUT,), dtype=jnp.float32)
    W2 = jax.random.normal(ks[3], (DOUT, DOUT), dtype=jnp.float32) * (1.0 / np.sqrt(DOUT))
    b2 = jnp.zeros((DOUT,), dtype=jnp.float32)
    return {"x": x, "p": p, "n2": 2048, "W1": W1, "b1": b1, "gamma": gamma, "beta": beta, "W2": W2, "b2": b2}

def sample_down(N, n2):
    # deterministic strided subsampling of n2 point indices out of N
    stride = N // n2
    return jnp.arange(N2_STATIC) * stride

def find_kNN(q, p, k):
    # q: [B, N2, 3], p: [B, N, 3] -> (dists [B,N2,k], idx [B,N2,k])
    d2 = (jnp.sum(q * q, axis=-1)[..., None]
          + jnp.sum(p * p, axis=-1)[:, None, :]
          - 2.0 * jnp.einsum('bqc,bnc->bqn', q, p))
    d2 = jax.lax.stop_gradient(d2)  # indices are non-differentiable
    neg_d, idx = jax.lax.top_k(-d2, k)
    return -neg_d, idx

def reference(x, p, n2, W1, b1, gamma, beta, W2, b2):
    B, N, _ = x.shape
    n2_idx = sample_down(N, n2)
    p2 = p[:, n2_idx]
    _, idx = find_kNN(p2, p, K_NEIGHBORS)
    batch_ids = jnp.arange(B)[:, None, None]
    x2 = x[batch_ids, idx]  # gather: [B, N2, K, din]
    B_, N2, K, C = x2.shape
    h = x2.reshape(B_ * N2 * K, DIN)
    # Linear 1
    h = h @ W1 + b1
    # BatchNorm1d (training mode: batch statistics, biased var, eps=1e-5)
    mean = jnp.mean(h, axis=0)
    var = jnp.var(h, axis=0)
    h = (h - mean) / jnp.sqrt(var + 1e-5) * gamma + beta
    # ReLU
    h = jnp.maximum(h, 0.0)
    # Linear 2
    h = h @ W2 + b2
    x2 = jnp.max(h.reshape(B_, N2, K, DOUT), axis=2)
    return (x2, p2)

if __name__ == "__main__":
    import jax
    _d = setup_inputs()
    print(jax.jit(kernel)(*tuple(_d.values())))

</pallas_src>

<mosaic_0001>
#map = affine_map<(d0, d1) -> (0, 0)>
#map1 = affine_map<(d0, d1) -> (0)>
module attributes {stable_mosaic.version = 14 : i64} {
  func.func @gather_k(%arg0: i32, %arg1: i32, %arg2: memref<32768x128xf32, #tpu.memory_space<hbm>>, %arg3: memref<131072xi32, #tpu.memory_space<hbm>>, %arg4: memref<131072x128xf32, #tpu.memory_space<hbm>>, %arg5: memref<128xi32, #tpu.memory_space<vmem>>, %arg6: memref<128x128xf32, #tpu.memory_space<vmem>>, %arg7: memref<!tpu.dma_semaphore, #tpu.memory_space<semaphore_mem>>) attributes {dimension_semantics = [#tpu.dimension_semantics<core_parallel>, #tpu.dimension_semantics<subcore_parallel>], iteration_bounds = array<i64: 2, 16>, scalar_prefetch = 0 : i64, scratch_operands = 3 : i64, tpu.core_type = #tpu.core_type<sc_vector_subcore>, window_params = [{transform_indices = #map}, {transform_indices = #map1}, {transform_indices = #map}]} {
    %mul3A = arith.constant 2 : i32
    %mul3A_0 = arith.muli %arg1, %mul3A : i32
    %add3A = arith.addi %mul3A_0, %arg0 : i32
    %mul3A_1 = arith.constant 4096 : i32
    %mul3A_2 = arith.muli %add3A, %mul3A_1 : i32
    %add3A_3 = arith.constant 0 : i32
    %add3A_4 = arith.addi %mul3A_2, %add3A_3 : i32
    "tpu.region"() ({
      %run_scoped3A = tpu.sem_alloc : memref<!tpu.dma_semaphore, #tpu.memory_space<semaphore_mem>>
      %dma_start3A_257 = tpu.memref_slice %arg3[%add3A_4] : memref<131072xi32, #tpu.memory_space<hbm>> -> memref<128xi32, #tpu.memory_space<hbm>>
      %dma_start3A_258 = tpu.memref_slice %arg3[%add3A_4] : memref<131072xi32, #tpu.memory_space<hbm>> -> memref<128xi32, #tpu.memory_space<hbm>>
      tpu.enqueue_dma source(%dma_start3A_258 : memref<128xi32, #tpu.memory_space<hbm>>) target(%arg5 : memref<128xi32, #tpu.memory_space<vmem>>) target_semaphore(%run_scoped3A : memref<!tpu.dma_semaphore, #tpu.memory_space<semaphore_mem>>)
      %dma_wait3A_259 = tpu.memref_slice %arg3[%add3A_4] : memref<131072xi32, #tpu.memory_space<hbm>> -> memref<128xi32, #tpu.memory_space<hbm>>
      %dma_wait3A_260 = tpu.memref_slice %arg3[%add3A_4] : memref<131072xi32, #tpu.memory_space<hbm>> -> memref<128xi32, #tpu.memory_space<hbm>>
      tpu.wait_dma2 semaphore(%run_scoped3A : memref<!tpu.dma_semaphore, #tpu.memory_space<semaphore_mem>>) src(%dma_wait3A_260 : memref<128xi32, #tpu.memory_space<hbm>>) dst(%arg5 : memref<128xi32, #tpu.memory_space<vmem>>)
      tpu.yield
    }) : () -> ()
    %dma_start3A = arith.constant 0 : i32
    %dma_start3A_5 = arith.constant 0 : i32
    %dma_start3A_6 = tpu.memref_slice %arg2[%dma_start3A, %dma_start3A_5] : memref<32768x128xf32, #tpu.memory_space<hbm>> -> memref<32768x128xf32, #tpu.memory_space<hbm>>
    tpu.enqueue_indirect_dma source(%dma_start3A_6 : memref<32768x128xf32, #tpu.memory_space<hbm>>) target(%arg6 : memref<128x128xf32, #tpu.memory_space<vmem>>) offsets(%arg5 : memref<128xi32, #tpu.memory_space<vmem>>) semaphore(%arg7 : memref<!tpu.dma_semaphore, #tpu.memory_space<semaphore_mem>>)
    %dma_wait3A = arith.constant 0 : i32
    %dma_wait3A_7 = arith.constant 0 : i32
    %dma_wait3A_8 = tpu.memref_slice %arg2[%dma_wait3A, %dma_wait3A_7] : memref<32768x128xf32, #tpu.memory_space<hbm>> -> memref<32768x128xf32, #tpu.memory_space<hbm>>
    tpu.wait_indirect_dma semaphore(%arg7 : memref<!tpu.dma_semaphore, #tpu.memory_space<semaphore_mem>>) src(%dma_wait3A_8 : memref<32768x128xf32, #tpu.memory_space<hbm>>) dst(%arg6 : memref<128x128xf32, #tpu.memory_space<vmem>>)
    "tpu.region"() ({
      %run_scoped3A = tpu.sem_alloc : memref<!tpu.dma_semaphore, #tpu.memory_space<semaphore_mem>>
      %dma_start3A_257 = arith.constant 0 : i32
      %dma_start3A_258 = tpu.memref_slice %arg4[%add3A_4, %dma_start3A_257] : memref<131072x128xf32, #tpu.memory_space<hbm>> -> memref<128x128xf32, #tpu.memory_space<hbm>>
      %dma_start3A_259 = arith.constant 0 : i32
      %dma_start3A_260 = tpu.memref_slice %arg4[%add3A_4, %dma_start3A_259] : memref<131072x128xf32, #tpu.memory_space<hbm>> -> memref<128x128xf32, #tpu.memory_space<hbm>>
      tpu.enqueue_dma source(%arg6 : memref<128x128xf32, #tpu.memory_space<vmem>>) target(%dma_start3A_260 : memref<128x128xf32, #tpu.memory_space<hbm>>) target_semaphore(%run_scoped3A : memref<!tpu.dma_semaphore, #tpu.memory_space<semaphore_mem>>)
      %dma_wait3A_261 = arith.constant 0 : i32
      %dma_wait3A_262 = tpu.memref_slice %arg4[%add3A_4, %dma_wait3A_261] : memref<131072x128xf32, #tpu.memory_space<hbm>> -> memref<128x128xf32, #tpu.memory_space<hbm>>
      %dma_wait3A_263 = arith.constant 0 : i32
      %dma_wait3A_264 = tpu.memref_slice %arg4[%add3A_4, %dma_wait3A_263] : memref<131072x128xf32, #tpu.memory_space<hbm>> -> memref<128x128xf32, #tpu.memory_space<hbm>>
      tpu.wait_dma2 semaphore(%run_scoped3A : memref<!tpu.dma_semaphore, #tpu.memory_space<semaphore_mem>>) src(%arg6 : memref<128x128xf32, #tpu.memory_space<vmem>>) dst(%dma_wait3A_264 : memref<128x128xf32, #tpu.memory_space<hbm>>)
      tpu.yield
    }) : () -> ()
    %add3A_9 = arith.constant 128 : i32
    %add3A_10 = arith.addi %mul3A_2, %add3A_9 : i32
    "tpu.region"() ({
      %run_scoped3A = tpu.sem_alloc : memref<!tpu.dma_semaphore, #tpu.memory_space<semaphore_mem>>
      %dma_start3A_257 = tpu.memref_slice %arg3[%add3A_10] : memref<131072xi32, #tpu.memory_space<hbm>> -> memref<128xi32, #tpu.memory_space<hbm>>
      %dma_start3A_258 = tpu.memref_slice %arg3[%add3A_10] : memref<131072xi32, #tpu.memory_space<hbm>> -> memref<128xi32, #tpu.memory_space<hbm>>
      tpu.enqueue_dma source(%dma_start3A_258 : memref<128xi32, #tpu.memory_space<hbm>>) target(%arg5 : memref<128xi32, #tpu.memory_space<vmem>>) target_semaphore(%run_scoped3A : memref<!tpu.dma_semaphore, #tpu.memory_space<semaphore_mem>>)
      %dma_wait3A_259 = tpu.memref_slice %arg3[%add3A_10] : memref<131072xi32, #tpu.memory_space<hbm>> -> memref<128xi32, #tpu.memory_space<hbm>>
      %dma_wait3A_260 = tpu.memref_slice %arg3[%add3A_10] : memref<131072xi32, #tpu.memory_space<hbm>> -> memref<128xi32, #tpu.memory_space<hbm>>
      tpu.wait_dma2 semaphore(%run_scoped3A : memref<!tpu.dma_semaphore, #tpu.memory_space<semaphore_mem>>) src(%dma_wait3A_260 : memref<128xi32, #tpu.memory_space<hbm>>) dst(%arg5 : memref<128xi32, #tpu.memory_space<vmem>>)
      tpu.yield
    }) : () -> ()
    %dma_start3A_11 = arith.constant 0 : i32
    %dma_start3A_12 = arith.constant 0 : i32
    %dma_start3A_13 = tpu.memref_slice %arg2[%dma_start3A_11, %dma_start3A_12] : memref<32768x128xf32, #tpu.memory_space<hbm>> -> memref<32768x128xf32, #tpu.memory_space<hbm>>
    tpu.enqueue_indirect_dma source(%dma_start3A_13 : memref<32768x128xf32, #tpu.memory_space<hbm>>) target(%arg6 : memref<128x128xf32, #tpu.memory_space<vmem>>) offsets(%arg5 : memref<128xi32, #tpu.memory_space<vmem>>) semaphore(%arg7 : memref<!tpu.dma_semaphore, #tpu.memory_space<semaphore_mem>>)
    %dma_wait3A_14 = arith.constant 0 : i32
    %dma_wait3A_15 = arith.constant 0 : i32
    %dma_wait3A_16 = tpu.memref_slice %arg2[%dma_wait3A_14, %dma_wait3A_15] : memref<32768x128xf32, #tpu.memory_space<hbm>> -> memref<32768x128xf32, #tpu.memory_space<hbm>>
    tpu.wait_indirect_dma semaphore(%arg7 : memref<!tpu.dma_semaphore, #tpu.memory_space<semaphore_mem>>) src(%dma_wait3A_16 : memref<32768x128xf32, #tpu.memory_space<hbm>>) dst(%arg6 : memref<128x128xf32, #tpu.memory_space<vmem>>)
    "tpu.region"() ({
      %run_scoped3A = tpu.sem_alloc : memref<!tpu.dma_semaphore, #tpu.memory_space<semaphore_mem>>
      %dma_start3A_257 = arith.constant 0 : i32
      %dma_start3A_258 = tpu.memref_slice %arg4[%add3A_10, %dma_start3A_257] : memref<131072x128xf32, #tpu.memory_space<hbm>> -> memref<128x128xf32, #tpu.memory_space<hbm>>
      %dma_start3A_259 = arith.constant 0 : i32
      %dma_start3A_260 = tpu.memref_slice %arg4[%add3A_10, %dma_start3A_259] : memref<131072x128xf32, #tpu.memory_space<hbm>> -> memref<128x128xf32, #tpu.memory_space<hbm>>
      tpu.enqueue_dma source(%arg6 : memref<128x128xf32, #tpu.memory_space<vmem>>) target(%dma_start3A_260 : memref<128x128xf32, #tpu.memory_space<hbm>>) target_semaphore(%run_scoped3A : memref<!tpu.dma_semaphore, #tpu.memory_space<semaphore_mem>>)
      %dma_wait3A_261 = arith.constant 0 : i32
      %dma_wait3A_262 = tpu.memref_slice %arg4[%add3A_10, %dma_wait3A_261] : memref<131072x128xf32, #tpu.memory_space<hbm>> -> memref<128x128xf32, #tpu.memory_space<hbm>>
      %dma_wait3A_263 = arith.constant 0 : i32
      %dma_wait3A_264 = tpu.memref_slice %arg4[%add3A_10, %dma_wait3A_263] : memref<131072x128xf32, #tpu.memory_space<hbm>> -> memref<128x128xf32, #tpu.memory_space<hbm>>
      tpu.wait_dma2 semaphore(%run_scoped3A : memref<!tpu.dma_semaphore, #tpu.memory_space<semaphore_mem>>) src(%arg6 : memref<128x128xf32, #tpu.memory_space<vmem>>) dst(%dma_wait3A_264 : memref<128x128xf32, #tpu.memory_space<hbm>>)
      tpu.yield
    }) : () -> ()
    %add3A_17 = arith.constant 256 : i32
    %add3A_18 = arith.addi %mul3A_2, %add3A_17 : i32
    "tpu.region"() ({
      %run_scoped3A = tpu.sem_alloc : memref<!tpu.dma_semaphore, #tpu.memory_space<semaphore_mem>>
      %dma_start3A_257 = tpu.memref_slice %arg3[%add3A_18] : memref<131072xi32, #tpu.memory_space<hbm>> -> memref<128xi32, #tpu.memory_space<hbm>>
      %dma_start3A_258 = tpu.memref_slice %arg3[%add3A_18] : memref<131072xi32, #tpu.memory_space<hbm>> -> memref<128xi32, #tpu.memory_space<hbm>>
      tpu.enqueue_dma source(%dma_start3A_258 : memref<128xi32, #tpu.memory_space<hbm>>) target(%arg5 : memref<128xi32, #tpu.memory_space<vmem>>) target_semaphore(%run_scoped3A : memref<!tpu.dma_semaphore, #tpu.memory_space<semaphore_mem>>)
      %dma_wait3A_259 = tpu.memref_slice %arg3[%add3A_18] : memref<131072xi32, #tpu.memory_space<hbm>> -> memref<128xi32, #tpu.memory_space<hbm>>
      %dma_wait3A_260 = tpu.memref_slice %arg3[%add3A_18] : memref<131072xi32, #tpu.memory_space<hbm>> -> memref<128xi32, #tpu.memory_space<hbm>>
      tpu.wait_dma2 semaphore(%run_scoped3A : memref<!tpu.dma_semaphore, #tpu.memory_space<semaphore_mem>>) src(%dma_wait3A_260 : memref<128xi32, #tpu.memory_space<hbm>>) dst(%arg5 : memref<128xi32, #tpu.memory_space<vmem>>)
      tpu.yield
    }) : () -> ()
    %dma_start3A_19 = arith.constant 0 : i32
    %dma_start3A_20 = arith.constant 0 : i32
    %dma_start3A_21 = tpu.memref_slice %arg2[%dma_start3A_19, %dma_start3A_20] : memref<32768x128xf32, #tpu.memory_space<hbm>> -> memref<32768x128xf32, #tpu.memory_space<hbm>>
    tpu.enqueue_indirect_dma source(%dma_start3A_21 : memref<32768x128xf32, #tpu.memory_space<hbm>>) target(%arg6 : memref<128x128xf32, #tpu.memory_space<vmem>>) offsets(%arg5 : memref<128xi32, #tpu.memory_space<vmem>>) semaphore(%arg7 : memref<!tpu.dma_semaphore, #tpu.memory_space<semaphore_mem>>)
    %dma_wait3A_22 = arith.constant 0 : i32
    %dma_wait3A_23 = arith.constant 0 : i32
    %dma_wait3A_24 = tpu.memref_slice %arg2[%dma_wait3A_22, %dma_wait3A_23] : memref<32768x128xf32, #tpu.memory_space<hbm>> -> memref<32768x128xf32, #tpu.memory_space<hbm>>
    tpu.wait_indirect_dma semaphore(%arg7 : memref<!tpu.dma_semaphore, #tpu.memory_space<semaphore_mem>>) src(%dma_wait3A_24 : memref<32768x128xf32, #tpu.memory_space<hbm>>) dst(%arg6 : memref<128x128xf32, #tpu.memory_space<vmem>>)
    "tpu.region"() ({
      %run_scoped3A = tpu.sem_alloc : memref<!tpu.dma_semaphore, #tpu.memory_space<semaphore_mem>>
      %dma_start3A_257 = arith.constant 0 : i32
      %dma_start3A_258 = tpu.memref_slice %arg4[%add3A_18, %dma_start3A_257] : memref<131072x128xf32, #tpu.memory_space<hbm>> -> memref<128x128xf32, #tpu.memory_space<hbm>>
      %dma_start3A_259 = arith.constant 0 : i32
      %dma_start3A_260 = tpu.memref_slice %arg4[%add3A_18, %dma_start3A_259] : memref<131072x128xf32, #tpu.memory_space<hbm>> -> memref<128x128xf32, #tpu.memory_space<hbm>>
      tpu.enqueue_dma source(%arg6 : memref<128x128xf32, #tpu.memory_space<vmem>>) target(%dma_start3A_260 : memref<128x128xf32, #tpu.memory_space<hbm>>) target_semaphore(%run_scoped3A : memref<!tpu.dma_semaphore, #tpu.memory_space<semaphore_mem>>)
      %dma_wait3A_261 = arith.constant 0 : i32
      %dma_wait3A_262 = tpu.memref_slice %arg4[%add3A_18, %dma_wait3A_261] : memref<131072x128xf32, #tpu.memory_space<hbm>> -> memref<128x128xf32, #tpu.memory_space<hbm>>
      %dma_wait3A_263 = arith.constant 0 : i32
      %dma_wait3A_264 = tpu.memref_slice %arg4[%add3A_18, %dma_wait3A_263] : memref<131072x128xf32, #tpu.memory_space<hbm>> -> memref<128x128xf32, #tpu.memory_space<hbm>>
      tpu.wait_dma2 semaphore(%run_scoped3A : memref<!tpu.dma_semaphore, #tpu.memory_space<semaphore_mem>>) src(%arg6 : memref<128x128xf32, #tpu.memory_space<vmem>>) dst(%dma_wait3A_264 : memref<128x128xf32, #tpu.memory_space<hbm>>)
      tpu.yield
    }) : () -> ()
    %add3A_25 = arith.constant 384 : i32
    %add3A_26 = arith.addi %mul3A_2, %add3A_25 : i32
    "tpu.region"() ({
      %run_scoped3A = tpu.sem_alloc : memref<!tpu.dma_semaphore, #tpu.memory_space<semaphore_mem>>
      %dma_start3A_257 = tpu.memref_slice %arg3[%add3A_26] : memref<131072xi32, #tpu.memory_space<hbm>> -> memref<128xi32, #tpu.memory_space<hbm>>
      %dma_start3A_258 = tpu.memref_slice %arg3[%add3A_26] : memref<131072xi32, #tpu.memory_space<hbm>> -> memref<128xi32, #tpu.memory_space<hbm>>
      tpu.enqueue_dma source(%dma_start3A_258 : memref<128xi32, #tpu.memory_space<hbm>>) target(%arg5 : memref<128xi32, #tpu.memory_space<vmem>>) target_semaphore(%run_scoped3A : memref<!tpu.dma_semaphore, #tpu.memory_space<semaphore_mem>>)
      %dma_wait3A_259 = tpu.memref_slice %arg3[%add3A_26] : memref<131072xi32, #tpu.memory_space<hbm>> -> memref<128xi32, #tpu.memory_space<hbm>>
      %dma_wait3A_260 = tpu.memref_slice %arg3[%add3A_26] : memref<131072xi32, #tpu.memory_space<hbm>> -> memref<128xi32, #tpu.memory_space<hbm>>
      tpu.wait_dma2 semaphore(%run_scoped3A : memref<!tpu.dma_semaphore, #tpu.memory_space<semaphore_mem>>) src(%dma_wait3A_260 : memref<128xi32, #tpu.memory_space<hbm>>) dst(%arg5 : memref<128xi32, #tpu.memory_space<vmem>>)
      tpu.yield
    }) : () -> ()
    %dma_start3A_27 = arith.constant 0 : i32
    %dma_start3A_28 = arith.constant 0 : i32
    %dma_start3A_29 = tpu.memref_slice %arg2[%dma_start3A_27, %dma_start3A_28] : memref<32768x128xf32, #tpu.memory_space<hbm>> -> memref<32768x128xf32, #tpu.memory_space<hbm>>
    tpu.enqueue_indirect_dma source(%dma_start3A_29 : memref<32768x128xf32, #tpu.memory_space<hbm>>) target(%arg6 : memref<128x128xf32, #tpu.memory_space<vmem>>) offsets(%arg5 : memref<128xi32, #tpu.memory_space<vmem>>) semaphore(%arg7 : memref<!tpu.dma_semaphore, #tpu.memory_space<semaphore_mem>>)
    %dma_wait3A_30 = arith.constant 0 : i32
    %dma_wait3A_31 = arith.constant 0 : i32
    %dma_wait3A_32 = tpu.memref_slice %arg2[%dma_wait3A_30, %dma_wait3A_31] : memref<32768x128xf32, #tpu.memory_space<hbm>> -> memref<32768x128xf32, #tpu.memory_space<hbm>>
    tpu.wait_indirect_dma semaphore(%arg7 : memref<!tpu.dma_semaphore, #tpu.memory_space<semaphore_mem>>) src(%dma_wait3A_32 : memref<32768x128xf32, #tpu.memory_space<hbm>>) dst(%arg6 : memref<128x128xf32, #tpu.memory_space<vmem>>)
    "tpu.region"() ({
      %run_scoped3A = tpu.sem_alloc : memref<!tpu.dma_semaphore, #tpu.memory_space<semaphore_mem>>
      %dma_start3A_257 = arith.constant 0 : i32
      %dma_start3A_258 = tpu.memref_slice %arg4[%add3A_26, %dma_start3A_257] : memref<131072x128xf32, #tpu.memory_space<hbm>> -> memref<128x128xf32, #tpu.memory_space<hbm>>
      %dma_start3A_259 = arith.constant 0 : i32
      %dma_start3A_260 = tpu.memref_slice %arg4[%add3A_26, %dma_start3A_259] : memref<131072x128xf32, #tpu.memory_space<hbm>> -> memref<128x128xf32, #tpu.memory_space<hbm>>
      tpu.enqueue_dma source(%arg6 : memref<128x128xf32, #tpu.memory_space<vmem>>) target(%dma_start3A_260 : memref<128x128xf32, #tpu.memory_space<hbm>>) target_semaphore(%run_scoped3A : memref<!tpu.dma_semaphore, #tpu.memory_space<semaphore_mem>>)
      %dma_wait3A_261 = arith.constant 0 : i32
      %dma_wait3A_262 = tpu.memref_slice %arg4[%add3A_26, %dma_wait3A_261] : memref<131072x128xf32, #tpu.memory_space<hbm>> -> memref<128x128xf32, #tpu.memory_space<hbm>>
      %dma_wait3A_263 = arith.constant 0 : i32
      %dma_wait3A_264 = tpu.memref_slice %arg4[%add3A_26, %dma_wait3A_263] : memref<131072x128xf32, #tpu.memory_space<hbm>> -> memref<128x128xf32, #tpu.memory_space<hbm>>
      tpu.wait_dma2 semaphore(%run_scoped3A : memref<!tpu.dma_semaphore, #tpu.memory_space<semaphore_mem>>) src(%arg6 : memref<128x128xf32, #tpu.memory_space<vmem>>) dst(%dma_wait3A_264 : memref<128x128xf32, #tpu.memory_space<hbm>>)
      tpu.yield
    }) : () -> ()
    %add3A_33 = arith.constant 512 : i32
    %add3A_34 = arith.addi %mul3A_2, %add3A_33 : i32
    "tpu.region"() ({
      %run_scoped3A = tpu.sem_alloc : memref<!tpu.dma_semaphore, #tpu.memory_space<semaphore_mem>>
      %dma_start3A_257 = tpu.memref_slice %arg3[%add3A_34] : memref<131072xi32, #tpu.memory_space<hbm>> -> memref<128xi32, #tpu.memory_space<hbm>>
      %dma_start3A_258 = tpu.memref_slice %arg3[%add3A_34] : memref<131072xi32, #tpu.memory_space<hbm>> -> memref<128xi32, #tpu.memory_space<hbm>>
      tpu.enqueue_dma source(%dma_start3A_258 : memref<128xi32, #tpu.memory_space<hbm>>) target(%arg5 : memref<128xi32, #tpu.memory_space<vmem>>) target_semaphore(%run_scoped3A : memref<!tpu.dma_semaphore, #tpu.memory_space<semaphore_mem>>)
      %dma_wait3A_259 = tpu.memref_slice %arg3[%add3A_34] : memref<131072xi32, #tpu.memory_space<hbm>> -> memref<128xi32, #tpu.memory_space<hbm>>
      %dma_wait3A_260 = tpu.memref_slice %arg3[%add3A_34] : memref<131072xi32, #tpu.memory_space<hbm>> -> memref<128xi32, #tpu.memory_space<hbm>>
      tpu.wait_dma2 semaphore(%run_scoped3A : memref<!tpu.dma_semaphore, #tpu.memory_space<semaphore_mem>>) src(%dma_wait3A_260 : memref<128xi32, #tpu.memory_space<hbm>>) dst(%arg5 : memref<128xi32, #tpu.memory_space<vmem>>)
      tpu.yield
    }) : () -> ()
    %dma_start3A_35 = arith.constant 0 : i32
    %dma_start3A_36 = arith.constant 0 : i32
    %dma_start3A_37 = tpu.memref_slice %arg2[%dma_start3A_35, %dma_start3A_36] : memref<32768x128xf32, #tpu.memory_space<hbm>> -> memref<32768x128xf32, #tpu.memory_space<hbm>>
    tpu.enqueue_indirect_dma source(%dma_start3A_37 : memref<32768x128xf32, #tpu.memory_space<hbm>>) target(%arg6 : memref<128x128xf32, #tpu.memory_space<vmem>>) offsets(%arg5 : memref<128xi32, #tpu.memory_space<vmem>>) semaphore(%arg7 : memref<!tpu.dma_semaphore, #tpu.memory_space<semaphore_mem>>)
    %dma_wait3A_38 = arith.constant 0 : i32
    %dma_wait3A_39 = arith.constant 0 : i32
    %dma_wait3A_40 = tpu.memref_slice %arg2[%dma_wait3A_38, %dma_wait3A_39] : memref<32768x128xf32, #tpu.memory_space<hbm>> -> memref<32768x128xf32, #tpu.memory_space<hbm>>
    tpu.wait_indirect_dma semaphore(%arg7 : memref<!tpu.dma_semaphore, #tpu.memory_space<semaphore_mem>>) src(%dma_wait3A_40 : memref<32768x128xf32, #tpu.memory_space<hbm>>) dst(%arg6 : memref<128x128xf32, #tpu.memory_space<vmem>>)
    "tpu.region"() ({
      %run_scoped3A = tpu.sem_alloc : memref<!tpu.dma_semaphore, #tpu.memory_space<semaphore_mem>>
      %dma_start3A_257 = arith.constant 0 : i32
      %dma_start3A_258 = tpu.memref_slice %arg4[%add3A_34, %dma_start3A_257] : memref<131072x128xf32, #tpu.memory_space<hbm>> -> memref<128x128xf32, #tpu.memory_space<hbm>>
      %dma_start3A_259 = arith.constant 0 : i32
      %dma_start3A_260 = tpu.memref_slice %arg4[%add3A_34, %dma_start3A_259] : memref<131072x128xf32, #tpu.memory_space<hbm>> -> memref<128x128xf32, #tpu.memory_space<hbm>>
      tpu.enqueue_dma source(%arg6 : memref<128x128xf32, #tpu.memory_space<vmem>>) target(%dma_start3A_260 : memref<128x128xf32, #tpu.memory_space<hbm>>) target_semaphore(%run_scoped3A : memref<!tpu.dma_semaphore, #tpu.memory_space<semaphore_mem>>)
      %dma_wait3A_261 = arith.constant 0 : i32
      %dma_wait3A_262 = tpu.memref_slice %arg4[%add3A_34, %dma_wait3A_261] : memref<131072x128xf32, #tpu.memory_space<hbm>> -> memref<128x128xf32, #tpu.memory_space<hbm>>
      %dma_wait3A_263 = arith.constant 0 : i32
      %dma_wait3A_264 = tpu.memref_slice %arg4[%add3A_34, %dma_wait3A_263] : memref<131072x128xf32, #tpu.memory_space<hbm>> -> memref<128x128xf32, #tpu.memory_space<hbm>>
      tpu.wait_dma2 semaphore(%run_scoped3A : memref<!tpu.dma_semaphore, #tpu.memory_space<semaphore_mem>>) src(%arg6 : memref<128x128xf32, #tpu.memory_space<vmem>>) dst(%dma_wait3A_264 : memref<128x128xf32, #tpu.memory_space<hbm>>)
      tpu.yield
    }) : () -> ()
    %add3A_41 = arith.constant 640 : i32
    %add3A_42 = arith.addi %mul3A_2, %add3A_41 : i32
    "tpu.region"() ({
      %run_scoped3A = tpu.sem_alloc : memref<!tpu.dma_semaphore, #tpu.memory_space<semaphore_mem>>
      %dma_start3A_257 = tpu.memref_slice %arg3[%add3A_42] : memref<131072xi32, #tpu.memory_space<hbm>> -> memref<128xi32, #tpu.memory_space<hbm>>
      %dma_start3A_258 = tpu.memref_slice %arg3[%add3A_42] : memref<131072xi32, #tpu.memory_space<hbm>> -> memref<128xi32, #tpu.memory_space<hbm>>
      tpu.enqueue_dma source(%dma_start3A_258 : memref<128xi32, #tpu.memory_space<hbm>>) target(%arg5 : memref<128xi32, #tpu.memory_space<vmem>>) target_semaphore(%run_scoped3A : memref<!tpu.dma_semaphore, #tpu.memory_space<semaphore_mem>>)
      %dma_wait3A_259 = tpu.memref_slice %arg3[%add3A_42] : memref<131072xi32, #tpu.memory_space<hbm>> -> memref<128xi32, #tpu.memory_space<hbm>>
      %dma_wait3A_260 = tpu.memref_slice %arg3[%add3A_42] : memref<131072xi32, #tpu.memory_space<hbm>> -> memref<128xi32, #tpu.memory_space<hbm>>
      tpu.wait_dma2 semaphore(%run_scoped3A : memref<!tpu.dma_semaphore, #tpu.memory_space<semaphore_mem>>) src(%dma_wait3A_260 : memref<128xi32, #tpu.memory_space<hbm>>) dst(%arg5 : memref<128xi32, #tpu.memory_space<vmem>>)
      tpu.yield
    }) : () -> ()
    %dma_start3A_43 = arith.constant 0 : i32
    %dma_start3A_44 = arith.constant 0 : i32
    %dma_start3A_45 = tpu.memref_slice %arg2[%dma_start3A_43, %dma_start3A_44] : memref<32768x128xf32, #tpu.memory_space<hbm>> -> memref<32768x128xf32, #tpu.memory_space<hbm>>
    tpu.enqueue_indirect_dma source(%dma_start3A_45 : memref<32768x128xf32, #tpu.memory_space<hbm>>) target(%arg6 : memref<128x128xf32, #tpu.memory_space<vmem>>) offsets(%arg5 : memref<128xi32, #tpu.memory_space<vmem>>) semaphore(%arg7 : memref<!tpu.dma_semaphore, #tpu.memory_space<semaphore_mem>>)
    %dma_wait3A_46 = arith.constant 0 : i32
    %dma_wait3A_47 = arith.constant 0 : i32
    %dma_wait3A_48 = tpu.memref_slice %arg2[%dma_wait3A_46, %dma_wait3A_47] : memref<32768x128xf32, #tpu.memory_space<hbm>> -> memref<32768x128xf32, #tpu.memory_space<hbm>>
    tpu.wait_indirect_dma semaphore(%arg7 : memref<!tpu.dma_semaphore, #tpu.memory_space<semaphore_mem>>) src(%dma_wait3A_48 : memref<32768x128xf32, #tpu.memory_space<hbm>>) dst(%arg6 : memref<128x128xf32, #tpu.memory_space<vmem>>)
    "tpu.region"() ({
      %run_scoped3A = tpu.sem_alloc : memref<!tpu.dma_semaphore, #tpu.memory_space<semaphore_mem>>
      %dma_start3A_257 = arith.constant 0 : i32
      %dma_start3A_258 = tpu.memref_slice %arg4[%add3A_42, %dma_start3A_257] : memref<131072x128xf32, #tpu.memory_space<hbm>> -> memref<128x128xf32, #tpu.memory_space<hbm>>
      %dma_start3A_259 = arith.constant 0 : i32
      %dma_start3A_260 = tpu.memref_slice %arg4[%add3A_42, %dma_start3A_259] : memref<131072x128xf32, #tpu.memory_space<hbm>> -> memref<128x128xf32, #tpu.memory_space<hbm>>
      tpu.enqueue_dma source(%arg6 : memref<128x128xf32, #tpu.memory_space<vmem>>) target(%dma_start3A_260 : memref<128x128xf32, #tpu.memory_space<hbm>>) target_semaphore(%run_scoped3A : memref<!tpu.dma_semaphore, #tpu.memory_space<semaphore_mem>>)
      %dma_wait3A_261 = arith.constant 0 : i32
      %dma_wait3A_262 = tpu.memref_slice %arg4[%add3A_42, %dma_wait3A_261] : memref<131072x128xf32, #tpu.memory_space<hbm>> -> memref<128x128xf32, #tpu.memory_space<hbm>>
      %dma_wait3A_263 = arith.constant 0 : i32
      %dma_wait3A_264 = tpu.memref_slice %arg4[%add3A_42, %dma_wait3A_263] : memref<131072x128xf32, #tpu.memory_space<hbm>> -> memref<128x128xf32, #tpu.memory_space<hbm>>
      tpu.wait_dma2 semaphore(%run_scoped3A : memref<!tpu.dma_semaphore, #tpu.memory_space<semaphore_mem>>) src(%arg6 : memref<128x128xf32, #tpu.memory_space<vmem>>) dst(%dma_wait3A_264 : memref<128x128xf32, #tpu.memory_space<hbm>>)
      tpu.yield
    }) : () -> ()
    %add3A_49 = arith.constant 768 : i32
    %add3A_50 = arith.addi %mul3A_2, %add3A_49 : i32
    "tpu.region"() ({
      %run_scoped3A = tpu.sem_alloc : memref<!tpu.dma_semaphore, #tpu.memory_space<semaphore_mem>>
      %dma_start3A_257 = tpu.memref_slice %arg3[%add3A_50] : memref<131072xi32, #tpu.memory_space<hbm>> -> memref<128xi32, #tpu.memory_space<hbm>>
      %dma_start3A_258 = tpu.memref_slice %arg3[%add3A_50] : memref<131072xi32, #tpu.memory_space<hbm>> -> memref<128xi32, #tpu.memory_space<hbm>>
      tpu.enqueue_dma source(%dma_start3A_258 : memref<128xi32, #tpu.memory_space<hbm>>) target(%arg5 : memref<128xi32, #tpu.memory_space<vmem>>) target_semaphore(%run_scoped3A : memref<!tpu.dma_semaphore, #tpu.memory_space<semaphore_mem>>)
      %dma_wait3A_259 = tpu.memref_slice %arg3[%add3A_50] : memref<131072xi32, #tpu.memory_space<hbm>> -> memref<128xi32, #tpu.memory_space<hbm>>
      %dma_wait3A_260 = tpu.memref_slice %arg3[%add3A_50] : memref<131072xi32, #tpu.memory_space<hbm>> -> memref<128xi32, #tpu.memory_space<hbm>>
      tpu.wait_dma2 semaphore(%run_scoped3A : memref<!tpu.dma_semaphore, #tpu.memory_space<semaphore_mem>>) src(%dma_wait3A_260 : memref<128xi32, #tpu.memory_space<hbm>>) dst(%arg5 : memref<128xi32, #tpu.memory_space<vmem>>)
      tpu.yield
    }) : () -> ()
    %dma_start3A_51 = arith.constant 0 : i32
    %dma_start3A_52 = arith.constant 0 : i32
    %dma_start3A_53 = tpu.memref_slice %arg2[%dma_start3A_51, %dma_start3A_52] : memref<32768x128xf32, #tpu.memory_space<hbm>> -> memref<32768x128xf32, #tpu.memory_space<hbm>>
    tpu.enqueue_indirect_dma source(%dma_start3A_53 : memref<32768x128xf32, #tpu.memory_space<hbm>>) target(%arg6 : memref<128x128xf32, #tpu.memory_space<vmem>>) offsets(%arg5 : memref<128xi32, #tpu.memory_space<vmem>>) semaphore(%arg7 : memref<!tpu.dma_semaphore, #tpu.memory_space<semaphore_mem>>)
    %dma_wait3A_54 = arith.constant 0 : i32
    %dma_wait3A_55 = arith.constant 0 : i32
    %dma_wait3A_56 = tpu.memref_slice %arg2[%dma_wait3A_54, %dma_wait3A_55] : memref<32768x128xf32, #tpu.memory_space<hbm>> -> memref<32768x128xf32, #tpu.memory_space<hbm>>
    tpu.wait_indirect_dma semaphore(%arg7 : memref<!tpu.dma_semaphore, #tpu.memory_space<semaphore_mem>>) src(%dma_wait3A_56 : memref<32768x128xf32, #tpu.memory_space<hbm>>) dst(%arg6 : memref<128x128xf32, #tpu.memory_space<vmem>>)
    "tpu.region"() ({
      %run_scoped3A = tpu.sem_alloc : memref<!tpu.dma_semaphore, #tpu.memory_space<semaphore_mem>>
      %dma_start3A_257 = arith.constant 0 : i32
      %dma_start3A_258 = tpu.memref_slice %arg4[%add3A_50, %dma_start3A_257] : memref<131072x128xf32, #tpu.memory_space<hbm>> -> memref<128x128xf32, #tpu.memory_space<hbm>>
      %dma_start3A_259 = arith.constant 0 : i32
      %dma_start3A_260 = tpu.memref_slice %arg4[%add3A_50, %dma_start3A_259] : memref<131072x128xf32, #tpu.memory_space<hbm>> -> memref<128x128xf32, #tpu.memory_space<hbm>>
      tpu.enqueue_dma source(%arg6 : memref<128x128xf32, #tpu.memory_space<vmem>>) target(%dma_start3A_260 : memref<128x128xf32, #tpu.memory_space<hbm>>) target_semaphore(%run_scoped3A : memref<!tpu.dma_semaphore, #tpu.memory_space<semaphore_mem>>)
      %dma_wait3A_261 = arith.constant 0 : i32
      %dma_wait3A_262 = tpu.memref_slice %arg4[%add3A_50, %dma_wait3A_261] : memref<131072x128xf32, #tpu.memory_space<hbm>> -> memref<128x128xf32, #tpu.memory_space<hbm>>
      %dma_wait3A_263 = arith.constant 0 : i32
      %dma_wait3A_264 = tpu.memref_slice %arg4[%add3A_50, %dma_wait3A_263] : memref<131072x128xf32, #tpu.memory_space<hbm>> -> memref<128x128xf32, #tpu.memory_space<hbm>>
      tpu.wait_dma2 semaphore(%run_scoped3A : memref<!tpu.dma_semaphore, #tpu.memory_space<semaphore_mem>>) src(%arg6 : memref<128x128xf32, #tpu.memory_space<vmem>>) dst(%dma_wait3A_264 : memref<128x128xf32, #tpu.memory_space<hbm>>)
      tpu.yield
    }) : () -> ()
    %add3A_57 = arith.constant 896 : i32
    %add3A_58 = arith.addi %mul3A_2, %add3A_57 : i32
    "tpu.region"() ({
      %run_scoped3A = tpu.sem_alloc : memref<!tpu.dma_semaphore, #tpu.memory_space<semaphore_mem>>
      %dma_start3A_257 = tpu.memref_slice %arg3[%add3A_58] : memref<131072xi32, #tpu.memory_space<hbm>> -> memref<128xi32, #tpu.memory_space<hbm>>
      %dma_start3A_258 = tpu.memref_slice %arg3[%add3A_58] : memref<131072xi32, #tpu.memory_space<hbm>> -> memref<128xi32, #tpu.memory_space<hbm>>
      tpu.enqueue_dma source(%dma_start3A_258 : memref<128xi32, #tpu.memory_space<hbm>>) target(%arg5 : memref<128xi32, #tpu.memory_space<vmem>>) target_semaphore(%run_scoped3A : memref<!tpu.dma_semaphore, #tpu.memory_space<semaphore_mem>>)
      %dma_wait3A_259 = tpu.memref_slice %arg3[%add3A_58] : memref<131072xi32, #tpu.memory_space<hbm>> -> memref<128xi32, #tpu.memory_space<hbm>>
      %dma_wait3A_260 = tpu.memref_slice %arg3[%add3A_58] : memref<131072xi32, #tpu.memory_space<hbm>> -> memref<128xi32, #tpu.memory_space<hbm>>
      tpu.wait_dma2 semaphore(%run_scoped3A : memref<!tpu.dma_semaphore, #tpu.memory_space<semaphore_mem>>) src(%dma_wait3A_260 : memref<128xi32, #tpu.memory_space<hbm>>) dst(%arg5 : memref<128xi32, #tpu.memory_space<vmem>>)
      tpu.yield
    }) : () -> ()
    %dma_start3A_59 = arith.constant 0 : i32
    %dma_start3A_60 = arith.constant 0 : i32
    %dma_start3A_61 = tpu.memref_slice %arg2[%dma_start3A_59, %dma_start3A_60] : memref<32768x128xf32, #tpu.memory_space<hbm>> -> memref<32768x128xf32, #tpu.memory_space<hbm>>
    tpu.enqueue_indirect_dma source(%dma_start3A_61 : memref<32768x128xf32, #tpu.memory_space<hbm>>) target(%arg6 : memref<128x128xf32, #tpu.memory_space<vmem>>) offsets(%arg5 : memref<128xi32, #tpu.memory_space<vmem>>) semaphore(%arg7 : memref<!tpu.dma_semaphore, #tpu.memory_space<semaphore_mem>>)
    %dma_wait3A_62 = arith.constant 0 : i32
    %dma_wait3A_63 = arith.constant 0 : i32
    %dma_wait3A_64 = tpu.memref_slice %arg2[%dma_wait3A_62, %dma_wait3A_63] : memref<32768x128xf32, #tpu.memory_space<hbm>> -> memref<32768x128xf32, #tpu.memory_space<hbm>>
    tpu.wait_indirect_dma semaphore(%arg7 : memref<!tpu.dma_semaphore, #tpu.memory_space<semaphore_mem>>) src(%dma_wait3A_64 : memref<32768x128xf32, #tpu.memory_space<hbm>>) dst(%arg6 : memref<128x128xf32, #tpu.memory_space<vmem>>)
    "tpu.region"() ({
      %run_scoped3A = tpu.sem_alloc : memref<!tpu.dma_semaphore, #tpu.memory_space<semaphore_mem>>
      %dma_start3A_257 = arith.constant 0 : i32
      %dma_start3A_258 = tpu.memref_slice %arg4[%add3A_58, %dma_start3A_257] : memref<131072x128xf32, #tpu.memory_space<hbm>> -> memref<128x128xf32, #tpu.memory_space<hbm>>
      %dma_start3A_259 = arith.constant 0 : i32
      %dma_start3A_260 = tpu.memref_slice %arg4[%add3A_58, %dma_start3A_259] : memref<131072x128xf32, #tpu.memory_space<hbm>> -> memref<128x128xf32, #tpu.memory_space<hbm>>
      tpu.enqueue_dma source(%arg6 : memref<128x128xf32, #tpu.memory_space<vmem>>) target(%dma_start3A_260 : memref<128x128xf32, #tpu.memory_space<hbm>>) target_semaphore(%run_scoped3A : memref<!tpu.dma_semaphore, #tpu.memory_space<semaphore_mem>>)
      %dma_wait3A_261 = arith.constant 0 : i32
      %dma_wait3A_262 = tpu.memref_slice %arg4[%add3A_58, %dma_wait3A_261] : memref<131072x128xf32, #tpu.memory_space<hbm>> -> memref<128x128xf32, #tpu.memory_space<hbm>>
      %dma_wait3A_263 = arith.constant 0 : i32
      %dma_wait3A_264 = tpu.memref_slice %arg4[%add3A_58, %dma_wait3A_263] : memref<131072x128xf32, #tpu.memory_space<hbm>> -> memref<128x128xf32, #tpu.memory_space<hbm>>
      tpu.wait_dma2 semaphore(%run_scoped3A : memref<!tpu.dma_semaphore, #tpu.memory_space<semaphore_mem>>) src(%arg6 : memref<128x128xf32, #tpu.memory_space<vmem>>) dst(%dma_wait3A_264 : memref<128x128xf32, #tpu.memory_space<hbm>>)
      tpu.yield
    }) : () -> ()
    %add3A_65 = arith.constant 1024 : i32
    %add3A_66 = arith.addi %mul3A_2, %add3A_65 : i32
    "tpu.region"() ({
      %run_scoped3A = tpu.sem_alloc : memref<!tpu.dma_semaphore, #tpu.memory_space<semaphore_mem>>
      %dma_start3A_257 = tpu.memref_slice %arg3[%add3A_66] : memref<131072xi32, #tpu.memory_space<hbm>> -> memref<128xi32, #tpu.memory_space<hbm>>
      %dma_start3A_258 = tpu.memref_slice %arg3[%add3A_66] : memref<131072xi32, #tpu.memory_space<hbm>> -> memref<128xi32, #tpu.memory_space<hbm>>
      tpu.enqueue_dma source(%dma_start3A_258 : memref<128xi32, #tpu.memory_space<hbm>>) target(%arg5 : memref<128xi32, #tpu.memory_space<vmem>>) target_semaphore(%run_scoped3A : memref<!tpu.dma_semaphore, #tpu.memory_space<semaphore_mem>>)
      %dma_wait3A_259 = tpu.memref_slice %arg3[%add3A_66] : memref<131072xi32, #tpu.memory_space<hbm>> -> memref<128xi32, #tpu.memory_space<hbm>>
      %dma_wait3A_260 = tpu.memref_slice %arg3[%add3A_66] : memref<131072xi32, #tpu.memory_space<hbm>> -> memref<128xi32, #tpu.memory_space<hbm>>
      tpu.wait_dma2 semaphore(%run_scoped3A : memref<!tpu.dma_semaphore, #tpu.memory_space<semaphore_mem>>) src(%dma_wait3A_260 : memref<128xi32, #tpu.memory_space<hbm>>) dst(%arg5 : memref<128xi32, #tpu.memory_space<vmem>>)
      tpu.yield
    }) : () -> ()
    %dma_start3A_67 = arith.constant 0 : i32
    %dma_start3A_68 = arith.constant 0 : i32
    %dma_start3A_69 = tpu.memref_slice %arg2[%dma_start3A_67, %dma_start3A_68] : memref<32768x128xf32, #tpu.memory_space<hbm>> -> memref<32768x128xf32, #tpu.memory_space<hbm>>
    tpu.enqueue_indirect_dma source(%dma_start3A_69 : memref<32768x128xf32, #tpu.memory_space<hbm>>) target(%arg6 : memref<128x128xf32, #tpu.memory_space<vmem>>) offsets(%arg5 : memref<128xi32, #tpu.memory_space<vmem>>) semaphore(%arg7 : memref<!tpu.dma_semaphore, #tpu.memory_space<semaphore_mem>>)
    %dma_wait3A_70 = arith.constant 0 : i32
    %dma_wait3A_71 = arith.constant 0 : i32
    %dma_wait3A_72 = tpu.memref_slice %arg2[%dma_wait3A_70, %dma_wait3A_71] : memref<32768x128xf32, #tpu.memory_space<hbm>> -> memref<32768x128xf32, #tpu.memory_space<hbm>>
    tpu.wait_indirect_dma semaphore(%arg7 : memref<!tpu.dma_semaphore, #tpu.memory_space<semaphore_mem>>) src(%dma_wait3A_72 : memref<32768x128xf32, #tpu.memory_space<hbm>>) dst(%arg6 : memref<128x128xf32, #tpu.memory_space<vmem>>)
    "tpu.region"() ({
      %run_scoped3A = tpu.sem_alloc : memref<!tpu.dma_semaphore, #tpu.memory_space<semaphore_mem>>
      %dma_start3A_257 = arith.constant 0 : i32
      %dma_start3A_258 = tpu.memref_slice %arg4[%add3A_66, %dma_start3A_257] : memref<131072x128xf32, #tpu.memory_space<hbm>> -> memref<128x128xf32, #tpu.memory_space<hbm>>
      %dma_start3A_259 = arith.constant 0 : i32
      %dma_start3A_260 = tpu.memref_slice %arg4[%add3A_66, %dma_start3A_259] : memref<131072x128xf32, #tpu.memory_space<hbm>> -> memref<128x128xf32, #tpu.memory_space<hbm>>
      tpu.enqueue_dma source(%arg6 : memref<128x128xf32, #tpu.memory_space<vmem>>) target(%dma_start3A_260 : memref<128x128xf32, #tpu.memory_space<hbm>>) target_semaphore(%run_scoped3A : memref<!tpu.dma_semaphore, #tpu.memory_space<semaphore_mem>>)
      %dma_wait3A_261 = arith.constant 0 : i32
      %dma_wait3A_262 = tpu.memref_slice %arg4[%add3A_66, %dma_wait3A_261] : memref<131072x128xf32, #tpu.memory_space<hbm>> -> memref<128x128xf32, #tpu.memory_space<hbm>>
      %dma_wait3A_263 = arith.constant 0 : i32
      %dma_wait3A_264 = tpu.memref_slice %arg4[%add3A_66, %dma_wait3A_263] : memref<131072x128xf32, #tpu.memory_space<hbm>> -> memref<128x128xf32, #tpu.memory_space<hbm>>
      tpu.wait_dma2 semaphore(%run_scoped3A : memref<!tpu.dma_semaphore, #tpu.memory_space<semaphore_mem>>) src(%arg6 : memref<128x128xf32, #tpu.memory_space<vmem>>) dst(%dma_wait3A_264 : memref<128x128xf32, #tpu.memory_space<hbm>>)
      tpu.yield
    }) : () -> ()
    %add3A_73 = arith.constant 1152 : i32
    %add3A_74 = arith.addi %mul3A_2, %add3A_73 : i32
    "tpu.region"() ({
      %run_scoped3A = tpu.sem_alloc : memref<!tpu.dma_semaphore, #tpu.memory_space<semaphore_mem>>
      %dma_start3A_257 = tpu.memref_slice %arg3[%add3A_74] : memref<131072xi32, #tpu.memory_space<hbm>> -> memref<128xi32, #tpu.memory_space<hbm>>
      %dma_start3A_258 = tpu.memref_slice %arg3[%add3A_74] : memref<131072xi32, #tpu.memory_space<hbm>> -> memref<128xi32, #tpu.memory_space<hbm>>
      tpu.enqueue_dma source(%dma_start3A_258 : memref<128xi32, #tpu.memory_space<hbm>>) target(%arg5 : memref<128xi32, #tpu.memory_space<vmem>>) target_semaphore(%run_scoped3A : memref<!tpu.dma_semaphore, #tpu.memory_space<semaphore_mem>>)
      %dma_wait3A_259 = tpu.memref_slice %arg3[%add3A_74] : memref<131072xi32, #tpu.memory_space<hbm>> -> memref<128xi32, #tpu.memory_space<hbm>>
      %dma_wait3A_260 = tpu.memref_slice %arg3[%add3A_74] : memref<131072xi32, #tpu.memory_space<hbm>> -> memref<128xi32, #tpu.memory_space<hbm>>
      tpu.wait_dma2 semaphore(%run_scoped3A : memref<!tpu.dma_semaphore, #tpu.memory_space<semaphore_mem>>) src(%dma_wait3A_260 : memref<128xi32, #tpu.memory_space<hbm>>) dst(%arg5 : memref<128xi32, #tpu.memory_space<vmem>>)
      tpu.yield
    }) : () -> ()
    %dma_start3A_75 = arith.constant 0 : i32
    %dma_start3A_76 = arith.constant 0 : i32
    %dma_start3A_77 = tpu.memref_slice %arg2[%dma_start3A_75, %dma_start3A_76] : memref<32768x128xf32, #tpu.memory_space<hbm>> -> memref<32768x128xf32, #tpu.memory_space<hbm>>
    tpu.enqueue_indirect_dma source(%dma_start3A_77 : memref<32768x128xf32, #tpu.memory_space<hbm>>) target(%arg6 : memref<128x128xf32, #tpu.memory_space<vmem>>) offsets(%arg5 : memref<128xi32, #tpu.memory_space<vmem>>) semaphore(%arg7 : memref<!tpu.dma_semaphore, #tpu.memory_space<semaphore_mem>>)
    %dma_wait3A_78 = arith.constant 0 : i32
    %dma_wait3A_79 = arith.constant 0 : i32
    %dma_wait3A_80 = tpu.memref_slice %arg2[%dma_wait3A_78, %dma_wait3A_79] : memref<32768x128xf32, #tpu.memory_space<hbm>> -> memref<32768x128xf32, #tpu.memory_space<hbm>>
    tpu.wait_indirect_dma semaphore(%arg7 : memref<!tpu.dma_semaphore, #tpu.memory_space<semaphore_mem>>) src(%dma_wait3A_80 : memref<32768x128xf32, #tpu.memory_space<hbm>>) dst(%arg6 : memref<128x128xf32, #tpu.memory_space<vmem>>)
    "tpu.region"() ({
      %run_scoped3A = tpu.sem_alloc : memref<!tpu.dma_semaphore, #tpu.memory_space<semaphore_mem>>
      %dma_start3A_257 = arith.constant 0 : i32
      %dma_start3A_258 = tpu.memref_slice %arg4[%add3A_74, %dma_start3A_257] : memref<131072x128xf32, #tpu.memory_space<hbm>> -> memref<128x128xf32, #tpu.memory_space<hbm>>
      %dma_start3A_259 = arith.constant 0 : i32
      %dma_start3A_260 = tpu.memref_slice %arg4[%add3A_74, %dma_start3A_259] : memref<131072x128xf32, #tpu.memory_space<hbm>> -> memref<128x128xf32, #tpu.memory_space<hbm>>
      tpu.enqueue_dma source(%arg6 : memref<128x128xf32, #tpu.memory_space<vmem>>) target(%dma_start3A_260 : memref<128x128xf32, #tpu.memory_space<hbm>>) target_semaphore(%run_scoped3A : memref<!tpu.dma_semaphore, #tpu.memory_space<semaphore_mem>>)
      %dma_wait3A_261 = arith.constant 0 : i32
      %dma_wait3A_262 = tpu.memref_slice %arg4[%add3A_74, %dma_wait3A_261] : memref<131072x128xf32, #tpu.memory_space<hbm>> -> memref<128x128xf32, #tpu.memory_space<hbm>>
      %dma_wait3A_263 = arith.constant 0 : i32
      %dma_wait3A_264 = tpu.memref_slice %arg4[%add3A_74, %dma_wait3A_263] : memref<131072x128xf32, #tpu.memory_space<hbm>> -> memref<128x128xf32, #tpu.memory_space<hbm>>
      tpu.wait_dma2 semaphore(%run_scoped3A : memref<!tpu.dma_semaphore, #tpu.memory_space<semaphore_mem>>) src(%arg6 : memref<128x128xf32, #tpu.memory_space<vmem>>) dst(%dma_wait3A_264 : memref<128x128xf32, #tpu.memory_space<hbm>>)
      tpu.yield
    }) : () -> ()
    %add3A_81 = arith.constant 1280 : i32
    %add3A_82 = arith.addi %mul3A_2, %add3A_81 : i32
    "tpu.region"() ({
      %run_scoped3A = tpu.sem_alloc : memref<!tpu.dma_semaphore, #tpu.memory_space<semaphore_mem>>
      %dma_start3A_257 = tpu.memref_slice %arg3[%add3A_82] : memref<131072xi32, #tpu.memory_space<hbm>> -> memref<128xi32, #tpu.memory_space<hbm>>
      %dma_start3A_258 = tpu.memref_slice %arg3[%add3A_82] : memref<131072xi32, #tpu.memory_space<hbm>> -> memref<128xi32, #tpu.memory_space<hbm>>
      tpu.enqueue_dma source(%dma_start3A_258 : memref<128xi32, #tpu.memory_space<hbm>>) target(%arg5 : memref<128xi32, #tpu.memory_space<vmem>>) target_semaphore(%run_scoped3A : memref<!tpu.dma_semaphore, #tpu.memory_space<semaphore_mem>>)
      %dma_wait3A_259 = tpu.memref_slice %arg3[%add3A_82] : memref<131072xi32, #tpu.memory_space<hbm>> -> memref<128xi32, #tpu.memory_space<hbm>>
      %dma_wait3A_260 = tpu.memref_slice %arg3[%add3A_82] : memref<131072xi32, #tpu.memory_space<hbm>> -> memref<128xi32, #tpu.memory_space<hbm>>
      tpu.wait_dma2 semaphore(%run_scoped3A : memref<!tpu.dma_semaphore, #tpu.memory_space<semaphore_mem>>) src(%dma_wait3A_260 : memref<128xi32, #tpu.memory_space<hbm>>) dst(%arg5 : memref<128xi32, #tpu.memory_space<vmem>>)
      tpu.yield
    }) : () -> ()
    %dma_start3A_83 = arith.constant 0 : i32
    %dma_start3A_84 = arith.constant 0 : i32
    %dma_start3A_85 = tpu.memref_slice %arg2[%dma_start3A_83, %dma_start3A_84] : memref<32768x128xf32, #tpu.memory_space<hbm>> -> memref<32768x128xf32, #tpu.memory_space<hbm>>
    tpu.enqueue_indirect_dma source(%dma_start3A_85 : memref<32768x128xf32, #tpu.memory_space<hbm>>) target(%arg6 : memref<128x128xf32, #tpu.memory_space<vmem>>) offsets(%arg5 : memref<128xi32, #tpu.memory_space<vmem>>) semaphore(%arg7 : memref<!tpu.dma_semaphore, #tpu.memory_space<semaphore_mem>>)
    %dma_wait3A_86 = arith.constant 0 : i32
    %dma_wait3A_87 = arith.constant 0 : i32
    %dma_wait3A_88 = tpu.memref_slice %arg2[%dma_wait3A_86, %dma_wait3A_87] : memref<32768x128xf32, #tpu.memory_space<hbm>> -> memref<32768x128xf32, #tpu.memory_space<hbm>>
    tpu.wait_indirect_dma semaphore(%arg7 : memref<!tpu.dma_semaphore, #tpu.memory_space<semaphore_mem>>) src(%dma_wait3A_88 : memref<32768x128xf32, #tpu.memory_space<hbm>>) dst(%arg6 : memref<128x128xf32, #tpu.memory_space<vmem>>)
    "tpu.region"() ({
      %run_scoped3A = tpu.sem_alloc : memref<!tpu.dma_semaphore, #tpu.memory_space<semaphore_mem>>
      %dma_start3A_257 = arith.constant 0 : i32
      %dma_start3A_258 = tpu.memref_slice %arg4[%add3A_82, %dma_start3A_257] : memref<131072x128xf32, #tpu.memory_space<hbm>> -> memref<128x128xf32, #tpu.memory_space<hbm>>
      %dma_start3A_259 = arith.constant 0 : i32
      %dma_start3A_260 = tpu.memref_slice %arg4[%add3A_82, %dma_start3A_259] : memref<131072x128xf32, #tpu.memory_space<hbm>> -> memref<128x128xf32, #tpu.memory_space<hbm>>
      tpu.enqueue_dma source(%arg6 : memref<128x128xf32, #tpu.memory_space<vmem>>) target(%dma_start3A_260 : memref<128x128xf32, #tpu.memory_space<hbm>>) target_semaphore(%run_scoped3A : memref<!tpu.dma_semaphore, #tpu.memory_space<semaphore_mem>>)
      %dma_wait3A_261 = arith.constant 0 : i32
      %dma_wait3A_262 = tpu.memref_slice %arg4[%add3A_82, %dma_wait3A_261] : memref<131072x128xf32, #tpu.memory_space<hbm>> -> memref<128x128xf32, #tpu.memory_space<hbm>>
      %dma_wait3A_263 = arith.constant 0 : i32
      %dma_wait3A_264 = tpu.memref_slice %arg4[%add3A_82, %dma_wait3A_263] : memref<131072x128xf32, #tpu.memory_space<hbm>> -> memref<128x128xf32, #tpu.memory_space<hbm>>
      tpu.wait_dma2 semaphore(%run_scoped3A : memref<!tpu.dma_semaphore, #tpu.memory_space<semaphore_mem>>) src(%arg6 : memref<128x128xf32, #tpu.memory_space<vmem>>) dst(%dma_wait3A_264 : memref<128x128xf32, #tpu.memory_space<hbm>>)
      tpu.yield
    }) : () -> ()
    %add3A_89 = arith.constant 1408 : i32
    %add3A_90 = arith.addi %mul3A_2, %add3A_89 : i32
    "tpu.region"() ({
      %run_scoped3A = tpu.sem_alloc : memref<!tpu.dma_semaphore, #tpu.memory_space<semaphore_mem>>
      %dma_start3A_257 = tpu.memref_slice %arg3[%add3A_90] : memref<131072xi32, #tpu.memory_space<hbm>> -> memref<128xi32, #tpu.memory_space<hbm>>
      %dma_start3A_258 = tpu.memref_slice %arg3[%add3A_90] : memref<131072xi32, #tpu.memory_space<hbm>> -> memref<128xi32, #tpu.memory_space<hbm>>
      tpu.enqueue_dma source(%dma_start3A_258 : memref<128xi32, #tpu.memory_space<hbm>>) target(%arg5 : memref<128xi32, #tpu.memory_space<vmem>>) target_semaphore(%run_scoped3A : memref<!tpu.dma_semaphore, #tpu.memory_space<semaphore_mem>>)
      %dma_wait3A_259 = tpu.memref_slice %arg3[%add3A_90] : memref<131072xi32, #tpu.memory_space<hbm>> -> memref<128xi32, #tpu.memory_space<hbm>>
      %dma_wait3A_260 = tpu.memref_slice %arg3[%add3A_90] : memref<131072xi32, #tpu.memory_space<hbm>> -> memref<128xi32, #tpu.memory_space<hbm>>
      tpu.wait_dma2 semaphore(%run_scoped3A : memref<!tpu.dma_semaphore, #tpu.memory_space<semaphore_mem>>) src(%dma_wait3A_260 : memref<128xi32, #tpu.memory_space<hbm>>) dst(%arg5 : memref<128xi32, #tpu.memory_space<vmem>>)
      tpu.yield
    }) : () -> ()
    %dma_start3A_91 = arith.constant 0 : i32
    %dma_start3A_92 = arith.constant 0 : i32
    %dma_start3A_93 = tpu.memref_slice %arg2[%dma_start3A_91, %dma_start3A_92] : memref<32768x128xf32, #tpu.memory_space<hbm>> -> memref<32768x128xf32, #tpu.memory_space<hbm>>
    tpu.enqueue_indirect_dma source(%dma_start3A_93 : memref<32768x128xf32, #tpu.memory_space<hbm>>) target(%arg6 : memref<128x128xf32, #tpu.memory_space<vmem>>) offsets(%arg5 : memref<128xi32, #tpu.memory_space<vmem>>) semaphore(%arg7 : memref<!tpu.dma_semaphore, #tpu.memory_space<semaphore_mem>>)
    %dma_wait3A_94 = arith.constant 0 : i32
    %dma_wait3A_95 = arith.constant 0 : i32
    %dma_wait3A_96 = tpu.memref_slice %arg2[%dma_wait3A_94, %dma_wait3A_95] : memref<32768x128xf32, #tpu.memory_space<hbm>> -> memref<32768x128xf32, #tpu.memory_space<hbm>>
    tpu.wait_indirect_dma semaphore(%arg7 : memref<!tpu.dma_semaphore, #tpu.memory_space<semaphore_mem>>) src(%dma_wait3A_96 : memref<32768x128xf32, #tpu.memory_space<hbm>>) dst(%arg6 : memref<128x128xf32, #tpu.memory_space<vmem>>)
    "tpu.region"() ({
      %run_scoped3A = tpu.sem_alloc : memref<!tpu.dma_semaphore, #tpu.memory_space<semaphore_mem>>
      %dma_start3A_257 = arith.constant 0 : i32
      %dma_start3A_258 = tpu.memref_slice %arg4[%add3A_90, %dma_start3A_257] : memref<131072x128xf32, #tpu.memory_space<hbm>> -> memref<128x128xf32, #tpu.memory_space<hbm>>
      %dma_start3A_259 = arith.constant 0 : i32
      %dma_start3A_260 = tpu.memref_slice %arg4[%add3A_90, %dma_start3A_259] : memref<131072x128xf32, #tpu.memory_space<hbm>> -> memref<128x128xf32, #tpu.memory_space<hbm>>
      tpu.enqueue_dma source(%arg6 : memref<128x128xf32, #tpu.memory_space<vmem>>) target(%dma_start3A_260 : memref<128x128xf32, #tpu.memory_space<hbm>>) target_semaphore(%run_scoped3A : memref<!tpu.dma_semaphore, #tpu.memory_space<semaphore_mem>>)
      %dma_wait3A_261 = arith.constant 0 : i32
      %dma_wait3A_262 = tpu.memref_slice %arg4[%add3A_90, %dma_wait3A_261] : memref<131072x128xf32, #tpu.memory_space<hbm>> -> memref<128x128xf32, #tpu.memory_space<hbm>>
      %dma_wait3A_263 = arith.constant 0 : i32
      %dma_wait3A_264 = tpu.memref_slice %arg4[%add3A_90, %dma_wait3A_263] : memref<131072x128xf32, #tpu.memory_space<hbm>> -> memref<128x128xf32, #tpu.memory_space<hbm>>
      tpu.wait_dma2 semaphore(%run_scoped3A : memref<!tpu.dma_semaphore, #tpu.memory_space<semaphore_mem>>) src(%arg6 : memref<128x128xf32, #tpu.memory_space<vmem>>) dst(%dma_wait3A_264 : memref<128x128xf32, #tpu.memory_space<hbm>>)
      tpu.yield
    }) : () -> ()
    %add3A_97 = arith.constant 1536 : i32
    %add3A_98 = arith.addi %mul3A_2, %add3A_97 : i32
    "tpu.region"() ({
      %run_scoped3A = tpu.sem_alloc : memref<!tpu.dma_semaphore, #tpu.memory_space<semaphore_mem>>
      %dma_start3A_257 = tpu.memref_slice %arg3[%add3A_98] : memref<131072xi32, #tpu.memory_space<hbm>> -> memref<128xi32, #tpu.memory_space<hbm>>
      %dma_start3A_258 = tpu.memref_slice %arg3[%add3A_98] : memref<131072xi32, #tpu.memory_space<hbm>> -> memref<128xi32, #tpu.memory_space<hbm>>
      tpu.enqueue_dma source(%dma_start3A_258 : memref<128xi32, #tpu.memory_space<hbm>>) target(%arg5 : memref<128xi32, #tpu.memory_space<vmem>>) target_semaphore(%run_scoped3A : memref<!tpu.dma_semaphore, #tpu.memory_space<semaphore_mem>>)
      %dma_wait3A_259 = tpu.memref_slice %arg3[%add3A_98] : memref<131072xi32, #tpu.memory_space<hbm>> -> memref<128xi32, #tpu.memory_space<hbm>>
      %dma_wait3A_260 = tpu.memref_slice %arg3[%add3A_98] : memref<131072xi32, #tpu.memory_space<hbm>> -> memref<128xi32, #tpu.memory_space<hbm>>
      tpu.wait_dma2 semaphore(%run_scoped3A : memref<!tpu.dma_semaphore, #tpu.memory_space<semaphore_mem>>) src(%dma_wait3A_260 : memref<128xi32, #tpu.memory_space<hbm>>) dst(%arg5 : memref<128xi32, #tpu.memory_space<vmem>>)
      tpu.yield
    }) : () -> ()
    %dma_start3A_99 = arith.constant 0 : i32
    %dma_start3A_100 = arith.constant 0 : i32
    %dma_start3A_101 = tpu.memref_slice %arg2[%dma_start3A_99, %dma_start3A_100] : memref<32768x128xf32, #tpu.memory_space<hbm>> -> memref<32768x128xf32, #tpu.memory_space<hbm>>
    tpu.enqueue_indirect_dma source(%dma_start3A_101 : memref<32768x128xf32, #tpu.memory_space<hbm>>) target(%arg6 : memref<128x128xf32, #tpu.memory_space<vmem>>) offsets(%arg5 : memref<128xi32, #tpu.memory_space<vmem>>) semaphore(%arg7 : memref<!tpu.dma_semaphore, #tpu.memory_space<semaphore_mem>>)
    %dma_wait3A_102 = arith.constant 0 : i32
    %dma_wait3A_103 = arith.constant 0 : i32
    %dma_wait3A_104 = tpu.memref_slice %arg2[%dma_wait3A_102, %dma_wait3A_103] : memref<32768x128xf32, #tpu.memory_space<hbm>> -> memref<32768x128xf32, #tpu.memory_space<hbm>>
    tpu.wait_indirect_dma semaphore(%arg7 : memref<!tpu.dma_semaphore, #tpu.memory_space<semaphore_mem>>) src(%dma_wait3A_104 : memref<32768x128xf32, #tpu.memory_space<hbm>>) dst(%arg6 : memref<128x128xf32, #tpu.memory_space<vmem>>)
    "tpu.region"() ({
      %run_scoped3A = tpu.sem_alloc : memref<!tpu.dma_semaphore, #tpu.memory_space<semaphore_mem>>
      %dma_start3A_257 = arith.constant 0 : i32
      %dma_start3A_258 = tpu.memref_slice %arg4[%add3A_98, %dma_start3A_257] : memref<131072x128xf32, #tpu.memory_space<hbm>> -> memref<128x128xf32, #tpu.memory_space<hbm>>
      %dma_start3A_259 = arith.constant 0 : i32
      %dma_start3A_260 = tpu.memref_slice %arg4[%add3A_98, %dma_start3A_259] : memref<131072x128xf32, #tpu.memory_space<hbm>> -> memref<128x128xf32, #tpu.memory_space<hbm>>
      tpu.enqueue_dma source(%arg6 : memref<128x128xf32, #tpu.memory_space<vmem>>) target(%dma_start3A_260 : memref<128x128xf32, #tpu.memory_space<hbm>>) target_semaphore(%run_scoped3A : memref<!tpu.dma_semaphore, #tpu.memory_space<semaphore_mem>>)
      %dma_wait3A_261 = arith.constant 0 : i32
      %dma_wait3A_262 = tpu.memref_slice %arg4[%add3A_98, %dma_wait3A_261] : memref<131072x128xf32, #tpu.memory_space<hbm>> -> memref<128x128xf32, #tpu.memory_space<hbm>>
      %dma_wait3A_263 = arith.constant 0 : i32
      %dma_wait3A_264 = tpu.memref_slice %arg4[%add3A_98, %dma_wait3A_263] : memref<131072x128xf32, #tpu.memory_space<hbm>> -> memref<128x128xf32, #tpu.memory_space<hbm>>
      tpu.wait_dma2 semaphore(%run_scoped3A : memref<!tpu.dma_semaphore, #tpu.memory_space<semaphore_mem>>) src(%arg6 : memref<128x128xf32, #tpu.memory_space<vmem>>) dst(%dma_wait3A_264 : memref<128x128xf32, #tpu.memory_space<hbm>>)
      tpu.yield
    }) : () -> ()
    %add3A_105 = arith.constant 1664 : i32
    %add3A_106 = arith.addi %mul3A_2, %add3A_105 : i32
    "tpu.region"() ({
      %run_scoped3A = tpu.sem_alloc : memref<!tpu.dma_semaphore, #tpu.memory_space<semaphore_mem>>
      %dma_start3A_257 = tpu.memref_slice %arg3[%add3A_106] : memref<131072xi32, #tpu.memory_space<hbm>> -> memref<128xi32, #tpu.memory_space<hbm>>
      %dma_start3A_258 = tpu.memref_slice %arg3[%add3A_106] : memref<131072xi32, #tpu.memory_space<hbm>> -> memref<128xi32, #tpu.memory_space<hbm>>
      tpu.enqueue_dma source(%dma_start3A_258 : memref<128xi32, #tpu.memory_space<hbm>>) target(%arg5 : memref<128xi32, #tpu.memory_space<vmem>>) target_semaphore(%run_scoped3A : memref<!tpu.dma_semaphore, #tpu.memory_space<semaphore_mem>>)
      %dma_wait3A_259 = tpu.memref_slice %arg3[%add3A_106] : memref<131072xi32, #tpu.memory_space<hbm>> -> memref<128xi32, #tpu.memory_space<hbm>>
      %dma_wait3A_260 = tpu.memref_slice %arg3[%add3A_106] : memref<131072xi32, #tpu.memory_space<hbm>> -> memref<128xi32, #tpu.memory_space<hbm>>
      tpu.wait_dma2 semaphore(%run_scoped3A : memref<!tpu.dma_semaphore, #tpu.memory_space<semaphore_mem>>) src(%dma_wait3A_260 : memref<128xi32, #tpu.memory_space<hbm>>) dst(%arg5 : memref<128xi32, #tpu.memory_space<vmem>>)
      tpu.yield
    }) : () -> ()
    %dma_start3A_107 = arith.constant 0 : i32
    %dma_start3A_108 = arith.constant 0 : i32
    %dma_start3A_109 = tpu.memref_slice %arg2[%dma_start3A_107, %dma_start3A_108] : memref<32768x128xf32, #tpu.memory_space<hbm>> -> memref<32768x128xf32, #tpu.memory_space<hbm>>
    tpu.enqueue_indirect_dma source(%dma_start3A_109 : memref<32768x128xf32, #tpu.memory_space<hbm>>) target(%arg6 : memref<128x128xf32, #tpu.memory_space<vmem>>) offsets(%arg5 : memref<128xi32, #tpu.memory_space<vmem>>) semaphore(%arg7 : memref<!tpu.dma_semaphore, #tpu.memory_space<semaphore_mem>>)
    %dma_wait3A_110 = arith.constant 0 : i32
    %dma_wait3A_111 = arith.constant 0 : i32
    %dma_wait3A_112 = tpu.memref_slice %arg2[%dma_wait3A_110, %dma_wait3A_111] : memref<32768x128xf32, #tpu.memory_space<hbm>> -> memref<32768x128xf32, #tpu.memory_space<hbm>>
    tpu.wait_indirect_dma semaphore(%arg7 : memref<!tpu.dma_semaphore, #tpu.memory_space<semaphore_mem>>) src(%dma_wait3A_112 : memref<32768x128xf32, #tpu.memory_space<hbm>>) dst(%arg6 : memref<128x128xf32, #tpu.memory_space<vmem>>)
    "tpu.region"() ({
      %run_scoped3A = tpu.sem_alloc : memref<!tpu.dma_semaphore, #tpu.memory_space<semaphore_mem>>
      %dma_start3A_257 = arith.constant 0 : i32
      %dma_start3A_258 = tpu.memref_slice %arg4[%add3A_106, %dma_start3A_257] : memref<131072x128xf32, #tpu.memory_space<hbm>> -> memref<128x128xf32, #tpu.memory_space<hbm>>
      %dma_start3A_259 = arith.constant 0 : i32
      %dma_start3A_260 = tpu.memref_slice %arg4[%add3A_106, %dma_start3A_259] : memref<131072x128xf32, #tpu.memory_space<hbm>> -> memref<128x128xf32, #tpu.memory_space<hbm>>
      tpu.enqueue_dma source(%arg6 : memref<128x128xf32, #tpu.memory_space<vmem>>) target(%dma_start3A_260 : memref<128x128xf32, #tpu.memory_space<hbm>>) target_semaphore(%run_scoped3A : memref<!tpu.dma_semaphore, #tpu.memory_space<semaphore_mem>>)
      %dma_wait3A_261 = arith.constant 0 : i32
      %dma_wait3A_262 = tpu.memref_slice %arg4[%add3A_106, %dma_wait3A_261] : memref<131072x128xf32, #tpu.memory_space<hbm>> -> memref<128x128xf32, #tpu.memory_space<hbm>>
      %dma_wait3A_263 = arith.constant 0 : i32
      %dma_wait3A_264 = tpu.memref_slice %arg4[%add3A_106, %dma_wait3A_263] : memref<131072x128xf32, #tpu.memory_space<hbm>> -> memref<128x128xf32, #tpu.memory_space<hbm>>
      tpu.wait_dma2 semaphore(%run_scoped3A : memref<!tpu.dma_semaphore, #tpu.memory_space<semaphore_mem>>) src(%arg6 : memref<128x128xf32, #tpu.memory_space<vmem>>) dst(%dma_wait3A_264 : memref<128x128xf32, #tpu.memory_space<hbm>>)
      tpu.yield
    }) : () -> ()
    %add3A_113 = arith.constant 1792 : i32
    %add3A_114 = arith.addi %mul3A_2, %add3A_113 : i32
    "tpu.region"() ({
      %run_scoped3A = tpu.sem_alloc : memref<!tpu.dma_semaphore, #tpu.memory_space<semaphore_mem>>
      %dma_start3A_257 = tpu.memref_slice %arg3[%add3A_114] : memref<131072xi32, #tpu.memory_space<hbm>> -> memref<128xi32, #tpu.memory_space<hbm>>
      %dma_start3A_258 = tpu.memref_slice %arg3[%add3A_114] : memref<131072xi32, #tpu.memory_space<hbm>> -> memref<128xi32, #tpu.memory_space<hbm>>
      tpu.enqueue_dma source(%dma_start3A_258 : memref<128xi32, #tpu.memory_space<hbm>>) target(%arg5 : memref<128xi32, #tpu.memory_space<vmem>>) target_semaphore(%run_scoped3A : memref<!tpu.dma_semaphore, #tpu.memory_space<semaphore_mem>>)
      %dma_wait3A_259 = tpu.memref_slice %arg3[%add3A_114] : memref<131072xi32, #tpu.memory_space<hbm>> -> memref<128xi32, #tpu.memory_space<hbm>>
      %dma_wait3A_260 = tpu.memref_slice %arg3[%add3A_114] : memref<131072xi32, #tpu.memory_space<hbm>> -> memref<128xi32, #tpu.memory_space<hbm>>
      tpu.wait_dma2 semaphore(%run_scoped3A : memref<!tpu.dma_semaphore, #tpu.memory_space<semaphore_mem>>) src(%dma_wait3A_260 : memref<128xi32, #tpu.memory_space<hbm>>) dst(%arg5 : memref<128xi32, #tpu.memory_space<vmem>>)
      tpu.yield
    }) : () -> ()
    %dma_start3A_115 = arith.constant 0 : i32
    %dma_start3A_116 = arith.constant 0 : i32
    %dma_start3A_117 = tpu.memref_slice %arg2[%dma_start3A_115, %dma_start3A_116] : memref<32768x128xf32, #tpu.memory_space<hbm>> -> memref<32768x128xf32, #tpu.memory_space<hbm>>
    tpu.enqueue_indirect_dma source(%dma_start3A_117 : memref<32768x128xf32, #tpu.memory_space<hbm>>) target(%arg6 : memref<128x128xf32, #tpu.memory_space<vmem>>) offsets(%arg5 : memref<128xi32, #tpu.memory_space<vmem>>) semaphore(%arg7 : memref<!tpu.dma_semaphore, #tpu.memory_space<semaphore_mem>>)
    %dma_wait3A_118 = arith.constant 0 : i32
    %dma_wait3A_119 = arith.constant 0 : i32
    %dma_wait3A_120 = tpu.memref_slice %arg2[%dma_wait3A_118, %dma_wait3A_119] : memref<32768x128xf32, #tpu.memory_space<hbm>> -> memref<32768x128xf32, #tpu.memory_space<hbm>>
    tpu.wait_indirect_dma semaphore(%arg7 : memref<!tpu.dma_semaphore, #tpu.memory_space<semaphore_mem>>) src(%dma_wait3A_120 : memref<32768x128xf32, #tpu.memory_space<hbm>>) dst(%arg6 : memref<128x128xf32, #tpu.memory_space<vmem>>)
    "tpu.region"() ({
      %run_scoped3A = tpu.sem_alloc : memref<!tpu.dma_semaphore, #tpu.memory_space<semaphore_mem>>
      %dma_start3A_257 = arith.constant 0 : i32
      %dma_start3A_258 = tpu.memref_slice %arg4[%add3A_114, %dma_start3A_257] : memref<131072x128xf32, #tpu.memory_space<hbm>> -> memref<128x128xf32, #tpu.memory_space<hbm>>
      %dma_start3A_259 = arith.constant 0 : i32
      %dma_start3A_260 = tpu.memref_slice %arg4[%add3A_114, %dma_start3A_259] : memref<131072x128xf32, #tpu.memory_space<hbm>> -> memref<128x128xf32, #tpu.memory_space<hbm>>
      tpu.enqueue_dma source(%arg6 : memref<128x128xf32, #tpu.memory_space<vmem>>) target(%dma_start3A_260 : memref<128x128xf32, #tpu.memory_space<hbm>>) target_semaphore(%run_scoped3A : memref<!tpu.dma_semaphore, #tpu.memory_space<semaphore_mem>>)
      %dma_wait3A_261 = arith.constant 0 : i32
      %dma_wait3A_262 = tpu.memref_slice %arg4[%add3A_114, %dma_wait3A_261] : memref<131072x128xf32, #tpu.memory_space<hbm>> -> memref<128x128xf32, #tpu.memory_space<hbm>>
      %dma_wait3A_263 = arith.constant 0 : i32
      %dma_wait3A_264 = tpu.memref_slice %arg4[%add3A_114, %dma_wait3A_263] : memref<131072x128xf32, #tpu.memory_space<hbm>> -> memref<128x128xf32, #tpu.memory_space<hbm>>
      tpu.wait_dma2 semaphore(%run_scoped3A : memref<!tpu.dma_semaphore, #tpu.memory_space<semaphore_mem>>) src(%arg6 : memref<128x128xf32, #tpu.memory_space<vmem>>) dst(%dma_wait3A_264 : memref<128x128xf32, #tpu.memory_space<hbm>>)
      tpu.yield
    }) : () -> ()
    %add3A_121 = arith.constant 1920 : i32
    %add3A_122 = arith.addi %mul3A_2, %add3A_121 : i32
    "tpu.region"() ({
      %run_scoped3A = tpu.sem_alloc : memref<!tpu.dma_semaphore, #tpu.memory_space<semaphore_mem>>
      %dma_start3A_257 = tpu.memref_slice %arg3[%add3A_122] : memref<131072xi32, #tpu.memory_space<hbm>> -> memref<128xi32, #tpu.memory_space<hbm>>
      %dma_start3A_258 = tpu.memref_slice %arg3[%add3A_122] : memref<131072xi32, #tpu.memory_space<hbm>> -> memref<128xi32, #tpu.memory_space<hbm>>
      tpu.enqueue_dma source(%dma_start3A_258 : memref<128xi32, #tpu.memory_space<hbm>>) target(%arg5 : memref<128xi32, #tpu.memory_space<vmem>>) target_semaphore(%run_scoped3A : memref<!tpu.dma_semaphore, #tpu.memory_space<semaphore_mem>>)
      %dma_wait3A_259 = tpu.memref_slice %arg3[%add3A_122] : memref<131072xi32, #tpu.memory_space<hbm>> -> memref<128xi32, #tpu.memory_space<hbm>>
      %dma_wait3A_260 = tpu.memref_slice %arg3[%add3A_122] : memref<131072xi32, #tpu.memory_space<hbm>> -> memref<128xi32, #tpu.memory_space<hbm>>
      tpu.wait_dma2 semaphore(%run_scoped3A : memref<!tpu.dma_semaphore, #tpu.memory_space<semaphore_mem>>) src(%dma_wait3A_260 : memref<128xi32, #tpu.memory_space<hbm>>) dst(%arg5 : memref<128xi32, #tpu.memory_space<vmem>>)
      tpu.yield
    }) : () -> ()
    %dma_start3A_123 = arith.constant 0 : i32
    %dma_start3A_124 = arith.constant 0 : i32
    %dma_start3A_125 = tpu.memref_slice %arg2[%dma_start3A_123, %dma_start3A_124] : memref<32768x128xf32, #tpu.memory_space<hbm>> -> memref<32768x128xf32, #tpu.memory_space<hbm>>
    tpu.enqueue_indirect_dma source(%dma_start3A_125 : memref<32768x128xf32, #tpu.memory_space<hbm>>) target(%arg6 : memref<128x128xf32, #tpu.memory_space<vmem>>) offsets(%arg5 : memref<128xi32, #tpu.memory_space<vmem>>) semaphore(%arg7 : memref<!tpu.dma_semaphore, #tpu.memory_space<semaphore_mem>>)
    %dma_wait3A_126 = arith.constant 0 : i32
    %dma_wait3A_127 = arith.constant 0 : i32
    %dma_wait3A_128 = tpu.memref_slice %arg2[%dma_wait3A_126, %dma_wait3A_127] : memref<32768x128xf32, #tpu.memory_space<hbm>> -> memref<32768x128xf32, #tpu.memory_space<hbm>>
    tpu.wait_indirect_dma semaphore(%arg7 : memref<!tpu.dma_semaphore, #tpu.memory_space<semaphore_mem>>) src(%dma_wait3A_128 : memref<32768x128xf32, #tpu.memory_space<hbm>>) dst(%arg6 : memref<128x128xf32, #tpu.memory_space<vmem>>)
    "tpu.region"() ({
      %run_scoped3A = tpu.sem_alloc : memref<!tpu.dma_semaphore, #tpu.memory_space<semaphore_mem>>
      %dma_start3A_257 = arith.constant 0 : i32
      %dma_start3A_258 = tpu.memref_slice %arg4[%add3A_122, %dma_start3A_257] : memref<131072x128xf32, #tpu.memory_space<hbm>> -> memref<128x128xf32, #tpu.memory_space<hbm>>
      %dma_start3A_259 = arith.constant 0 : i32
      %dma_start3A_260 = tpu.memref_slice %arg4[%add3A_122, %dma_start3A_259] : memref<131072x128xf32, #tpu.memory_space<hbm>> -> memref<128x128xf32, #tpu.memory_space<hbm>>
      tpu.enqueue_dma source(%arg6 : memref<128x128xf32, #tpu.memory_space<vmem>>) target(%dma_start3A_260 : memref<128x128xf32, #tpu.memory_space<hbm>>) target_semaphore(%run_scoped3A : memref<!tpu.dma_semaphore, #tpu.memory_space<semaphore_mem>>)
      %dma_wait3A_261 = arith.constant 0 : i32
      %dma_wait3A_262 = tpu.memref_slice %arg4[%add3A_122, %dma_wait3A_261] : memref<131072x128xf32, #tpu.memory_space<hbm>> -> memref<128x128xf32, #tpu.memory_space<hbm>>
      %dma_wait3A_263 = arith.constant 0 : i32
      %dma_wait3A_264 = tpu.memref_slice %arg4[%add3A_122, %dma_wait3A_263] : memref<131072x128xf32, #tpu.memory_space<hbm>> -> memref<128x128xf32, #tpu.memory_space<hbm>>
      tpu.wait_dma2 semaphore(%run_scoped3A : memref<!tpu.dma_semaphore, #tpu.memory_space<semaphore_mem>>) src(%arg6 : memref<128x128xf32, #tpu.memory_space<vmem>>) dst(%dma_wait3A_264 : memref<128x128xf32, #tpu.memory_space<hbm>>)
      tpu.yield
    }) : () -> ()
    %add3A_129 = arith.constant 2048 : i32
    %add3A_130 = arith.addi %mul3A_2, %add3A_129 : i32
    "tpu.region"() ({
      %run_scoped3A = tpu.sem_alloc : memref<!tpu.dma_semaphore, #tpu.memory_space<semaphore_mem>>
      %dma_start3A_257 = tpu.memref_slice %arg3[%add3A_130] : memref<131072xi32, #tpu.memory_space<hbm>> -> memref<128xi32, #tpu.memory_space<hbm>>
      %dma_start3A_258 = tpu.memref_slice %arg3[%add3A_130] : memref<131072xi32, #tpu.memory_space<hbm>> -> memref<128xi32, #tpu.memory_space<hbm>>
      tpu.enqueue_dma source(%dma_start3A_258 : memref<128xi32, #tpu.memory_space<hbm>>) target(%arg5 : memref<128xi32, #tpu.memory_space<vmem>>) target_semaphore(%run_scoped3A : memref<!tpu.dma_semaphore, #tpu.memory_space<semaphore_mem>>)
      %dma_wait3A_259 = tpu.memref_slice %arg3[%add3A_130] : memref<131072xi32, #tpu.memory_space<hbm>> -> memref<128xi32, #tpu.memory_space<hbm>>
      %dma_wait3A_260 = tpu.memref_slice %arg3[%add3A_130] : memref<131072xi32, #tpu.memory_space<hbm>> -> memref<128xi32, #tpu.memory_space<hbm>>
      tpu.wait_dma2 semaphore(%run_scoped3A : memref<!tpu.dma_semaphore, #tpu.memory_space<semaphore_mem>>) src(%dma_wait3A_260 : memref<128xi32, #tpu.memory_space<hbm>>) dst(%arg5 : memref<128xi32, #tpu.memory_space<vmem>>)
      tpu.yield
    }) : () -> ()
    %dma_start3A_131 = arith.constant 0 : i32
    %dma_start3A_132 = arith.constant 0 : i32
    %dma_start3A_133 = tpu.memref_slice %arg2[%dma_start3A_131, %dma_start3A_132] : memref<32768x128xf32, #tpu.memory_space<hbm>> -> memref<32768x128xf32, #tpu.memory_space<hbm>>
    tpu.enqueue_indirect_dma source(%dma_start3A_133 : memref<32768x128xf32, #tpu.memory_space<hbm>>) target(%arg6 : memref<128x128xf32, #tpu.memory_space<vmem>>) offsets(%arg5 : memref<128xi32, #tpu.memory_space<vmem>>) semaphore(%arg7 : memref<!tpu.dma_semaphore, #tpu.memory_space<semaphore_mem>>)
    %dma_wait3A_134 = arith.constant 0 : i32
    %dma_wait3A_135 = arith.constant 0 : i32
    %dma_wait3A_136 = tpu.memref_slice %arg2[%dma_wait3A_134, %dma_wait3A_135] : memref<32768x128xf32, #tpu.memory_space<hbm>> -> memref<32768x128xf32, #tpu.memory_space<hbm>>
    tpu.wait_indirect_dma semaphore(%arg7 : memref<!tpu.dma_semaphore, #tpu.memory_space<semaphore_mem>>) src(%dma_wait3A_136 : memref<32768x128xf32, #tpu.memory_space<hbm>>) dst(%arg6 : memref<128x128xf32, #tpu.memory_space<vmem>>)
    "tpu.region"() ({
      %run_scoped3A = tpu.sem_alloc : memref<!tpu.dma_semaphore, #tpu.memory_space<semaphore_mem>>
      %dma_start3A_257 = arith.constant 0 : i32
      %dma_start3A_258 = tpu.memref_slice %arg4[%add3A_130, %dma_start3A_257] : memref<131072x128xf32, #tpu.memory_space<hbm>> -> memref<128x128xf32, #tpu.memory_space<hbm>>
      %dma_start3A_259 = arith.constant 0 : i32
      %dma_start3A_260 = tpu.memref_slice %arg4[%add3A_130, %dma_start3A_259] : memref<131072x128xf32, #tpu.memory_space<hbm>> -> memref<128x128xf32, #tpu.memory_space<hbm>>
      tpu.enqueue_dma source(%arg6 : memref<128x128xf32, #tpu.memory_space<vmem>>) target(%dma_start3A_260 : memref<128x128xf32, #tpu.memory_space<hbm>>) target_semaphore(%run_scoped3A : memref<!tpu.dma_semaphore, #tpu.memory_space<semaphore_mem>>)
      %dma_wait3A_261 = arith.constant 0 : i32
      %dma_wait3A_262 = tpu.memref_slice %arg4[%add3A_130, %dma_wait3A_261] : memref<131072x128xf32, #tpu.memory_space<hbm>> -> memref<128x128xf32, #tpu.memory_space<hbm>>
      %dma_wait3A_263 = arith.constant 0 : i32
      %dma_wait3A_264 = tpu.memref_slice %arg4[%add3A_130, %dma_wait3A_263] : memref<131072x128xf32, #tpu.memory_space<hbm>> -> memref<128x128xf32, #tpu.memory_space<hbm>>
      tpu.wait_dma2 semaphore(%run_scoped3A : memref<!tpu.dma_semaphore, #tpu.memory_space<semaphore_mem>>) src(%arg6 : memref<128x128xf32, #tpu.memory_space<vmem>>) dst(%dma_wait3A_264 : memref<128x128xf32, #tpu.memory_space<hbm>>)
      tpu.yield
    }) : () -> ()
    %add3A_137 = arith.constant 2176 : i32
    %add3A_138 = arith.addi %mul3A_2, %add3A_137 : i32
    "tpu.region"() ({
      %run_scoped3A = tpu.sem_alloc : memref<!tpu.dma_semaphore, #tpu.memory_space<semaphore_mem>>
      %dma_start3A_257 = tpu.memref_slice %arg3[%add3A_138] : memref<131072xi32, #tpu.memory_space<hbm>> -> memref<128xi32, #tpu.memory_space<hbm>>
      %dma_start3A_258 = tpu.memref_slice %arg3[%add3A_138] : memref<131072xi32, #tpu.memory_space<hbm>> -> memref<128xi32, #tpu.memory_space<hbm>>
      tpu.enqueue_dma source(%dma_start3A_258 : memref<128xi32, #tpu.memory_space<hbm>>) target(%arg5 : memref<128xi32, #tpu.memory_space<vmem>>) target_semaphore(%run_scoped3A : memref<!tpu.dma_semaphore, #tpu.memory_space<semaphore_mem>>)
      %dma_wait3A_259 = tpu.memref_slice %arg3[%add3A_138] : memref<131072xi32, #tpu.memory_space<hbm>> -> memref<128xi32, #tpu.memory_space<hbm>>
      %dma_wait3A_260 = tpu.memref_slice %arg3[%add3A_138] : memref<131072xi32, #tpu.memory_space<hbm>> -> memref<128xi32, #tpu.memory_space<hbm>>
      tpu.wait_dma2 semaphore(%run_scoped3A : memref<!tpu.dma_semaphore, #tpu.memory_space<semaphore_mem>>) src(%dma_wait3A_260 : memref<128xi32, #tpu.memory_space<hbm>>) dst(%arg5 : memref<128xi32, #tpu.memory_space<vmem>>)
      tpu.yield
    }) : () -> ()
    %dma_start3A_139 = arith.constant 0 : i32
    %dma_start3A_140 = arith.constant 0 : i32
    %dma_start3A_141 = tpu.memref_slice %arg2[%dma_start3A_139, %dma_start3A_140] : memref<32768x128xf32, #tpu.memory_space<hbm>> -> memref<32768x128xf32, #tpu.memory_space<hbm>>
    tpu.enqueue_indirect_dma source(%dma_start3A_141 : memref<32768x128xf32, #tpu.memory_space<hbm>>) target(%arg6 : memref<128x128xf32, #tpu.memory_space<vmem>>) offsets(%arg5 : memref<128xi32, #tpu.memory_space<vmem>>) semaphore(%arg7 : memref<!tpu.dma_semaphore, #tpu.memory_space<semaphore_mem>>)
    %dma_wait3A_142 = arith.constant 0 : i32
    %dma_wait3A_143 = arith.constant 0 : i32
    %dma_wait3A_144 = tpu.memref_slice %arg2[%dma_wait3A_142, %dma_wait3A_143] : memref<32768x128xf32, #tpu.memory_space<hbm>> -> memref<32768x128xf32, #tpu.memory_space<hbm>>
    tpu.wait_indirect_dma semaphore(%arg7 : memref<!tpu.dma_semaphore, #tpu.memory_space<semaphore_mem>>) src(%dma_wait3A_144 : memref<32768x128xf32, #tpu.memory_space<hbm>>) dst(%arg6 : memref<128x128xf32, #tpu.memory_space<vmem>>)
    "tpu.region"() ({
      %run_scoped3A = tpu.sem_alloc : memref<!tpu.dma_semaphore, #tpu.memory_space<semaphore_mem>>
      %dma_start3A_257 = arith.constant 0 : i32
      %dma_start3A_258 = tpu.memref_slice %arg4[%add3A_138, %dma_start3A_257] : memref<131072x128xf32, #tpu.memory_space<hbm>> -> memref<128x128xf32, #tpu.memory_space<hbm>>
      %dma_start3A_259 = arith.constant 0 : i32
      %dma_start3A_260 = tpu.memref_slice %arg4[%add3A_138, %dma_start3A_259] : memref<131072x128xf32, #tpu.memory_space<hbm>> -> memref<128x128xf32, #tpu.memory_space<hbm>>
      tpu.enqueue_dma source(%arg6 : memref<128x128xf32, #tpu.memory_space<vmem>>) target(%dma_start3A_260 : memref<128x128xf32, #tpu.memory_space<hbm>>) target_semaphore(%run_scoped3A : memref<!tpu.dma_semaphore, #tpu.memory_space<semaphore_mem>>)
      %dma_wait3A_261 = arith.constant 0 : i32
      %dma_wait3A_262 = tpu.memref_slice %arg4[%add3A_138, %dma_wait3A_261] : memref<131072x128xf32, #tpu.memory_space<hbm>> -> memref<128x128xf32, #tpu.memory_space<hbm>>
      %dma_wait3A_263 = arith.constant 0 : i32
      %dma_wait3A_264 = tpu.memref_slice %arg4[%add3A_138, %dma_wait3A_263] : memref<131072x128xf32, #tpu.memory_space<hbm>> -> memref<128x128xf32, #tpu.memory_space<hbm>>
      tpu.wait_dma2 semaphore(%run_scoped3A : memref<!tpu.dma_semaphore, #tpu.memory_space<semaphore_mem>>) src(%arg6 : memref<128x128xf32, #tpu.memory_space<vmem>>) dst(%dma_wait3A_264 : memref<128x128xf32, #tpu.memory_space<hbm>>)
      tpu.yield
    }) : () -> ()
    %add3A_145 = arith.constant 2304 : i32
    %add3A_146 = arith.addi %mul3A_2, %add3A_145 : i32
    "tpu.region"() ({
      %run_scoped3A = tpu.sem_alloc : memref<!tpu.dma_semaphore, #tpu.memory_space<semaphore_mem>>
      %dma_start3A_257 = tpu.memref_slice %arg3[%add3A_146] : memref<131072xi32, #tpu.memory_space<hbm>> -> memref<128xi32, #tpu.memory_space<hbm>>
      %dma_start3A_258 = tpu.memref_slice %arg3[%add3A_146] : memref<131072xi32, #tpu.memory_space<hbm>> -> memref<128xi32, #tpu.memory_space<hbm>>
      tpu.enqueue_dma source(%dma_start3A_258 : memref<128xi32, #tpu.memory_space<hbm>>) target(%arg5 : memref<128xi32, #tpu.memory_space<vmem>>) target_semaphore(%run_scoped3A : memref<!tpu.dma_semaphore, #tpu.memory_space<semaphore_mem>>)
      %dma_wait3A_259 = tpu.memref_slice %arg3[%add3A_146] : memref<131072xi32, #tpu.memory_space<hbm>> -> memref<128xi32, #tpu.memory_space<hbm>>
      %dma_wait3A_260 = tpu.memref_slice %arg3[%add3A_146] : memref<131072xi32, #tpu.memory_space<hbm>> -> memref<128xi32, #tpu.memory_space<hbm>>
      tpu.wait_dma2 semaphore(%run_scoped3A : memref<!tpu.dma_semaphore, #tpu.memory_space<semaphore_mem>>) src(%dma_wait3A_260 : memref<128xi32, #tpu.memory_space<hbm>>) dst(%arg5 : memref<128xi32, #tpu.memory_space<vmem>>)
      tpu.yield
    }) : () -> ()
    %dma_start3A_147 = arith.constant 0 : i32
    %dma_start3A_148 = arith.constant 0 : i32
    %dma_start3A_149 = tpu.memref_slice %arg2[%dma_start3A_147, %dma_start3A_148] : memref<32768x128xf32, #tpu.memory_space<hbm>> -> memref<32768x128xf32, #tpu.memory_space<hbm>>
    tpu.enqueue_indirect_dma source(%dma_start3A_149 : memref<32768x128xf32, #tpu.memory_space<hbm>>) target(%arg6 : memref<128x128xf32, #tpu.memory_space<vmem>>) offsets(%arg5 : memref<128xi32, #tpu.memory_space<vmem>>) semaphore(%arg7 : memref<!tpu.dma_semaphore, #tpu.memory_space<semaphore_mem>>)
    %dma_wait3A_150 = arith.constant 0 : i32
    %dma_wait3A_151 = arith.constant 0 : i32
    %dma_wait3A_152 = tpu.memref_slice %arg2[%dma_wait3A_150, %dma_wait3A_151] : memref<32768x128xf32, #tpu.memory_space<hbm>> -> memref<32768x128xf32, #tpu.memory_space<hbm>>
    tpu.wait_indirect_dma semaphore(%arg7 : memref<!tpu.dma_semaphore, #tpu.memory_space<semaphore_mem>>) src(%dma_wait3A_152 : memref<32768x128xf32, #tpu.memory_space<hbm>>) dst(%arg6 : memref<128x128xf32, #tpu.memory_space<vmem>>)
    "tpu.region"() ({
      %run_scoped3A = tpu.sem_alloc : memref<!tpu.dma_semaphore, #tpu.memory_space<semaphore_mem>>
      %dma_start3A_257 = arith.constant 0 : i32
      %dma_start3A_258 = tpu.memref_slice %arg4[%add3A_146, %dma_start3A_257] : memref<131072x128xf32, #tpu.memory_space<hbm>> -> memref<128x128xf32, #tpu.memory_space<hbm>>
      %dma_start3A_259 = arith.constant 0 : i32
      %dma_start3A_260 = tpu.memref_slice %arg4[%add3A_146, %dma_start3A_259] : memref<131072x128xf32, #tpu.memory_space<hbm>> -> memref<128x128xf32, #tpu.memory_space<hbm>>
      tpu.enqueue_dma source(%arg6 : memref<128x128xf32, #tpu.memory_space<vmem>>) target(%dma_start3A_260 : memref<128x128xf32, #tpu.memory_space<hbm>>) target_semaphore(%run_scoped3A : memref<!tpu.dma_semaphore, #tpu.memory_space<semaphore_mem>>)
      %dma_wait3A_261 = arith.constant 0 : i32
      %dma_wait3A_262 = tpu.memref_slice %arg4[%add3A_146, %dma_wait3A_261] : memref<131072x128xf32, #tpu.memory_space<hbm>> -> memref<128x128xf32, #tpu.memory_space<hbm>>
      %dma_wait3A_263 = arith.constant 0 : i32
      %dma_wait3A_264 = tpu.memref_slice %arg4[%add3A_146, %dma_wait3A_263] : memref<131072x128xf32, #tpu.memory_space<hbm>> -> memref<128x128xf32, #tpu.memory_space<hbm>>
      tpu.wait_dma2 semaphore(%run_scoped3A : memref<!tpu.dma_semaphore, #tpu.memory_space<semaphore_mem>>) src(%arg6 : memref<128x128xf32, #tpu.memory_space<vmem>>) dst(%dma_wait3A_264 : memref<128x128xf32, #tpu.memory_space<hbm>>)
      tpu.yield
    }) : () -> ()
    %add3A_153 = arith.constant 2432 : i32
    %add3A_154 = arith.addi %mul3A_2, %add3A_153 : i32
    "tpu.region"() ({
      %run_scoped3A = tpu.sem_alloc : memref<!tpu.dma_semaphore, #tpu.memory_space<semaphore_mem>>
      %dma_start3A_257 = tpu.memref_slice %arg3[%add3A_154] : memref<131072xi32, #tpu.memory_space<hbm>> -> memref<128xi32, #tpu.memory_space<hbm>>
      %dma_start3A_258 = tpu.memref_slice %arg3[%add3A_154] : memref<131072xi32, #tpu.memory_space<hbm>> -> memref<128xi32, #tpu.memory_space<hbm>>
      tpu.enqueue_dma source(%dma_start3A_258 : memref<128xi32, #tpu.memory_space<hbm>>) target(%arg5 : memref<128xi32, #tpu.memory_space<vmem>>) target_semaphore(%run_scoped3A : memref<!tpu.dma_semaphore, #tpu.memory_space<semaphore_mem>>)
      %dma_wait3A_259 = tpu.memref_slice %arg3[%add3A_154] : memref<131072xi32, #tpu.memory_space<hbm>> -> memref<128xi32, #tpu.memory_space<hbm>>
      %dma_wait3A_260 = tpu.memref_slice %arg3[%add3A_154] : memref<131072xi32, #tpu.memory_space<hbm>> -> memref<128xi32, #tpu.memory_space<hbm>>
      tpu.wait_dma2 semaphore(%run_scoped3A : memref<!tpu.dma_semaphore, #tpu.memory_space<semaphore_mem>>) src(%dma_wait3A_260 : memref<128xi32, #tpu.memory_space<hbm>>) dst(%arg5 : memref<128xi32, #tpu.memory_space<vmem>>)
      tpu.yield
    }) : () -> ()
    %dma_start3A_155 = arith.constant 0 : i32
    %dma_start3A_156 = arith.constant 0 : i32
    %dma_start3A_157 = tpu.memref_slice %arg2[%dma_start3A_155, %dma_start3A_156] : memref<32768x128xf32, #tpu.memory_space<hbm>> -> memref<32768x128xf32, #tpu.memory_space<hbm>>
    tpu.enqueue_indirect_dma source(%dma_start3A_157 : memref<32768x128xf32, #tpu.memory_space<hbm>>) target(%arg6 : memref<128x128xf32, #tpu.memory_space<vmem>>) offsets(%arg5 : memref<128xi32, #tpu.memory_space<vmem>>) semaphore(%arg7 : memref<!tpu.dma_semaphore, #tpu.memory_space<semaphore_mem>>)
    %dma_wait3A_158 = arith.constant 0 : i32
    %dma_wait3A_159 = arith.constant 0 : i32
    %dma_wait3A_160 = tpu.memref_slice %arg2[%dma_wait3A_158, %dma_wait3A_159] : memref<32768x128xf32, #tpu.memory_space<hbm>> -> memref<32768x128xf32, #tpu.memory_space<hbm>>
    tpu.wait_indirect_dma semaphore(%arg7 : memref<!tpu.dma_semaphore, #tpu.memory_space<semaphore_mem>>) src(%dma_wait3A_160 : memref<32768x128xf32, #tpu.memory_space<hbm>>) dst(%arg6 : memref<128x128xf32, #tpu.memory_space<vmem>>)
    "tpu.region"() ({
      %run_scoped3A = tpu.sem_alloc : memref<!tpu.dma_semaphore, #tpu.memory_space<semaphore_mem>>
      %dma_start3A_257 = arith.constant 0 : i32
      %dma_start3A_258 = tpu.memref_slice %arg4[%add3A_154, %dma_start3A_257] : memref<131072x128xf32, #tpu.memory_space<hbm>> -> memref<128x128xf32, #tpu.memory_space<hbm>>
      %dma_start3A_259 = arith.constant 0 : i32
      %dma_start3A_260 = tpu.memref_slice %arg4[%add3A_154, %dma_start3A_259] : memref<131072x128xf32, #tpu.memory_space<hbm>> -> memref<128x128xf32, #tpu.memory_space<hbm>>
      tpu.enqueue_dma source(%arg6 : memref<128x128xf32, #tpu.memory_space<vmem>>) target(%dma_start3A_260 : memref<128x128xf32, #tpu.memory_space<hbm>>) target_semaphore(%run_scoped3A : memref<!tpu.dma_semaphore, #tpu.memory_space<semaphore_mem>>)
      %dma_wait3A_261 = arith.constant 0 : i32
      %dma_wait3A_262 = tpu.memref_slice %arg4[%add3A_154, %dma_wait3A_261] : memref<131072x128xf32, #tpu.memory_space<hbm>> -> memref<128x128xf32, #tpu.memory_space<hbm>>
      %dma_wait3A_263 = arith.constant 0 : i32
      %dma_wait3A_264 = tpu.memref_slice %arg4[%add3A_154, %dma_wait3A_263] : memref<131072x128xf32, #tpu.memory_space<hbm>> -> memref<128x128xf32, #tpu.memory_space<hbm>>
      tpu.wait_dma2 semaphore(%run_scoped3A : memref<!tpu.dma_semaphore, #tpu.memory_space<semaphore_mem>>) src(%arg6 : memref<128x128xf32, #tpu.memory_space<vmem>>) dst(%dma_wait3A_264 : memref<128x128xf32, #tpu.memory_space<hbm>>)
      tpu.yield
    }) : () -> ()
    %add3A_161 = arith.constant 2560 : i32
    %add3A_162 = arith.addi %mul3A_2, %add3A_161 : i32
    "tpu.region"() ({
      %run_scoped3A = tpu.sem_alloc : memref<!tpu.dma_semaphore, #tpu.memory_space<semaphore_mem>>
      %dma_start3A_257 = tpu.memref_slice %arg3[%add3A_162] : memref<131072xi32, #tpu.memory_space<hbm>> -> memref<128xi32, #tpu.memory_space<hbm>>
      %dma_start3A_258 = tpu.memref_slice %arg3[%add3A_162] : memref<131072xi32, #tpu.memory_space<hbm>> -> memref<128xi32, #tpu.memory_space<hbm>>
      tpu.enqueue_dma source(%dma_start3A_258 : memref<128xi32, #tpu.memory_space<hbm>>) target(%arg5 : memref<128xi32, #tpu.memory_space<vmem>>) target_semaphore(%run_scoped3A : memref<!tpu.dma_semaphore, #tpu.memory_space<semaphore_mem>>)
      %dma_wait3A_259 = tpu.memref_slice %arg3[%add3A_162] : memref<131072xi32, #tpu.memory_space<hbm>> -> memref<128xi32, #tpu.memory_space<hbm>>
      %dma_wait3A_260 = tpu.memref_slice %arg3[%add3A_162] : memref<131072xi32, #tpu.memory_space<hbm>> -> memref<128xi32, #tpu.memory_space<hbm>>
      tpu.wait_dma2 semaphore(%run_scoped3A : memref<!tpu.dma_semaphore, #tpu.memory_space<semaphore_mem>>) src(%dma_wait3A_260 : memref<128xi32, #tpu.memory_space<hbm>>) dst(%arg5 : memref<128xi32, #tpu.memory_space<vmem>>)
      tpu.yield
    }) : () -> ()
    %dma_start3A_163 = arith.constant 0 : i32
    %dma_start3A_164 = arith.constant 0 : i32
    %dma_start3A_165 = tpu.memref_slice %arg2[%dma_start3A_163, %dma_start3A_164] : memref<32768x128xf32, #tpu.memory_space<hbm>> -> memref<32768x128xf32, #tpu.memory_space<hbm>>
    tpu.enqueue_indirect_dma source(%dma_start3A_165 : memref<32768x128xf32, #tpu.memory_space<hbm>>) target(%arg6 : memref<128x128xf32, #tpu.memory_space<vmem>>) offsets(%arg5 : memref<128xi32, #tpu.memory_space<vmem>>) semaphore(%arg7 : memref<!tpu.dma_semaphore, #tpu.memory_space<semaphore_mem>>)
    %dma_wait3A_166 = arith.constant 0 : i32
    %dma_wait3A_167 = arith.constant 0 : i32
    %dma_wait3A_168 = tpu.memref_slice %arg2[%dma_wait3A_166, %dma_wait3A_167] : memref<32768x128xf32, #tpu.memory_space<hbm>> -> memref<32768x128xf32, #tpu.memory_space<hbm>>
    tpu.wait_indirect_dma semaphore(%arg7 : memref<!tpu.dma_semaphore, #tpu.memory_space<semaphore_mem>>) src(%dma_wait3A_168 : memref<32768x128xf32, #tpu.memory_space<hbm>>) dst(%arg6 : memref<128x128xf32, #tpu.memory_space<vmem>>)
    "tpu.region"() ({
      %run_scoped3A = tpu.sem_alloc : memref<!tpu.dma_semaphore, #tpu.memory_space<semaphore_mem>>
      %dma_start3A_257 = arith.constant 0 : i32
      %dma_start3A_258 = tpu.memref_slice %arg4[%add3A_162, %dma_start3A_257] : memref<131072x128xf32, #tpu.memory_space<hbm>> -> memref<128x128xf32, #tpu.memory_space<hbm>>
      %dma_start3A_259 = arith.constant 0 : i32
      %dma_start3A_260 = tpu.memref_slice %arg4[%add3A_162, %dma_start3A_259] : memref<131072x128xf32, #tpu.memory_space<hbm>> -> memref<128x128xf32, #tpu.memory_space<hbm>>
      tpu.enqueue_dma source(%arg6 : memref<128x128xf32, #tpu.memory_space<vmem>>) target(%dma_start3A_260 : memref<128x128xf32, #tpu.memory_space<hbm>>) target_semaphore(%run_scoped3A : memref<!tpu.dma_semaphore, #tpu.memory_space<semaphore_mem>>)
      %dma_wait3A_261 = arith.constant 0 : i32
      %dma_wait3A_262 = tpu.memref_slice %arg4[%add3A_162, %dma_wait3A_261] : memref<131072x128xf32, #tpu.memory_space<hbm>> -> memref<128x128xf32, #tpu.memory_space<hbm>>
      %dma_wait3A_263 = arith.constant 0 : i32
      %dma_wait3A_264 = tpu.memref_slice %arg4[%add3A_162, %dma_wait3A_263] : memref<131072x128xf32, #tpu.memory_space<hbm>> -> memref<128x128xf32, #tpu.memory_space<hbm>>
      tpu.wait_dma2 semaphore(%run_scoped3A : memref<!tpu.dma_semaphore, #tpu.memory_space<semaphore_mem>>) src(%arg6 : memref<128x128xf32, #tpu.memory_space<vmem>>) dst(%dma_wait3A_264 : memref<128x128xf32, #tpu.memory_space<hbm>>)
      tpu.yield
    }) : () -> ()
    %add3A_169 = arith.constant 2688 : i32
    %add3A_170 = arith.addi %mul3A_2, %add3A_169 : i32
    "tpu.region"() ({
      %run_scoped3A = tpu.sem_alloc : memref<!tpu.dma_semaphore, #tpu.memory_space<semaphore_mem>>
      %dma_start3A_257 = tpu.memref_slice %arg3[%add3A_170] : memref<131072xi32, #tpu.memory_space<hbm>> -> memref<128xi32, #tpu.memory_space<hbm>>
      %dma_start3A_258 = tpu.memref_slice %arg3[%add3A_170] : memref<131072xi32, #tpu.memory_space<hbm>> -> memref<128xi32, #tpu.memory_space<hbm>>
      tpu.enqueue_dma source(%dma_start3A_258 : memref<128xi32, #tpu.memory_space<hbm>>) target(%arg5 : memref<128xi32, #tpu.memory_space<vmem>>) target_semaphore(%run_scoped3A : memref<!tpu.dma_semaphore, #tpu.memory_space<semaphore_mem>>)
      %dma_wait3A_259 = tpu.memref_slice %arg3[%add3A_170] : memref<131072xi32, #tpu.memory_space<hbm>> -> memref<128xi32, #tpu.memory_space<hbm>>
      %dma_wait3A_260 = tpu.memref_slice %arg3[%add3A_170] : memref<131072xi32, #tpu.memory_space<hbm>> -> memref<128xi32, #tpu.memory_space<hbm>>
      tpu.wait_dma2 semaphore(%run_scoped3A : memref<!tpu.dma_semaphore, #tpu.memory_space<semaphore_mem>>) src(%dma_wait3A_260 : memref<128xi32, #tpu.memory_space<hbm>>) dst(%arg5 : memref<128xi32, #tpu.memory_space<vmem>>)
      tpu.yield
    }) : () -> ()
    %dma_start3A_171 = arith.constant 0 : i32
    %dma_start3A_172 = arith.constant 0 : i32
    %dma_start3A_173 = tpu.memref_slice %arg2[%dma_start3A_171, %dma_start3A_172] : memref<32768x128xf32, #tpu.memory_space<hbm>> -> memref<32768x128xf32, #tpu.memory_space<hbm>>
    tpu.enqueue_indirect_dma source(%dma_start3A_173 : memref<32768x128xf32, #tpu.memory_space<hbm>>) target(%arg6 : memref<128x128xf32, #tpu.memory_space<vmem>>) offsets(%arg5 : memref<128xi32, #tpu.memory_space<vmem>>) semaphore(%arg7 : memref<!tpu.dma_semaphore, #tpu.memory_space<semaphore_mem>>)
    %dma_wait3A_174 = arith.constant 0 : i32
    %dma_wait3A_175 = arith.constant 0 : i32
    %dma_wait3A_176 = tpu.memref_slice %arg2[%dma_wait3A_174, %dma_wait3A_175] : memref<32768x128xf32, #tpu.memory_space<hbm>> -> memref<32768x128xf32, #tpu.memory_space<hbm>>
    tpu.wait_indirect_dma semaphore(%arg7 : memref<!tpu.dma_semaphore, #tpu.memory_space<semaphore_mem>>) src(%dma_wait3A_176 : memref<32768x128xf32, #tpu.memory_space<hbm>>) dst(%arg6 : memref<128x128xf32, #tpu.memory_space<vmem>>)
    "tpu.region"() ({
      %run_scoped3A = tpu.sem_alloc : memref<!tpu.dma_semaphore, #tpu.memory_space<semaphore_mem>>
      %dma_start3A_257 = arith.constant 0 : i32
      %dma_start3A_258 = tpu.memref_slice %arg4[%add3A_170, %dma_start3A_257] : memref<131072x128xf32, #tpu.memory_space<hbm>> -> memref<128x128xf32, #tpu.memory_space<hbm>>
      %dma_start3A_259 = arith.constant 0 : i32
      %dma_start3A_260 = tpu.memref_slice %arg4[%add3A_170, %dma_start3A_259] : memref<131072x128xf32, #tpu.memory_space<hbm>> -> memref<128x128xf32, #tpu.memory_space<hbm>>
      tpu.enqueue_dma source(%arg6 : memref<128x128xf32, #tpu.memory_space<vmem>>) target(%dma_start3A_260 : memref<128x128xf32, #tpu.memory_space<hbm>>) target_semaphore(%run_scoped3A : memref<!tpu.dma_semaphore, #tpu.memory_space<semaphore_mem>>)
      %dma_wait3A_261 = arith.constant 0 : i32
      %dma_wait3A_262 = tpu.memref_slice %arg4[%add3A_170, %dma_wait3A_261] : memref<131072x128xf32, #tpu.memory_space<hbm>> -> memref<128x128xf32, #tpu.memory_space<hbm>>
      %dma_wait3A_263 = arith.constant 0 : i32
      %dma_wait3A_264 = tpu.memref_slice %arg4[%add3A_170, %dma_wait3A_263] : memref<131072x128xf32, #tpu.memory_space<hbm>> -> memref<128x128xf32, #tpu.memory_space<hbm>>
      tpu.wait_dma2 semaphore(%run_scoped3A : memref<!tpu.dma_semaphore, #tpu.memory_space<semaphore_mem>>) src(%arg6 : memref<128x128xf32, #tpu.memory_space<vmem>>) dst(%dma_wait3A_264 : memref<128x128xf32, #tpu.memory_space<hbm>>)
      tpu.yield
    }) : () -> ()
    %add3A_177 = arith.constant 2816 : i32
    %add3A_178 = arith.addi %mul3A_2, %add3A_177 : i32
    "tpu.region"() ({
      %run_scoped3A = tpu.sem_alloc : memref<!tpu.dma_semaphore, #tpu.memory_space<semaphore_mem>>
      %dma_start3A_257 = tpu.memref_slice %arg3[%add3A_178] : memref<131072xi32, #tpu.memory_space<hbm>> -> memref<128xi32, #tpu.memory_space<hbm>>
      %dma_start3A_258 = tpu.memref_slice %arg3[%add3A_178] : memref<131072xi32, #tpu.memory_space<hbm>> -> memref<128xi32, #tpu.memory_space<hbm>>
      tpu.enqueue_dma source(%dma_start3A_258 : memref<128xi32, #tpu.memory_space<hbm>>) target(%arg5 : memref<128xi32, #tpu.memory_space<vmem>>) target_semaphore(%run_scoped3A : memref<!tpu.dma_semaphore, #tpu.memory_space<semaphore_mem>>)
      %dma_wait3A_259 = tpu.memref_slice %arg3[%add3A_178] : memref<131072xi32, #tpu.memory_space<hbm>> -> memref<128xi32, #tpu.memory_space<hbm>>
      %dma_wait3A_260 = tpu.memref_slice %arg3[%add3A_178] : memref<131072xi32, #tpu.memory_space<hbm>> -> memref<128xi32, #tpu.memory_space<hbm>>
      tpu.wait_dma2 semaphore(%run_scoped3A : memref<!tpu.dma_semaphore, #tpu.memory_space<semaphore_mem>>) src(%dma_wait3A_260 : memref<128xi32, #tpu.memory_space<hbm>>) dst(%arg5 : memref<128xi32, #tpu.memory_space<vmem>>)
      tpu.yield
    }) : () -> ()
    %dma_start3A_179 = arith.constant 0 : i32
    %dma_start3A_180 = arith.constant 0 : i32
    %dma_start3A_181 = tpu.memref_slice %arg2[%dma_start3A_179, %dma_start3A_180] : memref<32768x128xf32, #tpu.memory_space<hbm>> -> memref<32768x128xf32, #tpu.memory_space<hbm>>
    tpu.enqueue_indirect_dma source(%dma_start3A_181 : memref<32768x128xf32, #tpu.memory_space<hbm>>) target(%arg6 : memref<128x128xf32, #tpu.memory_space<vmem>>) offsets(%arg5 : memref<128xi32, #tpu.memory_space<vmem>>) semaphore(%arg7 : memref<!tpu.dma_semaphore, #tpu.memory_space<semaphore_mem>>)
    %dma_wait3A_182 = arith.constant 0 : i32
    %dma_wait3A_183 = arith.constant 0 : i32
    %dma_wait3A_184 = tpu.memref_slice %arg2[%dma_wait3A_182, %dma_wait3A_183] : memref<32768x128xf32, #tpu.memory_space<hbm>> -> memref<32768x128xf32, #tpu.memory_space<hbm>>
    tpu.wait_indirect_dma semaphore(%arg7 : memref<!tpu.dma_semaphore, #tpu.memory_space<semaphore_mem>>) src(%dma_wait3A_184 : memref<32768x128xf32, #tpu.memory_space<hbm>>) dst(%arg6 : memref<128x128xf32, #tpu.memory_space<vmem>>)
    "tpu.region"() ({
      %run_scoped3A = tpu.sem_alloc : memref<!tpu.dma_semaphore, #tpu.memory_space<semaphore_mem>>
      %dma_start3A_257 = arith.constant 0 : i32
      %dma_start3A_258 = tpu.memref_slice %arg4[%add3A_178, %dma_start3A_257] : memref<131072x128xf32, #tpu.memory_space<hbm>> -> memref<128x128xf32, #tpu.memory_space<hbm>>
      %dma_start3A_259 = arith.constant 0 : i32
      %dma_start3A_260 = tpu.memref_slice %arg4[%add3A_178, %dma_start3A_259] : memref<131072x128xf32, #tpu.memory_space<hbm>> -> memref<128x128xf32, #tpu.memory_space<hbm>>
      tpu.enqueue_dma source(%arg6 : memref<128x128xf32, #tpu.memory_space<vmem>>) target(%dma_start3A_260 : memref<128x128xf32, #tpu.memory_space<hbm>>) target_semaphore(%run_scoped3A : memref<!tpu.dma_semaphore, #tpu.memory_space<semaphore_mem>>)
      %dma_wait3A_261 = arith.constant 0 : i32
      %dma_wait3A_262 = tpu.memref_slice %arg4[%add3A_178, %dma_wait3A_261] : memref<131072x128xf32, #tpu.memory_space<hbm>> -> memref<128x128xf32, #tpu.memory_space<hbm>>
      %dma_wait3A_263 = arith.constant 0 : i32
      %dma_wait3A_264 = tpu.memref_slice %arg4[%add3A_178, %dma_wait3A_263] : memref<131072x128xf32, #tpu.memory_space<hbm>> -> memref<128x128xf32, #tpu.memory_space<hbm>>
      tpu.wait_dma2 semaphore(%run_scoped3A : memref<!tpu.dma_semaphore, #tpu.memory_space<semaphore_mem>>) src(%arg6 : memref<128x128xf32, #tpu.memory_space<vmem>>) dst(%dma_wait3A_264 : memref<128x128xf32, #tpu.memory_space<hbm>>)
      tpu.yield
    }) : () -> ()
    %add3A_185 = arith.constant 2944 : i32
    %add3A_186 = arith.addi %mul3A_2, %add3A_185 : i32
    "tpu.region"() ({
      %run_scoped3A = tpu.sem_alloc : memref<!tpu.dma_semaphore, #tpu.memory_space<semaphore_mem>>
      %dma_start3A_257 = tpu.memref_slice %arg3[%add3A_186] : memref<131072xi32, #tpu.memory_space<hbm>> -> memref<128xi32, #tpu.memory_space<hbm>>
      %dma_start3A_258 = tpu.memref_slice %arg3[%add3A_186] : memref<131072xi32, #tpu.memory_space<hbm>> -> memref<128xi32, #tpu.memory_space<hbm>>
      tpu.enqueue_dma source(%dma_start3A_258 : memref<128xi32, #tpu.memory_space<hbm>>) target(%arg5 : memref<128xi32, #tpu.memory_space<vmem>>) target_semaphore(%run_scoped3A : memref<!tpu.dma_semaphore, #tpu.memory_space<semaphore_mem>>)
      %dma_wait3A_259 = tpu.memref_slice %arg3[%add3A_186] : memref<131072xi32, #tpu.memory_space<hbm>> -> memref<128xi32, #tpu.memory_space<hbm>>
      %dma_wait3A_260 = tpu.memref_slice %arg3[%add3A_186] : memref<131072xi32, #tpu.memory_space<hbm>> -> memref<128xi32, #tpu.memory_space<hbm>>
      tpu.wait_dma2 semaphore(%run_scoped3A : memref<!tpu.dma_semaphore, #tpu.memory_space<semaphore_mem>>) src(%dma_wait3A_260 : memref<128xi32, #tpu.memory_space<hbm>>) dst(%arg5 : memref<128xi32, #tpu.memory_space<vmem>>)
      tpu.yield
    }) : () -> ()
    %dma_start3A_187 = arith.constant 0 : i32
    %dma_start3A_188 = arith.constant 0 : i32
    %dma_start3A_189 = tpu.memref_slice %arg2[%dma_start3A_187, %dma_start3A_188] : memref<32768x128xf32, #tpu.memory_space<hbm>> -> memref<32768x128xf32, #tpu.memory_space<hbm>>
    tpu.enqueue_indirect_dma source(%dma_start3A_189 : memref<32768x128xf32, #tpu.memory_space<hbm>>) target(%arg6 : memref<128x128xf32, #tpu.memory_space<vmem>>) offsets(%arg5 : memref<128xi32, #tpu.memory_space<vmem>>) semaphore(%arg7 : memref<!tpu.dma_semaphore, #tpu.memory_space<semaphore_mem>>)
    %dma_wait3A_190 = arith.constant 0 : i32
    %dma_wait3A_191 = arith.constant 0 : i32
    %dma_wait3A_192 = tpu.memref_slice %arg2[%dma_wait3A_190, %dma_wait3A_191] : memref<32768x128xf32, #tpu.memory_space<hbm>> -> memref<32768x128xf32, #tpu.memory_space<hbm>>
    tpu.wait_indirect_dma semaphore(%arg7 : memref<!tpu.dma_semaphore, #tpu.memory_space<semaphore_mem>>) src(%dma_wait3A_192 : memref<32768x128xf32, #tpu.memory_space<hbm>>) dst(%arg6 : memref<128x128xf32, #tpu.memory_space<vmem>>)
    "tpu.region"() ({
      %run_scoped3A = tpu.sem_alloc : memref<!tpu.dma_semaphore, #tpu.memory_space<semaphore_mem>>
      %dma_start3A_257 = arith.constant 0 : i32
      %dma_start3A_258 = tpu.memref_slice %arg4[%add3A_186, %dma_start3A_257] : memref<131072x128xf32, #tpu.memory_space<hbm>> -> memref<128x128xf32, #tpu.memory_space<hbm>>
      %dma_start3A_259 = arith.constant 0 : i32
      %dma_start3A_260 = tpu.memref_slice %arg4[%add3A_186, %dma_start3A_259] : memref<131072x128xf32, #tpu.memory_space<hbm>> -> memref<128x128xf32, #tpu.memory_space<hbm>>
      tpu.enqueue_dma source(%arg6 : memref<128x128xf32, #tpu.memory_space<vmem>>) target(%dma_start3A_260 : memref<128x128xf32, #tpu.memory_space<hbm>>) target_semaphore(%run_scoped3A : memref<!tpu.dma_semaphore, #tpu.memory_space<semaphore_mem>>)
      %dma_wait3A_261 = arith.constant 0 : i32
      %dma_wait3A_262 = tpu.memref_slice %arg4[%add3A_186, %dma_wait3A_261] : memref<131072x128xf32, #tpu.memory_space<hbm>> -> memref<128x128xf32, #tpu.memory_space<hbm>>
      %dma_wait3A_263 = arith.constant 0 : i32
      %dma_wait3A_264 = tpu.memref_slice %arg4[%add3A_186, %dma_wait3A_263] : memref<131072x128xf32, #tpu.memory_space<hbm>> -> memref<128x128xf32, #tpu.memory_space<hbm>>
      tpu.wait_dma2 semaphore(%run_scoped3A : memref<!tpu.dma_semaphore, #tpu.memory_space<semaphore_mem>>) src(%arg6 : memref<128x128xf32, #tpu.memory_space<vmem>>) dst(%dma_wait3A_264 : memref<128x128xf32, #tpu.memory_space<hbm>>)
      tpu.yield
    }) : () -> ()
    %add3A_193 = arith.constant 3072 : i32
    %add3A_194 = arith.addi %mul3A_2, %add3A_193 : i32
    "tpu.region"() ({
      %run_scoped3A = tpu.sem_alloc : memref<!tpu.dma_semaphore, #tpu.memory_space<semaphore_mem>>
      %dma_start3A_257 = tpu.memref_slice %arg3[%add3A_194] : memref<131072xi32, #tpu.memory_space<hbm>> -> memref<128xi32, #tpu.memory_space<hbm>>
      %dma_start3A_258 = tpu.memref_slice %arg3[%add3A_194] : memref<131072xi32, #tpu.memory_space<hbm>> -> memref<128xi32, #tpu.memory_space<hbm>>
      tpu.enqueue_dma source(%dma_start3A_258 : memref<128xi32, #tpu.memory_space<hbm>>) target(%arg5 : memref<128xi32, #tpu.memory_space<vmem>>) target_semaphore(%run_scoped3A : memref<!tpu.dma_semaphore, #tpu.memory_space<semaphore_mem>>)
      %dma_wait3A_259 = tpu.memref_slice %arg3[%add3A_194] : memref<131072xi32, #tpu.memory_space<hbm>> -> memref<128xi32, #tpu.memory_space<hbm>>
      %dma_wait3A_260 = tpu.memref_slice %arg3[%add3A_194] : memref<131072xi32, #tpu.memory_space<hbm>> -> memref<128xi32, #tpu.memory_space<hbm>>
      tpu.wait_dma2 semaphore(%run_scoped3A : memref<!tpu.dma_semaphore, #tpu.memory_space<semaphore_mem>>) src(%dma_wait3A_260 : memref<128xi32, #tpu.memory_space<hbm>>) dst(%arg5 : memref<128xi32, #tpu.memory_space<vmem>>)
      tpu.yield
    }) : () -> ()
    %dma_start3A_195 = arith.constant 0 : i32
    %dma_start3A_196 = arith.constant 0 : i32
    %dma_start3A_197 = tpu.memref_slice %arg2[%dma_start3A_195, %dma_start3A_196] : memref<32768x128xf32, #tpu.memory_space<hbm>> -> memref<32768x128xf32, #tpu.memory_space<hbm>>
    tpu.enqueue_indirect_dma source(%dma_start3A_197 : memref<32768x128xf32, #tpu.memory_space<hbm>>) target(%arg6 : memref<128x128xf32, #tpu.memory_space<vmem>>) offsets(%arg5 : memref<128xi32, #tpu.memory_space<vmem>>) semaphore(%arg7 : memref<!tpu.dma_semaphore, #tpu.memory_space<semaphore_mem>>)
    %dma_wait3A_198 = arith.constant 0 : i32
    %dma_wait3A_199 = arith.constant 0 : i32
    %dma_wait3A_200 = tpu.memref_slice %arg2[%dma_wait3A_198, %dma_wait3A_199] : memref<32768x128xf32, #tpu.memory_space<hbm>> -> memref<32768x128xf32, #tpu.memory_space<hbm>>
    tpu.wait_indirect_dma semaphore(%arg7 : memref<!tpu.dma_semaphore, #tpu.memory_space<semaphore_mem>>) src(%dma_wait3A_200 : memref<32768x128xf32, #tpu.memory_space<hbm>>) dst(%arg6 : memref<128x128xf32, #tpu.memory_space<vmem>>)
    "tpu.region"() ({
      %run_scoped3A = tpu.sem_alloc : memref<!tpu.dma_semaphore, #tpu.memory_space<semaphore_mem>>
      %dma_start3A_257 = arith.constant 0 : i32
      %dma_start3A_258 = tpu.memref_slice %arg4[%add3A_194, %dma_start3A_257] : memref<131072x128xf32, #tpu.memory_space<hbm>> -> memref<128x128xf32, #tpu.memory_space<hbm>>
      %dma_start3A_259 = arith.constant 0 : i32
      %dma_start3A_260 = tpu.memref_slice %arg4[%add3A_194, %dma_start3A_259] : memref<131072x128xf32, #tpu.memory_space<hbm>> -> memref<128x128xf32, #tpu.memory_space<hbm>>
      tpu.enqueue_dma source(%arg6 : memref<128x128xf32, #tpu.memory_space<vmem>>) target(%dma_start3A_260 : memref<128x128xf32, #tpu.memory_space<hbm>>) target_semaphore(%run_scoped3A : memref<!tpu.dma_semaphore, #tpu.memory_space<semaphore_mem>>)
      %dma_wait3A_261 = arith.constant 0 : i32
      %dma_wait3A_262 = tpu.memref_slice %arg4[%add3A_194, %dma_wait3A_261] : memref<131072x128xf32, #tpu.memory_space<hbm>> -> memref<128x128xf32, #tpu.memory_space<hbm>>
      %dma_wait3A_263 = arith.constant 0 : i32
      %dma_wait3A_264 = tpu.memref_slice %arg4[%add3A_194, %dma_wait3A_263] : memref<131072x128xf32, #tpu.memory_space<hbm>> -> memref<128x128xf32, #tpu.memory_space<hbm>>
      tpu.wait_dma2 semaphore(%run_scoped3A : memref<!tpu.dma_semaphore, #tpu.memory_space<semaphore_mem>>) src(%arg6 : memref<128x128xf32, #tpu.memory_space<vmem>>) dst(%dma_wait3A_264 : memref<128x128xf32, #tpu.memory_space<hbm>>)
      tpu.yield
    }) : () -> ()
    %add3A_201 = arith.constant 3200 : i32
    %add3A_202 = arith.addi %mul3A_2, %add3A_201 : i32
    "tpu.region"() ({
      %run_scoped3A = tpu.sem_alloc : memref<!tpu.dma_semaphore, #tpu.memory_space<semaphore_mem>>
      %dma_start3A_257 = tpu.memref_slice %arg3[%add3A_202] : memref<131072xi32, #tpu.memory_space<hbm>> -> memref<128xi32, #tpu.memory_space<hbm>>
      %dma_start3A_258 = tpu.memref_slice %arg3[%add3A_202] : memref<131072xi32, #tpu.memory_space<hbm>> -> memref<128xi32, #tpu.memory_space<hbm>>
      tpu.enqueue_dma source(%dma_start3A_258 : memref<128xi32, #tpu.memory_space<hbm>>) target(%arg5 : memref<128xi32, #tpu.memory_space<vmem>>) target_semaphore(%run_scoped3A : memref<!tpu.dma_semaphore, #tpu.memory_space<semaphore_mem>>)
      %dma_wait3A_259 = tpu.memref_slice %arg3[%add3A_202] : memref<131072xi32, #tpu.memory_space<hbm>> -> memref<128xi32, #tpu.memory_space<hbm>>
      %dma_wait3A_260 = tpu.memref_slice %arg3[%add3A_202] : memref<131072xi32, #tpu.memory_space<hbm>> -> memref<128xi32, #tpu.memory_space<hbm>>
      tpu.wait_dma2 semaphore(%run_scoped3A : memref<!tpu.dma_semaphore, #tpu.memory_space<semaphore_mem>>) src(%dma_wait3A_260 : memref<128xi32, #tpu.memory_space<hbm>>) dst(%arg5 : memref<128xi32, #tpu.memory_space<vmem>>)
      tpu.yield
    }) : () -> ()
    %dma_start3A_203 = arith.constant 0 : i32
    %dma_start3A_204 = arith.constant 0 : i32
    %dma_start3A_205 = tpu.memref_slice %arg2[%dma_start3A_203, %dma_start3A_204] : memref<32768x128xf32, #tpu.memory_space<hbm>> -> memref<32768x128xf32, #tpu.memory_space<hbm>>
    tpu.enqueue_indirect_dma source(%dma_start3A_205 : memref<32768x128xf32, #tpu.memory_space<hbm>>) target(%arg6 : memref<128x128xf32, #tpu.memory_space<vmem>>) offsets(%arg5 : memref<128xi32, #tpu.memory_space<vmem>>) semaphore(%arg7 : memref<!tpu.dma_semaphore, #tpu.memory_space<semaphore_mem>>)
    %dma_wait3A_206 = arith.constant 0 : i32
    %dma_wait3A_207 = arith.constant 0 : i32
    %dma_wait3A_208 = tpu.memref_slice %arg2[%dma_wait3A_206, %dma_wait3A_207] : memref<32768x128xf32, #tpu.memory_space<hbm>> -> memref<32768x128xf32, #tpu.memory_space<hbm>>
    tpu.wait_indirect_dma semaphore(%arg7 : memref<!tpu.dma_semaphore, #tpu.memory_space<semaphore_mem>>) src(%dma_wait3A_208 : memref<32768x128xf32, #tpu.memory_space<hbm>>) dst(%arg6 : memref<128x128xf32, #tpu.memory_space<vmem>>)
    "tpu.region"() ({
      %run_scoped3A = tpu.sem_alloc : memref<!tpu.dma_semaphore, #tpu.memory_space<semaphore_mem>>
      %dma_start3A_257 = arith.constant 0 : i32
      %dma_start3A_258 = tpu.memref_slice %arg4[%add3A_202, %dma_start3A_257] : memref<131072x128xf32, #tpu.memory_space<hbm>> -> memref<128x128xf32, #tpu.memory_space<hbm>>
      %dma_start3A_259 = arith.constant 0 : i32
      %dma_start3A_260 = tpu.memref_slice %arg4[%add3A_202, %dma_start3A_259] : memref<131072x128xf32, #tpu.memory_space<hbm>> -> memref<128x128xf32, #tpu.memory_space<hbm>>
      tpu.enqueue_dma source(%arg6 : memref<128x128xf32, #tpu.memory_space<vmem>>) target(%dma_start3A_260 : memref<128x128xf32, #tpu.memory_space<hbm>>) target_semaphore(%run_scoped3A : memref<!tpu.dma_semaphore, #tpu.memory_space<semaphore_mem>>)
      %dma_wait3A_261 = arith.constant 0 : i32
      %dma_wait3A_262 = tpu.memref_slice %arg4[%add3A_202, %dma_wait3A_261] : memref<131072x128xf32, #tpu.memory_space<hbm>> -> memref<128x128xf32, #tpu.memory_space<hbm>>
      %dma_wait3A_263 = arith.constant 0 : i32
      %dma_wait3A_264 = tpu.memref_slice %arg4[%add3A_202, %dma_wait3A_263] : memref<131072x128xf32, #tpu.memory_space<hbm>> -> memref<128x128xf32, #tpu.memory_space<hbm>>
      tpu.wait_dma2 semaphore(%run_scoped3A : memref<!tpu.dma_semaphore, #tpu.memory_space<semaphore_mem>>) src(%arg6 : memref<128x128xf32, #tpu.memory_space<vmem>>) dst(%dma_wait3A_264 : memref<128x128xf32, #tpu.memory_space<hbm>>)
      tpu.yield
    }) : () -> ()
    %add3A_209 = arith.constant 3328 : i32
    %add3A_210 = arith.addi %mul3A_2, %add3A_209 : i32
    "tpu.region"() ({
      %run_scoped3A = tpu.sem_alloc : memref<!tpu.dma_semaphore, #tpu.memory_space<semaphore_mem>>
      %dma_start3A_257 = tpu.memref_slice %arg3[%add3A_210] : memref<131072xi32, #tpu.memory_space<hbm>> -> memref<128xi32, #tpu.memory_space<hbm>>
      %dma_start3A_258 = tpu.memref_slice %arg3[%add3A_210] : memref<131072xi32, #tpu.memory_space<hbm>> -> memref<128xi32, #tpu.memory_space<hbm>>
      tpu.enqueue_dma source(%dma_start3A_258 : memref<128xi32, #tpu.memory_space<hbm>>) target(%arg5 : memref<128xi32, #tpu.memory_space<vmem>>) target_semaphore(%run_scoped3A : memref<!tpu.dma_semaphore, #tpu.memory_space<semaphore_mem>>)
      %dma_wait3A_259 = tpu.memref_slice %arg3[%add3A_210] : memref<131072xi32, #tpu.memory_space<hbm>> -> memref<128xi32, #tpu.memory_space<hbm>>
      %dma_wait3A_260 = tpu.memref_slice %arg3[%add3A_210] : memref<131072xi32, #tpu.memory_space<hbm>> -> memref<128xi32, #tpu.memory_space<hbm>>
      tpu.wait_dma2 semaphore(%run_scoped3A : memref<!tpu.dma_semaphore, #tpu.memory_space<semaphore_mem>>) src(%dma_wait3A_260 : memref<128xi32, #tpu.memory_space<hbm>>) dst(%arg5 : memref<128xi32, #tpu.memory_space<vmem>>)
      tpu.yield
    }) : () -> ()
    %dma_start3A_211 = arith.constant 0 : i32
    %dma_start3A_212 = arith.constant 0 : i32
    %dma_start3A_213 = tpu.memref_slice %arg2[%dma_start3A_211, %dma_start3A_212] : memref<32768x128xf32, #tpu.memory_space<hbm>> -> memref<32768x128xf32, #tpu.memory_space<hbm>>
    tpu.enqueue_indirect_dma source(%dma_start3A_213 : memref<32768x128xf32, #tpu.memory_space<hbm>>) target(%arg6 : memref<128x128xf32, #tpu.memory_space<vmem>>) offsets(%arg5 : memref<128xi32, #tpu.memory_space<vmem>>) semaphore(%arg7 : memref<!tpu.dma_semaphore, #tpu.memory_space<semaphore_mem>>)
    %dma_wait3A_214 = arith.constant 0 : i32
    %dma_wait3A_215 = arith.constant 0 : i32
    %dma_wait3A_216 = tpu.memref_slice %arg2[%dma_wait3A_214, %dma_wait3A_215] : memref<32768x128xf32, #tpu.memory_space<hbm>> -> memref<32768x128xf32, #tpu.memory_space<hbm>>
    tpu.wait_indirect_dma semaphore(%arg7 : memref<!tpu.dma_semaphore, #tpu.memory_space<semaphore_mem>>) src(%dma_wait3A_216 : memref<32768x128xf32, #tpu.memory_space<hbm>>) dst(%arg6 : memref<128x128xf32, #tpu.memory_space<vmem>>)
    "tpu.region"() ({
      %run_scoped3A = tpu.sem_alloc : memref<!tpu.dma_semaphore, #tpu.memory_space<semaphore_mem>>
      %dma_start3A_257 = arith.constant 0 : i32
      %dma_start3A_258 = tpu.memref_slice %arg4[%add3A_210, %dma_start3A_257] : memref<131072x128xf32, #tpu.memory_space<hbm>> -> memref<128x128xf32, #tpu.memory_space<hbm>>
      %dma_start3A_259 = arith.constant 0 : i32
      %dma_start3A_260 = tpu.memref_slice %arg4[%add3A_210, %dma_start3A_259] : memref<131072x128xf32, #tpu.memory_space<hbm>> -> memref<128x128xf32, #tpu.memory_space<hbm>>
      tpu.enqueue_dma source(%arg6 : memref<128x128xf32, #tpu.memory_space<vmem>>) target(%dma_start3A_260 : memref<128x128xf32, #tpu.memory_space<hbm>>) target_semaphore(%run_scoped3A : memref<!tpu.dma_semaphore, #tpu.memory_space<semaphore_mem>>)
      %dma_wait3A_261 = arith.constant 0 : i32
      %dma_wait3A_262 = tpu.memref_slice %arg4[%add3A_210, %dma_wait3A_261] : memref<131072x128xf32, #tpu.memory_space<hbm>> -> memref<128x128xf32, #tpu.memory_space<hbm>>
      %dma_wait3A_263 = arith.constant 0 : i32
      %dma_wait3A_264 = tpu.memref_slice %arg4[%add3A_210, %dma_wait3A_263] : memref<131072x128xf32, #tpu.memory_space<hbm>> -> memref<128x128xf32, #tpu.memory_space<hbm>>
      tpu.wait_dma2 semaphore(%run_scoped3A : memref<!tpu.dma_semaphore, #tpu.memory_space<semaphore_mem>>) src(%arg6 : memref<128x128xf32, #tpu.memory_space<vmem>>) dst(%dma_wait3A_264 : memref<128x128xf32, #tpu.memory_space<hbm>>)
      tpu.yield
    }) : () -> ()
    %add3A_217 = arith.constant 3456 : i32
    %add3A_218 = arith.addi %mul3A_2, %add3A_217 : i32
    "tpu.region"() ({
      %run_scoped3A = tpu.sem_alloc : memref<!tpu.dma_semaphore, #tpu.memory_space<semaphore_mem>>
      %dma_start3A_257 = tpu.memref_slice %arg3[%add3A_218] : memref<131072xi32, #tpu.memory_space<hbm>> -> memref<128xi32, #tpu.memory_space<hbm>>
      %dma_start3A_258 = tpu.memref_slice %arg3[%add3A_218] : memref<131072xi32, #tpu.memory_space<hbm>> -> memref<128xi32, #tpu.memory_space<hbm>>
      tpu.enqueue_dma source(%dma_start3A_258 : memref<128xi32, #tpu.memory_space<hbm>>) target(%arg5 : memref<128xi32, #tpu.memory_space<vmem>>) target_semaphore(%run_scoped3A : memref<!tpu.dma_semaphore, #tpu.memory_space<semaphore_mem>>)
      %dma_wait3A_259 = tpu.memref_slice %arg3[%add3A_218] : memref<131072xi32, #tpu.memory_space<hbm>> -> memref<128xi32, #tpu.memory_space<hbm>>
      %dma_wait3A_260 = tpu.memref_slice %arg3[%add3A_218] : memref<131072xi32, #tpu.memory_space<hbm>> -> memref<128xi32, #tpu.memory_space<hbm>>
      tpu.wait_dma2 semaphore(%run_scoped3A : memref<!tpu.dma_semaphore, #tpu.memory_space<semaphore_mem>>) src(%dma_wait3A_260 : memref<128xi32, #tpu.memory_space<hbm>>) dst(%arg5 : memref<128xi32, #tpu.memory_space<vmem>>)
      tpu.yield
    }) : () -> ()
    %dma_start3A_219 = arith.constant 0 : i32
    %dma_start3A_220 = arith.constant 0 : i32
    %dma_start3A_221 = tpu.memref_slice %arg2[%dma_start3A_219, %dma_start3A_220] : memref<32768x128xf32, #tpu.memory_space<hbm>> -> memref<32768x128xf32, #tpu.memory_space<hbm>>
    tpu.enqueue_indirect_dma source(%dma_start3A_221 : memref<32768x128xf32, #tpu.memory_space<hbm>>) target(%arg6 : memref<128x128xf32, #tpu.memory_space<vmem>>) offsets(%arg5 : memref<128xi32, #tpu.memory_space<vmem>>) semaphore(%arg7 : memref<!tpu.dma_semaphore, #tpu.memory_space<semaphore_mem>>)
    %dma_wait3A_222 = arith.constant 0 : i32
    %dma_wait3A_223 = arith.constant 0 : i32
    %dma_wait3A_224 = tpu.memref_slice %arg2[%dma_wait3A_222, %dma_wait3A_223] : memref<32768x128xf32, #tpu.memory_space<hbm>> -> memref<32768x128xf32, #tpu.memory_space<hbm>>
    tpu.wait_indirect_dma semaphore(%arg7 : memref<!tpu.dma_semaphore, #tpu.memory_space<semaphore_mem>>) src(%dma_wait3A_224 : memref<32768x128xf32, #tpu.memory_space<hbm>>) dst(%arg6 : memref<128x128xf32, #tpu.memory_space<vmem>>)
    "tpu.region"() ({
      %run_scoped3A = tpu.sem_alloc : memref<!tpu.dma_semaphore, #tpu.memory_space<semaphore_mem>>
      %dma_start3A_257 = arith.constant 0 : i32
      %dma_start3A_258 = tpu.memref_slice %arg4[%add3A_218, %dma_start3A_257] : memref<131072x128xf32, #tpu.memory_space<hbm>> -> memref<128x128xf32, #tpu.memory_space<hbm>>
      %dma_start3A_259 = arith.constant 0 : i32
      %dma_start3A_260 = tpu.memref_slice %arg4[%add3A_218, %dma_start3A_259] : memref<131072x128xf32, #tpu.memory_space<hbm>> -> memref<128x128xf32, #tpu.memory_space<hbm>>
      tpu.enqueue_dma source(%arg6 : memref<128x128xf32, #tpu.memory_space<vmem>>) target(%dma_start3A_260 : memref<128x128xf32, #tpu.memory_space<hbm>>) target_semaphore(%run_scoped3A : memref<!tpu.dma_semaphore, #tpu.memory_space<semaphore_mem>>)
      %dma_wait3A_261 = arith.constant 0 : i32
      %dma_wait3A_262 = tpu.memref_slice %arg4[%add3A_218, %dma_wait3A_261] : memref<131072x128xf32, #tpu.memory_space<hbm>> -> memref<128x128xf32, #tpu.memory_space<hbm>>
      %dma_wait3A_263 = arith.constant 0 : i32
      %dma_wait3A_264 = tpu.memref_slice %arg4[%add3A_218, %dma_wait3A_263] : memref<131072x128xf32, #tpu.memory_space<hbm>> -> memref<128x128xf32, #tpu.memory_space<hbm>>
      tpu.wait_dma2 semaphore(%run_scoped3A : memref<!tpu.dma_semaphore, #tpu.memory_space<semaphore_mem>>) src(%arg6 : memref<128x128xf32, #tpu.memory_space<vmem>>) dst(%dma_wait3A_264 : memref<128x128xf32, #tpu.memory_space<hbm>>)
      tpu.yield
    }) : () -> ()
    %add3A_225 = arith.constant 3584 : i32
    %add3A_226 = arith.addi %mul3A_2, %add3A_225 : i32
    "tpu.region"() ({
      %run_scoped3A = tpu.sem_alloc : memref<!tpu.dma_semaphore, #tpu.memory_space<semaphore_mem>>
      %dma_start3A_257 = tpu.memref_slice %arg3[%add3A_226] : memref<131072xi32, #tpu.memory_space<hbm>> -> memref<128xi32, #tpu.memory_space<hbm>>
      %dma_start3A_258 = tpu.memref_slice %arg3[%add3A_226] : memref<131072xi32, #tpu.memory_space<hbm>> -> memref<128xi32, #tpu.memory_space<hbm>>
      tpu.enqueue_dma source(%dma_start3A_258 : memref<128xi32, #tpu.memory_space<hbm>>) target(%arg5 : memref<128xi32, #tpu.memory_space<vmem>>) target_semaphore(%run_scoped3A : memref<!tpu.dma_semaphore, #tpu.memory_space<semaphore_mem>>)
      %dma_wait3A_259 = tpu.memref_slice %arg3[%add3A_226] : memref<131072xi32, #tpu.memory_space<hbm>> -> memref<128xi32, #tpu.memory_space<hbm>>
      %dma_wait3A_260 = tpu.memref_slice %arg3[%add3A_226] : memref<131072xi32, #tpu.memory_space<hbm>> -> memref<128xi32, #tpu.memory_space<hbm>>
      tpu.wait_dma2 semaphore(%run_scoped3A : memref<!tpu.dma_semaphore, #tpu.memory_space<semaphore_mem>>) src(%dma_wait3A_260 : memref<128xi32, #tpu.memory_space<hbm>>) dst(%arg5 : memref<128xi32, #tpu.memory_space<vmem>>)
      tpu.yield
    }) : () -> ()
    %dma_start3A_227 = arith.constant 0 : i32
    %dma_start3A_228 = arith.constant 0 : i32
    %dma_start3A_229 = tpu.memref_slice %arg2[%dma_start3A_227, %dma_start3A_228] : memref<32768x128xf32, #tpu.memory_space<hbm>> -> memref<32768x128xf32, #tpu.memory_space<hbm>>
    tpu.enqueue_indirect_dma source(%dma_start3A_229 : memref<32768x128xf32, #tpu.memory_space<hbm>>) target(%arg6 : memref<128x128xf32, #tpu.memory_space<vmem>>) offsets(%arg5 : memref<128xi32, #tpu.memory_space<vmem>>) semaphore(%arg7 : memref<!tpu.dma_semaphore, #tpu.memory_space<semaphore_mem>>)
    %dma_wait3A_230 = arith.constant 0 : i32
    %dma_wait3A_231 = arith.constant 0 : i32
    %dma_wait3A_232 = tpu.memref_slice %arg2[%dma_wait3A_230, %dma_wait3A_231] : memref<32768x128xf32, #tpu.memory_space<hbm>> -> memref<32768x128xf32, #tpu.memory_space<hbm>>
    tpu.wait_indirect_dma semaphore(%arg7 : memref<!tpu.dma_semaphore, #tpu.memory_space<semaphore_mem>>) src(%dma_wait3A_232 : memref<32768x128xf32, #tpu.memory_space<hbm>>) dst(%arg6 : memref<128x128xf32, #tpu.memory_space<vmem>>)
    "tpu.region"() ({
      %run_scoped3A = tpu.sem_alloc : memref<!tpu.dma_semaphore, #tpu.memory_space<semaphore_mem>>
      %dma_start3A_257 = arith.constant 0 : i32
      %dma_start3A_258 = tpu.memref_slice %arg4[%add3A_226, %dma_start3A_257] : memref<131072x128xf32, #tpu.memory_space<hbm>> -> memref<128x128xf32, #tpu.memory_space<hbm>>
      %dma_start3A_259 = arith.constant 0 : i32
      %dma_start3A_260 = tpu.memref_slice %arg4[%add3A_226, %dma_start3A_259] : memref<131072x128xf32, #tpu.memory_space<hbm>> -> memref<128x128xf32, #tpu.memory_space<hbm>>
      tpu.enqueue_dma source(%arg6 : memref<128x128xf32, #tpu.memory_space<vmem>>) target(%dma_start3A_260 : memref<128x128xf32, #tpu.memory_space<hbm>>) target_semaphore(%run_scoped3A : memref<!tpu.dma_semaphore, #tpu.memory_space<semaphore_mem>>)
      %dma_wait3A_261 = arith.constant 0 : i32
      %dma_wait3A_262 = tpu.memref_slice %arg4[%add3A_226, %dma_wait3A_261] : memref<131072x128xf32, #tpu.memory_space<hbm>> -> memref<128x128xf32, #tpu.memory_space<hbm>>
      %dma_wait3A_263 = arith.constant 0 : i32
      %dma_wait3A_264 = tpu.memref_slice %arg4[%add3A_226, %dma_wait3A_263] : memref<131072x128xf32, #tpu.memory_space<hbm>> -> memref<128x128xf32, #tpu.memory_space<hbm>>
      tpu.wait_dma2 semaphore(%run_scoped3A : memref<!tpu.dma_semaphore, #tpu.memory_space<semaphore_mem>>) src(%arg6 : memref<128x128xf32, #tpu.memory_space<vmem>>) dst(%dma_wait3A_264 : memref<128x128xf32, #tpu.memory_space<hbm>>)
      tpu.yield
    }) : () -> ()
    %add3A_233 = arith.constant 3712 : i32
    %add3A_234 = arith.addi %mul3A_2, %add3A_233 : i32
    "tpu.region"() ({
      %run_scoped3A = tpu.sem_alloc : memref<!tpu.dma_semaphore, #tpu.memory_space<semaphore_mem>>
      %dma_start3A_257 = tpu.memref_slice %arg3[%add3A_234] : memref<131072xi32, #tpu.memory_space<hbm>> -> memref<128xi32, #tpu.memory_space<hbm>>
      %dma_start3A_258 = tpu.memref_slice %arg3[%add3A_234] : memref<131072xi32, #tpu.memory_space<hbm>> -> memref<128xi32, #tpu.memory_space<hbm>>
      tpu.enqueue_dma source(%dma_start3A_258 : memref<128xi32, #tpu.memory_space<hbm>>) target(%arg5 : memref<128xi32, #tpu.memory_space<vmem>>) target_semaphore(%run_scoped3A : memref<!tpu.dma_semaphore, #tpu.memory_space<semaphore_mem>>)
      %dma_wait3A_259 = tpu.memref_slice %arg3[%add3A_234] : memref<131072xi32, #tpu.memory_space<hbm>> -> memref<128xi32, #tpu.memory_space<hbm>>
      %dma_wait3A_260 = tpu.memref_slice %arg3[%add3A_234] : memref<131072xi32, #tpu.memory_space<hbm>> -> memref<128xi32, #tpu.memory_space<hbm>>
      tpu.wait_dma2 semaphore(%run_scoped3A : memref<!tpu.dma_semaphore, #tpu.memory_space<semaphore_mem>>) src(%dma_wait3A_260 : memref<128xi32, #tpu.memory_space<hbm>>) dst(%arg5 : memref<128xi32, #tpu.memory_space<vmem>>)
      tpu.yield
    }) : () -> ()
    %dma_start3A_235 = arith.constant 0 : i32
    %dma_start3A_236 = arith.constant 0 : i32
    %dma_start3A_237 = tpu.memref_slice %arg2[%dma_start3A_235, %dma_start3A_236] : memref<32768x128xf32, #tpu.memory_space<hbm>> -> memref<32768x128xf32, #tpu.memory_space<hbm>>
    tpu.enqueue_indirect_dma source(%dma_start3A_237 : memref<32768x128xf32, #tpu.memory_space<hbm>>) target(%arg6 : memref<128x128xf32, #tpu.memory_space<vmem>>) offsets(%arg5 : memref<128xi32, #tpu.memory_space<vmem>>) semaphore(%arg7 : memref<!tpu.dma_semaphore, #tpu.memory_space<semaphore_mem>>)
    %dma_wait3A_238 = arith.constant 0 : i32
    %dma_wait3A_239 = arith.constant 0 : i32
    %dma_wait3A_240 = tpu.memref_slice %arg2[%dma_wait3A_238, %dma_wait3A_239] : memref<32768x128xf32, #tpu.memory_space<hbm>> -> memref<32768x128xf32, #tpu.memory_space<hbm>>
    tpu.wait_indirect_dma semaphore(%arg7 : memref<!tpu.dma_semaphore, #tpu.memory_space<semaphore_mem>>) src(%dma_wait3A_240 : memref<32768x128xf32, #tpu.memory_space<hbm>>) dst(%arg6 : memref<128x128xf32, #tpu.memory_space<vmem>>)
    "tpu.region"() ({
      %run_scoped3A = tpu.sem_alloc : memref<!tpu.dma_semaphore, #tpu.memory_space<semaphore_mem>>
      %dma_start3A_257 = arith.constant 0 : i32
      %dma_start3A_258 = tpu.memref_slice %arg4[%add3A_234, %dma_start3A_257] : memref<131072x128xf32, #tpu.memory_space<hbm>> -> memref<128x128xf32, #tpu.memory_space<hbm>>
      %dma_start3A_259 = arith.constant 0 : i32
      %dma_start3A_260 = tpu.memref_slice %arg4[%add3A_234, %dma_start3A_259] : memref<131072x128xf32, #tpu.memory_space<hbm>> -> memref<128x128xf32, #tpu.memory_space<hbm>>
      tpu.enqueue_dma source(%arg6 : memref<128x128xf32, #tpu.memory_space<vmem>>) target(%dma_start3A_260 : memref<128x128xf32, #tpu.memory_space<hbm>>) target_semaphore(%run_scoped3A : memref<!tpu.dma_semaphore, #tpu.memory_space<semaphore_mem>>)
      %dma_wait3A_261 = arith.constant 0 : i32
      %dma_wait3A_262 = tpu.memref_slice %arg4[%add3A_234, %dma_wait3A_261] : memref<131072x128xf32, #tpu.memory_space<hbm>> -> memref<128x128xf32, #tpu.memory_space<hbm>>
      %dma_wait3A_263 = arith.constant 0 : i32
      %dma_wait3A_264 = tpu.memref_slice %arg4[%add3A_234, %dma_wait3A_263] : memref<131072x128xf32, #tpu.memory_space<hbm>> -> memref<128x128xf32, #tpu.memory_space<hbm>>
      tpu.wait_dma2 semaphore(%run_scoped3A : memref<!tpu.dma_semaphore, #tpu.memory_space<semaphore_mem>>) src(%arg6 : memref<128x128xf32, #tpu.memory_space<vmem>>) dst(%dma_wait3A_264 : memref<128x128xf32, #tpu.memory_space<hbm>>)
      tpu.yield
    }) : () -> ()
    %add3A_241 = arith.constant 3840 : i32
    %add3A_242 = arith.addi %mul3A_2, %add3A_241 : i32
    "tpu.region"() ({
      %run_scoped3A = tpu.sem_alloc : memref<!tpu.dma_semaphore, #tpu.memory_space<semaphore_mem>>
      %dma_start3A_257 = tpu.memref_slice %arg3[%add3A_242] : memref<131072xi32, #tpu.memory_space<hbm>> -> memref<128xi32, #tpu.memory_space<hbm>>
      %dma_start3A_258 = tpu.memref_slice %arg3[%add3A_242] : memref<131072xi32, #tpu.memory_space<hbm>> -> memref<128xi32, #tpu.memory_space<hbm>>
      tpu.enqueue_dma source(%dma_start3A_258 : memref<128xi32, #tpu.memory_space<hbm>>) target(%arg5 : memref<128xi32, #tpu.memory_space<vmem>>) target_semaphore(%run_scoped3A : memref<!tpu.dma_semaphore, #tpu.memory_space<semaphore_mem>>)
      %dma_wait3A_259 = tpu.memref_slice %arg3[%add3A_242] : memref<131072xi32, #tpu.memory_space<hbm>> -> memref<128xi32, #tpu.memory_space<hbm>>
      %dma_wait3A_260 = tpu.memref_slice %arg3[%add3A_242] : memref<131072xi32, #tpu.memory_space<hbm>> -> memref<128xi32, #tpu.memory_space<hbm>>
      tpu.wait_dma2 semaphore(%run_scoped3A : memref<!tpu.dma_semaphore, #tpu.memory_space<semaphore_mem>>) src(%dma_wait3A_260 : memref<128xi32, #tpu.memory_space<hbm>>) dst(%arg5 : memref<128xi32, #tpu.memory_space<vmem>>)
      tpu.yield
    }) : () -> ()
    %dma_start3A_243 = arith.constant 0 : i32
    %dma_start3A_244 = arith.constant 0 : i32
    %dma_start3A_245 = tpu.memref_slice %arg2[%dma_start3A_243, %dma_start3A_244] : memref<32768x128xf32, #tpu.memory_space<hbm>> -> memref<32768x128xf32, #tpu.memory_space<hbm>>
    tpu.enqueue_indirect_dma source(%dma_start3A_245 : memref<32768x128xf32, #tpu.memory_space<hbm>>) target(%arg6 : memref<128x128xf32, #tpu.memory_space<vmem>>) offsets(%arg5 : memref<128xi32, #tpu.memory_space<vmem>>) semaphore(%arg7 : memref<!tpu.dma_semaphore, #tpu.memory_space<semaphore_mem>>)
    %dma_wait3A_246 = arith.constant 0 : i32
    %dma_wait3A_247 = arith.constant 0 : i32
    %dma_wait3A_248 = tpu.memref_slice %arg2[%dma_wait3A_246, %dma_wait3A_247] : memref<32768x128xf32, #tpu.memory_space<hbm>> -> memref<32768x128xf32, #tpu.memory_space<hbm>>
    tpu.wait_indirect_dma semaphore(%arg7 : memref<!tpu.dma_semaphore, #tpu.memory_space<semaphore_mem>>) src(%dma_wait3A_248 : memref<32768x128xf32, #tpu.memory_space<hbm>>) dst(%arg6 : memref<128x128xf32, #tpu.memory_space<vmem>>)
    "tpu.region"() ({
      %run_scoped3A = tpu.sem_alloc : memref<!tpu.dma_semaphore, #tpu.memory_space<semaphore_mem>>
      %dma_start3A_257 = arith.constant 0 : i32
      %dma_start3A_258 = tpu.memref_slice %arg4[%add3A_242, %dma_start3A_257] : memref<131072x128xf32, #tpu.memory_space<hbm>> -> memref<128x128xf32, #tpu.memory_space<hbm>>
      %dma_start3A_259 = arith.constant 0 : i32
      %dma_start3A_260 = tpu.memref_slice %arg4[%add3A_242, %dma_start3A_259] : memref<131072x128xf32, #tpu.memory_space<hbm>> -> memref<128x128xf32, #tpu.memory_space<hbm>>
      tpu.enqueue_dma source(%arg6 : memref<128x128xf32, #tpu.memory_space<vmem>>) target(%dma_start3A_260 : memref<128x128xf32, #tpu.memory_space<hbm>>) target_semaphore(%run_scoped3A : memref<!tpu.dma_semaphore, #tpu.memory_space<semaphore_mem>>)
      %dma_wait3A_261 = arith.constant 0 : i32
      %dma_wait3A_262 = tpu.memref_slice %arg4[%add3A_242, %dma_wait3A_261] : memref<131072x128xf32, #tpu.memory_space<hbm>> -> memref<128x128xf32, #tpu.memory_space<hbm>>
      %dma_wait3A_263 = arith.constant 0 : i32
      %dma_wait3A_264 = tpu.memref_slice %arg4[%add3A_242, %dma_wait3A_263] : memref<131072x128xf32, #tpu.memory_space<hbm>> -> memref<128x128xf32, #tpu.memory_space<hbm>>
      tpu.wait_dma2 semaphore(%run_scoped3A : memref<!tpu.dma_semaphore, #tpu.memory_space<semaphore_mem>>) src(%arg6 : memref<128x128xf32, #tpu.memory_space<vmem>>) dst(%dma_wait3A_264 : memref<128x128xf32, #tpu.memory_space<hbm>>)
      tpu.yield
    }) : () -> ()
    %add3A_249 = arith.constant 3968 : i32
    %add3A_250 = arith.addi %mul3A_2, %add3A_249 : i32
    "tpu.region"() ({
      %run_scoped3A = tpu.sem_alloc : memref<!tpu.dma_semaphore, #tpu.memory_space<semaphore_mem>>
      %dma_start3A_257 = tpu.memref_slice %arg3[%add3A_250] : memref<131072xi32, #tpu.memory_space<hbm>> -> memref<128xi32, #tpu.memory_space<hbm>>
      %dma_start3A_258 = tpu.memref_slice %arg3[%add3A_250] : memref<131072xi32, #tpu.memory_space<hbm>> -> memref<128xi32, #tpu.memory_space<hbm>>
      tpu.enqueue_dma source(%dma_start3A_258 : memref<128xi32, #tpu.memory_space<hbm>>) target(%arg5 : memref<128xi32, #tpu.memory_space<vmem>>) target_semaphore(%run_scoped3A : memref<!tpu.dma_semaphore, #tpu.memory_space<semaphore_mem>>)
      %dma_wait3A_259 = tpu.memref_slice %arg3[%add3A_250] : memref<131072xi32, #tpu.memory_space<hbm>> -> memref<128xi32, #tpu.memory_space<hbm>>
      %dma_wait3A_260 = tpu.memref_slice %arg3[%add3A_250] : memref<131072xi32, #tpu.memory_space<hbm>> -> memref<128xi32, #tpu.memory_space<hbm>>
      tpu.wait_dma2 semaphore(%run_scoped3A : memref<!tpu.dma_semaphore, #tpu.memory_space<semaphore_mem>>) src(%dma_wait3A_260 : memref<128xi32, #tpu.memory_space<hbm>>) dst(%arg5 : memref<128xi32, #tpu.memory_space<vmem>>)
      tpu.yield
    }) : () -> ()
    %dma_start3A_251 = arith.constant 0 : i32
    %dma_start3A_252 = arith.constant 0 : i32
    %dma_start3A_253 = tpu.memref_slice %arg2[%dma_start3A_251, %dma_start3A_252] : memref<32768x128xf32, #tpu.memory_space<hbm>> -> memref<32768x128xf32, #tpu.memory_space<hbm>>
    tpu.enqueue_indirect_dma source(%dma_start3A_253 : memref<32768x128xf32, #tpu.memory_space<hbm>>) target(%arg6 : memref<128x128xf32, #tpu.memory_space<vmem>>) offsets(%arg5 : memref<128xi32, #tpu.memory_space<vmem>>) semaphore(%arg7 : memref<!tpu.dma_semaphore, #tpu.memory_space<semaphore_mem>>)
    %dma_wait3A_254 = arith.constant 0 : i32
    %dma_wait3A_255 = arith.constant 0 : i32
    %dma_wait3A_256 = tpu.memref_slice %arg2[%dma_wait3A_254, %dma_wait3A_255] : memref<32768x128xf32, #tpu.memory_space<hbm>> -> memref<32768x128xf32, #tpu.memory_space<hbm>>
    tpu.wait_indirect_dma semaphore(%arg7 : memref<!tpu.dma_semaphore, #tpu.memory_space<semaphore_mem>>) src(%dma_wait3A_256 : memref<32768x128xf32, #tpu.memory_space<hbm>>) dst(%arg6 : memref<128x128xf32, #tpu.memory_space<vmem>>)
    "tpu.region"() ({
      %run_scoped3A = tpu.sem_alloc : memref<!tpu.dma_semaphore, #tpu.memory_space<semaphore_mem>>
      %dma_start3A_257 = arith.constant 0 : i32
      %dma_start3A_258 = tpu.memref_slice %arg4[%add3A_250, %dma_start3A_257] : memref<131072x128xf32, #tpu.memory_space<hbm>> -> memref<128x128xf32, #tpu.memory_space<hbm>>
      %dma_start3A_259 = arith.constant 0 : i32
      %dma_start3A_260 = tpu.memref_slice %arg4[%add3A_250, %dma_start3A_259] : memref<131072x128xf32, #tpu.memory_space<hbm>> -> memref<128x128xf32, #tpu.memory_space<hbm>>
      tpu.enqueue_dma source(%arg6 : memref<128x128xf32, #tpu.memory_space<vmem>>) target(%dma_start3A_260 : memref<128x128xf32, #tpu.memory_space<hbm>>) target_semaphore(%run_scoped3A : memref<!tpu.dma_semaphore, #tpu.memory_space<semaphore_mem>>)
      %dma_wait3A_261 = arith.constant 0 : i32
      %dma_wait3A_262 = tpu.memref_slice %arg4[%add3A_250, %dma_wait3A_261] : memref<131072x128xf32, #tpu.memory_space<hbm>> -> memref<128x128xf32, #tpu.memory_space<hbm>>
      %dma_wait3A_263 = arith.constant 0 : i32
      %dma_wait3A_264 = tpu.memref_slice %arg4[%add3A_250, %dma_wait3A_263] : memref<131072x128xf32, #tpu.memory_space<hbm>> -> memref<128x128xf32, #tpu.memory_space<hbm>>
      tpu.wait_dma2 semaphore(%run_scoped3A : memref<!tpu.dma_semaphore, #tpu.memory_space<semaphore_mem>>) src(%arg6 : memref<128x128xf32, #tpu.memory_space<vmem>>) dst(%dma_wait3A_264 : memref<128x128xf32, #tpu.memory_space<hbm>>)
      tpu.yield
    }) : () -> ()
    return
  }
}

module attributes {stable_mosaic.version = 14 : i64} {
  func.func @body(%arg0: i32, %arg1: i32, %arg2: memref<1x8192x3xf32, #tpu.memory_space<vmem>>, %arg3: memref<1x3x128xf32, #tpu.memory_space<vmem>>, %arg4: memref<1x16x128xi32, #tpu.memory_space<vmem>>, %arg5: memref<64x128x128xf32, #tpu.memory_space<vmem>>, %arg6: memref<64x128x1xf32, #tpu.memory_space<vmem>>, %arg7: memref<64x128x128xi32, #tpu.memory_space<vmem>>) attributes {dimension_semantics = [#tpu.dimension_semantics<arbitrary>, #tpu.dimension_semantics<arbitrary>], iteration_bounds = array<i64: 4, 16>, scalar_prefetch = 0 : i64, scratch_operands = 3 : i64, tpu.core_type = #tpu.core_type<tc>, window_params = [{transform_indices = @transform_0, window_bounds = array<i64: 1, 8192, 3>}, {transform_indices = @transform_1, window_bounds = array<i64: 1, 3, 128>}, {transform_indices = @transform_2, window_bounds = array<i64: 1, 16, 128>}]} {
    %eq3A = arith.constant 0 : i32
    %eq3A_0 = arith.cmpi eq, %arg0, %eq3A : i32
    %eq3A_1 = arith.constant 0 : i32
    %eq3A_2 = arith.cmpi eq, %arg1, %eq3A_1 : i32
    %and3A = arith.andi %eq3A_0, %eq3A_2 : i1
    %convert_element_type3A = arith.extui %and3A : i1 to i32
    %cond3A = arith.constant 0 : i32
    %cond3A_3 = arith.cmpi ne, %convert_element_type3A, %cond3A : i32
    scf.if %cond3A_3 {
      %iota3A = tpu.iota {dimensions = array<i32: 0>} : vector<64x128x128xi32>
      %mul3A_654 = arith.constant 128 : i32
      %mul3A_655 = vector.broadcast %mul3A_654 : i32 to vector<64x128x128xi32>
      %mul3A_656 = arith.muli %iota3A, %mul3A_655 : vector<64x128x128xi32>
      %iota3A_657 = tpu.iota {dimensions = array<i32: 1>} : vector<64x128x128xi32>
      %add3A_658 = arith.addi %mul3A_656, %iota3A_657 : vector<64x128x128xi32>
      %swap3A_659 = arith.constant 0 : index
      %swap3A_660 = arith.constant 0 : index
      %swap3A_661 = arith.constant 0 : index
      %swap3A_662 = vector.load %arg7[%swap3A_659, %swap3A_660, %swap3A_661] : memref<64x128x128xi32, #tpu.memory_space<vmem>>, vector<64x128x128xi32>
      tpu.vector_store %arg7[%swap3A_659, %swap3A_660, %swap3A_661], %add3A_658 {strides = array<i32>} : memref<64x128x128xi32, #tpu.memory_space<vmem>>, vector<64x128x128xi32>,
    } else {
    }
    %eq3A_4 = arith.constant 0 : i32
    %eq3A_5 = arith.cmpi eq, %arg1, %eq3A_4 : i32
    %convert_element_type3A_6 = arith.extui %eq3A_5 : i1 to i32
    %cond3A_7 = arith.constant 0 : i32
    %cond3A_8 = arith.cmpi ne, %convert_element_type3A_6, %cond3A_7 : i32
    scf.if %cond3A_8 {
      %get3A_654 = arith.constant 0 : index
      %get3A_655 = arith.constant 0 : index
      %get3A_656 = arith.constant 0 : index
      %get3A_657 = vector.load %arg2[%get3A_654, %get3A_655, %get3A_656] : memref<1x8192x3xf32, #tpu.memory_space<vmem>>, vector<1x8192x3xf32>
      %get3A_658 = vector.shape_cast %get3A_657 : vector<1x8192x3xf32> to vector<8192x3xf32>
      %mul3A_659 = arith.mulf %get3A_658, %get3A_658 : vector<8192x3xf32>
      %reduce_sum3A_660 = arith.constant dense<0.000000e+00> : vector<8192xf32>
      %reduce_sum3A_661 = vector.multi_reduction <add>, %mul3A_659, %reduce_sum3A_660 [1] : vector<8192x3xf32> to vector<8192xf32>
      %broadcast_in_dim3A_662 = vector.shape_cast %reduce_sum3A_661 : vector<8192xf32> to vector<8192x1xf32>
      %reshape3A_663 = vector.shape_cast %broadcast_in_dim3A_662 : vector<8192x1xf32> to vector<64x128x1xf32>
      %swap3A_664 = arith.constant 0 : index
      %swap3A_665 = arith.constant 0 : index
      %swap3A_666 = arith.constant 0 : index
      %swap3A_667 = vector.load %arg6[%swap3A_664, %swap3A_665, %swap3A_666] : memref<64x128x1xf32, #tpu.memory_space<vmem>>, vector<64x128x1xf32>
      tpu.vector_store %arg6[%swap3A_664, %swap3A_665, %swap3A_666], %reshape3A_663 {strides = array<i32>} : memref<64x128x1xf32, #tpu.memory_space<vmem>>, vector<64x128x1xf32>,
    } else {
    }
    %get3A = arith.constant 0 : index
    %get3A_9 = arith.constant 0 : index
    %get3A_10 = arith.constant 0 : index
    %get3A_11 = vector.load %arg3[%get3A, %get3A_9, %get3A_10] : memref<1x3x128xf32, #tpu.memory_space<vmem>>, vector<1x3x128xf32>
    %get3A_12 = vector.shape_cast %get3A_11 : vector<1x3x128xf32> to vector<3x128xf32>
    %mul3A = arith.mulf %get3A_12, %get3A_12 : vector<3x128xf32>
    %reduce_sum3A = arith.constant dense<0.000000e+00> : vector<128xf32>
    %reduce_sum3A_13 = vector.multi_reduction <add>, %mul3A, %reduce_sum3A [0] : vector<3x128xf32> to vector<128xf32>
    %broadcast_in_dim3A = vector.shape_cast %reduce_sum3A_13 : vector<128xf32> to vector<1x128xf32>
    %reshape3A = vector.shape_cast %broadcast_in_dim3A : vector<1x128xf32> to vector<1x1x128xf32>
    %get3A_14 = arith.constant 0 : index
    %get3A_15 = arith.constant 0 : index
    %get3A_16 = arith.constant 0 : index
    %get3A_17 = vector.load %arg2[%get3A_14, %get3A_15, %get3A_16] : memref<1x8192x3xf32, #tpu.memory_space<vmem>>, vector<1x8192x3xf32>
    %get3A_18 = vector.shape_cast %get3A_17 : vector<1x8192x3xf32> to vector<8192x3xf32>
    %dot_general3A = arith.constant dense<0.000000e+00> : vector<8192x128xf32>
    %dot_general3A_19 = tpu.matmul %get3A_18, %get3A_12, %dot_general3A {dimension_numbers = #tpu.dot_dimension_numbers<[1], [0], [0], [1], [0, 0, 1, 1], [], []>, transpose_lhs_hint = false} : vector<8192x3xf32>, vector<3x128xf32>, vector<8192x128xf32> -> vector<8192x128xf32>
    %get3A_20 = arith.constant 0 : index
    %get3A_21 = arith.constant 0 : index
    %get3A_22 = arith.constant 0 : index
    %get3A_23 = vector.load %arg6[%get3A_20, %get3A_21, %get3A_22] : memref<64x128x1xf32, #tpu.memory_space<vmem>>, vector<64x128x1xf32>
    %add3A = vector.broadcast %get3A_23 : vector<64x128x1xf32> to vector<64x128x128xf32>
    %add3A_24 = vector.broadcast %reshape3A : vector<1x1x128xf32> to vector<64x128x128xf32>
    %add3A_25 = arith.addf %add3A, %add3A_24 : vector<64x128x128xf32>
    %reshape3A_26 = vector.shape_cast %dot_general3A_19 : vector<8192x128xf32> to vector<64x128x128xf32>
    %mul3A_27 = arith.constant 2.000000e+00 : f32
    %mul3A_28 = vector.broadcast %mul3A_27 : f32 to vector<64x128x128xf32>
    %mul3A_29 = arith.mulf %mul3A_28, %reshape3A_26 : vector<64x128x128xf32>
    %sub3A = arith.subf %add3A_25, %mul3A_29 : vector<64x128x128xf32>
    %swap3A = arith.constant 0 : index
    %swap3A_30 = arith.constant 0 : index
    %swap3A_31 = arith.constant 0 : index
    %swap3A_32 = vector.load %arg5[%swap3A, %swap3A_30, %swap3A_31] : memref<64x128x128xf32, #tpu.memory_space<vmem>>, vector<64x128x128xf32>
    tpu.vector_store %arg5[%swap3A, %swap3A_30, %swap3A_31], %sub3A {strides = array<i32>} : memref<64x128x128xf32, #tpu.memory_space<vmem>>, vector<64x128x128xf32>,
    %get3A_33 = arith.constant 0 : index
    %get3A_34 = arith.constant 0 : index
    %get3A_35 = arith.constant 0 : index
    %get3A_36 = vector.load %arg7[%get3A_33, %get3A_34, %get3A_35] : memref<64x128x128xi32, #tpu.memory_space<vmem>>, vector<64x128x128xi32>
    %mul3A_37 = arith.constant 8192 : i32
    %mul3A_38 = arith.muli %arg0, %mul3A_37 : i32
    %get3A_39 = arith.constant 0 : index
    %get3A_40 = arith.constant 0 : index
    %get3A_41 = arith.constant 0 : index
    %get3A_42 = vector.load %arg5[%get3A_39, %get3A_40, %get3A_41] : memref<64x128x128xf32, #tpu.memory_space<vmem>>, vector<64x128x128xf32>
    %reduce_min3A = arith.constant dense<0x7F800000> : vector<64x128xf32>
    %reduce_min3A_43 = vector.multi_reduction <minimumf>, %get3A_42, %reduce_min3A [1] : vector<64x128x128xf32> to vector<64x128xf32>
    %broadcast_in_dim3A_44 = vector.shape_cast %reduce_min3A_43 : vector<64x128xf32> to vector<64x1x128xf32>
    %le3A = vector.broadcast %broadcast_in_dim3A_44 : vector<64x1x128xf32> to vector<64x128x128xf32>
    %le3A_45 = arith.cmpf ole, %get3A_42, %le3A : vector<64x128x128xf32>
    %jit3A = arith.constant 1073741824 : i32
    %broadcast_in_dim3A_46 = vector.broadcast %jit3A : i32 to vector<64x128x128xi32>
    %select_n3A = arith.select %le3A_45, %get3A_36, %broadcast_in_dim3A_46 : vector<64x128x128xi1>, vector<64x128x128xi32>
    %reduce_min3A_47 = arith.constant dense<2147483647> : vector<64x128xi32>
    %reduce_min3A_48 = vector.multi_reduction <minsi>, %select_n3A, %reduce_min3A_47 [1] : vector<64x128x128xi32> to vector<64x128xi32>
    %broadcast_in_dim3A_49 = vector.shape_cast %reduce_min3A_48 : vector<64x128xi32> to vector<64x1x128xi32>
    %eq3A_50 = vector.broadcast %broadcast_in_dim3A_49 : vector<64x1x128xi32> to vector<64x128x128xi32>
    %eq3A_51 = arith.cmpi eq, %get3A_36, %eq3A_50 : vector<64x128x128xi32>
    %jit3A_52 = arith.constant 0x7F800000 : f32
    %broadcast_in_dim3A_53 = vector.broadcast %jit3A_52 : f32 to vector<64x128x128xf32>
    %select_n3A_54 = arith.select %eq3A_51, %broadcast_in_dim3A_53, %get3A_42 : vector<64x128x128xi1>, vector<64x128x128xf32>
    %swap3A_55 = arith.constant 0 : index
    %swap3A_56 = arith.constant 0 : index
    %swap3A_57 = arith.constant 0 : index
    %swap3A_58 = vector.load %arg5[%swap3A_55, %swap3A_56, %swap3A_57] : memref<64x128x128xf32, #tpu.memory_space<vmem>>, vector<64x128x128xf32>
    tpu.vector_store %arg5[%swap3A_55, %swap3A_56, %swap3A_57], %select_n3A_54 {strides = array<i32>} : memref<64x128x128xf32, #tpu.memory_space<vmem>>, vector<64x128x128xf32>,
    %get3A_59 = arith.constant 0 : index
    %get3A_60 = arith.constant 0 : index
    %get3A_61 = arith.constant 0 : index
    %get3A_62 = vector.load %arg5[%get3A_59, %get3A_60, %get3A_61] : memref<64x128x128xf32, #tpu.memory_space<vmem>>, vector<64x128x128xf32>
    %reduce_min3A_63 = arith.constant dense<0x7F800000> : vector<64x128xf32>
    %reduce_min3A_64 = vector.multi_reduction <minimumf>, %get3A_62, %reduce_min3A_63 [1] : vector<64x128x128xf32> to vector<64x128xf32>
    %broadcast_in_dim3A_65 = vector.shape_cast %reduce_min3A_64 : vector<64x128xf32> to vector<64x1x128xf32>
    %le3A_66 = vector.broadcast %broadcast_in_dim3A_65 : vector<64x1x128xf32> to vector<64x128x128xf32>
    %le3A_67 = arith.cmpf ole, %get3A_62, %le3A_66 : vector<64x128x128xf32>
    %jit3A_68 = arith.constant 1073741824 : i32
    %broadcast_in_dim3A_69 = vector.broadcast %jit3A_68 : i32 to vector<64x128x128xi32>
    %select_n3A_70 = arith.select %le3A_67, %get3A_36, %broadcast_in_dim3A_69 : vector<64x128x128xi1>, vector<64x128x128xi32>
    %reduce_min3A_71 = arith.constant dense<2147483647> : vector<64x128xi32>
    %reduce_min3A_72 = vector.multi_reduction <minsi>, %select_n3A_70, %reduce_min3A_71 [1] : vector<64x128x128xi32> to vector<64x128xi32>
    %broadcast_in_dim3A_73 = vector.shape_cast %reduce_min3A_72 : vector<64x128xi32> to vector<64x1x128xi32>
    %eq3A_74 = vector.broadcast %broadcast_in_dim3A_73 : vector<64x1x128xi32> to vector<64x128x128xi32>
    %eq3A_75 = arith.cmpi eq, %get3A_36, %eq3A_74 : vector<64x128x128xi32>
    %jit3A_76 = arith.constant 0x7F800000 : f32
    %broadcast_in_dim3A_77 = vector.broadcast %jit3A_76 : f32 to vector<64x128x128xf32>
    %select_n3A_78 = arith.select %eq3A_75, %broadcast_in_dim3A_77, %get3A_62 : vector<64x128x128xi1>, vector<64x128x128xf32>
    %swap3A_79 = arith.constant 0 : index
    %swap3A_80 = arith.constant 0 : index
    %swap3A_81 = arith.constant 0 : index
    %swap3A_82 = vector.load %arg5[%swap3A_79, %swap3A_80, %swap3A_81] : memref<64x128x128xf32, #tpu.memory_space<vmem>>, vector<64x128x128xf32>
    tpu.vector_store %arg5[%swap3A_79, %swap3A_80, %swap3A_81], %select_n3A_78 {strides = array<i32>} : memref<64x128x128xf32, #tpu.memory_space<vmem>>, vector<64x128x128xf32>,
    %get3A_83 = arith.constant 0 : index
    %get3A_84 = arith.constant 0 : index
    %get3A_85 = arith.constant 0 : index
    %get3A_86 = vector.load %arg5[%get3A_83, %get3A_84, %get3A_85] : memref<64x128x128xf32, #tpu.memory_space<vmem>>, vector<64x128x128xf32>
    %reduce_min3A_87 = arith.constant dense<0x7F800000> : vector<64x128xf32>
    %reduce_min3A_88 = vector.multi_reduction <minimumf>, %get3A_86, %reduce_min3A_87 [1] : vector<64x128x128xf32> to vector<64x128xf32>
    %broadcast_in_dim3A_89 = vector.shape_cast %reduce_min3A_88 : vector<64x128xf32> to vector<64x1x128xf32>
    %le3A_90 = vector.broadcast %broadcast_in_dim3A_89 : vector<64x1x128xf32> to vector<64x128x128xf32>
    %le3A_91 = arith.cmpf ole, %get3A_86, %le3A_90 : vector<64x128x128xf32>
    %jit3A_92 = arith.constant 1073741824 : i32
    %broadcast_in_dim3A_93 = vector.broadcast %jit3A_92 : i32 to vector<64x128x128xi32>
    %select_n3A_94 = arith.select %le3A_91, %get3A_36, %broadcast_in_dim3A_93 : vector<64x128x128xi1>, vector<64x128x128xi32>
    %reduce_min3A_95 = arith.constant dense<2147483647> : vector<64x128xi32>
    %reduce_min3A_96 = vector.multi_reduction <minsi>, %select_n3A_94, %reduce_min3A_95 [1] : vector<64x128x128xi32> to vector<64x128xi32>
    %broadcast_in_dim3A_97 = vector.shape_cast %reduce_min3A_96 : vector<64x128xi32> to vector<64x1x128xi32>
    %eq3A_98 = vector.broadcast %broadcast_in_dim3A_97 : vector<64x1x128xi32> to vector<64x128x128xi32>
    %eq3A_99 = arith.cmpi eq, %get3A_36, %eq3A_98 : vector<64x128x128xi32>
    %jit3A_100 = arith.constant 0x7F800000 : f32
    %broadcast_in_dim3A_101 = vector.broadcast %jit3A_100 : f32 to vector<64x128x128xf32>
    %select_n3A_102 = arith.select %eq3A_99, %broadcast_in_dim3A_101, %get3A_86 : vector<64x128x128xi1>, vector<64x128x128xf32>
    %swap3A_103 = arith.constant 0 : index
    %swap3A_104 = arith.constant 0 : index
    %swap3A_105 = arith.constant 0 : index
    %swap3A_106 = vector.load %arg5[%swap3A_103, %swap3A_104, %swap3A_105] : memref<64x128x128xf32, #tpu.memory_space<vmem>>, vector<64x128x128xf32>
    tpu.vector_store %arg5[%swap3A_103, %swap3A_104, %swap3A_105], %select_n3A_102 {strides = array<i32>} : memref<64x128x128xf32, #tpu.memory_space<vmem>>, vector<64x128x128xf32>,
    %get3A_107 = arith.constant 0 : index
    %get3A_108 = arith.constant 0 : index
    %get3A_109 = arith.constant 0 : index
    %get3A_110 = vector.load %arg5[%get3A_107, %get3A_108, %get3A_109] : memref<64x128x128xf32, #tpu.memory_space<vmem>>, vector<64x128x128xf32>
    %reduce_min3A_111 = arith.constant dense<0x7F800000> : vector<64x128xf32>
    %reduce_min3A_112 = vector.multi_reduction <minimumf>, %get3A_110, %reduce_min3A_111 [1] : vector<64x128x128xf32> to vector<64x128xf32>
    %broadcast_in_dim3A_113 = vector.shape_cast %reduce_min3A_112 : vector<64x128xf32> to vector<64x1x128xf32>
    %le3A_114 = vector.broadcast %broadcast_in_dim3A_113 : vector<64x1x128xf32> to vector<64x128x128xf32>
    %le3A_115 = arith.cmpf ole, %get3A_110, %le3A_114 : vector<64x128x128xf32>
    %jit3A_116 = arith.constant 1073741824 : i32
    %broadcast_in_dim3A_117 = vector.broadcast %jit3A_116 : i32 to vector<64x128x128xi32>
    %select_n3A_118 = arith.select %le3A_115, %get3A_36, %broadcast_in_dim3A_117 : vector<64x128x128xi1>, vector<64x128x128xi32>
    %reduce_min3A_119 = arith.constant dense<2147483647> : vector<64x128xi32>
    %reduce_min3A_120 = vector.multi_reduction <minsi>, %select_n3A_118, %reduce_min3A_119 [1] : vector<64x128x128xi32> to vector<64x128xi32>
    %broadcast_in_dim3A_121 = vector.shape_cast %reduce_min3A_120 : vector<64x128xi32> to vector<64x1x128xi32>
    %eq3A_122 = vector.broadcast %broadcast_in_dim3A_121 : vector<64x1x128xi32> to vector<64x128x128xi32>
    %eq3A_123 = arith.cmpi eq, %get3A_36, %eq3A_122 : vector<64x128x128xi32>
    %jit3A_124 = arith.constant 0x7F800000 : f32
    %broadcast_in_dim3A_125 = vector.broadcast %jit3A_124 : f32 to vector<64x128x128xf32>
    %select_n3A_126 = arith.select %eq3A_123, %broadcast_in_dim3A_125, %get3A_110 : vector<64x128x128xi1>, vector<64x128x128xf32>
    %swap3A_127 = arith.constant 0 : index
    %swap3A_128 = arith.constant 0 : index
    %swap3A_129 = arith.constant 0 : index
    %swap3A_130 = vector.load %arg5[%swap3A_127, %swap3A_128, %swap3A_129] : memref<64x128x128xf32, #tpu.memory_space<vmem>>, vector<64x128x128xf32>
    tpu.vector_store %arg5[%swap3A_127, %swap3A_128, %swap3A_129], %select_n3A_126 {strides = array<i32>} : memref<64x128x128xf32, #tpu.memory_space<vmem>>, vector<64x128x128xf32>,
    %get3A_131 = arith.constant 0 : index
    %get3A_132 = arith.constant 0 : index
    %get3A_133 = arith.constant 0 : index
    %get3A_134 = vector.load %arg5[%get3A_131, %get3A_132, %get3A_133] : memref<64x128x128xf32, #tpu.memory_space<vmem>>, vector<64x128x128xf32>
    %reduce_min3A_135 = arith.constant dense<0x7F800000> : vector<64x128xf32>
    %reduce_min3A_136 = vector.multi_reduction <minimumf>, %get3A_134, %reduce_min3A_135 [1] : vector<64x128x128xf32> to vector<64x128xf32>
    %broadcast_in_dim3A_137 = vector.shape_cast %reduce_min3A_136 : vector<64x128xf32> to vector<64x1x128xf32>
    %le3A_138 = vector.broadcast %broadcast_in_dim3A_137 : vector<64x1x128xf32> to vector<64x128x128xf32>
    %le3A_139 = arith.cmpf ole, %get3A_134, %le3A_138 : vector<64x128x128xf32>
    %jit3A_140 = arith.constant 1073741824 : i32
    %broadcast_in_dim3A_141 = vector.broadcast %jit3A_140 : i32 to vector<64x128x128xi32>
    %select_n3A_142 = arith.select %le3A_139, %get3A_36, %broadcast_in_dim3A_141 : vector<64x128x128xi1>, vector<64x128x128xi32>
    %reduce_min3A_143 = arith.constant dense<2147483647> : vector<64x128xi32>
    %reduce_min3A_144 = vector.multi_reduction <minsi>, %select_n3A_142, %reduce_min3A_143 [1] : vector<64x128x128xi32> to vector<64x128xi32>
    %broadcast_in_dim3A_145 = vector.shape_cast %reduce_min3A_144 : vector<64x128xi32> to vector<64x1x128xi32>
    %concatenate3A = tpu.concatenate %broadcast_in_dim3A_44, %broadcast_in_dim3A_65, %broadcast_in_dim3A_89, %broadcast_in_dim3A_113, %broadcast_in_dim3A_137 in 1 : vector<64x1x128xf32>, vector<64x1x128xf32>, vector<64x1x128xf32>, vector<64x1x128xf32>, vector<64x1x128xf32> -> vector<64x5x128xf32>
    %concatenate3A_146 = tpu.concatenate %broadcast_in_dim3A_49, %broadcast_in_dim3A_73, %broadcast_in_dim3A_97, %broadcast_in_dim3A_121, %broadcast_in_dim3A_145 in 1 : vector<64x1x128xi32>, vector<64x1x128xi32>, vector<64x1x128xi32>, vector<64x1x128xi32>, vector<64x1x128xi32> -> vector<64x5x128xi32>
    %reduce_min3A_147 = arith.constant dense<0x7F800000> : vector<64x128xf32>
    %reduce_min3A_148 = vector.multi_reduction <minimumf>, %concatenate3A, %reduce_min3A_147 [1] : vector<64x5x128xf32> to vector<64x128xf32>
    %broadcast_in_dim3A_149 = vector.shape_cast %reduce_min3A_148 : vector<64x128xf32> to vector<64x1x128xf32>
    %reduce_min3A_150 = arith.constant dense<0x7F800000> : vector<1x128xf32>
    %reduce_min3A_151 = vector.multi_reduction <minimumf>, %broadcast_in_dim3A_149, %reduce_min3A_150 [0] : vector<64x1x128xf32> to vector<1x128xf32>
    %broadcast_in_dim3A_152 = vector.shape_cast %reduce_min3A_151 : vector<1x128xf32> to vector<1x1x128xf32>
    %le3A_153 = vector.broadcast %broadcast_in_dim3A_152 : vector<1x1x128xf32> to vector<64x5x128xf32>
    %le3A_154 = arith.cmpf ole, %concatenate3A, %le3A_153 : vector<64x5x128xf32>
    %jit3A_155 = arith.constant 1073741824 : i32
    %broadcast_in_dim3A_156 = vector.broadcast %jit3A_155 : i32 to vector<64x5x128xi32>
    %select_n3A_157 = arith.select %le3A_154, %concatenate3A_146, %broadcast_in_dim3A_156 : vector<64x5x128xi1>, vector<64x5x128xi32>
    %reduce_min3A_158 = arith.constant dense<2147483647> : vector<64x128xi32>
    %reduce_min3A_159 = vector.multi_reduction <minsi>, %select_n3A_157, %reduce_min3A_158 [1] : vector<64x5x128xi32> to vector<64x128xi32>
    %broadcast_in_dim3A_160 = vector.shape_cast %reduce_min3A_159 : vector<64x128xi32> to vector<64x1x128xi32>
    %reduce_min3A_161 = arith.constant dense<2147483647> : vector<1x128xi32>
    %reduce_min3A_162 = vector.multi_reduction <minsi>, %broadcast_in_dim3A_160, %reduce_min3A_161 [0] : vector<64x1x128xi32> to vector<1x128xi32>
    %broadcast_in_dim3A_163 = vector.shape_cast %reduce_min3A_162 : vector<1x128xi32> to vector<1x1x128xi32>
    %add3A_164 = vector.broadcast %mul3A_38 : i32 to vector<1x1x128xi32>
    %add3A_165 = arith.addi %broadcast_in_dim3A_163, %add3A_164 : vector<1x1x128xi32>
    %reshape3A_166 = vector.shape_cast %add3A_165 : vector<1x1x128xi32> to vector<1x128xi32>
    %swap3A_167 = arith.constant 0 : index
    %swap3A_168 = arith.constant 0 : index
    %swap3A_169 = arith.constant 0 : index
    %swap3A_170 = vector.load %arg4[%swap3A_167, %swap3A_168, %swap3A_169] : memref<1x16x128xi32, #tpu.memory_space<vmem>>, vector<1x1x128xi32>
    %swap3A_171 = vector.shape_cast %swap3A_170 : vector<1x1x128xi32> to vector<1x128xi32>
    %swap3A_172 = vector.shape_cast %reshape3A_166 : vector<1x128xi32> to vector<1x1x128xi32>
    tpu.vector_store %arg4[%swap3A_167, %swap3A_168, %swap3A_169], %swap3A_172 {strides = array<i32>} : memref<1x16x128xi32, #tpu.memory_space<vmem>>, vector<1x1x128xi32>,
    %eq3A_173 = vector.broadcast %broadcast_in_dim3A_163 : vector<1x1x128xi32> to vector<64x5x128xi32>
    %eq3A_174 = arith.cmpi eq, %concatenate3A_146, %eq3A_173 : vector<64x5x128xi32>
    %jit3A_175 = arith.constant 0x7F800000 : f32
    %broadcast_in_dim3A_176 = vector.broadcast %jit3A_175 : f32 to vector<64x5x128xf32>
    %select_n3A_177 = arith.select %eq3A_174, %broadcast_in_dim3A_176, %concatenate3A : vector<64x5x128xi1>, vector<64x5x128xf32>
    %reduce_min3A_178 = arith.constant dense<0x7F800000> : vector<64x128xf32>
    %reduce_min3A_179 = vector.multi_reduction <minimumf>, %select_n3A_177, %reduce_min3A_178 [1] : vector<64x5x128xf32> to vector<64x128xf32>
    %broadcast_in_dim3A_180 = vector.shape_cast %reduce_min3A_179 : vector<64x128xf32> to vector<64x1x128xf32>
    %reduce_min3A_181 = arith.constant dense<0x7F800000> : vector<1x128xf32>
    %reduce_min3A_182 = vector.multi_reduction <minimumf>, %broadcast_in_dim3A_180, %reduce_min3A_181 [0] : vector<64x1x128xf32> to vector<1x128xf32>
    %broadcast_in_dim3A_183 = vector.shape_cast %reduce_min3A_182 : vector<1x128xf32> to vector<1x1x128xf32>
    %le3A_184 = vector.broadcast %broadcast_in_dim3A_183 : vector<1x1x128xf32> to vector<64x5x128xf32>
    %le3A_185 = arith.cmpf ole, %select_n3A_177, %le3A_184 : vector<64x5x128xf32>
    %jit3A_186 = arith.constant 1073741824 : i32
    %broadcast_in_dim3A_187 = vector.broadcast %jit3A_186 : i32 to vector<64x5x128xi32>
    %select_n3A_188 = arith.select %le3A_185, %concatenate3A_146, %broadcast_in_dim3A_187 : vector<64x5x128xi1>, vector<64x5x128xi32>
    %reduce_min3A_189 = arith.constant dense<2147483647> : vector<64x128xi32>
    %reduce_min3A_190 = vector.multi_reduction <minsi>, %select_n3A_188, %reduce_min3A_189 [1] : vector<64x5x128xi32> to vector<64x128xi32>
    %broadcast_in_dim3A_191 = vector.shape_cast %reduce_min3A_190 : vector<64x128xi32> to vector<64x1x128xi32>
    %reduce_min3A_192 = arith.constant dense<2147483647> : vector<1x128xi32>
    %reduce_min3A_193 = vector.multi_reduction <minsi>, %broadcast_in_dim3A_191, %reduce_min3A_192 [0] : vector<64x1x128xi32> to vector<1x128xi32>
    %broadcast_in_dim3A_194 = vector.shape_cast %reduce_min3A_193 : vector<1x128xi32> to vector<1x1x128xi32>
    %add3A_195 = vector.broadcast %mul3A_38 : i32 to vector<1x1x128xi32>
    %add3A_196 = arith.addi %broadcast_in_dim3A_194, %add3A_195 : vector<1x1x128xi32>
    %reshape3A_197 = vector.shape_cast %add3A_196 : vector<1x1x128xi32> to vector<1x128xi32>
    %swap3A_198 = arith.constant 0 : index
    %swap3A_199 = arith.constant 1 : index
    %swap3A_200 = arith.constant 0 : index
    %swap3A_201 = vector.load %arg4[%swap3A_198, %swap3A_199, %swap3A_200] : memref<1x16x128xi32, #tpu.memory_space<vmem>>, vector<1x1x128xi32>
    %swap3A_202 = vector.shape_cast %swap3A_201 : vector<1x1x128xi32> to vector<1x128xi32>
    %swap3A_203 = vector.shape_cast %reshape3A_197 : vector<1x128xi32> to vector<1x1x128xi32>
    tpu.vector_store %arg4[%swap3A_198, %swap3A_199, %swap3A_200], %swap3A_203 {strides = array<i32>} : memref<1x16x128xi32, #tpu.memory_space<vmem>>, vector<1x1x128xi32>,
    %eq3A_204 = vector.broadcast %broadcast_in_dim3A_194 : vector<1x1x128xi32> to vector<64x5x128xi32>
    %eq3A_205 = arith.cmpi eq, %concatenate3A_146, %eq3A_204 : vector<64x5x128xi32>
    %jit3A_206 = arith.constant 0x7F800000 : f32
    %broadcast_in_dim3A_207 = vector.broadcast %jit3A_206 : f32 to vector<64x5x128xf32>
    %select_n3A_208 = arith.select %eq3A_205, %broadcast_in_dim3A_207, %select_n3A_177 : vector<64x5x128xi1>, vector<64x5x128xf32>
    %reduce_min3A_209 = arith.constant dense<0x7F800000> : vector<64x128xf32>
    %reduce_min3A_210 = vector.multi_reduction <minimumf>, %select_n3A_208, %reduce_min3A_209 [1] : vector<64x5x128xf32> to vector<64x128xf32>
    %broadcast_in_dim3A_211 = vector.shape_cast %reduce_min3A_210 : vector<64x128xf32> to vector<64x1x128xf32>
    %reduce_min3A_212 = arith.constant dense<0x7F800000> : vector<1x128xf32>
    %reduce_min3A_213 = vector.multi_reduction <minimumf>, %broadcast_in_dim3A_211, %reduce_min3A_212 [0] : vector<64x1x128xf32> to vector<1x128xf32>
    %broadcast_in_dim3A_214 = vector.shape_cast %reduce_min3A_213 : vector<1x128xf32> to vector<1x1x128xf32>
    %le3A_215 = vector.broadcast %broadcast_in_dim3A_214 : vector<1x1x128xf32> to vector<64x5x128xf32>
    %le3A_216 = arith.cmpf ole, %select_n3A_208, %le3A_215 : vector<64x5x128xf32>
    %jit3A_217 = arith.constant 1073741824 : i32
    %broadcast_in_dim3A_218 = vector.broadcast %jit3A_217 : i32 to vector<64x5x128xi32>
    %select_n3A_219 = arith.select %le3A_216, %concatenate3A_146, %broadcast_in_dim3A_218 : vector<64x5x128xi1>, vector<64x5x128xi32>
    %reduce_min3A_220 = arith.constant dense<2147483647> : vector<64x128xi32>
    %reduce_min3A_221 = vector.multi_reduction <minsi>, %select_n3A_219, %reduce_min3A_220 [1] : vector<64x5x128xi32> to vector<64x128xi32>
    %broadcast_in_dim3A_222 = vector.shape_cast %reduce_min3A_221 : vector<64x128xi32> to vector<64x1x128xi32>
    %reduce_min3A_223 = arith.constant dense<2147483647> : vector<1x128xi32>
    %reduce_min3A_224 = vector.multi_reduction <minsi>, %broadcast_in_dim3A_222, %reduce_min3A_223 [0] : vector<64x1x128xi32> to vector<1x128xi32>
    %broadcast_in_dim3A_225 = vector.shape_cast %reduce_min3A_224 : vector<1x128xi32> to vector<1x1x128xi32>
    %add3A_226 = vector.broadcast %mul3A_38 : i32 to vector<1x1x128xi32>
    %add3A_227 = arith.addi %broadcast_in_dim3A_225, %add3A_226 : vector<1x1x128xi32>
    %reshape3A_228 = vector.shape_cast %add3A_227 : vector<1x1x128xi32> to vector<1x128xi32>
    %swap3A_229 = arith.constant 0 : index
    %swap3A_230 = arith.constant 2 : index
    %swap3A_231 = arith.constant 0 : index
    %swap3A_232 = vector.load %arg4[%swap3A_229, %swap3A_230, %swap3A_231] : memref<1x16x128xi32, #tpu.memory_space<vmem>>, vector<1x1x128xi32>
    %swap3A_233 = vector.shape_cast %swap3A_232 : vector<1x1x128xi32> to vector<1x128xi32>
    %swap3A_234 = vector.shape_cast %reshape3A_228 : vector<1x128xi32> to vector<1x1x128xi32>
    tpu.vector_store %arg4[%swap3A_229, %swap3A_230, %swap3A_231], %swap3A_234 {strides = array<i32>} : memref<1x16x128xi32, #tpu.memory_space<vmem>>, vector<1x1x128xi32>,
    %eq3A_235 = vector.broadcast %broadcast_in_dim3A_225 : vector<1x1x128xi32> to vector<64x5x128xi32>
    %eq3A_236 = arith.cmpi eq, %concatenate3A_146, %eq3A_235 : vector<64x5x128xi32>
    %jit3A_237 = arith.constant 0x7F800000 : f32
    %broadcast_in_dim3A_238 = vector.broadcast %jit3A_237 : f32 to vector<64x5x128xf32>
    %select_n3A_239 = arith.select %eq3A_236, %broadcast_in_dim3A_238, %select_n3A_208 : vector<64x5x128xi1>, vector<64x5x128xf32>
    %reduce_min3A_240 = arith.constant dense<0x7F800000> : vector<64x128xf32>
    %reduce_min3A_241 = vector.multi_reduction <minimumf>, %select_n3A_239, %reduce_min3A_240 [1] : vector<64x5x128xf32> to vector<64x128xf32>
    %broadcast_in_dim3A_242 = vector.shape_cast %reduce_min3A_241 : vector<64x128xf32> to vector<64x1x128xf32>
    %reduce_min3A_243 = arith.constant dense<0x7F800000> : vector<1x128xf32>
    %reduce_min3A_244 = vector.multi_reduction <minimumf>, %broadcast_in_dim3A_242, %reduce_min3A_243 [0] : vector<64x1x128xf32> to vector<1x128xf32>
    %broadcast_in_dim3A_245 = vector.shape_cast %reduce_min3A_244 : vector<1x128xf32> to vector<1x1x128xf32>
    %le3A_246 = vector.broadcast %broadcast_in_dim3A_245 : vector<1x1x128xf32> to vector<64x5x128xf32>
    %le3A_247 = arith.cmpf ole, %select_n3A_239, %le3A_246 : vector<64x5x128xf32>
    %jit3A_248 = arith.constant 1073741824 : i32
    %broadcast_in_dim3A_249 = vector.broadcast %jit3A_248 : i32 to vector<64x5x128xi32>
    %select_n3A_250 = arith.select %le3A_247, %concatenate3A_146, %broadcast_in_dim3A_249 : vector<64x5x128xi1>, vector<64x5x128xi32>
    %reduce_min3A_251 = arith.constant dense<2147483647> : vector<64x128xi32>
    %reduce_min3A_252 = vector.multi_reduction <minsi>, %select_n3A_250, %reduce_min3A_251 [1] : vector<64x5x128xi32> to vector<64x128xi32>
    %broadcast_in_dim3A_253 = vector.shape_cast %reduce_min3A_252 : vector<64x128xi32> to vector<64x1x128xi32>
    %reduce_min3A_254 = arith.constant dense<2147483647> : vector<1x128xi32>
    %reduce_min3A_255 = vector.multi_reduction <minsi>, %broadcast_in_dim3A_253, %reduce_min3A_254 [0] : vector<64x1x128xi32> to vector<1x128xi32>
    %broadcast_in_dim3A_256 = vector.shape_cast %reduce_min3A_255 : vector<1x128xi32> to vector<1x1x128xi32>
    %add3A_257 = vector.broadcast %mul3A_38 : i32 to vector<1x1x128xi32>
    %add3A_258 = arith.addi %broadcast_in_dim3A_256, %add3A_257 : vector<1x1x128xi32>
    %reshape3A_259 = vector.shape_cast %add3A_258 : vector<1x1x128xi32> to vector<1x128xi32>
    %swap3A_260 = arith.constant 0 : index
    %swap3A_261 = arith.constant 3 : index
    %swap3A_262 = arith.constant 0 : index
    %swap3A_263 = vector.load %arg4[%swap3A_260, %swap3A_261, %swap3A_262] : memref<1x16x128xi32, #tpu.memory_space<vmem>>, vector<1x1x128xi32>
    %swap3A_264 = vector.shape_cast %swap3A_263 : vector<1x1x128xi32> to vector<1x128xi32>
    %swap3A_265 = vector.shape_cast %reshape3A_259 : vector<1x128xi32> to vector<1x1x128xi32>
    tpu.vector_store %arg4[%swap3A_260, %swap3A_261, %swap3A_262], %swap3A_265 {strides = array<i32>} : memref<1x16x128xi32, #tpu.memory_space<vmem>>, vector<1x1x128xi32>,
    %eq3A_266 = vector.broadcast %broadcast_in_dim3A_256 : vector<1x1x128xi32> to vector<64x5x128xi32>
    %eq3A_267 = arith.cmpi eq, %concatenate3A_146, %eq3A_266 : vector<64x5x128xi32>
    %jit3A_268 = arith.constant 0x7F800000 : f32
    %broadcast_in_dim3A_269 = vector.broadcast %jit3A_268 : f32 to vector<64x5x128xf32>
    %select_n3A_270 = arith.select %eq3A_267, %broadcast_in_dim3A_269, %select_n3A_239 : vector<64x5x128xi1>, vector<64x5x128xf32>
    %reduce_min3A_271 = arith.constant dense<0x7F800000> : vector<64x128xf32>
    %reduce_min3A_272 = vector.multi_reduction <minimumf>, %select_n3A_270, %reduce_min3A_271 [1] : vector<64x5x128xf32> to vector<64x128xf32>
    %broadcast_in_dim3A_273 = vector.shape_cast %reduce_min3A_272 : vector<64x128xf32> to vector<64x1x128xf32>
    %reduce_min3A_274 = arith.constant dense<0x7F800000> : vector<1x128xf32>
    %reduce_min3A_275 = vector.multi_reduction <minimumf>, %broadcast_in_dim3A_273, %reduce_min3A_274 [0] : vector<64x1x128xf32> to vector<1x128xf32>
    %broadcast_in_dim3A_276 = vector.shape_cast %reduce_min3A_275 : vector<1x128xf32> to vector<1x1x128xf32>
    %le3A_277 = vector.broadcast %broadcast_in_dim3A_276 : vector<1x1x128xf32> to vector<64x5x128xf32>
    %le3A_278 = arith.cmpf ole, %select_n3A_270, %le3A_277 : vector<64x5x128xf32>
    %jit3A_279 = arith.constant 1073741824 : i32
    %broadcast_in_dim3A_280 = vector.broadcast %jit3A_279 : i32 to vector<64x5x128xi32>
    %select_n3A_281 = arith.select %le3A_278, %concatenate3A_146, %broadcast_in_dim3A_280 : vector<64x5x128xi1>, vector<64x5x128xi32>
    %reduce_min3A_282 = arith.constant dense<2147483647> : vector<64x128xi32>
    %reduce_min3A_283 = vector.multi_reduction <minsi>, %select_n3A_281, %reduce_min3A_282 [1] : vector<64x5x128xi32> to vector<64x128xi32>
    %broadcast_in_dim3A_284 = vector.shape_cast %reduce_min3A_283 : vector<64x128xi32> to vector<64x1x128xi32>
    %reduce_min3A_285 = arith.constant dense<2147483647> : vector<1x128xi32>
    %reduce_min3A_286 = vector.multi_reduction <minsi>, %broadcast_in_dim3A_284, %reduce_min3A_285 [0] : vector<64x1x128xi32> to vector<1x128xi32>
    %broadcast_in_dim3A_287 = vector.shape_cast %reduce_min3A_286 : vector<1x128xi32> to vector<1x1x128xi32>
    %add3A_288 = vector.broadcast %mul3A_38 : i32 to vector<1x1x128xi32>
    %add3A_289 = arith.addi %broadcast_in_dim3A_287, %add3A_288 : vector<1x1x128xi32>
    %reshape3A_290 = vector.shape_cast %add3A_289 : vector<1x1x128xi32> to vector<1x128xi32>
    %swap3A_291 = arith.constant 0 : index
    %swap3A_292 = arith.constant 4 : index
    %swap3A_293 = arith.constant 0 : index
    %swap3A_294 = vector.load %arg4[%swap3A_291, %swap3A_292, %swap3A_293] : memref<1x16x128xi32, #tpu.memory_space<vmem>>, vector<1x1x128xi32>
    %swap3A_295 = vector.shape_cast %swap3A_294 : vector<1x1x128xi32> to vector<1x128xi32>
    %swap3A_296 = vector.shape_cast %reshape3A_290 : vector<1x128xi32> to vector<1x1x128xi32>
    tpu.vector_store %arg4[%swap3A_291, %swap3A_292, %swap3A_293], %swap3A_296 {strides = array<i32>} : memref<1x16x128xi32, #tpu.memory_space<vmem>>, vector<1x1x128xi32>,
    %eq3A_297 = vector.broadcast %broadcast_in_dim3A_287 : vector<1x1x128xi32> to vector<64x5x128xi32>
    %eq3A_298 = arith.cmpi eq, %concatenate3A_146, %eq3A_297 : vector<64x5x128xi32>
    %jit3A_299 = arith.constant 0x7F800000 : f32
    %broadcast_in_dim3A_300 = vector.broadcast %jit3A_299 : f32 to vector<64x5x128xf32>
    %select_n3A_301 = arith.select %eq3A_298, %broadcast_in_dim3A_300, %select_n3A_270 : vector<64x5x128xi1>, vector<64x5x128xf32>
    %reduce_min3A_302 = arith.constant dense<0x7F800000> : vector<64x128xf32>
    %reduce_min3A_303 = vector.multi_reduction <minimumf>, %select_n3A_301, %reduce_min3A_302 [1] : vector<64x5x128xf32> to vector<64x128xf32>
    %broadcast_in_dim3A_304 = vector.shape_cast %reduce_min3A_303 : vector<64x128xf32> to vector<64x1x128xf32>
    %reduce_min3A_305 = arith.constant dense<0x7F800000> : vector<1x128xf32>
    %reduce_min3A_306 = vector.multi_reduction <minimumf>, %broadcast_in_dim3A_304, %reduce_min3A_305 [0] : vector<64x1x128xf32> to vector<1x128xf32>
    %broadcast_in_dim3A_307 = vector.shape_cast %reduce_min3A_306 : vector<1x128xf32> to vector<1x1x128xf32>
    %le3A_308 = vector.broadcast %broadcast_in_dim3A_307 : vector<1x1x128xf32> to vector<64x5x128xf32>
    %le3A_309 = arith.cmpf ole, %select_n3A_301, %le3A_308 : vector<64x5x128xf32>
    %jit3A_310 = arith.constant 1073741824 : i32
    %broadcast_in_dim3A_311 = vector.broadcast %jit3A_310 : i32 to vector<64x5x128xi32>
    %select_n3A_312 = arith.select %le3A_309, %concatenate3A_146, %broadcast_in_dim3A_311 : vector<64x5x128xi1>, vector<64x5x128xi32>
    %reduce_min3A_313 = arith.constant dense<2147483647> : vector<64x128xi32>
    %reduce_min3A_314 = vector.multi_reduction <minsi>, %select_n3A_312, %reduce_min3A_313 [1] : vector<64x5x128xi32> to vector<64x128xi32>
    %broadcast_in_dim3A_315 = vector.shape_cast %reduce_min3A_314 : vector<64x128xi32> to vector<64x1x128xi32>
    %reduce_min3A_316 = arith.constant dense<2147483647> : vector<1x128xi32>
    %reduce_min3A_317 = vector.multi_reduction <minsi>, %broadcast_in_dim3A_315, %reduce_min3A_316 [0] : vector<64x1x128xi32> to vector<1x128xi32>
    %broadcast_in_dim3A_318 = vector.shape_cast %reduce_min3A_317 : vector<1x128xi32> to vector<1x1x128xi32>
    %add3A_319 = vector.broadcast %mul3A_38 : i32 to vector<1x1x128xi32>
    %add3A_320 = arith.addi %broadcast_in_dim3A_318, %add3A_319 : vector<1x1x128xi32>
    %reshape3A_321 = vector.shape_cast %add3A_320 : vector<1x1x128xi32> to vector<1x128xi32>
    %swap3A_322 = arith.constant 0 : index
    %swap3A_323 = arith.constant 5 : index
    %swap3A_324 = arith.constant 0 : index
    %swap3A_325 = vector.load %arg4[%swap3A_322, %swap3A_323, %swap3A_324] : memref<1x16x128xi32, #tpu.memory_space<vmem>>, vector<1x1x128xi32>
    %swap3A_326 = vector.shape_cast %swap3A_325 : vector<1x1x128xi32> to vector<1x128xi32>
    %swap3A_327 = vector.shape_cast %reshape3A_321 : vector<1x128xi32> to vector<1x1x128xi32>
    tpu.vector_store %arg4[%swap3A_322, %swap3A_323, %swap3A_324], %swap3A_327 {strides = array<i32>} : memref<1x16x128xi32, #tpu.memory_space<vmem>>, vector<1x1x128xi32>,
    %eq3A_328 = vector.broadcast %broadcast_in_dim3A_318 : vector<1x1x128xi32> to vector<64x5x128xi32>
    %eq3A_329 = arith.cmpi eq, %concatenate3A_146, %eq3A_328 : vector<64x5x128xi32>
    %jit3A_330 = arith.constant 0x7F800000 : f32
    %broadcast_in_dim3A_331 = vector.broadcast %jit3A_330 : f32 to vector<64x5x128xf32>
    %select_n3A_332 = arith.select %eq3A_329, %broadcast_in_dim3A_331, %select_n3A_301 : vector<64x5x128xi1>, vector<64x5x128xf32>
    %reduce_min3A_333 = arith.constant dense<0x7F800000> : vector<64x128xf32>
    %reduce_min3A_334 = vector.multi_reduction <minimumf>, %select_n3A_332, %reduce_min3A_333 [1] : vector<64x5x128xf32> to vector<64x128xf32>
    %broadcast_in_dim3A_335 = vector.shape_cast %reduce_min3A_334 : vector<64x128xf32> to vector<64x1x128xf32>
    %reduce_min3A_336 = arith.constant dense<0x7F800000> : vector<1x128xf32>
    %reduce_min3A_337 = vector.multi_reduction <minimumf>, %broadcast_in_dim3A_335, %reduce_min3A_336 [0] : vector<64x1x128xf32> to vector<1x128xf32>
    %broadcast_in_dim3A_338 = vector.shape_cast %reduce_min3A_337 : vector<1x128xf32> to vector<1x1x128xf32>
    %le3A_339 = vector.broadcast %broadcast_in_dim3A_338 : vector<1x1x128xf32> to vector<64x5x128xf32>
    %le3A_340 = arith.cmpf ole, %select_n3A_332, %le3A_339 : vector<64x5x128xf32>
    %jit3A_341 = arith.constant 1073741824 : i32
    %broadcast_in_dim3A_342 = vector.broadcast %jit3A_341 : i32 to vector<64x5x128xi32>
    %select_n3A_343 = arith.select %le3A_340, %concatenate3A_146, %broadcast_in_dim3A_342 : vector<64x5x128xi1>, vector<64x5x128xi32>
    %reduce_min3A_344 = arith.constant dense<2147483647> : vector<64x128xi32>
    %reduce_min3A_345 = vector.multi_reduction <minsi>, %select_n3A_343, %reduce_min3A_344 [1] : vector<64x5x128xi32> to vector<64x128xi32>
    %broadcast_in_dim3A_346 = vector.shape_cast %reduce_min3A_345 : vector<64x128xi32> to vector<64x1x128xi32>
    %reduce_min3A_347 = arith.constant dense<2147483647> : vector<1x128xi32>
    %reduce_min3A_348 = vector.multi_reduction <minsi>, %broadcast_in_dim3A_346, %reduce_min3A_347 [0] : vector<64x1x128xi32> to vector<1x128xi32>
    %broadcast_in_dim3A_349 = vector.shape_cast %reduce_min3A_348 : vector<1x128xi32> to vector<1x1x128xi32>
    %add3A_350 = vector.broadcast %mul3A_38 : i32 to vector<1x1x128xi32>
    %add3A_351 = arith.addi %broadcast_in_dim3A_349, %add3A_350 : vector<1x1x128xi32>
    %reshape3A_352 = vector.shape_cast %add3A_351 : vector<1x1x128xi32> to vector<1x128xi32>
    %swap3A_353 = arith.constant 0 : index
    %swap3A_354 = arith.constant 6 : index
    %swap3A_355 = arith.constant 0 : index
    %swap3A_356 = vector.load %arg4[%swap3A_353, %swap3A_354, %swap3A_355] : memref<1x16x128xi32, #tpu.memory_space<vmem>>, vector<1x1x128xi32>
    %swap3A_357 = vector.shape_cast %swap3A_356 : vector<1x1x128xi32> to vector<1x128xi32>
    %swap3A_358 = vector.shape_cast %reshape3A_352 : vector<1x128xi32> to vector<1x1x128xi32>
    tpu.vector_store %arg4[%swap3A_353, %swap3A_354, %swap3A_355], %swap3A_358 {strides = array<i32>} : memref<1x16x128xi32, #tpu.memory_space<vmem>>, vector<1x1x128xi32>,
    %eq3A_359 = vector.broadcast %broadcast_in_dim3A_349 : vector<1x1x128xi32> to vector<64x5x128xi32>
    %eq3A_360 = arith.cmpi eq, %concatenate3A_146, %eq3A_359 : vector<64x5x128xi32>
    %jit3A_361 = arith.constant 0x7F800000 : f32
    %broadcast_in_dim3A_362 = vector.broadcast %jit3A_361 : f32 to vector<64x5x128xf32>
    %select_n3A_363 = arith.select %eq3A_360, %broadcast_in_dim3A_362, %select_n3A_332 : vector<64x5x128xi1>, vector<64x5x128xf32>
    %reduce_min3A_364 = arith.constant dense<0x7F800000> : vector<64x128xf32>
    %reduce_min3A_365 = vector.multi_reduction <minimumf>, %select_n3A_363, %reduce_min3A_364 [1] : vector<64x5x128xf32> to vector<64x128xf32>
    %broadcast_in_dim3A_366 = vector.shape_cast %reduce_min3A_365 : vector<64x128xf32> to vector<64x1x128xf32>
    %reduce_min3A_367 = arith.constant dense<0x7F800000> : vector<1x128xf32>
    %reduce_min3A_368 = vector.multi_reduction <minimumf>, %broadcast_in_dim3A_366, %reduce_min3A_367 [0] : vector<64x1x128xf32> to vector<1x128xf32>
    %broadcast_in_dim3A_369 = vector.shape_cast %reduce_min3A_368 : vector<1x128xf32> to vector<1x1x128xf32>
    %le3A_370 = vector.broadcast %broadcast_in_dim3A_369 : vector<1x1x128xf32> to vector<64x5x128xf32>
    %le3A_371 = arith.cmpf ole, %select_n3A_363, %le3A_370 : vector<64x5x128xf32>
    %jit3A_372 = arith.constant 1073741824 : i32
    %broadcast_in_dim3A_373 = vector.broadcast %jit3A_372 : i32 to vector<64x5x128xi32>
    %select_n3A_374 = arith.select %le3A_371, %concatenate3A_146, %broadcast_in_dim3A_373 : vector<64x5x128xi1>, vector<64x5x128xi32>
    %reduce_min3A_375 = arith.constant dense<2147483647> : vector<64x128xi32>
    %reduce_min3A_376 = vector.multi_reduction <minsi>, %select_n3A_374, %reduce_min3A_375 [1] : vector<64x5x128xi32> to vector<64x128xi32>
    %broadcast_in_dim3A_377 = vector.shape_cast %reduce_min3A_376 : vector<64x128xi32> to vector<64x1x128xi32>
    %reduce_min3A_378 = arith.constant dense<2147483647> : vector<1x128xi32>
    %reduce_min3A_379 = vector.multi_reduction <minsi>, %broadcast_in_dim3A_377, %reduce_min3A_378 [0] : vector<64x1x128xi32> to vector<1x128xi32>
    %broadcast_in_dim3A_380 = vector.shape_cast %reduce_min3A_379 : vector<1x128xi32> to vector<1x1x128xi32>
    %add3A_381 = vector.broadcast %mul3A_38 : i32 to vector<1x1x128xi32>
    %add3A_382 = arith.addi %broadcast_in_dim3A_380, %add3A_381 : vector<1x1x128xi32>
    %reshape3A_383 = vector.shape_cast %add3A_382 : vector<1x1x128xi32> to vector<1x128xi32>
    %swap3A_384 = arith.constant 0 : index
    %swap3A_385 = arith.constant 7 : index
    %swap3A_386 = arith.constant 0 : index
    %swap3A_387 = vector.load %arg4[%swap3A_384, %swap3A_385, %swap3A_386] : memref<1x16x128xi32, #tpu.memory_space<vmem>>, vector<1x1x128xi32>
    %swap3A_388 = vector.shape_cast %swap3A_387 : vector<1x1x128xi32> to vector<1x128xi32>
    %swap3A_389 = vector.shape_cast %reshape3A_383 : vector<1x128xi32> to vector<1x1x128xi32>
    tpu.vector_store %arg4[%swap3A_384, %swap3A_385, %swap3A_386], %swap3A_389 {strides = array<i32>} : memref<1x16x128xi32, #tpu.memory_space<vmem>>, vector<1x1x128xi32>,
    %eq3A_390 = vector.broadcast %broadcast_in_dim3A_380 : vector<1x1x128xi32> to vector<64x5x128xi32>
    %eq3A_391 = arith.cmpi eq, %concatenate3A_146, %eq3A_390 : vector<64x5x128xi32>
    %jit3A_392 = arith.constant 0x7F800000 : f32
    %broadcast_in_dim3A_393 = vector.broadcast %jit3A_392 : f32 to vector<64x5x128xf32>
    %select_n3A_394 = arith.select %eq3A_391, %broadcast_in_dim3A_393, %select_n3A_363 : vector<64x5x128xi1>, vector<64x5x128xf32>
    %reduce_min3A_395 = arith.constant dense<0x7F800000> : vector<64x128xf32>
    %reduce_min3A_396 = vector.multi_reduction <minimumf>, %select_n3A_394, %reduce_min3A_395 [1] : vector<64x5x128xf32> to vector<64x128xf32>
    %broadcast_in_dim3A_397 = vector.shape_cast %reduce_min3A_396 : vector<64x128xf32> to vector<64x1x128xf32>
    %reduce_min3A_398 = arith.constant dense<0x7F800000> : vector<1x128xf32>
    %reduce_min3A_399 = vector.multi_reduction <minimumf>, %broadcast_in_dim3A_397, %reduce_min3A_398 [0] : vector<64x1x128xf32> to vector<1x128xf32>
    %broadcast_in_dim3A_400 = vector.shape_cast %reduce_min3A_399 : vector<1x128xf32> to vector<1x1x128xf32>
    %le3A_401 = vector.broadcast %broadcast_in_dim3A_400 : vector<1x1x128xf32> to vector<64x5x128xf32>
    %le3A_402 = arith.cmpf ole, %select_n3A_394, %le3A_401 : vector<64x5x128xf32>
    %jit3A_403 = arith.constant 1073741824 : i32
    %broadcast_in_dim3A_404 = vector.broadcast %jit3A_403 : i32 to vector<64x5x128xi32>
    %select_n3A_405 = arith.select %le3A_402, %concatenate3A_146, %broadcast_in_dim3A_404 : vector<64x5x128xi1>, vector<64x5x128xi32>
    %reduce_min3A_406 = arith.constant dense<2147483647> : vector<64x128xi32>
    %reduce_min3A_407 = vector.multi_reduction <minsi>, %select_n3A_405, %reduce_min3A_406 [1] : vector<64x5x128xi32> to vector<64x128xi32>
    %broadcast_in_dim3A_408 = vector.shape_cast %reduce_min3A_407 : vector<64x128xi32> to vector<64x1x128xi32>
    %reduce_min3A_409 = arith.constant dense<2147483647> : vector<1x128xi32>
    %reduce_min3A_410 = vector.multi_reduction <minsi>, %broadcast_in_dim3A_408, %reduce_min3A_409 [0] : vector<64x1x128xi32> to vector<1x128xi32>
    %broadcast_in_dim3A_411 = vector.shape_cast %reduce_min3A_410 : vector<1x128xi32> to vector<1x1x128xi32>
    %add3A_412 = vector.broadcast %mul3A_38 : i32 to vector<1x1x128xi32>
    %add3A_413 = arith.addi %broadcast_in_dim3A_411, %add3A_412 : vector<1x1x128xi32>
    %reshape3A_414 = vector.shape_cast %add3A_413 : vector<1x1x128xi32> to vector<1x128xi32>
    %swap3A_415 = arith.constant 0 : index
    %swap3A_416 = arith.constant 8 : index
    %swap3A_417 = arith.constant 0 : index
    %swap3A_418 = vector.load %arg4[%swap3A_415, %swap3A_416, %swap3A_417] : memref<1x16x128xi32, #tpu.memory_space<vmem>>, vector<1x1x128xi32>
    %swap3A_419 = vector.shape_cast %swap3A_418 : vector<1x1x128xi32> to vector<1x128xi32>
    %swap3A_420 = vector.shape_cast %reshape3A_414 : vector<1x128xi32> to vector<1x1x128xi32>
    tpu.vector_store %arg4[%swap3A_415, %swap3A_416, %swap3A_417], %swap3A_420 {strides = array<i32>} : memref<1x16x128xi32, #tpu.memory_space<vmem>>, vector<1x1x128xi32>,
    %eq3A_421 = vector.broadcast %broadcast_in_dim3A_411 : vector<1x1x128xi32> to vector<64x5x128xi32>
    %eq3A_422 = arith.cmpi eq, %concatenate3A_146, %eq3A_421 : vector<64x5x128xi32>
    %jit3A_423 = arith.constant 0x7F800000 : f32
    %broadcast_in_dim3A_424 = vector.broadcast %jit3A_423 : f32 to vector<64x5x128xf32>
    %select_n3A_425 = arith.select %eq3A_422, %broadcast_in_dim3A_424, %select_n3A_394 : vector<64x5x128xi1>, vector<64x5x128xf32>
    %reduce_min3A_426 = arith.constant dense<0x7F800000> : vector<64x128xf32>
    %reduce_min3A_427 = vector.multi_reduction <minimumf>, %select_n3A_425, %reduce_min3A_426 [1] : vector<64x5x128xf32> to vector<64x128xf32>
    %broadcast_in_dim3A_428 = vector.shape_cast %reduce_min3A_427 : vector<64x128xf32> to vector<64x1x128xf32>
    %reduce_min3A_429 = arith.constant dense<0x7F800000> : vector<1x128xf32>
    %reduce_min3A_430 = vector.multi_reduction <minimumf>, %broadcast_in_dim3A_428, %reduce_min3A_429 [0] : vector<64x1x128xf32> to vector<1x128xf32>
    %broadcast_in_dim3A_431 = vector.shape_cast %reduce_min3A_430 : vector<1x128xf32> to vector<1x1x128xf32>
    %le3A_432 = vector.broadcast %broadcast_in_dim3A_431 : vector<1x1x128xf32> to vector<64x5x128xf32>
    %le3A_433 = arith.cmpf ole, %select_n3A_425, %le3A_432 : vector<64x5x128xf32>
    %jit3A_434 = arith.constant 1073741824 : i32
    %broadcast_in_dim3A_435 = vector.broadcast %jit3A_434 : i32 to vector<64x5x128xi32>
    %select_n3A_436 = arith.select %le3A_433, %concatenate3A_146, %broadcast_in_dim3A_435 : vector<64x5x128xi1>, vector<64x5x128xi32>
    %reduce_min3A_437 = arith.constant dense<2147483647> : vector<64x128xi32>
    %reduce_min3A_438 = vector.multi_reduction <minsi>, %select_n3A_436, %reduce_min3A_437 [1] : vector<64x5x128xi32> to vector<64x128xi32>
    %broadcast_in_dim3A_439 = vector.shape_cast %reduce_min3A_438 : vector<64x128xi32> to vector<64x1x128xi32>
    %reduce_min3A_440 = arith.constant dense<2147483647> : vector<1x128xi32>
    %reduce_min3A_441 = vector.multi_reduction <minsi>, %broadcast_in_dim3A_439, %reduce_min3A_440 [0] : vector<64x1x128xi32> to vector<1x128xi32>
    %broadcast_in_dim3A_442 = vector.shape_cast %reduce_min3A_441 : vector<1x128xi32> to vector<1x1x128xi32>
    %add3A_443 = vector.broadcast %mul3A_38 : i32 to vector<1x1x128xi32>
    %add3A_444 = arith.addi %broadcast_in_dim3A_442, %add3A_443 : vector<1x1x128xi32>
    %reshape3A_445 = vector.shape_cast %add3A_444 : vector<1x1x128xi32> to vector<1x128xi32>
    %swap3A_446 = arith.constant 0 : index
    %swap3A_447 = arith.constant 9 : index
    %swap3A_448 = arith.constant 0 : index
    %swap3A_449 = vector.load %arg4[%swap3A_446, %swap3A_447, %swap3A_448] : memref<1x16x128xi32, #tpu.memory_space<vmem>>, vector<1x1x128xi32>
    %swap3A_450 = vector.shape_cast %swap3A_449 : vector<1x1x128xi32> to vector<1x128xi32>
    %swap3A_451 = vector.shape_cast %reshape3A_445 : vector<1x128xi32> to vector<1x1x128xi32>
    tpu.vector_store %arg4[%swap3A_446, %swap3A_447, %swap3A_448], %swap3A_451 {strides = array<i32>} : memref<1x16x128xi32, #tpu.memory_space<vmem>>, vector<1x1x128xi32>,
    %eq3A_452 = vector.broadcast %broadcast_in_dim3A_442 : vector<1x1x128xi32> to vector<64x5x128xi32>
    %eq3A_453 = arith.cmpi eq, %concatenate3A_146, %eq3A_452 : vector<64x5x128xi32>
    %jit3A_454 = arith.constant 0x7F800000 : f32
    %broadcast_in_dim3A_455 = vector.broadcast %jit3A_454 : f32 to vector<64x5x128xf32>
    %select_n3A_456 = arith.select %eq3A_453, %broadcast_in_dim3A_455, %select_n3A_425 : vector<64x5x128xi1>, vector<64x5x128xf32>
    %reduce_min3A_457 = arith.constant dense<0x7F800000> : vector<64x128xf32>
    %reduce_min3A_458 = vector.multi_reduction <minimumf>, %select_n3A_456, %reduce_min3A_457 [1] : vector<64x5x128xf32> to vector<64x128xf32>
    %broadcast_in_dim3A_459 = vector.shape_cast %reduce_min3A_458 : vector<64x128xf32> to vector<64x1x128xf32>
    %reduce_min3A_460 = arith.constant dense<0x7F800000> : vector<1x128xf32>
    %reduce_min3A_461 = vector.multi_reduction <minimumf>, %broadcast_in_dim3A_459, %reduce_min3A_460 [0] : vector<64x1x128xf32> to vector<1x128xf32>
    %broadcast_in_dim3A_462 = vector.shape_cast %reduce_min3A_461 : vector<1x128xf32> to vector<1x1x128xf32>
    %le3A_463 = vector.broadcast %broadcast_in_dim3A_462 : vector<1x1x128xf32> to vector<64x5x128xf32>
    %le3A_464 = arith.cmpf ole, %select_n3A_456, %le3A_463 : vector<64x5x128xf32>
    %jit3A_465 = arith.constant 1073741824 : i32
    %broadcast_in_dim3A_466 = vector.broadcast %jit3A_465 : i32 to vector<64x5x128xi32>
    %select_n3A_467 = arith.select %le3A_464, %concatenate3A_146, %broadcast_in_dim3A_466 : vector<64x5x128xi1>, vector<64x5x128xi32>
    %reduce_min3A_468 = arith.constant dense<2147483647> : vector<64x128xi32>
    %reduce_min3A_469 = vector.multi_reduction <minsi>, %select_n3A_467, %reduce_min3A_468 [1] : vector<64x5x128xi32> to vector<64x128xi32>
    %broadcast_in_dim3A_470 = vector.shape_cast %reduce_min3A_469 : vector<64x128xi32> to vector<64x1x128xi32>
    %reduce_min3A_471 = arith.constant dense<2147483647> : vector<1x128xi32>
    %reduce_min3A_472 = vector.multi_reduction <minsi>, %broadcast_in_dim3A_470, %reduce_min3A_471 [0] : vector<64x1x128xi32> to vector<1x128xi32>
    %broadcast_in_dim3A_473 = vector.shape_cast %reduce_min3A_472 : vector<1x128xi32> to vector<1x1x128xi32>
    %add3A_474 = vector.broadcast %mul3A_38 : i32 to vector<1x1x128xi32>
    %add3A_475 = arith.addi %broadcast_in_dim3A_473, %add3A_474 : vector<1x1x128xi32>
    %reshape3A_476 = vector.shape_cast %add3A_475 : vector<1x1x128xi32> to vector<1x128xi32>
    %swap3A_477 = arith.constant 0 : index
    %swap3A_478 = arith.constant 10 : index
    %swap3A_479 = arith.constant 0 : index
    %swap3A_480 = vector.load %arg4[%swap3A_477, %swap3A_478, %swap3A_479] : memref<1x16x128xi32, #tpu.memory_space<vmem>>, vector<1x1x128xi32>
    %swap3A_481 = vector.shape_cast %swap3A_480 : vector<1x1x128xi32> to vector<1x128xi32>
    %swap3A_482 = vector.shape_cast %reshape3A_476 : vector<1x128xi32> to vector<1x1x128xi32>
    tpu.vector_store %arg4[%swap3A_477, %swap3A_478, %swap3A_479], %swap3A_482 {strides = array<i32>} : memref<1x16x128xi32, #tpu.memory_space<vmem>>, vector<1x1x128xi32>,
    %eq3A_483 = vector.broadcast %broadcast_in_dim3A_473 : vector<1x1x128xi32> to vector<64x5x128xi32>
    %eq3A_484 = arith.cmpi eq, %concatenate3A_146, %eq3A_483 : vector<64x5x128xi32>
    %jit3A_485 = arith.constant 0x7F800000 : f32
    %broadcast_in_dim3A_486 = vector.broadcast %jit3A_485 : f32 to vector<64x5x128xf32>
    %select_n3A_487 = arith.select %eq3A_484, %broadcast_in_dim3A_486, %select_n3A_456 : vector<64x5x128xi1>, vector<64x5x128xf32>
    %reduce_min3A_488 = arith.constant dense<0x7F800000> : vector<64x128xf32>
    %reduce_min3A_489 = vector.multi_reduction <minimumf>, %select_n3A_487, %reduce_min3A_488 [1] : vector<64x5x128xf32> to vector<64x128xf32>
    %broadcast_in_dim3A_490 = vector.shape_cast %reduce_min3A_489 : vector<64x128xf32> to vector<64x1x128xf32>
    %reduce_min3A_491 = arith.constant dense<0x7F800000> : vector<1x128xf32>
    %reduce_min3A_492 = vector.multi_reduction <minimumf>, %broadcast_in_dim3A_490, %reduce_min3A_491 [0] : vector<64x1x128xf32> to vector<1x128xf32>
    %broadcast_in_dim3A_493 = vector.shape_cast %reduce_min3A_492 : vector<1x128xf32> to vector<1x1x128xf32>
    %le3A_494 = vector.broadcast %broadcast_in_dim3A_493 : vector<1x1x128xf32> to vector<64x5x128xf32>
    %le3A_495 = arith.cmpf ole, %select_n3A_487, %le3A_494 : vector<64x5x128xf32>
    %jit3A_496 = arith.constant 1073741824 : i32
    %broadcast_in_dim3A_497 = vector.broadcast %jit3A_496 : i32 to vector<64x5x128xi32>
    %select_n3A_498 = arith.select %le3A_495, %concatenate3A_146, %broadcast_in_dim3A_497 : vector<64x5x128xi1>, vector<64x5x128xi32>
    %reduce_min3A_499 = arith.constant dense<2147483647> : vector<64x128xi32>
    %reduce_min3A_500 = vector.multi_reduction <minsi>, %select_n3A_498, %reduce_min3A_499 [1] : vector<64x5x128xi32> to vector<64x128xi32>
    %broadcast_in_dim3A_501 = vector.shape_cast %reduce_min3A_500 : vector<64x128xi32> to vector<64x1x128xi32>
    %reduce_min3A_502 = arith.constant dense<2147483647> : vector<1x128xi32>
    %reduce_min3A_503 = vector.multi_reduction <minsi>, %broadcast_in_dim3A_501, %reduce_min3A_502 [0] : vector<64x1x128xi32> to vector<1x128xi32>
    %broadcast_in_dim3A_504 = vector.shape_cast %reduce_min3A_503 : vector<1x128xi32> to vector<1x1x128xi32>
    %add3A_505 = vector.broadcast %mul3A_38 : i32 to vector<1x1x128xi32>
    %add3A_506 = arith.addi %broadcast_in_dim3A_504, %add3A_505 : vector<1x1x128xi32>
    %reshape3A_507 = vector.shape_cast %add3A_506 : vector<1x1x128xi32> to vector<1x128xi32>
    %swap3A_508 = arith.constant 0 : index
    %swap3A_509 = arith.constant 11 : index
    %swap3A_510 = arith.constant 0 : index
    %swap3A_511 = vector.load %arg4[%swap3A_508, %swap3A_509, %swap3A_510] : memref<1x16x128xi32, #tpu.memory_space<vmem>>, vector<1x1x128xi32>
    %swap3A_512 = vector.shape_cast %swap3A_511 : vector<1x1x128xi32> to vector<1x128xi32>
    %swap3A_513 = vector.shape_cast %reshape3A_507 : vector<1x128xi32> to vector<1x1x128xi32>
    tpu.vector_store %arg4[%swap3A_508, %swap3A_509, %swap3A_510], %swap3A_513 {strides = array<i32>} : memref<1x16x128xi32, #tpu.memory_space<vmem>>, vector<1x1x128xi32>,
    %eq3A_514 = vector.broadcast %broadcast_in_dim3A_504 : vector<1x1x128xi32> to vector<64x5x128xi32>
    %eq3A_515 = arith.cmpi eq, %concatenate3A_146, %eq3A_514 : vector<64x5x128xi32>
    %jit3A_516 = arith.constant 0x7F800000 : f32
    %broadcast_in_dim3A_517 = vector.broadcast %jit3A_516 : f32 to vector<64x5x128xf32>
    %select_n3A_518 = arith.select %eq3A_515, %broadcast_in_dim3A_517, %select_n3A_487 : vector<64x5x128xi1>, vector<64x5x128xf32>
    %reduce_min3A_519 = arith.constant dense<0x7F800000> : vector<64x128xf32>
    %reduce_min3A_520 = vector.multi_reduction <minimumf>, %select_n3A_518, %reduce_min3A_519 [1] : vector<64x5x128xf32> to vector<64x128xf32>
    %broadcast_in_dim3A_521 = vector.shape_cast %reduce_min3A_520 : vector<64x128xf32> to vector<64x1x128xf32>
    %reduce_min3A_522 = arith.constant dense<0x7F800000> : vector<1x128xf32>
    %reduce_min3A_523 = vector.multi_reduction <minimumf>, %broadcast_in_dim3A_521, %reduce_min3A_522 [0] : vector<64x1x128xf32> to vector<1x128xf32>
    %broadcast_in_dim3A_524 = vector.shape_cast %reduce_min3A_523 : vector<1x128xf32> to vector<1x1x128xf32>
    %le3A_525 = vector.broadcast %broadcast_in_dim3A_524 : vector<1x1x128xf32> to vector<64x5x128xf32>
    %le3A_526 = arith.cmpf ole, %select_n3A_518, %le3A_525 : vector<64x5x128xf32>
    %jit3A_527 = arith.constant 1073741824 : i32
    %broadcast_in_dim3A_528 = vector.broadcast %jit3A_527 : i32 to vector<64x5x128xi32>
    %select_n3A_529 = arith.select %le3A_526, %concatenate3A_146, %broadcast_in_dim3A_528 : vector<64x5x128xi1>, vector<64x5x128xi32>
    %reduce_min3A_530 = arith.constant dense<2147483647> : vector<64x128xi32>
    %reduce_min3A_531 = vector.multi_reduction <minsi>, %select_n3A_529, %reduce_min3A_530 [1] : vector<64x5x128xi32> to vector<64x128xi32>
    %broadcast_in_dim3A_532 = vector.shape_cast %reduce_min3A_531 : vector<64x128xi32> to vector<64x1x128xi32>
    %reduce_min3A_533 = arith.constant dense<2147483647> : vector<1x128xi32>
    %reduce_min3A_534 = vector.multi_reduction <minsi>, %broadcast_in_dim3A_532, %reduce_min3A_533 [0] : vector<64x1x128xi32> to vector<1x128xi32>
    %broadcast_in_dim3A_535 = vector.shape_cast %reduce_min3A_534 : vector<1x128xi32> to vector<1x1x128xi32>
    %add3A_536 = vector.broadcast %mul3A_38 : i32 to vector<1x1x128xi32>
    %add3A_537 = arith.addi %broadcast_in_dim3A_535, %add3A_536 : vector<1x1x128xi32>
    %reshape3A_538 = vector.shape_cast %add3A_537 : vector<1x1x128xi32> to vector<1x128xi32>
    %swap3A_539 = arith.constant 0 : index
    %swap3A_540 = arith.constant 12 : index
    %swap3A_541 = arith.constant 0 : index
    %swap3A_542 = vector.load %arg4[%swap3A_539, %swap3A_540, %swap3A_541] : memref<1x16x128xi32, #tpu.memory_space<vmem>>, vector<1x1x128xi32>
    %swap3A_543 = vector.shape_cast %swap3A_542 : vector<1x1x128xi32> to vector<1x128xi32>
    %swap3A_544 = vector.shape_cast %reshape3A_538 : vector<1x128xi32> to vector<1x1x128xi32>
    tpu.vector_store %arg4[%swap3A_539, %swap3A_540, %swap3A_541], %swap3A_544 {strides = array<i32>} : memref<1x16x128xi32, #tpu.memory_space<vmem>>, vector<1x1x128xi32>,
    %eq3A_545 = vector.broadcast %broadcast_in_dim3A_535 : vector<1x1x128xi32> to vector<64x5x128xi32>
    %eq3A_546 = arith.cmpi eq, %concatenate3A_146, %eq3A_545 : vector<64x5x128xi32>
    %jit3A_547 = arith.constant 0x7F800000 : f32
    %broadcast_in_dim3A_548 = vector.broadcast %jit3A_547 : f32 to vector<64x5x128xf32>
    %select_n3A_549 = arith.select %eq3A_546, %broadcast_in_dim3A_548, %select_n3A_518 : vector<64x5x128xi1>, vector<64x5x128xf32>
    %reduce_min3A_550 = arith.constant dense<0x7F800000> : vector<64x128xf32>
    %reduce_min3A_551 = vector.multi_reduction <minimumf>, %select_n3A_549, %reduce_min3A_550 [1] : vector<64x5x128xf32> to vector<64x128xf32>
    %broadcast_in_dim3A_552 = vector.shape_cast %reduce_min3A_551 : vector<64x128xf32> to vector<64x1x128xf32>
    %reduce_min3A_553 = arith.constant dense<0x7F800000> : vector<1x128xf32>
    %reduce_min3A_554 = vector.multi_reduction <minimumf>, %broadcast_in_dim3A_552, %reduce_min3A_553 [0] : vector<64x1x128xf32> to vector<1x128xf32>
    %broadcast_in_dim3A_555 = vector.shape_cast %reduce_min3A_554 : vector<1x128xf32> to vector<1x1x128xf32>
    %le3A_556 = vector.broadcast %broadcast_in_dim3A_555 : vector<1x1x128xf32> to vector<64x5x128xf32>
    %le3A_557 = arith.cmpf ole, %select_n3A_549, %le3A_556 : vector<64x5x128xf32>
    %jit3A_558 = arith.constant 1073741824 : i32
    %broadcast_in_dim3A_559 = vector.broadcast %jit3A_558 : i32 to vector<64x5x128xi32>
    %select_n3A_560 = arith.select %le3A_557, %concatenate3A_146, %broadcast_in_dim3A_559 : vector<64x5x128xi1>, vector<64x5x128xi32>
    %reduce_min3A_561 = arith.constant dense<2147483647> : vector<64x128xi32>
    %reduce_min3A_562 = vector.multi_reduction <minsi>, %select_n3A_560, %reduce_min3A_561 [1] : vector<64x5x128xi32> to vector<64x128xi32>
    %broadcast_in_dim3A_563 = vector.shape_cast %reduce_min3A_562 : vector<64x128xi32> to vector<64x1x128xi32>
    %reduce_min3A_564 = arith.constant dense<2147483647> : vector<1x128xi32>
    %reduce_min3A_565 = vector.multi_reduction <minsi>, %broadcast_in_dim3A_563, %reduce_min3A_564 [0] : vector<64x1x128xi32> to vector<1x128xi32>
    %broadcast_in_dim3A_566 = vector.shape_cast %reduce_min3A_565 : vector<1x128xi32> to vector<1x1x128xi32>
    %add3A_567 = vector.broadcast %mul3A_38 : i32 to vector<1x1x128xi32>
    %add3A_568 = arith.addi %broadcast_in_dim3A_566, %add3A_567 : vector<1x1x128xi32>
    %reshape3A_569 = vector.shape_cast %add3A_568 : vector<1x1x128xi32> to vector<1x128xi32>
    %swap3A_570 = arith.constant 0 : index
    %swap3A_571 = arith.constant 13 : index
    %swap3A_572 = arith.constant 0 : index
    %swap3A_573 = vector.load %arg4[%swap3A_570, %swap3A_571, %swap3A_572] : memref<1x16x128xi32, #tpu.memory_space<vmem>>, vector<1x1x128xi32>
    %swap3A_574 = vector.shape_cast %swap3A_573 : vector<1x1x128xi32> to vector<1x128xi32>
    %swap3A_575 = vector.shape_cast %reshape3A_569 : vector<1x128xi32> to vector<1x1x128xi32>
    tpu.vector_store %arg4[%swap3A_570, %swap3A_571, %swap3A_572], %swap3A_575 {strides = array<i32>} : memref<1x16x128xi32, #tpu.memory_space<vmem>>, vector<1x1x128xi32>,
    %eq3A_576 = vector.broadcast %broadcast_in_dim3A_566 : vector<1x1x128xi32> to vector<64x5x128xi32>
    %eq3A_577 = arith.cmpi eq, %concatenate3A_146, %eq3A_576 : vector<64x5x128xi32>
    %jit3A_578 = arith.constant 0x7F800000 : f32
    %broadcast_in_dim3A_579 = vector.broadcast %jit3A_578 : f32 to vector<64x5x128xf32>
    %select_n3A_580 = arith.select %eq3A_577, %broadcast_in_dim3A_579, %select_n3A_549 : vector<64x5x128xi1>, vector<64x5x128xf32>
    %reduce_min3A_581 = arith.constant dense<0x7F800000> : vector<64x128xf32>
    %reduce_min3A_582 = vector.multi_reduction <minimumf>, %select_n3A_580, %reduce_min3A_581 [1] : vector<64x5x128xf32> to vector<64x128xf32>
    %broadcast_in_dim3A_583 = vector.shape_cast %reduce_min3A_582 : vector<64x128xf32> to vector<64x1x128xf32>
    %reduce_min3A_584 = arith.constant dense<0x7F800000> : vector<1x128xf32>
    %reduce_min3A_585 = vector.multi_reduction <minimumf>, %broadcast_in_dim3A_583, %reduce_min3A_584 [0] : vector<64x1x128xf32> to vector<1x128xf32>
    %broadcast_in_dim3A_586 = vector.shape_cast %reduce_min3A_585 : vector<1x128xf32> to vector<1x1x128xf32>
    %le3A_587 = vector.broadcast %broadcast_in_dim3A_586 : vector<1x1x128xf32> to vector<64x5x128xf32>
    %le3A_588 = arith.cmpf ole, %select_n3A_580, %le3A_587 : vector<64x5x128xf32>
    %jit3A_589 = arith.constant 1073741824 : i32
    %broadcast_in_dim3A_590 = vector.broadcast %jit3A_589 : i32 to vector<64x5x128xi32>
    %select_n3A_591 = arith.select %le3A_588, %concatenate3A_146, %broadcast_in_dim3A_590 : vector<64x5x128xi1>, vector<64x5x128xi32>
    %reduce_min3A_592 = arith.constant dense<2147483647> : vector<64x128xi32>
    %reduce_min3A_593 = vector.multi_reduction <minsi>, %select_n3A_591, %reduce_min3A_592 [1] : vector<64x5x128xi32> to vector<64x128xi32>
    %broadcast_in_dim3A_594 = vector.shape_cast %reduce_min3A_593 : vector<64x128xi32> to vector<64x1x128xi32>
    %reduce_min3A_595 = arith.constant dense<2147483647> : vector<1x128xi32>
    %reduce_min3A_596 = vector.multi_reduction <minsi>, %broadcast_in_dim3A_594, %reduce_min3A_595 [0] : vector<64x1x128xi32> to vector<1x128xi32>
    %broadcast_in_dim3A_597 = vector.shape_cast %reduce_min3A_596 : vector<1x128xi32> to vector<1x1x128xi32>
    %add3A_598 = vector.broadcast %mul3A_38 : i32 to vector<1x1x128xi32>
    %add3A_599 = arith.addi %broadcast_in_dim3A_597, %add3A_598 : vector<1x1x128xi32>
    %reshape3A_600 = vector.shape_cast %add3A_599 : vector<1x1x128xi32> to vector<1x128xi32>
    %swap3A_601 = arith.constant 0 : index
    %swap3A_602 = arith.constant 14 : index
    %swap3A_603 = arith.constant 0 : index
    %swap3A_604 = vector.load %arg4[%swap3A_601, %swap3A_602, %swap3A_603] : memref<1x16x128xi32, #tpu.memory_space<vmem>>, vector<1x1x128xi32>
    %swap3A_605 = vector.shape_cast %swap3A_604 : vector<1x1x128xi32> to vector<1x128xi32>
    %swap3A_606 = vector.shape_cast %reshape3A_600 : vector<1x128xi32> to vector<1x1x128xi32>
    tpu.vector_store %arg4[%swap3A_601, %swap3A_602, %swap3A_603], %swap3A_606 {strides = array<i32>} : memref<1x16x128xi32, #tpu.memory_space<vmem>>, vector<1x1x128xi32>,
    %eq3A_607 = vector.broadcast %broadcast_in_dim3A_597 : vector<1x1x128xi32> to vector<64x5x128xi32>
    %eq3A_608 = arith.cmpi eq, %concatenate3A_146, %eq3A_607 : vector<64x5x128xi32>
    %jit3A_609 = arith.constant 0x7F800000 : f32
    %broadcast_in_dim3A_610 = vector.broadcast %jit3A_609 : f32 to vector<64x5x128xf32>
    %select_n3A_611 = arith.select %eq3A_608, %broadcast_in_dim3A_610, %select_n3A_580 : vector<64x5x128xi1>, vector<64x5x128xf32>
    %reduce_min3A_612 = arith.constant dense<0x7F800000> : vector<64x128xf32>
    %reduce_min3A_613 = vector.multi_reduction <minimumf>, %select_n3A_611, %reduce_min3A_612 [1] : vector<64x5x128xf32> to vector<64x128xf32>
    %broadcast_in_dim3A_614 = vector.shape_cast %reduce_min3A_613 : vector<64x128xf32> to vector<64x1x128xf32>
    %reduce_min3A_615 = arith.constant dense<0x7F800000> : vector<1x128xf32>
    %reduce_min3A_616 = vector.multi_reduction <minimumf>, %broadcast_in_dim3A_614, %reduce_min3A_615 [0] : vector<64x1x128xf32> to vector<1x128xf32>
    %broadcast_in_dim3A_617 = vector.shape_cast %reduce_min3A_616 : vector<1x128xf32> to vector<1x1x128xf32>
    %le3A_618 = vector.broadcast %broadcast_in_dim3A_617 : vector<1x1x128xf32> to vector<64x5x128xf32>
    %le3A_619 = arith.cmpf ole, %select_n3A_611, %le3A_618 : vector<64x5x128xf32>
    %jit3A_620 = arith.constant 1073741824 : i32
    %broadcast_in_dim3A_621 = vector.broadcast %jit3A_620 : i32 to vector<64x5x128xi32>
    %select_n3A_622 = arith.select %le3A_619, %concatenate3A_146, %broadcast_in_dim3A_621 : vector<64x5x128xi1>, vector<64x5x128xi32>
    %reduce_min3A_623 = arith.constant dense<2147483647> : vector<64x128xi32>
    %reduce_min3A_624 = vector.multi_reduction <minsi>, %select_n3A_622, %reduce_min3A_623 [1] : vector<64x5x128xi32> to vector<64x128xi32>
    %broadcast_in_dim3A_625 = vector.shape_cast %reduce_min3A_624 : vector<64x128xi32> to vector<64x1x128xi32>
    %reduce_min3A_626 = arith.constant dense<2147483647> : vector<1x128xi32>
    %reduce_min3A_627 = vector.multi_reduction <minsi>, %broadcast_in_dim3A_625, %reduce_min3A_626 [0] : vector<64x1x128xi32> to vector<1x128xi32>
    %broadcast_in_dim3A_628 = vector.shape_cast %reduce_min3A_627 : vector<1x128xi32> to vector<1x1x128xi32>
    %add3A_629 = vector.broadcast %mul3A_38 : i32 to vector<1x1x128xi32>
    %add3A_630 = arith.addi %broadcast_in_dim3A_628, %add3A_629 : vector<1x1x128xi32>
    %reshape3A_631 = vector.shape_cast %add3A_630 : vector<1x1x128xi32> to vector<1x128xi32>
    %swap3A_632 = arith.constant 0 : index
    %swap3A_633 = arith.constant 15 : index
    %swap3A_634 = arith.constant 0 : index
    %swap3A_635 = vector.load %arg4[%swap3A_632, %swap3A_633, %swap3A_634] : memref<1x16x128xi32, #tpu.memory_space<vmem>>, vector<1x1x128xi32>
    %swap3A_636 = vector.shape_cast %swap3A_635 : vector<1x1x128xi32> to vector<1x128xi32>
    %swap3A_637 = vector.shape_cast %reshape3A_631 : vector<1x128xi32> to vector<1x1x128xi32>
    tpu.vector_store %arg4[%swap3A_632, %swap3A_633, %swap3A_634], %swap3A_637 {strides = array<i32>} : memref<1x16x128xi32, #tpu.memory_space<vmem>>, vector<1x1x128xi32>,
    %le3A_638 = vector.broadcast %broadcast_in_dim3A_617 : vector<1x1x128xf32> to vector<64x1x128xf32>
    %le3A_639 = arith.cmpf ole, %broadcast_in_dim3A_137, %le3A_638 : vector<64x1x128xf32>
    %reduce_or3A = arith.constant 1.000000e+00 : f32
    %reduce_or3A_640 = arith.constant 0.000000e+00 : f32
    %reduce_or3A_641 = vector.broadcast %reduce_or3A : f32 to vector<64x1x128xf32>
    %reduce_or3A_642 = vector.broadcast %reduce_or3A_640 : f32 to vector<64x1x128xf32>
    %reduce_or3A_643 = arith.select %le3A_639, %reduce_or3A_641, %reduce_or3A_642 : vector<64x1x128xi1>, vector<64x1x128xf32>
    %reduce_or3A_644 = vector.shape_cast %reduce_or3A_643 : vector<64x1x128xf32> to vector<1x64x1x128xf32>
    %reduce_or3A_645 = arith.constant dense<0xFF800000> : vector<1xf32>
    %reduce_or3A_646 = vector.multi_reduction <maximumf>, %reduce_or3A_644, %reduce_or3A_645 [1, 2, 3] : vector<1x64x1x128xf32> to vector<1xf32>
    %reduce_or3A_647 = vector.shape_cast %reduce_or3A_646 : vector<1xf32> to vector<1x1x1x1xf32>
    %reduce_or3A_648 = vector.extract %reduce_or3A_647[0, 0, 0, 0] : f32 from vector<1x1x1x1xf32>
    %reduce_or3A_649 = arith.constant 0.000000e+00 : f32
    %reduce_or3A_650 = arith.cmpf ogt, %reduce_or3A_648, %reduce_or3A_649 : f32
    %convert_element_type3A_651 = arith.extui %reduce_or3A_650 : i1 to i32
    %cond3A_652 = arith.constant 0 : i32
    %cond3A_653 = arith.cmpi ne, %convert_element_type3A_651, %cond3A_652 : i32
    scf.if %cond3A_653 {
      %get3A_654 = arith.constant 0 : index
      %get3A_655 = arith.constant 0 : index
      %get3A_656 = arith.constant 0 : index
      %get3A_657 = vector.load %arg2[%get3A_654, %get3A_655, %get3A_656] : memref<1x8192x3xf32, #tpu.memory_space<vmem>>, vector<1x8192x3xf32>
      %get3A_658 = vector.shape_cast %get3A_657 : vector<1x8192x3xf32> to vector<8192x3xf32>
      %dot_general3A_659 = arith.constant dense<0.000000e+00> : vector<8192x128xf32>
      %dot_general3A_660 = tpu.matmul %get3A_658, %get3A_12, %dot_general3A_659 {dimension_numbers = #tpu.dot_dimension_numbers<[1], [0], [0], [1], [0, 0, 1, 1], [], []>, transpose_lhs_hint = false} : vector<8192x3xf32>, vector<3x128xf32>, vector<8192x128xf32> -> vector<8192x128xf32>
      %get3A_661 = arith.constant 0 : index
      %get3A_662 = arith.constant 0 : index
      %get3A_663 = arith.constant 0 : index
      %get3A_664 = vector.load %arg6[%get3A_661, %get3A_662, %get3A_663] : memref<64x128x1xf32, #tpu.memory_space<vmem>>, vector<64x128x1xf32>
      %add3A_665 = vector.broadcast %get3A_664 : vector<64x128x1xf32> to vector<64x128x128xf32>
      %add3A_666 = vector.broadcast %reshape3A : vector<1x1x128xf32> to vector<64x128x128xf32>
      %add3A_667 = arith.addf %add3A_665, %add3A_666 : vector<64x128x128xf32>
      %reshape3A_668 = vector.shape_cast %dot_general3A_660 : vector<8192x128xf32> to vector<64x128x128xf32>
      %mul3A_669 = arith.constant 2.000000e+00 : f32
      %mul3A_670 = vector.broadcast %mul3A_669 : f32 to vector<64x128x128xf32>
      %mul3A_671 = arith.mulf %mul3A_670, %reshape3A_668 : vector<64x128x128xf32>
      %sub3A_672 = arith.subf %add3A_667, %mul3A_671 : vector<64x128x128xf32>
      %swap3A_673 = arith.constant 0 : index
      %swap3A_674 = arith.constant 0 : index
      %swap3A_675 = arith.constant 0 : index
      %swap3A_676 = vector.load %arg5[%swap3A_673, %swap3A_674, %swap3A_675] : memref<64x128x128xf32, #tpu.memory_space<vmem>>, vector<64x128x128xf32>
      tpu.vector_store %arg5[%swap3A_673, %swap3A_674, %swap3A_675], %sub3A_672 {strides = array<i32>} : memref<64x128x128xf32, #tpu.memory_space<vmem>>, vector<64x128x128xf32>,
      %get3A_677 = arith.constant 0 : index
      %get3A_678 = arith.constant 0 : index
      %get3A_679 = arith.constant 0 : index
      %get3A_680 = vector.load %arg5[%get3A_677, %get3A_678, %get3A_679] : memref<64x128x128xf32, #tpu.memory_space<vmem>>, vector<64x128x128xf32>
      %reduce_min3A_681 = arith.constant dense<0x7F800000> : vector<64x128xf32>
      %reduce_min3A_682 = vector.multi_reduction <minimumf>, %get3A_680, %reduce_min3A_681 [1] : vector<64x128x128xf32> to vector<64x128xf32>
      %broadcast_in_dim3A_683 = vector.shape_cast %reduce_min3A_682 : vector<64x128xf32> to vector<64x1x128xf32>
      %reduce_min3A_684 = arith.constant dense<0x7F800000> : vector<1x128xf32>
      %reduce_min3A_685 = vector.multi_reduction <minimumf>, %broadcast_in_dim3A_683, %reduce_min3A_684 [0] : vector<64x1x128xf32> to vector<1x128xf32>
      %broadcast_in_dim3A_686 = vector.shape_cast %reduce_min3A_685 : vector<1x128xf32> to vector<1x1x128xf32>
      %le3A_687 = vector.broadcast %broadcast_in_dim3A_686 : vector<1x1x128xf32> to vector<64x128x128xf32>
      %le3A_688 = arith.cmpf ole, %get3A_680, %le3A_687 : vector<64x128x128xf32>
      %jit3A_689 = arith.constant 1073741824 : i32
      %broadcast_in_dim3A_690 = vector.broadcast %jit3A_689 : i32 to vector<64x128x128xi32>
      %select_n3A_691 = arith.select %le3A_688, %get3A_36, %broadcast_in_dim3A_690 : vector<64x128x128xi1>, vector<64x128x128xi32>
      %reduce_min3A_692 = arith.constant dense<2147483647> : vector<64x128xi32>
      %reduce_min3A_693 = vector.multi_reduction <minsi>, %select_n3A_691, %reduce_min3A_692 [1] : vector<64x128x128xi32> to vector<64x128xi32>
      %broadcast_in_dim3A_694 = vector.shape_cast %reduce_min3A_693 : vector<64x128xi32> to vector<64x1x128xi32>
      %reduce_min3A_695 = arith.constant dense<2147483647> : vector<1x128xi32>
      %reduce_min3A_696 = vector.multi_reduction <minsi>, %broadcast_in_dim3A_694, %reduce_min3A_695 [0] : vector<64x1x128xi32> to vector<1x128xi32>
      %broadcast_in_dim3A_697 = vector.shape_cast %reduce_min3A_696 : vector<1x128xi32> to vector<1x1x128xi32>
      %add3A_698 = vector.broadcast %mul3A_38 : i32 to vector<1x1x128xi32>
      %add3A_699 = arith.addi %broadcast_in_dim3A_697, %add3A_698 : vector<1x1x128xi32>
      %reshape3A_700 = vector.shape_cast %add3A_699 : vector<1x1x128xi32> to vector<1x128xi32>
      %swap3A_701 = arith.constant 0 : index
      %swap3A_702 = arith.constant 0 : index
      %swap3A_703 = arith.constant 0 : index
      %swap3A_704 = vector.load %arg4[%swap3A_701, %swap3A_702, %swap3A_703] : memref<1x16x128xi32, #tpu.memory_space<vmem>>, vector<1x1x128xi32>
      %swap3A_705 = vector.shape_cast %swap3A_704 : vector<1x1x128xi32> to vector<1x128xi32>
      %swap3A_706 = vector.shape_cast %reshape3A_700 : vector<1x128xi32> to vector<1x1x128xi32>
      tpu.vector_store %arg4[%swap3A_701, %swap3A_702, %swap3A_703], %swap3A_706 {strides = array<i32>} : memref<1x16x128xi32, #tpu.memory_space<vmem>>, vector<1x1x128xi32>,
      %eq3A_707 = vector.broadcast %broadcast_in_dim3A_697 : vector<1x1x128xi32> to vector<64x128x128xi32>
      %eq3A_708 = arith.cmpi eq, %get3A_36, %eq3A_707 : vector<64x128x128xi32>
      %jit3A_709 = arith.constant 0x7F800000 : f32
      %broadcast_in_dim3A_710 = vector.broadcast %jit3A_709 : f32 to vector<64x128x128xf32>
      %select_n3A_711 = arith.select %eq3A_708, %broadcast_in_dim3A_710, %get3A_680 : vector<64x128x128xi1>, vector<64x128x128xf32>
      %swap3A_712 = arith.constant 0 : index
      %swap3A_713 = arith.constant 0 : index
      %swap3A_714 = arith.constant 0 : index
      %swap3A_715 = vector.load %arg5[%swap3A_712, %swap3A_713, %swap3A_714] : memref<64x128x128xf32, #tpu.memory_space<vmem>>, vector<64x128x128xf32>
      tpu.vector_store %arg5[%swap3A_712, %swap3A_713, %swap3A_714], %select_n3A_711 {strides = array<i32>} : memref<64x128x128xf32, #tpu.memory_space<vmem>>, vector<64x128x128xf32>,
      %get3A_716 = arith.constant 0 : index
      %get3A_717 = arith.constant 0 : index
      %get3A_718 = arith.constant 0 : index
      %get3A_719 = vector.load %arg5[%get3A_716, %get3A_717, %get3A_718] : memref<64x128x128xf32, #tpu.memory_space<vmem>>, vector<64x128x128xf32>
      %reduce_min3A_720 = arith.constant dense<0x7F800000> : vector<64x128xf32>
      %reduce_min3A_721 = vector.multi_reduction <minimumf>, %get3A_719, %reduce_min3A_720 [1] : vector<64x128x128xf32> to vector<64x128xf32>
      %broadcast_in_dim3A_722 = vector.shape_cast %reduce_min3A_721 : vector<64x128xf32> to vector<64x1x128xf32>
      %reduce_min3A_723 = arith.constant dense<0x7F800000> : vector<1x128xf32>
      %reduce_min3A_724 = vector.multi_reduction <minimumf>, %broadcast_in_dim3A_722, %reduce_min3A_723 [0] : vector<64x1x128xf32> to vector<1x128xf32>
      %broadcast_in_dim3A_725 = vector.shape_cast %reduce_min3A_724 : vector<1x128xf32> to vector<1x1x128xf32>
      %le3A_726 = vector.broadcast %broadcast_in_dim3A_725 : vector<1x1x128xf32> to vector<64x128x128xf32>
      %le3A_727 = arith.cmpf ole, %get3A_719, %le3A_726 : vector<64x128x128xf32>
      %jit3A_728 = arith.constant 1073741824 : i32
      %broadcast_in_dim3A_729 = vector.broadcast %jit3A_728 : i32 to vector<64x128x128xi32>
      %select_n3A_730 = arith.select %le3A_727, %get3A_36, %broadcast_in_dim3A_729 : vector<64x128x128xi1>, vector<64x128x128xi32>
      %reduce_min3A_731 = arith.constant dense<2147483647> : vector<64x128xi32>
      %reduce_min3A_732 = vector.multi_reduction <minsi>, %select_n3A_730, %reduce_min3A_731 [1] : vector<64x128x128xi32> to vector<64x128xi32>
      %broadcast_in_dim3A_733 = vector.shape_cast %reduce_min3A_732 : vector<64x128xi32> to vector<64x1x128xi32>
      %reduce_min3A_734 = arith.constant dense<2147483647> : vector<1x128xi32>
      %reduce_min3A_735 = vector.multi_reduction <minsi>, %broadcast_in_dim3A_733, %reduce_min3A_734 [0] : vector<64x1x128xi32> to vector<1x128xi32>
      %broadcast_in_dim3A_736 = vector.shape_cast %reduce_min3A_735 : vector<1x128xi32> to vector<1x1x128xi32>
      %add3A_737 = vector.broadcast %mul3A_38 : i32 to vector<1x1x128xi32>
      %add3A_738 = arith.addi %broadcast_in_dim3A_736, %add3A_737 : vector<1x1x128xi32>
      %reshape3A_739 = vector.shape_cast %add3A_738 : vector<1x1x128xi32> to vector<1x128xi32>
      %swap3A_740 = arith.constant 0 : index
      %swap3A_741 = arith.constant 1 : index
      %swap3A_742 = arith.constant 0 : index
      %swap3A_743 = vector.load %arg4[%swap3A_740, %swap3A_741, %swap3A_742] : memref<1x16x128xi32, #tpu.memory_space<vmem>>, vector<1x1x128xi32>
      %swap3A_744 = vector.shape_cast %swap3A_743 : vector<1x1x128xi32> to vector<1x128xi32>
      %swap3A_745 = vector.shape_cast %reshape3A_739 : vector<1x128xi32> to vector<1x1x128xi32>
      tpu.vector_store %arg4[%swap3A_740, %swap3A_741, %swap3A_742], %swap3A_745 {strides = array<i32>} : memref<1x16x128xi32, #tpu.memory_space<vmem>>, vector<1x1x128xi32>,
      %eq3A_746 = vector.broadcast %broadcast_in_dim3A_736 : vector<1x1x128xi32> to vector<64x128x128xi32>
      %eq3A_747 = arith.cmpi eq, %get3A_36, %eq3A_746 : vector<64x128x128xi32>
      %jit3A_748 = arith.constant 0x7F800000 : f32
      %broadcast_in_dim3A_749 = vector.broadcast %jit3A_748 : f32 to vector<64x128x128xf32>
      %select_n3A_750 = arith.select %eq3A_747, %broadcast_in_dim3A_749, %get3A_719 : vector<64x128x128xi1>, vector<64x128x128xf32>
      %swap3A_751 = arith.constant 0 : index
      %swap3A_752 = arith.constant 0 : index
      %swap3A_753 = arith.constant 0 : index
      %swap3A_754 = vector.load %arg5[%swap3A_751, %swap3A_752, %swap3A_753] : memref<64x128x128xf32, #tpu.memory_space<vmem>>, vector<64x128x128xf32>
      tpu.vector_store %arg5[%swap3A_751, %swap3A_752, %swap3A_753], %select_n3A_750 {strides = array<i32>} : memref<64x128x128xf32, #tpu.memory_space<vmem>>, vector<64x128x128xf32>,
      %get3A_755 = arith.constant 0 : index
      %get3A_756 = arith.constant 0 : index
      %get3A_757 = arith.constant 0 : index
      %get3A_758 = vector.load %arg5[%get3A_755, %get3A_756, %get3A_757] : memref<64x128x128xf32, #tpu.memory_space<vmem>>, vector<64x128x128xf32>
      %reduce_min3A_759 = arith.constant dense<0x7F800000> : vector<64x128xf32>
      %reduce_min3A_760 = vector.multi_reduction <minimumf>, %get3A_758, %reduce_min3A_759 [1] : vector<64x128x128xf32> to vector<64x128xf32>
      %broadcast_in_dim3A_761 = vector.shape_cast %reduce_min3A_760 : vector<64x128xf32> to vector<64x1x128xf32>
      %reduce_min3A_762 = arith.constant dense<0x7F800000> : vector<1x128xf32>
      %reduce_min3A_763 = vector.multi_reduction <minimumf>, %broadcast_in_dim3A_761, %reduce_min3A_762 [0] : vector<64x1x128xf32> to vector<1x128xf32>
      %broadcast_in_dim3A_764 = vector.shape_cast %reduce_min3A_763 : vector<1x128xf32> to vector<1x1x128xf32>
      %le3A_765 = vector.broadcast %broadcast_in_dim3A_764 : vector<1x1x128xf32> to vector<64x128x128xf32>
      %le3A_766 = arith.cmpf ole, %get3A_758, %le3A_765 : vector<64x128x128xf32>
      %jit3A_767 = arith.constant 1073741824 : i32
      %broadcast_in_dim3A_768 = vector.broadcast %jit3A_767 : i32 to vector<64x128x128xi32>
      %select_n3A_769 = arith.select %le3A_766, %get3A_36, %broadcast_in_dim3A_768 : vector<64x128x128xi1>, vector<64x128x128xi32>
      %reduce_min3A_770 = arith.constant dense<2147483647> : vector<64x128xi32>
      %reduce_min3A_771 = vector.multi_reduction <minsi>, %select_n3A_769, %reduce_min3A_770 [1] : vector<64x128x128xi32> to vector<64x128xi32>
      %broadcast_in_dim3A_772 = vector.shape_cast %reduce_min3A_771 : vector<64x128xi32> to vector<64x1x128xi32>
      %reduce_min3A_773 = arith.constant dense<2147483647> : vector<1x128xi32>
      %reduce_min3A_774 = vector.multi_reduction <minsi>, %broadcast_in_dim3A_772, %reduce_min3A_773 [0] : vector<64x1x128xi32> to vector<1x128xi32>
      %broadcast_in_dim3A_775 = vector.shape_cast %reduce_min3A_774 : vector<1x128xi32> to vector<1x1x128xi32>
      %add3A_776 = vector.broadcast %mul3A_38 : i32 to vector<1x1x128xi32>
      %add3A_777 = arith.addi %broadcast_in_dim3A_775, %add3A_776 : vector<1x1x128xi32>
      %reshape3A_778 = vector.shape_cast %add3A_777 : vector<1x1x128xi32> to vector<1x128xi32>
      %swap3A_779 = arith.constant 0 : index
      %swap3A_780 = arith.constant 2 : index
      %swap3A_781 = arith.constant 0 : index
      %swap3A_782 = vector.load %arg4[%swap3A_779, %swap3A_780, %swap3A_781] : memref<1x16x128xi32, #tpu.memory_space<vmem>>, vector<1x1x128xi32>
      %swap3A_783 = vector.shape_cast %swap3A_782 : vector<1x1x128xi32> to vector<1x128xi32>
      %swap3A_784 = vector.shape_cast %reshape3A_778 : vector<1x128xi32> to vector<1x1x128xi32>
      tpu.vector_store %arg4[%swap3A_779, %swap3A_780, %swap3A_781], %swap3A_784 {strides = array<i32>} : memref<1x16x128xi32, #tpu.memory_space<vmem>>, vector<1x1x128xi32>,
      %eq3A_785 = vector.broadcast %broadcast_in_dim3A_775 : vector<1x1x128xi32> to vector<64x128x128xi32>
      %eq3A_786 = arith.cmpi eq, %get3A_36, %eq3A_785 : vector<64x128x128xi32>
      %jit3A_787 = arith.constant 0x7F800000 : f32
      %broadcast_in_dim3A_788 = vector.broadcast %jit3A_787 : f32 to vector<64x128x128xf32>
      %select_n3A_789 = arith.select %eq3A_786, %broadcast_in_dim3A_788, %get3A_758 : vector<64x128x128xi1>, vector<64x128x128xf32>
      %swap3A_790 = arith.constant 0 : index
      %swap3A_791 = arith.constant 0 : index
      %swap3A_792 = arith.constant 0 : index
      %swap3A_793 = vector.load %arg5[%swap3A_790, %swap3A_791, %swap3A_792] : memref<64x128x128xf32, #tpu.memory_space<vmem>>, vector<64x128x128xf32>
      tpu.vector_store %arg5[%swap3A_790, %swap3A_791, %swap3A_792], %select_n3A_789 {strides = array<i32>} : memref<64x128x128xf32, #tpu.memory_space<vmem>>, vector<64x128x128xf32>,
      %get3A_794 = arith.constant 0 : index
      %get3A_795 = arith.constant 0 : index
      %get3A_796 = arith.constant 0 : index
      %get3A_797 = vector.load %arg5[%get3A_794, %get3A_795, %get3A_796] : memref<64x128x128xf32, #tpu.memory_space<vmem>>, vector<64x128x128xf32>
      %reduce_min3A_798 = arith.constant dense<0x7F800000> : vector<64x128xf32>
      %reduce_min3A_799 = vector.multi_reduction <minimumf>, %get3A_797, %reduce_min3A_798 [1] : vector<64x128x128xf32> to vector<64x128xf32>
      %broadcast_in_dim3A_800 = vector.shape_cast %reduce_min3A_799 : vector<64x128xf32> to vector<64x1x128xf32>
      %reduce_min3A_801 = arith.constant dense<0x7F800000> : vector<1x128xf32>
      %reduce_min3A_802 = vector.multi_reduction <minimumf>, %broadcast_in_dim3A_800, %reduce_min3A_801 [0] : vector<64x1x128xf32> to vector<1x128xf32>
      %broadcast_in_dim3A_803 = vector.shape_cast %reduce_min3A_802 : vector<1x128xf32> to vector<1x1x128xf32>
      %le3A_804 = vector.broadcast %broadcast_in_dim3A_803 : vector<1x1x128xf32> to vector<64x128x128xf32>
      %le3A_805 = arith.cmpf ole, %get3A_797, %le3A_804 : vector<64x128x128xf32>
      %jit3A_806 = arith.constant 1073741824 : i32
      %broadcast_in_dim3A_807 = vector.broadcast %jit3A_806 : i32 to vector<64x128x128xi32>
      %select_n3A_808 = arith.select %le3A_805, %get3A_36, %broadcast_in_dim3A_807 : vector<64x128x128xi1>, vector<64x128x128xi32>
      %reduce_min3A_809 = arith.constant dense<2147483647> : vector<64x128xi32>
      %reduce_min3A_810 = vector.multi_reduction <minsi>, %select_n3A_808, %reduce_min3A_809 [1] : vector<64x128x128xi32> to vector<64x128xi32>
      %broadcast_in_dim3A_811 = vector.shape_cast %reduce_min3A_810 : vector<64x128xi32> to vector<64x1x128xi32>
      %reduce_min3A_812 = arith.constant dense<2147483647> : vector<1x128xi32>
      %reduce_min3A_813 = vector.multi_reduction <minsi>, %broadcast_in_dim3A_811, %reduce_min3A_812 [0] : vector<64x1x128xi32> to vector<1x128xi32>
      %broadcast_in_dim3A_814 = vector.shape_cast %reduce_min3A_813 : vector<1x128xi32> to vector<1x1x128xi32>
      %add3A_815 = vector.broadcast %mul3A_38 : i32 to vector<1x1x128xi32>
      %add3A_816 = arith.addi %broadcast_in_dim3A_814, %add3A_815 : vector<1x1x128xi32>
      %reshape3A_817 = vector.shape_cast %add3A_816 : vector<1x1x128xi32> to vector<1x128xi32>
      %swap3A_818 = arith.constant 0 : index
      %swap3A_819 = arith.constant 3 : index
      %swap3A_820 = arith.constant 0 : index
      %swap3A_821 = vector.load %arg4[%swap3A_818, %swap3A_819, %swap3A_820] : memref<1x16x128xi32, #tpu.memory_space<vmem>>, vector<1x1x128xi32>
      %swap3A_822 = vector.shape_cast %swap3A_821 : vector<1x1x128xi32> to vector<1x128xi32>
      %swap3A_823 = vector.shape_cast %reshape3A_817 : vector<1x128xi32> to vector<1x1x128xi32>
      tpu.vector_store %arg4[%swap3A_818, %swap3A_819, %swap3A_820], %swap3A_823 {strides = array<i32>} : memref<1x16x128xi32, #tpu.memory_space<vmem>>, vector<1x1x128xi32>,
      %eq3A_824 = vector.broadcast %broadcast_in_dim3A_814 : vector<1x1x128xi32> to vector<64x128x128xi32>
      %eq3A_825 = arith.cmpi eq, %get3A_36, %eq3A_824 : vector<64x128x128xi32>
      %jit3A_826 = arith.constant 0x7F800000 : f32
      %broadcast_in_dim3A_827 = vector.broadcast %jit3A_826 : f32 to vector<64x128x128xf32>
      %select_n3A_828 = arith.select %eq3A_825, %broadcast_in_dim3A_827, %get3A_797 : vector<64x128x128xi1>, vector<64x128x128xf32>
      %swap3A_829 = arith.constant 0 : index
      %swap3A_830 = arith.constant 0 : index
      %swap3A_831 = arith.constant 0 : index
      %swap3A_832 = vector.load %arg5[%swap3A_829, %swap3A_830, %swap3A_831] : memref<64x128x128xf32, #tpu.memory_space<vmem>>, vector<64x128x128xf32>
      tpu.vector_store %arg5[%swap3A_829, %swap3A_830, %swap3A_831], %select_n3A_828 {strides = array<i32>} : memref<64x128x128xf32, #tpu.memory_space<vmem>>, vector<64x128x128xf32>,
      %get3A_833 = arith.constant 0 : index
      %get3A_834 = arith.constant 0 : index
      %get3A_835 = arith.constant 0 : index
      %get3A_836 = vector.load %arg5[%get3A_833, %get3A_834, %get3A_835] : memref<64x128x128xf32, #tpu.memory_space<vmem>>, vector<64x128x128xf32>
      %reduce_min3A_837 = arith.constant dense<0x7F800000> : vector<64x128xf32>
      %reduce_min3A_838 = vector.multi_reduction <minimumf>, %get3A_836, %reduce_min3A_837 [1] : vector<64x128x128xf32> to vector<64x128xf32>
      %broadcast_in_dim3A_839 = vector.shape_cast %reduce_min3A_838 : vector<64x128xf32> to vector<64x1x128xf32>
      %reduce_min3A_840 = arith.constant dense<0x7F800000> : vector<1x128xf32>
      %reduce_min3A_841 = vector.multi_reduction <minimumf>, %broadcast_in_dim3A_839, %reduce_min3A_840 [0] : vector<64x1x128xf32> to vector<1x128xf32>
      %broadcast_in_dim3A_842 = vector.shape_cast %reduce_min3A_841 : vector<1x128xf32> to vector<1x1x128xf32>
      %le3A_843 = vector.broadcast %broadcast_in_dim3A_842 : vector<1x1x128xf32> to vector<64x128x128xf32>
      %le3A_844 = arith.cmpf ole, %get3A_836, %le3A_843 : vector<64x128x128xf32>
      %jit3A_845 = arith.constant 1073741824 : i32
      %broadcast_in_dim3A_846 = vector.broadcast %jit3A_845 : i32 to vector<64x128x128xi32>
      %select_n3A_847 = arith.select %le3A_844, %get3A_36, %broadcast_in_dim3A_846 : vector<64x128x128xi1>, vector<64x128x128xi32>
      %reduce_min3A_848 = arith.constant dense<2147483647> : vector<64x128xi32>
      %reduce_min3A_849 = vector.multi_reduction <minsi>, %select_n3A_847, %reduce_min3A_848 [1] : vector<64x128x128xi32> to vector<64x128xi32>
      %broadcast_in_dim3A_850 = vector.shape_cast %reduce_min3A_849 : vector<64x128xi32> to vector<64x1x128xi32>
      %reduce_min3A_851 = arith.constant dense<2147483647> : vector<1x128xi32>
      %reduce_min3A_852 = vector.multi_reduction <minsi>, %broadcast_in_dim3A_850, %reduce_min3A_851 [0] : vector<64x1x128xi32> to vector<1x128xi32>
      %broadcast_in_dim3A_853 = vector.shape_cast %reduce_min3A_852 : vector<1x128xi32> to vector<1x1x128xi32>
      %add3A_854 = vector.broadcast %mul3A_38 : i32 to vector<1x1x128xi32>
      %add3A_855 = arith.addi %broadcast_in_dim3A_853, %add3A_854 : vector<1x1x128xi32>
      %reshape3A_856 = vector.shape_cast %add3A_855 : vector<1x1x128xi32> to vector<1x128xi32>
      %swap3A_857 = arith.constant 0 : index
      %swap3A_858 = arith.constant 4 : index
      %swap3A_859 = arith.constant 0 : index
      %swap3A_860 = vector.load %arg4[%swap3A_857, %swap3A_858, %swap3A_859] : memref<1x16x128xi32, #tpu.memory_space<vmem>>, vector<1x1x128xi32>
      %swap3A_861 = vector.shape_cast %swap3A_860 : vector<1x1x128xi32> to vector<1x128xi32>
      %swap3A_862 = vector.shape_cast %reshape3A_856 : vector<1x128xi32> to vector<1x1x128xi32>
      tpu.vector_store %arg4[%swap3A_857, %swap3A_858, %swap3A_859], %swap3A_862 {strides = array<i32>} : memref<1x16x128xi32, #tpu.memory_space<vmem>>, vector<1x1x128xi32>,
      %eq3A_863 = vector.broadcast %broadcast_in_dim3A_853 : vector<1x1x128xi32> to vector<64x128x128xi32>
      %eq3A_864 = arith.cmpi eq, %get3A_36, %eq3A_863 : vector<64x128x128xi32>
      %jit3A_865 = arith.constant 0x7F800000 : f32
      %broadcast_in_dim3A_866 = vector.broadcast %jit3A_865 : f32 to vector<64x128x128xf32>
      %select_n3A_867 = arith.select %eq3A_864, %broadcast_in_dim3A_866, %get3A_836 : vector<64x128x128xi1>, vector<64x128x128xf32>
      %swap3A_868 = arith.constant 0 : index
      %swap3A_869 = arith.constant 0 : index
      %swap3A_870 = arith.constant 0 : index
      %swap3A_871 = vector.load %arg5[%swap3A_868, %swap3A_869, %swap3A_870] : memref<64x128x128xf32, #tpu.memory_space<vmem>>, vector<64x128x128xf32>
      tpu.vector_store %arg5[%swap3A_868, %swap3A_869, %swap3A_870], %select_n3A_867 {strides = array<i32>} : memref<64x128x128xf32, #tpu.memory_space<vmem>>, vector<64x128x128xf32>,
      %get3A_872 = arith.constant 0 : index
      %get3A_873 = arith.constant 0 : index
      %get3A_874 = arith.constant 0 : index
      %get3A_875 = vector.load %arg5[%get3A_872, %get3A_873, %get3A_874] : memref<64x128x128xf32, #tpu.memory_space<vmem>>, vector<64x128x128xf32>
      %reduce_min3A_876 = arith.constant dense<0x7F800000> : vector<64x128xf32>
      %reduce_min3A_877 = vector.multi_reduction <minimumf>, %get3A_875, %reduce_min3A_876 [1] : vector<64x128x128xf32> to vector<64x128xf32>
      %broadcast_in_dim3A_878 = vector.shape_cast %reduce_min3A_877 : vector<64x128xf32> to vector<64x1x128xf32>
      %reduce_min3A_879 = arith.constant dense<0x7F800000> : vector<1x128xf32>
      %reduce_min3A_880 = vector.multi_reduction <minimumf>, %broadcast_in_dim3A_878, %reduce_min3A_879 [0] : vector<64x1x128xf32> to vector<1x128xf32>
      %broadcast_in_dim3A_881 = vector.shape_cast %reduce_min3A_880 : vector<1x128xf32> to vector<1x1x128xf32>
      %le3A_882 = vector.broadcast %broadcast_in_dim3A_881 : vector<1x1x128xf32> to vector<64x128x128xf32>
      %le3A_883 = arith.cmpf ole, %get3A_875, %le3A_882 : vector<64x128x128xf32>
      %jit3A_884 = arith.constant 1073741824 : i32
      %broadcast_in_dim3A_885 = vector.broadcast %jit3A_884 : i32 to vector<64x128x128xi32>
      %select_n3A_886 = arith.select %le3A_883, %get3A_36, %broadcast_in_dim3A_885 : vector<64x128x128xi1>, vector<64x128x128xi32>
      %reduce_min3A_887 = arith.constant dense<2147483647> : vector<64x128xi32>
      %reduce_min3A_888 = vector.multi_reduction <minsi>, %select_n3A_886, %reduce_min3A_887 [1] : vector<64x128x128xi32> to vector<64x128xi32>
      %broadcast_in_dim3A_889 = vector.shape_cast %reduce_min3A_888 : vector<64x128xi32> to vector<64x1x128xi32>
      %reduce_min3A_890 = arith.constant dense<2147483647> : vector<1x128xi32>
      %reduce_min3A_891 = vector.multi_reduction <minsi>, %broadcast_in_dim3A_889, %reduce_min3A_890 [0] : vector<64x1x128xi32> to vector<1x128xi32>
      %broadcast_in_dim3A_892 = vector.shape_cast %reduce_min3A_891 : vector<1x128xi32> to vector<1x1x128xi32>
      %add3A_893 = vector.broadcast %mul3A_38 : i32 to vector<1x1x128xi32>
      %add3A_894 = arith.addi %broadcast_in_dim3A_892, %add3A_893 : vector<1x1x128xi32>
      %reshape3A_895 = vector.shape_cast %add3A_894 : vector<1x1x128xi32> to vector<1x128xi32>
      %swap3A_896 = arith.constant 0 : index
      %swap3A_897 = arith.constant 5 : index
      %swap3A_898 = arith.constant 0 : index
      %swap3A_899 = vector.load %arg4[%swap3A_896, %swap3A_897, %swap3A_898] : memref<1x16x128xi32, #tpu.memory_space<vmem>>, vector<1x1x128xi32>
      %swap3A_900 = vector.shape_cast %swap3A_899 : vector<1x1x128xi32> to vector<1x128xi32>
      %swap3A_901 = vector.shape_cast %reshape3A_895 : vector<1x128xi32> to vector<1x1x128xi32>
      tpu.vector_store %arg4[%swap3A_896, %swap3A_897, %swap3A_898], %swap3A_901 {strides = array<i32>} : memref<1x16x128xi32, #tpu.memory_space<vmem>>, vector<1x1x128xi32>,
      %eq3A_902 = vector.broadcast %broadcast_in_dim3A_892 : vector<1x1x128xi32> to vector<64x128x128xi32>
      %eq3A_903 = arith.cmpi eq, %get3A_36, %eq3A_902 : vector<64x128x128xi32>
      %jit3A_904 = arith.constant 0x7F800000 : f32
      %broadcast_in_dim3A_905 = vector.broadcast %jit3A_904 : f32 to vector<64x128x128xf32>
      %select_n3A_906 = arith.select %eq3A_903, %broadcast_in_dim3A_905, %get3A_875 : vector<64x128x128xi1>, vector<64x128x128xf32>
      %swap3A_907 = arith.constant 0 : index
      %swap3A_908 = arith.constant 0 : index
      %swap3A_909 = arith.constant 0 : index
      %swap3A_910 = vector.load %arg5[%swap3A_907, %swap3A_908, %swap3A_909] : memref<64x128x128xf32, #tpu.memory_space<vmem>>, vector<64x128x128xf32>
      tpu.vector_store %arg5[%swap3A_907, %swap3A_908, %swap3A_909], %select_n3A_906 {strides = array<i32>} : memref<64x128x128xf32, #tpu.memory_space<vmem>>, vector<64x128x128xf32>,
      %get3A_911 = arith.constant 0 : index
      %get3A_912 = arith.constant 0 : index
      %get3A_913 = arith.constant 0 : index
      %get3A_914 = vector.load %arg5[%get3A_911, %get3A_912, %get3A_913] : memref<64x128x128xf32, #tpu.memory_space<vmem>>, vector<64x128x128xf32>
      %reduce_min3A_915 = arith.constant dense<0x7F800000> : vector<64x128xf32>
      %reduce_min3A_916 = vector.multi_reduction <minimumf>, %get3A_914, %reduce_min3A_915 [1] : vector<64x128x128xf32> to vector<64x128xf32>
      %broadcast_in_dim3A_917 = vector.shape_cast %reduce_min3A_916 : vector<64x128xf32> to vector<64x1x128xf32>
      %reduce_min3A_918 = arith.constant dense<0x7F800000> : vector<1x128xf32>
      %reduce_min3A_919 = vector.multi_reduction <minimumf>, %broadcast_in_dim3A_917, %reduce_min3A_918 [0] : vector<64x1x128xf32> to vector<1x128xf32>
      %broadcast_in_dim3A_920 = vector.shape_cast %reduce_min3A_919 : vector<1x128xf32> to vector<1x1x128xf32>
      %le3A_921 = vector.broadcast %broadcast_in_dim3A_920 : vector<1x1x128xf32> to vector<64x128x128xf32>
      %le3A_922 = arith.cmpf ole, %get3A_914, %le3A_921 : vector<64x128x128xf32>
      %jit3A_923 = arith.constant 1073741824 : i32
      %broadcast_in_dim3A_924 = vector.broadcast %jit3A_923 : i32 to vector<64x128x128xi32>
      %select_n3A_925 = arith.select %le3A_922, %get3A_36, %broadcast_in_dim3A_924 : vector<64x128x128xi1>, vector<64x128x128xi32>
      %reduce_min3A_926 = arith.constant dense<2147483647> : vector<64x128xi32>
      %reduce_min3A_927 = vector.multi_reduction <minsi>, %select_n3A_925, %reduce_min3A_926 [1] : vector<64x128x128xi32> to vector<64x128xi32>
      %broadcast_in_dim3A_928 = vector.shape_cast %reduce_min3A_927 : vector<64x128xi32> to vector<64x1x128xi32>
      %reduce_min3A_929 = arith.constant dense<2147483647> : vector<1x128xi32>
      %reduce_min3A_930 = vector.multi_reduction <minsi>, %broadcast_in_dim3A_928, %reduce_min3A_929 [0] : vector<64x1x128xi32> to vector<1x128xi32>
      %broadcast_in_dim3A_931 = vector.shape_cast %reduce_min3A_930 : vector<1x128xi32> to vector<1x1x128xi32>
      %add3A_932 = vector.broadcast %mul3A_38 : i32 to vector<1x1x128xi32>
      %add3A_933 = arith.addi %broadcast_in_dim3A_931, %add3A_932 : vector<1x1x128xi32>
      %reshape3A_934 = vector.shape_cast %add3A_933 : vector<1x1x128xi32> to vector<1x128xi32>
      %swap3A_935 = arith.constant 0 : index
      %swap3A_936 = arith.constant 6 : index
      %swap3A_937 = arith.constant 0 : index
      %swap3A_938 = vector.load %arg4[%swap3A_935, %swap3A_936, %swap3A_937] : memref<1x16x128xi32, #tpu.memory_space<vmem>>, vector<1x1x128xi32>
      %swap3A_939 = vector.shape_cast %swap3A_938 : vector<1x1x128xi32> to vector<1x128xi32>
      %swap3A_940 = vector.shape_cast %reshape3A_934 : vector<1x128xi32> to vector<1x1x128xi32>
      tpu.vector_store %arg4[%swap3A_935, %swap3A_936, %swap3A_937], %swap3A_940 {strides = array<i32>} : memref<1x16x128xi32, #tpu.memory_space<vmem>>, vector<1x1x128xi32>,
      %eq3A_941 = vector.broadcast %broadcast_in_dim3A_931 : vector<1x1x128xi32> to vector<64x128x128xi32>
      %eq3A_942 = arith.cmpi eq, %get3A_36, %eq3A_941 : vector<64x128x128xi32>
      %jit3A_943 = arith.constant 0x7F800000 : f32
      %broadcast_in_dim3A_944 = vector.broadcast %jit3A_943 : f32 to vector<64x128x128xf32>
      %select_n3A_945 = arith.select %eq3A_942, %broadcast_in_dim3A_944, %get3A_914 : vector<64x128x128xi1>, vector<64x128x128xf32>
      %swap3A_946 = arith.constant 0 : index
      %swap3A_947 = arith.constant 0 : index
      %swap3A_948 = arith.constant 0 : index
      %swap3A_949 = vector.load %arg5[%swap3A_946, %swap3A_947, %swap3A_948] : memref<64x128x128xf32, #tpu.memory_space<vmem>>, vector<64x128x128xf32>
      tpu.vector_store %arg5[%swap3A_946, %swap3A_947, %swap3A_948], %select_n3A_945 {strides = array<i32>} : memref<64x128x128xf32, #tpu.memory_space<vmem>>, vector<64x128x128xf32>,
      %get3A_950 = arith.constant 0 : index
      %get3A_951 = arith.constant 0 : index
      %get3A_952 = arith.constant 0 : index
      %get3A_953 = vector.load %arg5[%get3A_950, %get3A_951, %get3A_952] : memref<64x128x128xf32, #tpu.memory_space<vmem>>, vector<64x128x128xf32>
      %reduce_min3A_954 = arith.constant dense<0x7F800000> : vector<64x128xf32>
      %reduce_min3A_955 = vector.multi_reduction <minimumf>, %get3A_953, %reduce_min3A_954 [1] : vector<64x128x128xf32> to vector<64x128xf32>
      %broadcast_in_dim3A_956 = vector.shape_cast %reduce_min3A_955 : vector<64x128xf32> to vector<64x1x128xf32>
      %reduce_min3A_957 = arith.constant dense<0x7F800000> : vector<1x128xf32>
      %reduce_min3A_958 = vector.multi_reduction <minimumf>, %broadcast_in_dim3A_956, %reduce_min3A_957 [0] : vector<64x1x128xf32> to vector<1x128xf32>
      %broadcast_in_dim3A_959 = vector.shape_cast %reduce_min3A_958 : vector<1x128xf32> to vector<1x1x128xf32>
      %le3A_960 = vector.broadcast %broadcast_in_dim3A_959 : vector<1x1x128xf32> to vector<64x128x128xf32>
      %le3A_961 = arith.cmpf ole, %get3A_953, %le3A_960 : vector<64x128x128xf32>
      %jit3A_962 = arith.constant 1073741824 : i32
      %broadcast_in_dim3A_963 = vector.broadcast %jit3A_962 : i32 to vector<64x128x128xi32>
      %select_n3A_964 = arith.select %le3A_961, %get3A_36, %broadcast_in_dim3A_963 : vector<64x128x128xi1>, vector<64x128x128xi32>
      %reduce_min3A_965 = arith.constant dense<2147483647> : vector<64x128xi32>
      %reduce_min3A_966 = vector.multi_reduction <minsi>, %select_n3A_964, %reduce_min3A_965 [1] : vector<64x128x128xi32> to vector<64x128xi32>
      %broadcast_in_dim3A_967 = vector.shape_cast %reduce_min3A_966 : vector<64x128xi32> to vector<64x1x128xi32>
      %reduce_min3A_968 = arith.constant dense<2147483647> : vector<1x128xi32>
      %reduce_min3A_969 = vector.multi_reduction <minsi>, %broadcast_in_dim3A_967, %reduce_min3A_968 [0] : vector<64x1x128xi32> to vector<1x128xi32>
      %broadcast_in_dim3A_970 = vector.shape_cast %reduce_min3A_969 : vector<1x128xi32> to vector<1x1x128xi32>
      %add3A_971 = vector.broadcast %mul3A_38 : i32 to vector<1x1x128xi32>
      %add3A_972 = arith.addi %broadcast_in_dim3A_970, %add3A_971 : vector<1x1x128xi32>
      %reshape3A_973 = vector.shape_cast %add3A_972 : vector<1x1x128xi32> to vector<1x128xi32>
      %swap3A_974 = arith.constant 0 : index
      %swap3A_975 = arith.constant 7 : index
      %swap3A_976 = arith.constant 0 : index
      %swap3A_977 = vector.load %arg4[%swap3A_974, %swap3A_975, %swap3A_976] : memref<1x16x128xi32, #tpu.memory_space<vmem>>, vector<1x1x128xi32>
      %swap3A_978 = vector.shape_cast %swap3A_977 : vector<1x1x128xi32> to vector<1x128xi32>
      %swap3A_979 = vector.shape_cast %reshape3A_973 : vector<1x128xi32> to vector<1x1x128xi32>
      tpu.vector_store %arg4[%swap3A_974, %swap3A_975, %swap3A_976], %swap3A_979 {strides = array<i32>} : memref<1x16x128xi32, #tpu.memory_space<vmem>>, vector<1x1x128xi32>,
      %eq3A_980 = vector.broadcast %broadcast_in_dim3A_970 : vector<1x1x128xi32> to vector<64x128x128xi32>
      %eq3A_981 = arith.cmpi eq, %get3A_36, %eq3A_980 : vector<64x128x128xi32>
      %jit3A_982 = arith.constant 0x7F800000 : f32
      %broadcast_in_dim3A_983 = vector.broadcast %jit3A_982 : f32 to vector<64x128x128xf32>
      %select_n3A_984 = arith.select %eq3A_981, %broadcast_in_dim3A_983, %get3A_953 : vector<64x128x128xi1>, vector<64x128x128xf32>
      %swap3A_985 = arith.constant 0 : index
      %swap3A_986 = arith.constant 0 : index
      %swap3A_987 = arith.constant 0 : index
      %swap3A_988 = vector.load %arg5[%swap3A_985, %swap3A_986, %swap3A_987] : memref<64x128x128xf32, #tpu.memory_space<vmem>>, vector<64x128x128xf32>
      tpu.vector_store %arg5[%swap3A_985, %swap3A_986, %swap3A_987], %select_n3A_984 {strides = array<i32>} : memref<64x128x128xf32, #tpu.memory_space<vmem>>, vector<64x128x128xf32>,
      %get3A_989 = arith.constant 0 : index
      %get3A_990 = arith.constant 0 : index
      %get3A_991 = arith.constant 0 : index
      %get3A_992 = vector.load %arg5[%get3A_989, %get3A_990, %get3A_991] : memref<64x128x128xf32, #tpu.memory_space<vmem>>, vector<64x128x128xf32>
      %reduce_min3A_993 = arith.constant dense<0x7F800000> : vector<64x128xf32>
      %reduce_min3A_994 = vector.multi_reduction <minimumf>, %get3A_992, %reduce_min3A_993 [1] : vector<64x128x128xf32> to vector<64x128xf32>
      %broadcast_in_dim3A_995 = vector.shape_cast %reduce_min3A_994 : vector<64x128xf32> to vector<64x1x128xf32>
      %reduce_min3A_996 = arith.constant dense<0x7F800000> : vector<1x128xf32>
      %reduce_min3A_997 = vector.multi_reduction <minimumf>, %broadcast_in_dim3A_995, %reduce_min3A_996 [0] : vector<64x1x128xf32> to vector<1x128xf32>
      %broadcast_in_dim3A_998 = vector.shape_cast %reduce_min3A_997 : vector<1x128xf32> to vector<1x1x128xf32>
      %le3A_999 = vector.broadcast %broadcast_in_dim3A_998 : vector<1x1x128xf32> to vector<64x128x128xf32>
      %le3A_1000 = arith.cmpf ole, %get3A_992, %le3A_999 : vector<64x128x128xf32>
      %jit3A_1001 = arith.constant 1073741824 : i32
      %broadcast_in_dim3A_1002 = vector.broadcast %jit3A_1001 : i32 to vector<64x128x128xi32>
      %select_n3A_1003 = arith.select %le3A_1000, %get3A_36, %broadcast_in_dim3A_1002 : vector<64x128x128xi1>, vector<64x128x128xi32>
      %reduce_min3A_1004 = arith.constant dense<2147483647> : vector<64x128xi32>
      %reduce_min3A_1005 = vector.multi_reduction <minsi>, %select_n3A_1003, %reduce_min3A_1004 [1] : vector<64x128x128xi32> to vector<64x128xi32>
      %broadcast_in_dim3A_1006 = vector.shape_cast %reduce_min3A_1005 : vector<64x128xi32> to vector<64x1x128xi32>
      %reduce_min3A_1007 = arith.constant dense<2147483647> : vector<1x128xi32>
      %reduce_min3A_1008 = vector.multi_reduction <minsi>, %broadcast_in_dim3A_1006, %reduce_min3A_1007 [0] : vector<64x1x128xi32> to vector<1x128xi32>
      %broadcast_in_dim3A_1009 = vector.shape_cast %reduce_min3A_1008 : vector<1x128xi32> to vector<1x1x128xi32>
      %add3A_1010 = vector.broadcast %mul3A_38 : i32 to vector<1x1x128xi32>
      %add3A_1011 = arith.addi %broadcast_in_dim3A_1009, %add3A_1010 : vector<1x1x128xi32>
      %reshape3A_1012 = vector.shape_cast %add3A_1011 : vector<1x1x128xi32> to vector<1x128xi32>
      %swap3A_1013 = arith.constant 0 : index
      %swap3A_1014 = arith.constant 8 : index
      %swap3A_1015 = arith.constant 0 : index
      %swap3A_1016 = vector.load %arg4[%swap3A_1013, %swap3A_1014, %swap3A_1015] : memref<1x16x128xi32, #tpu.memory_space<vmem>>, vector<1x1x128xi32>
      %swap3A_1017 = vector.shape_cast %swap3A_1016 : vector<1x1x128xi32> to vector<1x128xi32>
      %swap3A_1018 = vector.shape_cast %reshape3A_1012 : vector<1x128xi32> to vector<1x1x128xi32>
      tpu.vector_store %arg4[%swap3A_1013, %swap3A_1014, %swap3A_1015], %swap3A_1018 {strides = array<i32>} : memref<1x16x128xi32, #tpu.memory_space<vmem>>, vector<1x1x128xi32>,
      %eq3A_1019 = vector.broadcast %broadcast_in_dim3A_1009 : vector<1x1x128xi32> to vector<64x128x128xi32>
      %eq3A_1020 = arith.cmpi eq, %get3A_36, %eq3A_1019 : vector<64x128x128xi32>
      %jit3A_1021 = arith.constant 0x7F800000 : f32
      %broadcast_in_dim3A_1022 = vector.broadcast %jit3A_1021 : f32 to vector<64x128x128xf32>
      %select_n3A_1023 = arith.select %eq3A_1020, %broadcast_in_dim3A_1022, %get3A_992 : vector<64x128x128xi1>, vector<64x128x128xf32>
      %swap3A_1024 = arith.constant 0 : index
      %swap3A_1025 = arith.constant 0 : index
      %swap3A_1026 = arith.constant 0 : index
      %swap3A_1027 = vector.load %arg5[%swap3A_1024, %swap3A_1025, %swap3A_1026] : memref<64x128x128xf32, #tpu.memory_space<vmem>>, vector<64x128x128xf32>
      tpu.vector_store %arg5[%swap3A_1024, %swap3A_1025, %swap3A_1026], %select_n3A_1023 {strides = array<i32>} : memref<64x128x128xf32, #tpu.memory_space<vmem>>, vector<64x128x128xf32>,
      %get3A_1028 = arith.constant 0 : index
      %get3A_1029 = arith.constant 0 : index
      %get3A_1030 = arith.constant 0 : index
      %get3A_1031 = vector.load %arg5[%get3A_1028, %get3A_1029, %get3A_1030] : memref<64x128x128xf32, #tpu.memory_space<vmem>>, vector<64x128x128xf32>
      %reduce_min3A_1032 = arith.constant dense<0x7F800000> : vector<64x128xf32>
      %reduce_min3A_1033 = vector.multi_reduction <minimumf>, %get3A_1031, %reduce_min3A_1032 [1] : vector<64x128x128xf32> to vector<64x128xf32>
      %broadcast_in_dim3A_1034 = vector.shape_cast %reduce_min3A_1033 : vector<64x128xf32> to vector<64x1x128xf32>
      %reduce_min3A_1035 = arith.constant dense<0x7F800000> : vector<1x128xf32>
      %reduce_min3A_1036 = vector.multi_reduction <minimumf>, %broadcast_in_dim3A_1034, %reduce_min3A_1035 [0] : vector<64x1x128xf32> to vector<1x128xf32>
      %broadcast_in_dim3A_1037 = vector.shape_cast %reduce_min3A_1036 : vector<1x128xf32> to vector<1x1x128xf32>
      %le3A_1038 = vector.broadcast %broadcast_in_dim3A_1037 : vector<1x1x128xf32> to vector<64x128x128xf32>
      %le3A_1039 = arith.cmpf ole, %get3A_1031, %le3A_1038 : vector<64x128x128xf32>
      %jit3A_1040 = arith.constant 1073741824 : i32
      %broadcast_in_dim3A_1041 = vector.broadcast %jit3A_1040 : i32 to vector<64x128x128xi32>
      %select_n3A_1042 = arith.select %le3A_1039, %get3A_36, %broadcast_in_dim3A_1041 : vector<64x128x128xi1>, vector<64x128x128xi32>
      %reduce_min3A_1043 = arith.constant dense<2147483647> : vector<64x128xi32>
      %reduce_min3A_1044 = vector.multi_reduction <minsi>, %select_n3A_1042, %reduce_min3A_1043 [1] : vector<64x128x128xi32> to vector<64x128xi32>
      %broadcast_in_dim3A_1045 = vector.shape_cast %reduce_min3A_1044 : vector<64x128xi32> to vector<64x1x128xi32>
      %reduce_min3A_1046 = arith.constant dense<2147483647> : vector<1x128xi32>
      %reduce_min3A_1047 = vector.multi_reduction <minsi>, %broadcast_in_dim3A_1045, %reduce_min3A_1046 [0] : vector<64x1x128xi32> to vector<1x128xi32>
      %broadcast_in_dim3A_1048 = vector.shape_cast %reduce_min3A_1047 : vector<1x128xi32> to vector<1x1x128xi32>
      %add3A_1049 = vector.broadcast %mul3A_38 : i32 to vector<1x1x128xi32>
      %add3A_1050 = arith.addi %broadcast_in_dim3A_1048, %add3A_1049 : vector<1x1x128xi32>
      %reshape3A_1051 = vector.shape_cast %add3A_1050 : vector<1x1x128xi32> to vector<1x128xi32>
      %swap3A_1052 = arith.constant 0 : index
      %swap3A_1053 = arith.constant 9 : index
      %swap3A_1054 = arith.constant 0 : index
      %swap3A_1055 = vector.load %arg4[%swap3A_1052, %swap3A_1053, %swap3A_1054] : memref<1x16x128xi32, #tpu.memory_space<vmem>>, vector<1x1x128xi32>
      %swap3A_1056 = vector.shape_cast %swap3A_1055 : vector<1x1x128xi32> to vector<1x128xi32>
      %swap3A_1057 = vector.shape_cast %reshape3A_1051 : vector<1x128xi32> to vector<1x1x128xi32>
      tpu.vector_store %arg4[%swap3A_1052, %swap3A_1053, %swap3A_1054], %swap3A_1057 {strides = array<i32>} : memref<1x16x128xi32, #tpu.memory_space<vmem>>, vector<1x1x128xi32>,
      %eq3A_1058 = vector.broadcast %broadcast_in_dim3A_1048 : vector<1x1x128xi32> to vector<64x128x128xi32>
      %eq3A_1059 = arith.cmpi eq, %get3A_36, %eq3A_1058 : vector<64x128x128xi32>
      %jit3A_1060 = arith.constant 0x7F800000 : f32
      %broadcast_in_dim3A_1061 = vector.broadcast %jit3A_1060 : f32 to vector<64x128x128xf32>
      %select_n3A_1062 = arith.select %eq3A_1059, %broadcast_in_dim3A_1061, %get3A_1031 : vector<64x128x128xi1>, vector<64x128x128xf32>
      %swap3A_1063 = arith.constant 0 : index
      %swap3A_1064 = arith.constant 0 : index
      %swap3A_1065 = arith.constant 0 : index
      %swap3A_1066 = vector.load %arg5[%swap3A_1063, %swap3A_1064, %swap3A_1065] : memref<64x128x128xf32, #tpu.memory_space<vmem>>, vector<64x128x128xf32>
      tpu.vector_store %arg5[%swap3A_1063, %swap3A_1064, %swap3A_1065], %select_n3A_1062 {strides = array<i32>} : memref<64x128x128xf32, #tpu.memory_space<vmem>>, vector<64x128x128xf32>,
      %get3A_1067 = arith.constant 0 : index
      %get3A_1068 = arith.constant 0 : index
      %get3A_1069 = arith.constant 0 : index
      %get3A_1070 = vector.load %arg5[%get3A_1067, %get3A_1068, %get3A_1069] : memref<64x128x128xf32, #tpu.memory_space<vmem>>, vector<64x128x128xf32>
      %reduce_min3A_1071 = arith.constant dense<0x7F800000> : vector<64x128xf32>
      %reduce_min3A_1072 = vector.multi_reduction <minimumf>, %get3A_1070, %reduce_min3A_1071 [1] : vector<64x128x128xf32> to vector<64x128xf32>
      %broadcast_in_dim3A_1073 = vector.shape_cast %reduce_min3A_1072 : vector<64x128xf32> to vector<64x1x128xf32>
      %reduce_min3A_1074 = arith.constant dense<0x7F800000> : vector<1x128xf32>
      %reduce_min3A_1075 = vector.multi_reduction <minimumf>, %broadcast_in_dim3A_1073, %reduce_min3A_1074 [0] : vector<64x1x128xf32> to vector<1x128xf32>
      %broadcast_in_dim3A_1076 = vector.shape_cast %reduce_min3A_1075 : vector<1x128xf32> to vector<1x1x128xf32>
      %le3A_1077 = vector.broadcast %broadcast_in_dim3A_1076 : vector<1x1x128xf32> to vector<64x128x128xf32>
      %le3A_1078 = arith.cmpf ole, %get3A_1070, %le3A_1077 : vector<64x128x128xf32>
      %jit3A_1079 = arith.constant 1073741824 : i32
      %broadcast_in_dim3A_1080 = vector.broadcast %jit3A_1079 : i32 to vector<64x128x128xi32>
      %select_n3A_1081 = arith.select %le3A_1078, %get3A_36, %broadcast_in_dim3A_1080 : vector<64x128x128xi1>, vector<64x128x128xi32>
      %reduce_min3A_1082 = arith.constant dense<2147483647> : vector<64x128xi32>
      %reduce_min3A_1083 = vector.multi_reduction <minsi>, %select_n3A_1081, %reduce_min3A_1082 [1] : vector<64x128x128xi32> to vector<64x128xi32>
      %broadcast_in_dim3A_1084 = vector.shape_cast %reduce_min3A_1083 : vector<64x128xi32> to vector<64x1x128xi32>
      %reduce_min3A_1085 = arith.constant dense<2147483647> : vector<1x128xi32>
      %reduce_min3A_1086 = vector.multi_reduction <minsi>, %broadcast_in_dim3A_1084, %reduce_min3A_1085 [0] : vector<64x1x128xi32> to vector<1x128xi32>
      %broadcast_in_dim3A_1087 = vector.shape_cast %reduce_min3A_1086 : vector<1x128xi32> to vector<1x1x128xi32>
      %add3A_1088 = vector.broadcast %mul3A_38 : i32 to vector<1x1x128xi32>
      %add3A_1089 = arith.addi %broadcast_in_dim3A_1087, %add3A_1088 : vector<1x1x128xi32>
      %reshape3A_1090 = vector.shape_cast %add3A_1089 : vector<1x1x128xi32> to vector<1x128xi32>
      %swap3A_1091 = arith.constant 0 : index
      %swap3A_1092 = arith.constant 10 : index
      %swap3A_1093 = arith.constant 0 : index
      %swap3A_1094 = vector.load %arg4[%swap3A_1091, %swap3A_1092, %swap3A_1093] : memref<1x16x128xi32, #tpu.memory_space<vmem>>, vector<1x1x128xi32>
      %swap3A_1095 = vector.shape_cast %swap3A_1094 : vector<1x1x128xi32> to vector<1x128xi32>
      %swap3A_1096 = vector.shape_cast %reshape3A_1090 : vector<1x128xi32> to vector<1x1x128xi32>
      tpu.vector_store %arg4[%swap3A_1091, %swap3A_1092, %swap3A_1093], %swap3A_1096 {strides = array<i32>} : memref<1x16x128xi32, #tpu.memory_space<vmem>>, vector<1x1x128xi32>,
      %eq3A_1097 = vector.broadcast %broadcast_in_dim3A_1087 : vector<1x1x128xi32> to vector<64x128x128xi32>
      %eq3A_1098 = arith.cmpi eq, %get3A_36, %eq3A_1097 : vector<64x128x128xi32>
      %jit3A_1099 = arith.constant 0x7F800000 : f32
      %broadcast_in_dim3A_1100 = vector.broadcast %jit3A_1099 : f32 to vector<64x128x128xf32>
      %select_n3A_1101 = arith.select %eq3A_1098, %broadcast_in_dim3A_1100, %get3A_1070 : vector<64x128x128xi1>, vector<64x128x128xf32>
      %swap3A_1102 = arith.constant 0 : index
      %swap3A_1103 = arith.constant 0 : index
      %swap3A_1104 = arith.constant 0 : index
      %swap3A_1105 = vector.load %arg5[%swap3A_1102, %swap3A_1103, %swap3A_1104] : memref<64x128x128xf32, #tpu.memory_space<vmem>>, vector<64x128x128xf32>
      tpu.vector_store %arg5[%swap3A_1102, %swap3A_1103, %swap3A_1104], %select_n3A_1101 {strides = array<i32>} : memref<64x128x128xf32, #tpu.memory_space<vmem>>, vector<64x128x128xf32>,
      %get3A_1106 = arith.constant 0 : index
      %get3A_1107 = arith.constant 0 : index
      %get3A_1108 = arith.constant 0 : index
      %get3A_1109 = vector.load %arg5[%get3A_1106, %get3A_1107, %get3A_1108] : memref<64x128x128xf32, #tpu.memory_space<vmem>>, vector<64x128x128xf32>
      %reduce_min3A_1110 = arith.constant dense<0x7F800000> : vector<64x128xf32>
      %reduce_min3A_1111 = vector.multi_reduction <minimumf>, %get3A_1109, %reduce_min3A_1110 [1] : vector<64x128x128xf32> to vector<64x128xf32>
      %broadcast_in_dim3A_1112 = vector.shape_cast %reduce_min3A_1111 : vector<64x128xf32> to vector<64x1x128xf32>
      %reduce_min3A_1113 = arith.constant dense<0x7F800000> : vector<1x128xf32>
      %reduce_min3A_1114 = vector.multi_reduction <minimumf>, %broadcast_in_dim3A_1112, %reduce_min3A_1113 [0] : vector<64x1x128xf32> to vector<1x128xf32>
      %broadcast_in_dim3A_1115 = vector.shape_cast %reduce_min3A_1114 : vector<1x128xf32> to vector<1x1x128xf32>
      %le3A_1116 = vector.broadcast %broadcast_in_dim3A_1115 : vector<1x1x128xf32> to vector<64x128x128xf32>
      %le3A_1117 = arith.cmpf ole, %get3A_1109, %le3A_1116 : vector<64x128x128xf32>
      %jit3A_1118 = arith.constant 1073741824 : i32
      %broadcast_in_dim3A_1119 = vector.broadcast %jit3A_1118 : i32 to vector<64x128x128xi32>
      %select_n3A_1120 = arith.select %le3A_1117, %get3A_36, %broadcast_in_dim3A_1119 : vector<64x128x128xi1>, vector<64x128x128xi32>
      %reduce_min3A_1121 = arith.constant dense<2147483647> : vector<64x128xi32>
      %reduce_min3A_1122 = vector.multi_reduction <minsi>, %select_n3A_1120, %reduce_min3A_1121 [1] : vector<64x128x128xi32> to vector<64x128xi32>
      %broadcast_in_dim3A_1123 = vector.shape_cast %reduce_min3A_1122 : vector<64x128xi32> to vector<64x1x128xi32>
      %reduce_min3A_1124 = arith.constant dense<2147483647> : vector<1x128xi32>
      %reduce_min3A_1125 = vector.multi_reduction <minsi>, %broadcast_in_dim3A_1123, %reduce_min3A_1124 [0] : vector<64x1x128xi32> to vector<1x128xi32>
      %broadcast_in_dim3A_1126 = vector.shape_cast %reduce_min3A_1125 : vector<1x128xi32> to vector<1x1x128xi32>
      %add3A_1127 = vector.broadcast %mul3A_38 : i32 to vector<1x1x128xi32>
      %add3A_1128 = arith.addi %broadcast_in_dim3A_1126, %add3A_1127 : vector<1x1x128xi32>
      %reshape3A_1129 = vector.shape_cast %add3A_1128 : vector<1x1x128xi32> to vector<1x128xi32>
      %swap3A_1130 = arith.constant 0 : index
      %swap3A_1131 = arith.constant 11 : index
      %swap3A_1132 = arith.constant 0 : index
      %swap3A_1133 = vector.load %arg4[%swap3A_1130, %swap3A_1131, %swap3A_1132] : memref<1x16x128xi32, #tpu.memory_space<vmem>>, vector<1x1x128xi32>
      %swap3A_1134 = vector.shape_cast %swap3A_1133 : vector<1x1x128xi32> to vector<1x128xi32>
      %swap3A_1135 = vector.shape_cast %reshape3A_1129 : vector<1x128xi32> to vector<1x1x128xi32>
      tpu.vector_store %arg4[%swap3A_1130, %swap3A_1131, %swap3A_1132], %swap3A_1135 {strides = array<i32>} : memref<1x16x128xi32, #tpu.memory_space<vmem>>, vector<1x1x128xi32>,
      %eq3A_1136 = vector.broadcast %broadcast_in_dim3A_1126 : vector<1x1x128xi32> to vector<64x128x128xi32>
      %eq3A_1137 = arith.cmpi eq, %get3A_36, %eq3A_1136 : vector<64x128x128xi32>
      %jit3A_1138 = arith.constant 0x7F800000 : f32
      %broadcast_in_dim3A_1139 = vector.broadcast %jit3A_1138 : f32 to vector<64x128x128xf32>
      %select_n3A_1140 = arith.select %eq3A_1137, %broadcast_in_dim3A_1139, %get3A_1109 : vector<64x128x128xi1>, vector<64x128x128xf32>
      %swap3A_1141 = arith.constant 0 : index
      %swap3A_1142 = arith.constant 0 : index
      %swap3A_1143 = arith.constant 0 : index
      %swap3A_1144 = vector.load %arg5[%swap3A_1141, %swap3A_1142, %swap3A_1143] : memref<64x128x128xf32, #tpu.memory_space<vmem>>, vector<64x128x128xf32>
      tpu.vector_store %arg5[%swap3A_1141, %swap3A_1142, %swap3A_1143], %select_n3A_1140 {strides = array<i32>} : memref<64x128x128xf32, #tpu.memory_space<vmem>>, vector<64x128x128xf32>,
      %get3A_1145 = arith.constant 0 : index
      %get3A_1146 = arith.constant 0 : index
      %get3A_1147 = arith.constant 0 : index
      %get3A_1148 = vector.load %arg5[%get3A_1145, %get3A_1146, %get3A_1147] : memref<64x128x128xf32, #tpu.memory_space<vmem>>, vector<64x128x128xf32>
      %reduce_min3A_1149 = arith.constant dense<0x7F800000> : vector<64x128xf32>
      %reduce_min3A_1150 = vector.multi_reduction <minimumf>, %get3A_1148, %reduce_min3A_1149 [1] : vector<64x128x128xf32> to vector<64x128xf32>
      %broadcast_in_dim3A_1151 = vector.shape_cast %reduce_min3A_1150 : vector<64x128xf32> to vector<64x1x128xf32>
      %reduce_min3A_1152 = arith.constant dense<0x7F800000> : vector<1x128xf32>
      %reduce_min3A_1153 = vector.multi_reduction <minimumf>, %broadcast_in_dim3A_1151, %reduce_min3A_1152 [0] : vector<64x1x128xf32> to vector<1x128xf32>
      %broadcast_in_dim3A_1154 = vector.shape_cast %reduce_min3A_1153 : vector<1x128xf32> to vector<1x1x128xf32>
      %le3A_1155 = vector.broadcast %broadcast_in_dim3A_1154 : vector<1x1x128xf32> to vector<64x128x128xf32>
      %le3A_1156 = arith.cmpf ole, %get3A_1148, %le3A_1155 : vector<64x128x128xf32>
      %jit3A_1157 = arith.constant 1073741824 : i32
      %broadcast_in_dim3A_1158 = vector.broadcast %jit3A_1157 : i32 to vector<64x128x128xi32>
      %select_n3A_1159 = arith.select %le3A_1156, %get3A_36, %broadcast_in_dim3A_1158 : vector<64x128x128xi1>, vector<64x128x128xi32>
      %reduce_min3A_1160 = arith.constant dense<2147483647> : vector<64x128xi32>
      %reduce_min3A_1161 = vector.multi_reduction <minsi>, %select_n3A_1159, %reduce_min3A_1160 [1] : vector<64x128x128xi32> to vector<64x128xi32>
      %broadcast_in_dim3A_1162 = vector.shape_cast %reduce_min3A_1161 : vector<64x128xi32> to vector<64x1x128xi32>
      %reduce_min3A_1163 = arith.constant dense<2147483647> : vector<1x128xi32>
      %reduce_min3A_1164 = vector.multi_reduction <minsi>, %broadcast_in_dim3A_1162, %reduce_min3A_1163 [0] : vector<64x1x128xi32> to vector<1x128xi32>
      %broadcast_in_dim3A_1165 = vector.shape_cast %reduce_min3A_1164 : vector<1x128xi32> to vector<1x1x128xi32>
      %add3A_1166 = vector.broadcast %mul3A_38 : i32 to vector<1x1x128xi32>
      %add3A_1167 = arith.addi %broadcast_in_dim3A_1165, %add3A_1166 : vector<1x1x128xi32>
      %reshape3A_1168 = vector.shape_cast %add3A_1167 : vector<1x1x128xi32> to vector<1x128xi32>
      %swap3A_1169 = arith.constant 0 : index
      %swap3A_1170 = arith.constant 12 : index
      %swap3A_1171 = arith.constant 0 : index
      %swap3A_1172 = vector.load %arg4[%swap3A_1169, %swap3A_1170, %swap3A_1171] : memref<1x16x128xi32, #tpu.memory_space<vmem>>, vector<1x1x128xi32>
      %swap3A_1173 = vector.shape_cast %swap3A_1172 : vector<1x1x128xi32> to vector<1x128xi32>
      %swap3A_1174 = vector.shape_cast %reshape3A_1168 : vector<1x128xi32> to vector<1x1x128xi32>
      tpu.vector_store %arg4[%swap3A_1169, %swap3A_1170, %swap3A_1171], %swap3A_1174 {strides = array<i32>} : memref<1x16x128xi32, #tpu.memory_space<vmem>>, vector<1x1x128xi32>,
      %eq3A_1175 = vector.broadcast %broadcast_in_dim3A_1165 : vector<1x1x128xi32> to vector<64x128x128xi32>
      %eq3A_1176 = arith.cmpi eq, %get3A_36, %eq3A_1175 : vector<64x128x128xi32>
      %jit3A_1177 = arith.constant 0x7F800000 : f32
      %broadcast_in_dim3A_1178 = vector.broadcast %jit3A_1177 : f32 to vector<64x128x128xf32>
      %select_n3A_1179 = arith.select %eq3A_1176, %broadcast_in_dim3A_1178, %get3A_1148 : vector<64x128x128xi1>, vector<64x128x128xf32>
      %swap3A_1180 = arith.constant 0 : index
      %swap3A_1181 = arith.constant 0 : index
      %swap3A_1182 = arith.constant 0 : index
      %swap3A_1183 = vector.load %arg5[%swap3A_1180, %swap3A_1181, %swap3A_1182] : memref<64x128x128xf32, #tpu.memory_space<vmem>>, vector<64x128x128xf32>
      tpu.vector_store %arg5[%swap3A_1180, %swap3A_1181, %swap3A_1182], %select_n3A_1179 {strides = array<i32>} : memref<64x128x128xf32, #tpu.memory_space<vmem>>, vector<64x128x128xf32>,
      %get3A_1184 = arith.constant 0 : index
      %get3A_1185 = arith.constant 0 : index
      %get3A_1186 = arith.constant 0 : index
      %get3A_1187 = vector.load %arg5[%get3A_1184, %get3A_1185, %get3A_1186] : memref<64x128x128xf32, #tpu.memory_space<vmem>>, vector<64x128x128xf32>
      %reduce_min3A_1188 = arith.constant dense<0x7F800000> : vector<64x128xf32>
      %reduce_min3A_1189 = vector.multi_reduction <minimumf>, %get3A_1187, %reduce_min3A_1188 [1] : vector<64x128x128xf32> to vector<64x128xf32>
      %broadcast_in_dim3A_1190 = vector.shape_cast %reduce_min3A_1189 : vector<64x128xf32> to vector<64x1x128xf32>
      %reduce_min3A_1191 = arith.constant dense<0x7F800000> : vector<1x128xf32>
      %reduce_min3A_1192 = vector.multi_reduction <minimumf>, %broadcast_in_dim3A_1190, %reduce_min3A_1191 [0] : vector<64x1x128xf32> to vector<1x128xf32>
      %broadcast_in_dim3A_1193 = vector.shape_cast %reduce_min3A_1192 : vector<1x128xf32> to vector<1x1x128xf32>
      %le3A_1194 = vector.broadcast %broadcast_in_dim3A_1193 : vector<1x1x128xf32> to vector<64x128x128xf32>
      %le3A_1195 = arith.cmpf ole, %get3A_1187, %le3A_1194 : vector<64x128x128xf32>
      %jit3A_1196 = arith.constant 1073741824 : i32
      %broadcast_in_dim3A_1197 = vector.broadcast %jit3A_1196 : i32 to vector<64x128x128xi32>
      %select_n3A_1198 = arith.select %le3A_1195, %get3A_36, %broadcast_in_dim3A_1197 : vector<64x128x128xi1>, vector<64x128x128xi32>
      %reduce_min3A_1199 = arith.constant dense<2147483647> : vector<64x128xi32>
      %reduce_min3A_1200 = vector.multi_reduction <minsi>, %select_n3A_1198, %reduce_min3A_1199 [1] : vector<64x128x128xi32> to vector<64x128xi32>
      %broadcast_in_dim3A_1201 = vector.shape_cast %reduce_min3A_1200 : vector<64x128xi32> to vector<64x1x128xi32>
      %reduce_min3A_1202 = arith.constant dense<2147483647> : vector<1x128xi32>
      %reduce_min3A_1203 = vector.multi_reduction <minsi>, %broadcast_in_dim3A_1201, %reduce_min3A_1202 [0] : vector<64x1x128xi32> to vector<1x128xi32>
      %broadcast_in_dim3A_1204 = vector.shape_cast %reduce_min3A_1203 : vector<1x128xi32> to vector<1x1x128xi32>
      %add3A_1205 = vector.broadcast %mul3A_38 : i32 to vector<1x1x128xi32>
      %add3A_1206 = arith.addi %broadcast_in_dim3A_1204, %add3A_1205 : vector<1x1x128xi32>
      %reshape3A_1207 = vector.shape_cast %add3A_1206 : vector<1x1x128xi32> to vector<1x128xi32>
      %swap3A_1208 = arith.constant 0 : index
      %swap3A_1209 = arith.constant 13 : index
      %swap3A_1210 = arith.constant 0 : index
      %swap3A_1211 = vector.load %arg4[%swap3A_1208, %swap3A_1209, %swap3A_1210] : memref<1x16x128xi32, #tpu.memory_space<vmem>>, vector<1x1x128xi32>
      %swap3A_1212 = vector.shape_cast %swap3A_1211 : vector<1x1x128xi32> to vector<1x128xi32>
      %swap3A_1213 = vector.shape_cast %reshape3A_1207 : vector<1x128xi32> to vector<1x1x128xi32>
      tpu.vector_store %arg4[%swap3A_1208, %swap3A_1209, %swap3A_1210], %swap3A_1213 {strides = array<i32>} : memref<1x16x128xi32, #tpu.memory_space<vmem>>, vector<1x1x128xi32>,
      %eq3A_1214 = vector.broadcast %broadcast_in_dim3A_1204 : vector<1x1x128xi32> to vector<64x128x128xi32>
      %eq3A_1215 = arith.cmpi eq, %get3A_36, %eq3A_1214 : vector<64x128x128xi32>
      %jit3A_1216 = arith.constant 0x7F800000 : f32
      %broadcast_in_dim3A_1217 = vector.broadcast %jit3A_1216 : f32 to vector<64x128x128xf32>
      %select_n3A_1218 = arith.select %eq3A_1215, %broadcast_in_dim3A_1217, %get3A_1187 : vector<64x128x128xi1>, vector<64x128x128xf32>
      %swap3A_1219 = arith.constant 0 : index
      %swap3A_1220 = arith.constant 0 : index
      %swap3A_1221 = arith.constant 0 : index
      %swap3A_1222 = vector.load %arg5[%swap3A_1219, %swap3A_1220, %swap3A_1221] : memref<64x128x128xf32, #tpu.memory_space<vmem>>, vector<64x128x128xf32>
      tpu.vector_store %arg5[%swap3A_1219, %swap3A_1220, %swap3A_1221], %select_n3A_1218 {strides = array<i32>} : memref<64x128x128xf32, #tpu.memory_space<vmem>>, vector<64x128x128xf32>,
      %get3A_1223 = arith.constant 0 : index
      %get3A_1224 = arith.constant 0 : index
      %get3A_1225 = arith.constant 0 : index
      %get3A_1226 = vector.load %arg5[%get3A_1223, %get3A_1224, %get3A_1225] : memref<64x128x128xf32, #tpu.memory_space<vmem>>, vector<64x128x128xf32>
      %reduce_min3A_1227 = arith.constant dense<0x7F800000> : vector<64x128xf32>
      %reduce_min3A_1228 = vector.multi_reduction <minimumf>, %get3A_1226, %reduce_min3A_1227 [1] : vector<64x128x128xf32> to vector<64x128xf32>
      %broadcast_in_dim3A_1229 = vector.shape_cast %reduce_min3A_1228 : vector<64x128xf32> to vector<64x1x128xf32>
      %reduce_min3A_1230 = arith.constant dense<0x7F800000> : vector<1x128xf32>
      %reduce_min3A_1231 = vector.multi_reduction <minimumf>, %broadcast_in_dim3A_1229, %reduce_min3A_1230 [0] : vector<64x1x128xf32> to vector<1x128xf32>
      %broadcast_in_dim3A_1232 = vector.shape_cast %reduce_min3A_1231 : vector<1x128xf32> to vector<1x1x128xf32>
      %le3A_1233 = vector.broadcast %broadcast_in_dim3A_1232 : vector<1x1x128xf32> to vector<64x128x128xf32>
      %le3A_1234 = arith.cmpf ole, %get3A_1226, %le3A_1233 : vector<64x128x128xf32>
      %jit3A_1235 = arith.constant 1073741824 : i32
      %broadcast_in_dim3A_1236 = vector.broadcast %jit3A_1235 : i32 to vector<64x128x128xi32>
      %select_n3A_1237 = arith.select %le3A_1234, %get3A_36, %broadcast_in_dim3A_1236 : vector<64x128x128xi1>, vector<64x128x128xi32>
      %reduce_min3A_1238 = arith.constant dense<2147483647> : vector<64x128xi32>
      %reduce_min3A_1239 = vector.multi_reduction <minsi>, %select_n3A_1237, %reduce_min3A_1238 [1] : vector<64x128x128xi32> to vector<64x128xi32>
      %broadcast_in_dim3A_1240 = vector.shape_cast %reduce_min3A_1239 : vector<64x128xi32> to vector<64x1x128xi32>
      %reduce_min3A_1241 = arith.constant dense<2147483647> : vector<1x128xi32>
      %reduce_min3A_1242 = vector.multi_reduction <minsi>, %broadcast_in_dim3A_1240, %reduce_min3A_1241 [0] : vector<64x1x128xi32> to vector<1x128xi32>
      %broadcast_in_dim3A_1243 = vector.shape_cast %reduce_min3A_1242 : vector<1x128xi32> to vector<1x1x128xi32>
      %add3A_1244 = vector.broadcast %mul3A_38 : i32 to vector<1x1x128xi32>
      %add3A_1245 = arith.addi %broadcast_in_dim3A_1243, %add3A_1244 : vector<1x1x128xi32>
      %reshape3A_1246 = vector.shape_cast %add3A_1245 : vector<1x1x128xi32> to vector<1x128xi32>
      %swap3A_1247 = arith.constant 0 : index
      %swap3A_1248 = arith.constant 14 : index
      %swap3A_1249 = arith.constant 0 : index
      %swap3A_1250 = vector.load %arg4[%swap3A_1247, %swap3A_1248, %swap3A_1249] : memref<1x16x128xi32, #tpu.memory_space<vmem>>, vector<1x1x128xi32>
      %swap3A_1251 = vector.shape_cast %swap3A_1250 : vector<1x1x128xi32> to vector<1x128xi32>
      %swap3A_1252 = vector.shape_cast %reshape3A_1246 : vector<1x128xi32> to vector<1x1x128xi32>
      tpu.vector_store %arg4[%swap3A_1247, %swap3A_1248, %swap3A_1249], %swap3A_1252 {strides = array<i32>} : memref<1x16x128xi32, #tpu.memory_space<vmem>>, vector<1x1x128xi32>,
      %eq3A_1253 = vector.broadcast %broadcast_in_dim3A_1243 : vector<1x1x128xi32> to vector<64x128x128xi32>
      %eq3A_1254 = arith.cmpi eq, %get3A_36, %eq3A_1253 : vector<64x128x128xi32>
      %jit3A_1255 = arith.constant 0x7F800000 : f32
      %broadcast_in_dim3A_1256 = vector.broadcast %jit3A_1255 : f32 to vector<64x128x128xf32>
      %select_n3A_1257 = arith.select %eq3A_1254, %broadcast_in_dim3A_1256, %get3A_1226 : vector<64x128x128xi1>, vector<64x128x128xf32>
      %swap3A_1258 = arith.constant 0 : index
      %swap3A_1259 = arith.constant 0 : index
      %swap3A_1260 = arith.constant 0 : index
      %swap3A_1261 = vector.load %arg5[%swap3A_1258, %swap3A_1259, %swap3A_1260] : memref<64x128x128xf32, #tpu.memory_space<vmem>>, vector<64x128x128xf32>
      tpu.vector_store %arg5[%swap3A_1258, %swap3A_1259, %swap3A_1260], %select_n3A_1257 {strides = array<i32>} : memref<64x128x128xf32, #tpu.memory_space<vmem>>, vector<64x128x128xf32>,
      %get3A_1262 = arith.constant 0 : index
      %get3A_1263 = arith.constant 0 : index
      %get3A_1264 = arith.constant 0 : index
      %get3A_1265 = vector.load %arg5[%get3A_1262, %get3A_1263, %get3A_1264] : memref<64x128x128xf32, #tpu.memory_space<vmem>>, vector<64x128x128xf32>
      %reduce_min3A_1266 = arith.constant dense<0x7F800000> : vector<64x128xf32>
      %reduce_min3A_1267 = vector.multi_reduction <minimumf>, %get3A_1265, %reduce_min3A_1266 [1] : vector<64x128x128xf32> to vector<64x128xf32>
      %broadcast_in_dim3A_1268 = vector.shape_cast %reduce_min3A_1267 : vector<64x128xf32> to vector<64x1x128xf32>
      %reduce_min3A_1269 = arith.constant dense<0x7F800000> : vector<1x128xf32>
      %reduce_min3A_1270 = vector.multi_reduction <minimumf>, %broadcast_in_dim3A_1268, %reduce_min3A_1269 [0] : vector<64x1x128xf32> to vector<1x128xf32>
      %broadcast_in_dim3A_1271 = vector.shape_cast %reduce_min3A_1270 : vector<1x128xf32> to vector<1x1x128xf32>
      %le3A_1272 = vector.broadcast %broadcast_in_dim3A_1271 : vector<1x1x128xf32> to vector<64x128x128xf32>
      %le3A_1273 = arith.cmpf ole, %get3A_1265, %le3A_1272 : vector<64x128x128xf32>
      %jit3A_1274 = arith.constant 1073741824 : i32
      %broadcast_in_dim3A_1275 = vector.broadcast %jit3A_1274 : i32 to vector<64x128x128xi32>
      %select_n3A_1276 = arith.select %le3A_1273, %get3A_36, %broadcast_in_dim3A_1275 : vector<64x128x128xi1>, vector<64x128x128xi32>
      %reduce_min3A_1277 = arith.constant dense<2147483647> : vector<64x128xi32>
      %reduce_min3A_1278 = vector.multi_reduction <minsi>, %select_n3A_1276, %reduce_min3A_1277 [1] : vector<64x128x128xi32> to vector<64x128xi32>
      %broadcast_in_dim3A_1279 = vector.shape_cast %reduce_min3A_1278 : vector<64x128xi32> to vector<64x1x128xi32>
      %reduce_min3A_1280 = arith.constant dense<2147483647> : vector<1x128xi32>
      %reduce_min3A_1281 = vector.multi_reduction <minsi>, %broadcast_in_dim3A_1279, %reduce_min3A_1280 [0] : vector<64x1x128xi32> to vector<1x128xi32>
      %broadcast_in_dim3A_1282 = vector.shape_cast %reduce_min3A_1281 : vector<1x128xi32> to vector<1x1x128xi32>
      %add3A_1283 = vector.broadcast %mul3A_38 : i32 to vector<1x1x128xi32>
      %add3A_1284 = arith.addi %broadcast_in_dim3A_1282, %add3A_1283 : vector<1x1x128xi32>
      %reshape3A_1285 = vector.shape_cast %add3A_1284 : vector<1x1x128xi32> to vector<1x128xi32>
      %swap3A_1286 = arith.constant 0 : index
      %swap3A_1287 = arith.constant 15 : index
      %swap3A_1288 = arith.constant 0 : index
      %swap3A_1289 = vector.load %arg4[%swap3A_1286, %swap3A_1287, %swap3A_1288] : memref<1x16x128xi32, #tpu.memory_space<vmem>>, vector<1x1x128xi32>
      %swap3A_1290 = vector.shape_cast %swap3A_1289 : vector<1x1x128xi32> to vector<1x128xi32>
      %swap3A_1291 = vector.shape_cast %reshape3A_1285 : vector<1x128xi32> to vector<1x1x128xi32>
      tpu.vector_store %arg4[%swap3A_1286, %swap3A_1287, %swap3A_1288], %swap3A_1291 {strides = array<i32>} : memref<1x16x128xi32, #tpu.memory_space<vmem>>, vector<1x1x128xi32>,
    } else {
    }
    return
  }
  func.func @transform_0(%arg0: i32, %arg1: i32) -> (i32, i32, i32) {
    %c0_i32 = arith.constant 0 : i32
    %c0_i32_0 = arith.constant 0 : i32
    %c0_i32_1 = arith.constant 0 : i32
    return %arg0, %c0_i32, %c0_i32_0 : i32, i32, i32
  }
  func.func @transform_1(%arg0: i32, %arg1: i32) -> (i32, i32, i32) {
    %c0_i32 = arith.constant 0 : i32
    %c0_i32_0 = arith.constant 0 : i32
    return %arg0, %c0_i32, %arg1 : i32, i32, i32
  }
  func.func @transform_2(%arg0: i32, %arg1: i32) -> (i32, i32, i32) {
    %c0_i32 = arith.constant 0 : i32
    %c0_i32_0 = arith.constant 0 : i32
    return %arg0, %c0_i32, %arg1 : i32, i32, i32
  }
}

module attributes {stable_mosaic.version = 14 : i64} {
  func.func @body(%arg0: i32, %arg1: memref<2048x64xf32, #tpu.memory_space<vmem>>, %arg2: memref<64x128xf32, #tpu.memory_space<vmem>>, %arg3: memref<1x128xf32, #tpu.memory_space<vmem>>, %arg4: memref<2048x128xf32, #tpu.memory_space<vmem>>) attributes {dimension_semantics = [#tpu.dimension_semantics<arbitrary>], iteration_bounds = array<i64: 16>, scalar_prefetch = 0 : i64, scratch_operands = 0 : i64, tpu.core_type = #tpu.core_type<tc>, window_params = [{transform_indices = @transform_0, window_bounds = array<i64: 2048, 64>}, {pipeline_mode = #tpu.pipeline_mode<synchronous>, transform_indices = @transform_1, window_bounds = array<i64: 64, 128>}, {pipeline_mode = #tpu.pipeline_mode<synchronous>, transform_indices = @transform_2, window_bounds = array<i64: 1, 128>}, {transform_indices = @transform_3, window_bounds = array<i64: 2048, 128>}]} {
    %get3A = arith.constant 0 : index
    %get3A_0 = arith.constant 0 : index
    %get3A_1 = vector.load %arg1[%get3A, %get3A_0] : memref<2048x64xf32, #tpu.memory_space<vmem>>, vector<2048x64xf32>
    %get3A_2 = arith.constant 0 : index
    %get3A_3 = arith.constant 0 : index
    %get3A_4 = vector.load %arg2[%get3A_2, %get3A_3] : memref<64x128xf32, #tpu.memory_space<vmem>>, vector<64x128xf32>
    %dot_general3A = arith.constant dense<0.000000e+00> : vector<2048x128xf32>
    %dot_general3A_5 = tpu.matmul %get3A_1, %get3A_4, %dot_general3A {dimension_numbers = #tpu.dot_dimension_numbers<[1], [0], [0], [1], [0, 0, 1, 1], [], []>, precision = #tpu.contract_precision<fp32>, transpose_lhs_hint = false} : vector<2048x64xf32>, vector<64x128xf32>, vector<2048x128xf32> -> vector<2048x128xf32>
    %get3A_6 = arith.constant 0 : index
    %get3A_7 = arith.constant 0 : index
    %get3A_8 = vector.load %arg3[%get3A_6, %get3A_7] : memref<1x128xf32, #tpu.memory_space<vmem>>, vector<1x128xf32>
    %add3A = vector.broadcast %get3A_8 : vector<1x128xf32> to vector<2048x128xf32>
    %add3A_9 = arith.addf %dot_general3A_5, %add3A : vector<2048x128xf32>
    %swap3A = arith.constant 0 : index
    %swap3A_10 = arith.constant 0 : index
    %swap3A_11 = vector.load %arg4[%swap3A, %swap3A_10] : memref<2048x128xf32, #tpu.memory_space<vmem>>, vector<2048x128xf32>
    tpu.vector_store %arg4[%swap3A, %swap3A_10], %add3A_9 {strides = array<i32>} : memref<2048x128xf32, #tpu.memory_space<vmem>>, vector<2048x128xf32>,
    return
  }
  func.func @transform_0(%arg0: i32) -> (i32, i32) {
    %c0_i32 = arith.constant 0 : i32
    %c0_i32_0 = arith.constant 0 : i32
    return %arg0, %c0_i32 : i32, i32
  }
  func.func @transform_1(%arg0: i32) -> (i32, i32) {
    %c0_i32 = arith.constant 0 : i32
    %c0_i32_0 = arith.constant 0 : i32
    %c0_i32_1 = arith.constant 0 : i32
    return %c0_i32, %c0_i32_0 : i32, i32
  }
  func.func @transform_2(%arg0: i32) -> (i32, i32) {
    %c0_i32 = arith.constant 0 : i32
    %c0_i32_0 = arith.constant 0 : i32
    %c0_i32_1 = arith.constant 0 : i32
    return %c0_i32, %c0_i32_0 : i32, i32
  }
  func.func @transform_3(%arg0: i32) -> (i32, i32) {
    %c0_i32 = arith.constant 0 : i32
    %c0_i32_0 = arith.constant 0 : i32
    return %arg0, %c0_i32 : i32, i32
  }
}

module attributes {stable_mosaic.version = 14 : i64} {
  func.func @body(%arg0: i32, %arg1: memref<2048x128xf32, #tpu.memory_space<vmem>>, %arg2: memref<1x128xf32, #tpu.memory_space<vmem>>, %arg3: memref<1x128xf32, #tpu.memory_space<vmem>>) attributes {dimension_semantics = [#tpu.dimension_semantics<arbitrary>], iteration_bounds = array<i64: 64>, scalar_prefetch = 0 : i64, scratch_operands = 0 : i64, tpu.core_type = #tpu.core_type<tc>, window_params = [{transform_indices = @transform_0, window_bounds = array<i64: 2048, 128>}, {pipeline_mode = #tpu.pipeline_mode<synchronous>, transform_indices = @transform_1, window_bounds = array<i64: 1, 128>}, {pipeline_mode = #tpu.pipeline_mode<synchronous>, transform_indices = @transform_2, window_bounds = array<i64: 1, 128>}]} {
    %eq3A = arith.constant 0 : i32
    %eq3A_0 = arith.cmpi eq, %arg0, %eq3A : i32
    %convert_element_type3A = arith.extui %eq3A_0 : i1 to i32
    %cond3A = arith.constant 0 : i32
    %cond3A_1 = arith.cmpi ne, %convert_element_type3A, %cond3A : i32
    scf.if %cond3A_1 {
      %broadcast_in_dim3A_20 = arith.constant 0.000000e+00 : f32
      %broadcast_in_dim3A_21 = vector.broadcast %broadcast_in_dim3A_20 : f32 to vector<1x128xf32>
      %swap3A_22 = arith.constant 0 : index
      %swap3A_23 = arith.constant 0 : index
      %swap3A_24 = vector.load %arg2[%swap3A_22, %swap3A_23] : memref<1x128xf32, #tpu.memory_space<vmem>>, vector<1x128xf32>
      tpu.vector_store %arg2[%swap3A_22, %swap3A_23], %broadcast_in_dim3A_21 {strides = array<i32>} : memref<1x128xf32, #tpu.memory_space<vmem>>, vector<1x128xf32>,
      %broadcast_in_dim3A_25 = arith.constant 0.000000e+00 : f32
      %broadcast_in_dim3A_26 = vector.broadcast %broadcast_in_dim3A_25 : f32 to vector<1x128xf32>
      %swap3A_27 = arith.constant 0 : index
      %swap3A_28 = arith.constant 0 : index
      %swap3A_29 = vector.load %arg3[%swap3A_27, %swap3A_28] : memref<1x128xf32, #tpu.memory_space<vmem>>, vector<1x128xf32>
      tpu.vector_store %arg3[%swap3A_27, %swap3A_28], %broadcast_in_dim3A_26 {strides = array<i32>} : memref<1x128xf32, #tpu.memory_space<vmem>>, vector<1x128xf32>,
    } else {
    }
    %get3A = arith.constant 0 : index
    %get3A_2 = arith.constant 0 : index
    %get3A_3 = vector.load %arg1[%get3A, %get3A_2] : memref<2048x128xf32, #tpu.memory_space<vmem>>, vector<2048x128xf32>
    %get3A_4 = arith.constant 0 : index
    %get3A_5 = arith.constant 0 : index
    %get3A_6 = vector.load %arg2[%get3A_4, %get3A_5] : memref<1x128xf32, #tpu.memory_space<vmem>>, vector<1x128xf32>
    %reduce_sum3A = arith.constant dense<0.000000e+00> : vector<128xf32>
    %reduce_sum3A_7 = vector.multi_reduction <add>, %get3A_3, %reduce_sum3A [0] : vector<2048x128xf32> to vector<128xf32>
    %broadcast_in_dim3A = vector.shape_cast %reduce_sum3A_7 : vector<128xf32> to vector<1x128xf32>
    %add3A = arith.addf %get3A_6, %broadcast_in_dim3A : vector<1x128xf32>
    %swap3A = arith.constant 0 : index
    %swap3A_8 = arith.constant 0 : index
    %swap3A_9 = vector.load %arg2[%swap3A, %swap3A_8] : memref<1x128xf32, #tpu.memory_space<vmem>>, vector<1x128xf32>
    tpu.vector_store %arg2[%swap3A, %swap3A_8], %add3A {strides = array<i32>} : memref<1x128xf32, #tpu.memory_space<vmem>>, vector<1x128xf32>,
    %get3A_10 = arith.constant 0 : index
    %get3A_11 = arith.constant 0 : index
    %get3A_12 = vector.load %arg3[%get3A_10, %get3A_11] : memref<1x128xf32, #tpu.memory_space<vmem>>, vector<1x128xf32>
    %mul3A = arith.mulf %get3A_3, %get3A_3 : vector<2048x128xf32>
    %reduce_sum3A_13 = arith.constant dense<0.000000e+00> : vector<128xf32>
    %reduce_sum3A_14 = vector.multi_reduction <add>, %mul3A, %reduce_sum3A_13 [0] : vector<2048x128xf32> to vector<128xf32>
    %broadcast_in_dim3A_15 = vector.shape_cast %reduce_sum3A_14 : vector<128xf32> to vector<1x128xf32>
    %add3A_16 = arith.addf %get3A_12, %broadcast_in_dim3A_15 : vector<1x128xf32>
    %swap3A_17 = arith.constant 0 : index
    %swap3A_18 = arith.constant 0 : index
    %swap3A_19 = vector.load %arg3[%swap3A_17, %swap3A_18] : memref<1x128xf32, #tpu.memory_space<vmem>>, vector<1x128xf32>
    tpu.vector_store %arg3[%swap3A_17, %swap3A_18], %add3A_16 {strides = array<i32>} : memref<1x128xf32, #tpu.memory_space<vmem>>, vector<1x128xf32>,
    return
  }
  func.func @transform_0(%arg0: i32) -> (i32, i32) {
    %c0_i32 = arith.constant 0 : i32
    %c0_i32_0 = arith.constant 0 : i32
    return %arg0, %c0_i32 : i32, i32
  }
  func.func @transform_1(%arg0: i32) -> (i32, i32) {
    %c0_i32 = arith.constant 0 : i32
    %c0_i32_0 = arith.constant 0 : i32
    %c0_i32_1 = arith.constant 0 : i32
    return %c0_i32, %c0_i32_0 : i32, i32
  }
  func.func @transform_2(%arg0: i32) -> (i32, i32) {
    %c0_i32 = arith.constant 0 : i32
    %c0_i32_0 = arith.constant 0 : i32
    %c0_i32_1 = arith.constant 0 : i32
    return %c0_i32, %c0_i32_0 : i32, i32
  }
}

module attributes {stable_mosaic.version = 14 : i64} {
  func.func @body(%arg0: i32, %arg1: memref<128x16x128xf32, #tpu.memory_space<vmem>>, %arg2: memref<1x128xf32, #tpu.memory_space<vmem>>, %arg3: memref<1x128xf32, #tpu.memory_space<vmem>>, %arg4: memref<128x128xf32, #tpu.memory_space<vmem>>, %arg5: memref<1x128xf32, #tpu.memory_space<vmem>>, %arg6: memref<128x128xf32, #tpu.memory_space<vmem>>) attributes {dimension_semantics = [#tpu.dimension_semantics<arbitrary>], iteration_bounds = array<i64: 64>, scalar_prefetch = 0 : i64, scratch_operands = 0 : i64, tpu.core_type = #tpu.core_type<tc>, window_params = [{transform_indices = @transform_0, window_bounds = array<i64: 128, 16, 128>}, {pipeline_mode = #tpu.pipeline_mode<synchronous>, transform_indices = @transform_1, window_bounds = array<i64: 1, 128>}, {pipeline_mode = #tpu.pipeline_mode<synchronous>, transform_indices = @transform_2, window_bounds = array<i64: 1, 128>}, {pipeline_mode = #tpu.pipeline_mode<synchronous>, transform_indices = @transform_3, window_bounds = array<i64: 128, 128>}, {pipeline_mode = #tpu.pipeline_mode<synchronous>, transform_indices = @transform_4, window_bounds = array<i64: 1, 128>}, {transform_indices = @transform_5, window_bounds = array<i64: 128, 128>}]} {
    %get3A = arith.constant 0 : index
    %get3A_0 = arith.constant 0 : index
    %get3A_1 = vector.load %arg2[%get3A, %get3A_0] : memref<1x128xf32, #tpu.memory_space<vmem>>, vector<1x128xf32>
    %get3A_2 = arith.constant 0 : index
    %get3A_3 = arith.constant 0 : index
    %get3A_4 = vector.load %arg3[%get3A_2, %get3A_3] : memref<1x128xf32, #tpu.memory_space<vmem>>, vector<1x128xf32>
    %get3A_5 = arith.constant 0 : index
    %get3A_6 = arith.constant 0 : index
    %get3A_7 = vector.load %arg4[%get3A_5, %get3A_6] : memref<128x128xf32, #tpu.memory_space<vmem>>, vector<128x128xf32>
    %broadcast_in_dim3A = arith.constant 0xFF800000 : f32
    %broadcast_in_dim3A_8 = vector.broadcast %broadcast_in_dim3A : f32 to vector<128x128xf32>
    %get3A_9 = arith.constant 0 : index
    %get3A_10 = arith.constant 0 : index
    %get3A_11 = arith.constant 0 : index
    %get3A_12 = vector.load %arg1[%get3A_9, %get3A_10, %get3A_11] : memref<128x16x128xf32, #tpu.memory_space<vmem>>, vector<128x1x128xf32>
    %get3A_13 = vector.shape_cast %get3A_12 : vector<128x1x128xf32> to vector<128x128xf32>
    %mul3A = vector.broadcast %get3A_1 : vector<1x128xf32> to vector<128x128xf32>
    %mul3A_14 = arith.mulf %get3A_13, %mul3A : vector<128x128xf32>
    %add3A = vector.broadcast %get3A_4 : vector<1x128xf32> to vector<128x128xf32>
    %add3A_15 = arith.addf %mul3A_14, %add3A : vector<128x128xf32>
    %max3A = arith.constant 0.000000e+00 : f32
    %max3A_16 = vector.broadcast %max3A : f32 to vector<128x128xf32>
    %max3A_17 = arith.maximumf %add3A_15, %max3A_16 : vector<128x128xf32>
    %dot_general3A = arith.constant dense<0.000000e+00> : vector<128x128xf32>
    %dot_general3A_18 = tpu.matmul %max3A_17, %get3A_7, %dot_general3A {dimension_numbers = #tpu.dot_dimension_numbers<[1], [0], [0], [1], [0, 0, 1, 1], [], []>, precision = #tpu.contract_precision<fp32>, transpose_lhs_hint = false} : vector<128x128xf32>, vector<128x128xf32>, vector<128x128xf32> -> vector<128x128xf32>
    %max3A_19 = arith.maximumf %broadcast_in_dim3A_8, %dot_general3A_18 : vector<128x128xf32>
    %get3A_20 = arith.constant 0 : index
    %get3A_21 = arith.constant 1 : index
    %get3A_22 = arith.constant 0 : index
    %get3A_23 = vector.load %arg1[%get3A_20, %get3A_21, %get3A_22] : memref<128x16x128xf32, #tpu.memory_space<vmem>>, vector<128x1x128xf32>
    %get3A_24 = vector.shape_cast %get3A_23 : vector<128x1x128xf32> to vector<128x128xf32>
    %mul3A_25 = vector.broadcast %get3A_1 : vector<1x128xf32> to vector<128x128xf32>
    %mul3A_26 = arith.mulf %get3A_24, %mul3A_25 : vector<128x128xf32>
    %add3A_27 = vector.broadcast %get3A_4 : vector<1x128xf32> to vector<128x128xf32>
    %add3A_28 = arith.addf %mul3A_26, %add3A_27 : vector<128x128xf32>
    %max3A_29 = arith.constant 0.000000e+00 : f32
    %max3A_30 = vector.broadcast %max3A_29 : f32 to vector<128x128xf32>
    %max3A_31 = arith.maximumf %add3A_28, %max3A_30 : vector<128x128xf32>
    %dot_general3A_32 = arith.constant dense<0.000000e+00> : vector<128x128xf32>
    %dot_general3A_33 = tpu.matmul %max3A_31, %get3A_7, %dot_general3A_32 {dimension_numbers = #tpu.dot_dimension_numbers<[1], [0], [0], [1], [0, 0, 1, 1], [], []>, precision = #tpu.contract_precision<fp32>, transpose_lhs_hint = false} : vector<128x128xf32>, vector<128x128xf32>, vector<128x128xf32> -> vector<128x128xf32>
    %max3A_34 = arith.maximumf %max3A_19, %dot_general3A_33 : vector<128x128xf32>
    %get3A_35 = arith.constant 0 : index
    %get3A_36 = arith.constant 2 : index
    %get3A_37 = arith.constant 0 : index
    %get3A_38 = vector.load %arg1[%get3A_35, %get3A_36, %get3A_37] : memref<128x16x128xf32, #tpu.memory_space<vmem>>, vector<128x1x128xf32>
    %get3A_39 = vector.shape_cast %get3A_38 : vector<128x1x128xf32> to vector<128x128xf32>
    %mul3A_40 = vector.broadcast %get3A_1 : vector<1x128xf32> to vector<128x128xf32>
    %mul3A_41 = arith.mulf %get3A_39, %mul3A_40 : vector<128x128xf32>
    %add3A_42 = vector.broadcast %get3A_4 : vector<1x128xf32> to vector<128x128xf32>
    %add3A_43 = arith.addf %mul3A_41, %add3A_42 : vector<128x128xf32>
    %max3A_44 = arith.constant 0.000000e+00 : f32
    %max3A_45 = vector.broadcast %max3A_44 : f32 to vector<128x128xf32>
    %max3A_46 = arith.maximumf %add3A_43, %max3A_45 : vector<128x128xf32>
    %dot_general3A_47 = arith.constant dense<0.000000e+00> : vector<128x128xf32>
    %dot_general3A_48 = tpu.matmul %max3A_46, %get3A_7, %dot_general3A_47 {dimension_numbers = #tpu.dot_dimension_numbers<[1], [0], [0], [1], [0, 0, 1, 1], [], []>, precision = #tpu.contract_precision<fp32>, transpose_lhs_hint = false} : vector<128x128xf32>, vector<128x128xf32>, vector<128x128xf32> -> vector<128x128xf32>
    %max3A_49 = arith.maximumf %max3A_34, %dot_general3A_48 : vector<128x128xf32>
    %get3A_50 = arith.constant 0 : index
    %get3A_51 = arith.constant 3 : index
    %get3A_52 = arith.constant 0 : index
    %get3A_53 = vector.load %arg1[%get3A_50, %get3A_51, %get3A_52] : memref<128x16x128xf32, #tpu.memory_space<vmem>>, vector<128x1x128xf32>
    %get3A_54 = vector.shape_cast %get3A_53 : vector<128x1x128xf32> to vector<128x128xf32>
    %mul3A_55 = vector.broadcast %get3A_1 : vector<1x128xf32> to vector<128x128xf32>
    %mul3A_56 = arith.mulf %get3A_54, %mul3A_55 : vector<128x128xf32>
    %add3A_57 = vector.broadcast %get3A_4 : vector<1x128xf32> to vector<128x128xf32>
    %add3A_58 = arith.addf %mul3A_56, %add3A_57 : vector<128x128xf32>
    %max3A_59 = arith.constant 0.000000e+00 : f32
    %max3A_60 = vector.broadcast %max3A_59 : f32 to vector<128x128xf32>
    %max3A_61 = arith.maximumf %add3A_58, %max3A_60 : vector<128x128xf32>
    %dot_general3A_62 = arith.constant dense<0.000000e+00> : vector<128x128xf32>
    %dot_general3A_63 = tpu.matmul %max3A_61, %get3A_7, %dot_general3A_62 {dimension_numbers = #tpu.dot_dimension_numbers<[1], [0], [0], [1], [0, 0, 1, 1], [], []>, precision = #tpu.contract_precision<fp32>, transpose_lhs_hint = false} : vector<128x128xf32>, vector<128x128xf32>, vector<128x128xf32> -> vector<128x128xf32>
    %max3A_64 = arith.maximumf %max3A_49, %dot_general3A_63 : vector<128x128xf32>
    %get3A_65 = arith.constant 0 : index
    %get3A_66 = arith.constant 4 : index
    %get3A_67 = arith.constant 0 : index
    %get3A_68 = vector.load %arg1[%get3A_65, %get3A_66, %get3A_67] : memref<128x16x128xf32, #tpu.memory_space<vmem>>, vector<128x1x128xf32>
    %get3A_69 = vector.shape_cast %get3A_68 : vector<128x1x128xf32> to vector<128x128xf32>
    %mul3A_70 = vector.broadcast %get3A_1 : vector<1x128xf32> to vector<128x128xf32>
    %mul3A_71 = arith.mulf %get3A_69, %mul3A_70 : vector<128x128xf32>
    %add3A_72 = vector.broadcast %get3A_4 : vector<1x128xf32> to vector<128x128xf32>
    %add3A_73 = arith.addf %mul3A_71, %add3A_72 : vector<128x128xf32>
    %max3A_74 = arith.constant 0.000000e+00 : f32
    %max3A_75 = vector.broadcast %max3A_74 : f32 to vector<128x128xf32>
    %max3A_76 = arith.maximumf %add3A_73, %max3A_75 : vector<128x128xf32>
    %dot_general3A_77 = arith.constant dense<0.000000e+00> : vector<128x128xf32>
    %dot_general3A_78 = tpu.matmul %max3A_76, %get3A_7, %dot_general3A_77 {dimension_numbers = #tpu.dot_dimension_numbers<[1], [0], [0], [1], [0, 0, 1, 1], [], []>, precision = #tpu.contract_precision<fp32>, transpose_lhs_hint = false} : vector<128x128xf32>, vector<128x128xf32>, vector<128x128xf32> -> vector<128x128xf32>
    %max3A_79 = arith.maximumf %max3A_64, %dot_general3A_78 : vector<128x128xf32>
    %get3A_80 = arith.constant 0 : index
    %get3A_81 = arith.constant 5 : index
    %get3A_82 = arith.constant 0 : index
    %get3A_83 = vector.load %arg1[%get3A_80, %get3A_81, %get3A_82] : memref<128x16x128xf32, #tpu.memory_space<vmem>>, vector<128x1x128xf32>
    %get3A_84 = vector.shape_cast %get3A_83 : vector<128x1x128xf32> to vector<128x128xf32>
    %mul3A_85 = vector.broadcast %get3A_1 : vector<1x128xf32> to vector<128x128xf32>
    %mul3A_86 = arith.mulf %get3A_84, %mul3A_85 : vector<128x128xf32>
    %add3A_87 = vector.broadcast %get3A_4 : vector<1x128xf32> to vector<128x128xf32>
    %add3A_88 = arith.addf %mul3A_86, %add3A_87 : vector<128x128xf32>
    %max3A_89 = arith.constant 0.000000e+00 : f32
    %max3A_90 = vector.broadcast %max3A_89 : f32 to vector<128x128xf32>
    %max3A_91 = arith.maximumf %add3A_88, %max3A_90 : vector<128x128xf32>
    %dot_general3A_92 = arith.constant dense<0.000000e+00> : vector<128x128xf32>
    %dot_general3A_93 = tpu.matmul %max3A_91, %get3A_7, %dot_general3A_92 {dimension_numbers = #tpu.dot_dimension_numbers<[1], [0], [0], [1], [0, 0, 1, 1], [], []>, precision = #tpu.contract_precision<fp32>, transpose_lhs_hint = false} : vector<128x128xf32>, vector<128x128xf32>, vector<128x128xf32> -> vector<128x128xf32>
    %max3A_94 = arith.maximumf %max3A_79, %dot_general3A_93 : vector<128x128xf32>
    %get3A_95 = arith.constant 0 : index
    %get3A_96 = arith.constant 6 : index
    %get3A_97 = arith.constant 0 : index
    %get3A_98 = vector.load %arg1[%get3A_95, %get3A_96, %get3A_97] : memref<128x16x128xf32, #tpu.memory_space<vmem>>, vector<128x1x128xf32>
    %get3A_99 = vector.shape_cast %get3A_98 : vector<128x1x128xf32> to vector<128x128xf32>
    %mul3A_100 = vector.broadcast %get3A_1 : vector<1x128xf32> to vector<128x128xf32>
    %mul3A_101 = arith.mulf %get3A_99, %mul3A_100 : vector<128x128xf32>
    %add3A_102 = vector.broadcast %get3A_4 : vector<1x128xf32> to vector<128x128xf32>
    %add3A_103 = arith.addf %mul3A_101, %add3A_102 : vector<128x128xf32>
    %max3A_104 = arith.constant 0.000000e+00 : f32
    %max3A_105 = vector.broadcast %max3A_104 : f32 to vector<128x128xf32>
    %max3A_106 = arith.maximumf %add3A_103, %max3A_105 : vector<128x128xf32>
    %dot_general3A_107 = arith.constant dense<0.000000e+00> : vector<128x128xf32>
    %dot_general3A_108 = tpu.matmul %max3A_106, %get3A_7, %dot_general3A_107 {dimension_numbers = #tpu.dot_dimension_numbers<[1], [0], [0], [1], [0, 0, 1, 1], [], []>, precision = #tpu.contract_precision<fp32>, transpose_lhs_hint = false} : vector<128x128xf32>, vector<128x128xf32>, vector<128x128xf32> -> vector<128x128xf32>
    %max3A_109 = arith.maximumf %max3A_94, %dot_general3A_108 : vector<128x128xf32>
    %get3A_110 = arith.constant 0 : index
    %get3A_111 = arith.constant 7 : index
    %get3A_112 = arith.constant 0 : index
    %get3A_113 = vector.load %arg1[%get3A_110, %get3A_111, %get3A_112] : memref<128x16x128xf32, #tpu.memory_space<vmem>>, vector<128x1x128xf32>
    %get3A_114 = vector.shape_cast %get3A_113 : vector<128x1x128xf32> to vector<128x128xf32>
    %mul3A_115 = vector.broadcast %get3A_1 : vector<1x128xf32> to vector<128x128xf32>
    %mul3A_116 = arith.mulf %get3A_114, %mul3A_115 : vector<128x128xf32>
    %add3A_117 = vector.broadcast %get3A_4 : vector<1x128xf32> to vector<128x128xf32>
    %add3A_118 = arith.addf %mul3A_116, %add3A_117 : vector<128x128xf32>
    %max3A_119 = arith.constant 0.000000e+00 : f32
    %max3A_120 = vector.broadcast %max3A_119 : f32 to vector<128x128xf32>
    %max3A_121 = arith.maximumf %add3A_118, %max3A_120 : vector<128x128xf32>
    %dot_general3A_122 = arith.constant dense<0.000000e+00> : vector<128x128xf32>
    %dot_general3A_123 = tpu.matmul %max3A_121, %get3A_7, %dot_general3A_122 {dimension_numbers = #tpu.dot_dimension_numbers<[1], [0], [0], [1], [0, 0, 1, 1], [], []>, precision = #tpu.contract_precision<fp32>, transpose_lhs_hint = false} : vector<128x128xf32>, vector<128x128xf32>, vector<128x128xf32> -> vector<128x128xf32>
    %max3A_124 = arith.maximumf %max3A_109, %dot_general3A_123 : vector<128x128xf32>
    %get3A_125 = arith.constant 0 : index
    %get3A_126 = arith.constant 8 : index
    %get3A_127 = arith.constant 0 : index
    %get3A_128 = vector.load %arg1[%get3A_125, %get3A_126, %get3A_127] : memref<128x16x128xf32, #tpu.memory_space<vmem>>, vector<128x1x128xf32>
    %get3A_129 = vector.shape_cast %get3A_128 : vector<128x1x128xf32> to vector<128x128xf32>
    %mul3A_130 = vector.broadcast %get3A_1 : vector<1x128xf32> to vector<128x128xf32>
    %mul3A_131 = arith.mulf %get3A_129, %mul3A_130 : vector<128x128xf32>
    %add3A_132 = vector.broadcast %get3A_4 : vector<1x128xf32> to vector<128x128xf32>
    %add3A_133 = arith.addf %mul3A_131, %add3A_132 : vector<128x128xf32>
    %max3A_134 = arith.constant 0.000000e+00 : f32
    %max3A_135 = vector.broadcast %max3A_134 : f32 to vector<128x128xf32>
    %max3A_136 = arith.maximumf %add3A_133, %max3A_135 : vector<128x128xf32>
    %dot_general3A_137 = arith.constant dense<0.000000e+00> : vector<128x128xf32>
    %dot_general3A_138 = tpu.matmul %max3A_136, %get3A_7, %dot_general3A_137 {dimension_numbers = #tpu.dot_dimension_numbers<[1], [0], [0], [1], [0, 0, 1, 1], [], []>, precision = #tpu.contract_precision<fp32>, transpose_lhs_hint = false} : vector<128x128xf32>, vector<128x128xf32>, vector<128x128xf32> -> vector<128x128xf32>
    %max3A_139 = arith.maximumf %max3A_124, %dot_general3A_138 : vector<128x128xf32>
    %get3A_140 = arith.constant 0 : index
    %get3A_141 = arith.constant 9 : index
    %get3A_142 = arith.constant 0 : index
    %get3A_143 = vector.load %arg1[%get3A_140, %get3A_141, %get3A_142] : memref<128x16x128xf32, #tpu.memory_space<vmem>>, vector<128x1x128xf32>
    %get3A_144 = vector.shape_cast %get3A_143 : vector<128x1x128xf32> to vector<128x128xf32>
    %mul3A_145 = vector.broadcast %get3A_1 : vector<1x128xf32> to vector<128x128xf32>
    %mul3A_146 = arith.mulf %get3A_144, %mul3A_145 : vector<128x128xf32>
    %add3A_147 = vector.broadcast %get3A_4 : vector<1x128xf32> to vector<128x128xf32>
    %add3A_148 = arith.addf %mul3A_146, %add3A_147 : vector<128x128xf32>
    %max3A_149 = arith.constant 0.000000e+00 : f32
    %max3A_150 = vector.broadcast %max3A_149 : f32 to vector<128x128xf32>
    %max3A_151 = arith.maximumf %add3A_148, %max3A_150 : vector<128x128xf32>
    %dot_general3A_152 = arith.constant dense<0.000000e+00> : vector<128x128xf32>
    %dot_general3A_153 = tpu.matmul %max3A_151, %get3A_7, %dot_general3A_152 {dimension_numbers = #tpu.dot_dimension_numbers<[1], [0], [0], [1], [0, 0, 1, 1], [], []>, precision = #tpu.contract_precision<fp32>, transpose_lhs_hint = false} : vector<128x128xf32>, vector<128x128xf32>, vector<128x128xf32> -> vector<128x128xf32>
    %max3A_154 = arith.maximumf %max3A_139, %dot_general3A_153 : vector<128x128xf32>
    %get3A_155 = arith.constant 0 : index
    %get3A_156 = arith.constant 10 : index
    %get3A_157 = arith.constant 0 : index
    %get3A_158 = vector.load %arg1[%get3A_155, %get3A_156, %get3A_157] : memref<128x16x128xf32, #tpu.memory_space<vmem>>, vector<128x1x128xf32>
    %get3A_159 = vector.shape_cast %get3A_158 : vector<128x1x128xf32> to vector<128x128xf32>
    %mul3A_160 = vector.broadcast %get3A_1 : vector<1x128xf32> to vector<128x128xf32>
    %mul3A_161 = arith.mulf %get3A_159, %mul3A_160 : vector<128x128xf32>
    %add3A_162 = vector.broadcast %get3A_4 : vector<1x128xf32> to vector<128x128xf32>
    %add3A_163 = arith.addf %mul3A_161, %add3A_162 : vector<128x128xf32>
    %max3A_164 = arith.constant 0.000000e+00 : f32
    %max3A_165 = vector.broadcast %max3A_164 : f32 to vector<128x128xf32>
    %max3A_166 = arith.maximumf %add3A_163, %max3A_165 : vector<128x128xf32>
    %dot_general3A_167 = arith.constant dense<0.000000e+00> : vector<128x128xf32>
    %dot_general3A_168 = tpu.matmul %max3A_166, %get3A_7, %dot_general3A_167 {dimension_numbers = #tpu.dot_dimension_numbers<[1], [0], [0], [1], [0, 0, 1, 1], [], []>, precision = #tpu.contract_precision<fp32>, transpose_lhs_hint = false} : vector<128x128xf32>, vector<128x128xf32>, vector<128x128xf32> -> vector<128x128xf32>
    %max3A_169 = arith.maximumf %max3A_154, %dot_general3A_168 : vector<128x128xf32>
    %get3A_170 = arith.constant 0 : index
    %get3A_171 = arith.constant 11 : index
    %get3A_172 = arith.constant 0 : index
    %get3A_173 = vector.load %arg1[%get3A_170, %get3A_171, %get3A_172] : memref<128x16x128xf32, #tpu.memory_space<vmem>>, vector<128x1x128xf32>
    %get3A_174 = vector.shape_cast %get3A_173 : vector<128x1x128xf32> to vector<128x128xf32>
    %mul3A_175 = vector.broadcast %get3A_1 : vector<1x128xf32> to vector<128x128xf32>
    %mul3A_176 = arith.mulf %get3A_174, %mul3A_175 : vector<128x128xf32>
    %add3A_177 = vector.broadcast %get3A_4 : vector<1x128xf32> to vector<128x128xf32>
    %add3A_178 = arith.addf %mul3A_176, %add3A_177 : vector<128x128xf32>
    %max3A_179 = arith.constant 0.000000e+00 : f32
    %max3A_180 = vector.broadcast %max3A_179 : f32 to vector<128x128xf32>
    %max3A_181 = arith.maximumf %add3A_178, %max3A_180 : vector<128x128xf32>
    %dot_general3A_182 = arith.constant dense<0.000000e+00> : vector<128x128xf32>
    %dot_general3A_183 = tpu.matmul %max3A_181, %get3A_7, %dot_general3A_182 {dimension_numbers = #tpu.dot_dimension_numbers<[1], [0], [0], [1], [0, 0, 1, 1], [], []>, precision = #tpu.contract_precision<fp32>, transpose_lhs_hint = false} : vector<128x128xf32>, vector<128x128xf32>, vector<128x128xf32> -> vector<128x128xf32>
    %max3A_184 = arith.maximumf %max3A_169, %dot_general3A_183 : vector<128x128xf32>
    %get3A_185 = arith.constant 0 : index
    %get3A_186 = arith.constant 12 : index
    %get3A_187 = arith.constant 0 : index
    %get3A_188 = vector.load %arg1[%get3A_185, %get3A_186, %get3A_187] : memref<128x16x128xf32, #tpu.memory_space<vmem>>, vector<128x1x128xf32>
    %get3A_189 = vector.shape_cast %get3A_188 : vector<128x1x128xf32> to vector<128x128xf32>
    %mul3A_190 = vector.broadcast %get3A_1 : vector<1x128xf32> to vector<128x128xf32>
    %mul3A_191 = arith.mulf %get3A_189, %mul3A_190 : vector<128x128xf32>
    %add3A_192 = vector.broadcast %get3A_4 : vector<1x128xf32> to vector<128x128xf32>
    %add3A_193 = arith.addf %mul3A_191, %add3A_192 : vector<128x128xf32>
    %max3A_194 = arith.constant 0.000000e+00 : f32
    %max3A_195 = vector.broadcast %max3A_194 : f32 to vector<128x128xf32>
    %max3A_196 = arith.maximumf %add3A_193, %max3A_195 : vector<128x128xf32>
    %dot_general3A_197 = arith.constant dense<0.000000e+00> : vector<128x128xf32>
    %dot_general3A_198 = tpu.matmul %max3A_196, %get3A_7, %dot_general3A_197 {dimension_numbers = #tpu.dot_dimension_numbers<[1], [0], [0], [1], [0, 0, 1, 1], [], []>, precision = #tpu.contract_precision<fp32>, transpose_lhs_hint = false} : vector<128x128xf32>, vector<128x128xf32>, vector<128x128xf32> -> vector<128x128xf32>
    %max3A_199 = arith.maximumf %max3A_184, %dot_general3A_198 : vector<128x128xf32>
    %get3A_200 = arith.constant 0 : index
    %get3A_201 = arith.constant 13 : index
    %get3A_202 = arith.constant 0 : index
    %get3A_203 = vector.load %arg1[%get3A_200, %get3A_201, %get3A_202] : memref<128x16x128xf32, #tpu.memory_space<vmem>>, vector<128x1x128xf32>
    %get3A_204 = vector.shape_cast %get3A_203 : vector<128x1x128xf32> to vector<128x128xf32>
    %mul3A_205 = vector.broadcast %get3A_1 : vector<1x128xf32> to vector<128x128xf32>
    %mul3A_206 = arith.mulf %get3A_204, %mul3A_205 : vector<128x128xf32>
    %add3A_207 = vector.broadcast %get3A_4 : vector<1x128xf32> to vector<128x128xf32>
    %add3A_208 = arith.addf %mul3A_206, %add3A_207 : vector<128x128xf32>
    %max3A_209 = arith.constant 0.000000e+00 : f32
    %max3A_210 = vector.broadcast %max3A_209 : f32 to vector<128x128xf32>
    %max3A_211 = arith.maximumf %add3A_208, %max3A_210 : vector<128x128xf32>
    %dot_general3A_212 = arith.constant dense<0.000000e+00> : vector<128x128xf32>
    %dot_general3A_213 = tpu.matmul %max3A_211, %get3A_7, %dot_general3A_212 {dimension_numbers = #tpu.dot_dimension_numbers<[1], [0], [0], [1], [0, 0, 1, 1], [], []>, precision = #tpu.contract_precision<fp32>, transpose_lhs_hint = false} : vector<128x128xf32>, vector<128x128xf32>, vector<128x128xf32> -> vector<128x128xf32>
    %max3A_214 = arith.maximumf %max3A_199, %dot_general3A_213 : vector<128x128xf32>
    %get3A_215 = arith.constant 0 : index
    %get3A_216 = arith.constant 14 : index
    %get3A_217 = arith.constant 0 : index
    %get3A_218 = vector.load %arg1[%get3A_215, %get3A_216, %get3A_217] : memref<128x16x128xf32, #tpu.memory_space<vmem>>, vector<128x1x128xf32>
    %get3A_219 = vector.shape_cast %get3A_218 : vector<128x1x128xf32> to vector<128x128xf32>
    %mul3A_220 = vector.broadcast %get3A_1 : vector<1x128xf32> to vector<128x128xf32>
    %mul3A_221 = arith.mulf %get3A_219, %mul3A_220 : vector<128x128xf32>
    %add3A_222 = vector.broadcast %get3A_4 : vector<1x128xf32> to vector<128x128xf32>
    %add3A_223 = arith.addf %mul3A_221, %add3A_222 : vector<128x128xf32>
    %max3A_224 = arith.constant 0.000000e+00 : f32
    %max3A_225 = vector.broadcast %max3A_224 : f32 to vector<128x128xf32>
    %max3A_226 = arith.maximumf %add3A_223, %max3A_225 : vector<128x128xf32>
    %dot_general3A_227 = arith.constant dense<0.000000e+00> : vector<128x128xf32>
    %dot_general3A_228 = tpu.matmul %max3A_226, %get3A_7, %dot_general3A_227 {dimension_numbers = #tpu.dot_dimension_numbers<[1], [0], [0], [1], [0, 0, 1, 1], [], []>, precision = #tpu.contract_precision<fp32>, transpose_lhs_hint = false} : vector<128x128xf32>, vector<128x128xf32>, vector<128x128xf32> -> vector<128x128xf32>
    %max3A_229 = arith.maximumf %max3A_214, %dot_general3A_228 : vector<128x128xf32>
    %get3A_230 = arith.constant 0 : index
    %get3A_231 = arith.constant 15 : index
    %get3A_232 = arith.constant 0 : index
    %get3A_233 = vector.load %arg1[%get3A_230, %get3A_231, %get3A_232] : memref<128x16x128xf32, #tpu.memory_space<vmem>>, vector<128x1x128xf32>
    %get3A_234 = vector.shape_cast %get3A_233 : vector<128x1x128xf32> to vector<128x128xf32>
    %mul3A_235 = vector.broadcast %get3A_1 : vector<1x128xf32> to vector<128x128xf32>
    %mul3A_236 = arith.mulf %get3A_234, %mul3A_235 : vector<128x128xf32>
    %add3A_237 = vector.broadcast %get3A_4 : vector<1x128xf32> to vector<128x128xf32>
    %add3A_238 = arith.addf %mul3A_236, %add3A_237 : vector<128x128xf32>
    %max3A_239 = arith.constant 0.000000e+00 : f32
    %max3A_240 = vector.broadcast %max3A_239 : f32 to vector<128x128xf32>
    %max3A_241 = arith.maximumf %add3A_238, %max3A_240 : vector<128x128xf32>
    %dot_general3A_242 = arith.constant dense<0.000000e+00> : vector<128x128xf32>
    %dot_general3A_243 = tpu.matmul %max3A_241, %get3A_7, %dot_general3A_242 {dimension_numbers = #tpu.dot_dimension_numbers<[1], [0], [0], [1], [0, 0, 1, 1], [], []>, precision = #tpu.contract_precision<fp32>, transpose_lhs_hint = false} : vector<128x128xf32>, vector<128x128xf32>, vector<128x128xf32> -> vector<128x128xf32>
    %max3A_244 = arith.maximumf %max3A_229, %dot_general3A_243 : vector<128x128xf32>
    %get3A_245 = arith.constant 0 : index
    %get3A_246 = arith.constant 0 : index
    %get3A_247 = vector.load %arg5[%get3A_245, %get3A_246] : memref<1x128xf32, #tpu.memory_space<vmem>>, vector<1x128xf32>
    %add3A_248 = vector.broadcast %get3A_247 : vector<1x128xf32> to vector<128x128xf32>
    %add3A_249 = arith.addf %max3A_244, %add3A_248 : vector<128x128xf32>
    %swap3A = arith.constant 0 : index
    %swap3A_250 = arith.constant 0 : index
    %swap3A_251 = vector.load %arg6[%swap3A, %swap3A_250] : memref<128x128xf32, #tpu.memory_space<vmem>>, vector<128x128xf32>
    tpu.vector_store %arg6[%swap3A, %swap3A_250], %add3A_249 {strides = array<i32>} : memref<128x128xf32, #tpu.memory_space<vmem>>, vector<128x128xf32>,
    return
  }
  func.func @transform_0(%arg0: i32) -> (i32, i32, i32) {
    %c0_i32 = arith.constant 0 : i32
    %c0_i32_0 = arith.constant 0 : i32
    %c0_i32_1 = arith.constant 0 : i32
    return %arg0, %c0_i32, %c0_i32_0 : i32, i32, i32
  }
  func.func @transform_1(%arg0: i32) -> (i32, i32) {
    %c0_i32 = arith.constant 0 : i32
    %c0_i32_0 = arith.constant 0 : i32
    %c0_i32_1 = arith.constant 0 : i32
    return %c0_i32, %c0_i32_0 : i32, i32
  }
  func.func @transform_2(%arg0: i32) -> (i32, i32) {
    %c0_i32 = arith.constant 0 : i32
    %c0_i32_0 = arith.constant 0 : i32
    %c0_i32_1 = arith.constant 0 : i32
    return %c0_i32, %c0_i32_0 : i32, i32
  }
  func.func @transform_3(%arg0: i32) -> (i32, i32) {
    %c0_i32 = arith.constant 0 : i32
    %c0_i32_0 = arith.constant 0 : i32
    %c0_i32_1 = arith.constant 0 : i32
    return %c0_i32, %c0_i32_0 : i32, i32
  }
  func.func @transform_4(%arg0: i32) -> (i32, i32) {
    %c0_i32 = arith.constant 0 : i32
    %c0_i32_0 = arith.constant 0 : i32
    %c0_i32_1 = arith.constant 0 : i32
    return %c0_i32, %c0_i32_0 : i32, i32
  }
  func.func @transform_5(%arg0: i32) -> (i32, i32) {
    %c0_i32 = arith.constant 0 : i32
    %c0_i32_0 = arith.constant 0 : i32
    return %arg0, %c0_i32 : i32, i32
  }
}

</mosaic_0001>

<sc_bundles>
// kernel: kernel.7.cloned.1.call-start
scs
__scs_entry_jumppad:
0x0: {  	(pc) =	sbr.rel $0x88, $3  }
0x1: {  	(tag) =	ssettag $0x0;
	lr =	simm.s32 $0x1  }
0x2: {  	[smem:$0x3F99] =	sst lr;
	_ =	strace $0xD0000000  }
0x3: {  	_ = 	snop  }
0x4: {  	_ = 	snop  }
0x5: {  	_ = 	snop  }
0x6: {  	_ = 	snop  }
0x7: {  	_ = 	snop  }
__scs_overlays_trampoline_lowered:
0x8: {  	[smem:$0x3FA8] =	sst s0  }
0x9: {  	[smem:$0x3FA9] =	sst s1  }
0xa: {  	[smem:$0x3FAA] =	sst s2  }
0xb: {  	[smem:$0x3FAB] =	sst s3  }
0xc: {  	[smem:$0x3FAC] =	sst s4  }
0xd: {  	[smem:$0x3FAD] =	sst s5  }
0xe: {  	[smem:$0x3FAE] =	sst s6  }
0xf: {  	[smem:$0x3FAF] =	sst s7  }
0x10: {  	[smem:$0x3FB0] =	sst s8  }
0x11: {  	[smem:$0x3FB1] =	sst s9;
	s0 =	simm.s32 @!p0 $0x0  }
0x12: {  	s1 =	sld [smem:$0x3F97];
	s0 =	simm.s32 @p0 $0x1  }
0x13: {  	[smem:$0x3FB2] =	sst s0;
	s0 =	simm.s32 @!p1 $0x0  }
0x14: {  	s2 =	sld [smem:$0x3F96];
	s0 =	simm.s32 @p1 $0x1  }
0x15: {  	[smem:$0x3FB3] =	sst s0;
	s0 =	simm.s32 @!p2 $0x0  }
0x16: {  	s3 =	sld [smem:$0x3FDB];
	s0 =	simm.s32 @p2 $0x1  }
0x17: {  	s4 =	simm.s32 $0x1BF5;
	[smem:$0x3FB5] =	sst s0  }
0x18: {  	s0 =	sld [smem:$0x3F98];
	_ =	swait.ge [sflag:s4], $0x0  }
0x19: {  	s7 =	sld [smem:$0x3F99]  }
0x1a: {  	s8 =	sadd.s32 $0xFFFFE003, lr  }
0x1b: {  	s9 =	sadd.s32 $0xFFFFFEF7, lr;
	s5 =	simm.s32 $0xFFFFFFFF;
	p2 =	slt.u32 s8, $0xFFFFF086  }
0x1c: {  	p1 =	slt.u32 s9, $0xF7A;
	s5 =	simm.s32 @!p2 $0x0  }
0x1d: {  	s5 =	simm.s32 @p1 $0x1;
	p0 =	seq.s32 s7, s2  }
0x1e: {  	s7 =	smul.u32 @!p0 $0xF7A, s2;
	p2 =	seq.s32 @!p0 s5, $0x0  }
0x1f: {  	s9 =	smul.u32 $0xF7A, s1;
	s8 =	simm.s32 @!p0 $0x1BF5;
	p2 =	por !p2, p0  }
0x20: {  	[sflag:s8] =	ssyncset.s32 @!p0 $0xFFFFF086;
	s6 =	sadd.s32 @!p0 s3, s7;
	s7 =	simm.s32 @!p0 $0x108  }
0x21: {  	s3 =	sadd.s32 s3, s9;
	s6 =	sadd.s32 @!p0 $0x88, s6;
	s7 =	simm.s32 @p2 $0x1082  }
0x22: {  	[simem:s7], [sflag:s8] =	dma.local @!p0 [hbm:s6], $0xF7A  }
0x23: {  	s9 =	sor.u32 $0xD0000000, s2;
	s6 =	simm.s32 $0x108;
	_ =	swait.ge @!p0 [sflag:s8], $0x0  }
0x24: {  	s3 =	sadd.s32 $0x88, s3;
	s6 =	simm.s32 @!p1 $0x1082;
	[sflag:s4] =	ssyncset.s32 $0xFFFFF086  }
0x25: {  	[simem:s6], [sflag:s4] =	dma.local [hbm:s3], $0xF7A  }
0x26: {  	[smem:$0x3F99] =	sst s1;
	(tag) =	ssettag s2;
	_ =	strace s9  }
0x27: {  	s1 =	sld [smem:$0x3FA9]  }
0x28: {  	s2 =	sld [smem:$0x3FAA]  }
0x29: {  	s4 =	sld [smem:$0x3FAC]  }
0x2a: {  	p0 =	seq.s32 s5, $0x0;
	s5 =	sld [smem:$0x3FAD]  }
0x2b: {  	s6 =	sld [smem:$0x3FAE]  }
0x2c: {  	s7 =	sld [smem:$0x3FAF]  }
0x2d: {  	s3 =	simm.s32 $0x108;
	s8 =	sld [smem:$0x3FB0]  }
0x2e: {  	s3 =	simm.s32 @!p0 $0x1082;
	s9 =	sld [smem:$0x3FB1]  }
0x2f: {  	lr =	sadd.s32 s0, s3;
	s0 =	sld [smem:$0x3FA8]  }
0x30: {  	s3 =	sld [smem:$0x3FAB]  }
0x31: {  	[smem:$0x3FB4] =	sst s10  }
0x32: {  	s10 =	sld [smem:$0x3FB2];
	_ =	sdelay $0x3  }
0x33: {  	p0 =	seq.s32 s10, $0x1;
	s10 =	sld [smem:$0x3FB4];
	_ =	sdelay $0x3  }
0x34: {  	[smem:$0x3FB4] =	sst s10  }
0x35: {  	s10 =	sld [smem:$0x3FB3];
	_ =	sdelay $0x3  }
0x36: {  	p1 =	seq.s32 s10, $0x1;
	s10 =	sld [smem:$0x3FB4];
	_ =	sdelay $0x3  }
0x37: {  	[smem:$0x3FB4] =	sst s10  }
0x38: {  	s10 =	sld [smem:$0x3FB5]  }
0x39: {  	_ = 	snop;
	(pc) =	sbr.ind lr, $3  }
0x3a: {  	_ = 	snop  }
0x3b: {  	_ = 	snop  }
0x3c: {  	p2 =	seq.s32 s10, $0x1;
	s10 =	sld [smem:$0x3FB4]  }
0x3d: {  	_ =	shalt  }
0x3e: {  	_ =	shalt  }
0x3f: {  	_ =	shalt  }
0x40: {  	_ =	shalt  }
0x41: {  	_ =	shalt  }
0x42: {  	_ =	shalt  }
0x43: {  	_ =	shalt  }
0x44: {  	_ =	shalt  }
0x45: {  	_ =	shalt  }
0x46: {  	_ =	shalt  }
0x47: {  	_ =	shalt  }
0x48: {  	_ =	shalt  }
0x49: {  	_ =	shalt  }
0x4a: {  	_ =	shalt  }
0x4b: {  	_ =	shalt  }
0x4c: {  	_ =	shalt  }
0x4d: {  	_ =	shalt  }
0x4e: {  	_ =	shalt  }
0x4f: {  	_ =	shalt  }
0x50: {  	_ =	shalt  }
0x51: {  	_ =	shalt  }
0x52: {  	_ =	shalt  }
0x53: {  	_ =	shalt  }
0x54: {  	_ =	shalt  }
0x55: {  	_ =	shalt  }
0x56: {  	_ =	shalt  }
0x57: {  	_ =	shalt  }
0x58: {  	_ =	shalt  }
0x59: {  	_ =	shalt  }
0x5a: {  	_ =	shalt  }
0x5b: {  	_ =	shalt  }
0x5c: {  	_ =	shalt  }
0x5d: {  	_ =	shalt  }
0x5e: {  	_ =	shalt  }
0x5f: {  	_ =	shalt  }
0x60: {  	_ =	shalt  }
0x61: {  	_ =	shalt  }
0x62: {  	_ =	shalt  }
0x63: {  	_ =	shalt  }
0x64: {  	_ =	shalt  }
0x65: {  	_ =	shalt  }
0x66: {  	_ =	shalt  }
0x67: {  	_ =	shalt  }
0x68: {  	_ =	shalt  }
0x69: {  	_ =	shalt  }
0x6a: {  	_ =	shalt  }
0x6b: {  	_ =	shalt  }
0x6c: {  	_ =	shalt  }
0x6d: {  	_ =	shalt  }
0x6e: {  	_ =	shalt  }
0x6f: {  	_ =	shalt  }
0x70: {  	_ =	shalt  }
0x71: {  	_ =	shalt  }
0x72: {  	_ =	shalt  }
0x73: {  	_ =	shalt  }
0x74: {  	_ =	shalt  }
0x75: {  	_ =	shalt  }
0x76: {  	_ =	shalt  }
0x77: {  	_ =	shalt  }
0x78: {  	_ =	shalt  }
0x79: {  	_ =	shalt  }
0x7a: {  	_ =	shalt  }
0x7b: {  	_ =	shalt  }
0x7c: {  	_ =	shalt  }
0x7d: {  	_ =	shalt  }
0x7e: {  	_ =	shalt  }
0x7f: {  	_ =	shalt  }
0x80: {  	_ =	shalt  }
0x81: {  	_ =	shalt  }
0x82: {  	_ =	shalt  }
0x83: {  	_ =	shalt  }
0x84: {  	_ =	shalt  }
0x85: {  	_ =	shalt  }
0x86: {  	_ =	shalt  }
0x87: {  	_ =	shalt  }
.Lfunc_end0:
.L_simem_size_0:
called_computation_lowered:
.L_overlay_start_0:
0x88: {  	s2 =	sld [smem:$0x3FD9]  }
0x89: {  	s3 =	sld [smem:$0x3FFE];
	_ =	sdelay $0x1  }
0x8a: {  	s1 =	srdreg.scid  }
0x8b: {  	s0 =	sand.u32 $0x1, s1  }
0x8c: {  	s14 =	sshll.u32 s0, $0xA;
	s2 =	sadd.s32 s3, s2  }
0x8d: {  	s2 =	sadd.s32 s2, s14  }
0x8e: {  	[smem:$0x3FC0] =	sst s2  }
0x8f: {  	_ = 	snop  }
0x90: {  	s2 =	sld [smem:$0x3FD0];
	_ =	sdelay $0x2  }
0x91: {  	s15 =	simm.s32 $0xA;
	s4 =	simm.s32 $0x10  }
0x92: {  	[smem:s4], [sflag:s15] =	dma.local [hbm:s2], $0x1  }
0x93: {  	_ =	swait.eq [sflag:s15], $0x1  }
0x94: {  	[sflag:s15] =	ssyncset.done $0x0  }
0x95: {  	[sflag:s15] =	ssyncadd.s32 $0xFFFFFFFF  }
0x96: {  	s16 =	sld [smem:$0x10];
	(tm) =	ssettm $0x1  }
0x97: {  	s17 =	sld [smem:$0x3FFB];
	_ =	sdelay $0x3  }
0x98: {  	_ =	strace s17  }
0x99: {  	s3 =	sld [smem:$0x3FFC];
	_ =	sdelay $0x3  }
0x9a: {  	_ =	strace s3  }
0x9b: {  	s3 =	sld [smem:$0x3FFD];
	_ =	sdelay $0x3  }
0x9c: {  	_ =	strace s3  }
0x9d: {  	_ =	strace $0x8FFFFFFF  }
0x9e: {  	s18 =	sld [smem:$0x3FDB];
	_ =	sdelay $0x1  }
0x9f: {  	s19 =	simm.s32 $_scs_section_size  }
0xa0: {  	s5 =	simm.s32 $_size__tile_overlayer_lowered;
	s6 =	simm.s32 $_tile_overlayer_lowered  }
0xa1: {  	s22 =	simm.s32 $0x1BFF;
	s21 =	sshll.u32 s6, $0x1;
	s3 =	sadd.s32 s19, s18  }
0xa2: {  	s7 =	simm.s32 $0x0;
	s20 =	sshll.u32 s5, $0x1;
	s5 =	sadd.s32 s21, s3  }
0xa3: {  	[timem:s7], [sflag:s22] =	dma.local [hbm:s5], s20  }
0xa4: {  	_ =	swait.ge [sflag:s22], s20  }
0xa5: {  	s4 =	ssub.s32 $0x0, s20;
	[sflag:s22] =	ssyncset.done $0x0  }
0xa6: {  	[sflag:s22] =	ssyncadd.s32 s4;
	_ =	sdelay $0x1  }
0xa7: {  	s23 =	simm.s32 $0x1B8B  }
0xa8: {  	_ =	swait.ge [sflag:s23], $0x1  }
0xa9: {  	[sflag:s23] =	ssyncset.done $0x0  }
0xaa: {  	s25 =	simm.s32 $0x1B8E;
	s24 =	sld [smem:$0x3FFE];
	[sflag:s23] =	ssyncadd.s32 $0xFFFFFFFF  }
0xab: {  	s26 =	simm.s32 $execute0_lowered;
	[smem:$0x3FD2] =	sst s25  }
0xac: {  	s5 =	sshll.u32 s26, $0x1;
	_ =	strace $0x80000046;
	[dreg:$0x1] =	wrdreg $0xFFFFFFFF  }
0xad: {  	s28 =	simm.s32 $_size_execute0_lowered;
	s3 =	sadd.s32 s3, s5;
	[dreg:$0x0] =	wrdreg $0x0  }
0xae: {  	s5 =	sshll.u32 s28, $0x1;
	[dreg:$0x2] =	wrdreg s3  }
0xaf: {  	[dreg:$0x3] =	wrdreg s5  }
0xb0: {  	[dreg:$0x4] =	wrdreg $0xC0  }
0xb1: {  	_ =	task [dreg:s7], $0x5FFFF  }
0xb2: {  	[dreg:$0x1] =	wrdreg $0xFFFFFFFF  }
0xb3: {  	[dreg:$0x0] =	wrdreg $0x60  }
0xb4: {  	[dreg:$0x2] =	wrdreg s24  }
0xb5: {  	[dreg:$0x3] =	wrdreg s16  }
0xb6: {  	[dreg:$0x4] =	wrdreg $0x9  }
0xb7: {  	_ =	task.clear_ibuf [dreg:s7], $0x5FFFF;
	_ =	strace $0x90000046  }
0xb8: {  	s29 =	simm.s32 $0x9;
	_ =	strace $0x80000048  }
0xb9: {  	_ =	swait.ge [sflag:s29], $0x1  }
0xba: {  	[sflag:s29] =	ssyncadd.s32 $0xFFFFFFFF  }
0xbb: {  	_ =	strace $0x90000048  }
0xbc: {  	_ =	sfence  }
0xbd: {  	s30 =	sld [smem:$0x0];
	_ =	sdelay $0x2  }
0xbe: {  	s31 =	sshll.u32 s1, $0xD;
	s1 =	sshrl.u32 s1, $0x2  }
0xbf: {  	s3 =	sand.u32 $0x4000, s31;
	s1 =	sadd.s32 s1, s30  }
0xc0: {  	s0 =	sor.u32 s3, s0;
	s1 =	sshll.u32 s1, $0x11  }
0xc1: {  	s0 =	sor.u32 s1, s0  }
0xc2: {  	s0 =	sadd.s32 $0x8F2B, s0  }
0xc3: {  	[sflag:s0] =	ssyncadd.remote.s32 $0x1  }
0xc4: {  	_ =	sfence.sel $0xFFFF  }
0xc5: {  	[dreg:$0x0] =	wrdreg $0xFFFFFFFF;
	(pc) =	sbr.abs _section_cstart, $3  }
0xc6: {  	[dreg:$0x1] =	wrdreg $0xFFFFFFFF  }
0xc7: {  	_ =	task.clear_ibuf [dreg:s7], $0x2FFFF;
	_ =	strace $0x9FFFFFFF  }
0xc8: {  	(tm) =	ssettm $0x7FFFFFFF  }
0xc9: {  	_ =	shalt  }
tec
execute0_lowered:
.L_overlay_start_1:
0x0: {  	(tag) =	ssettag $0x1  }
0x1: {  	s4 =	rddreg [dreg:$0x0]  }
0x2: {  	s30 =	rddreg [dreg:$0x1];
	s0 =	srdreg.scid  }
0x3: {  	s1 =	stileid.u32;
	s2 =	simm.s32 $0x0;
	s3 =	sand.u32 $0x1, s0  }
0x4: {  	s11 =	sshll.u32 s1, $0xD;
	[smem:$0x7FF] =	sst s2;
	s12 =	sshll.u32 s3, $0xC  }
0x5: {  	s0 =	sadd.s32 $0x82000, s4;
	[smem:$0x7FC] =	sst s3;
	s1 =	sor.u32 s12, s11  }
0x6: {  	_ =	strace $0x80000047;
	s13 =	sshrl.u32 s1, $0x3;
	s5 =	sshll.u32 s1, $0x4  }
0x7: {  	s15 =	sor.u32 $0x80, s1;
	s6 =	sor.u32 $0x100, s1;
	s22 =	sor.u32 $0x180, s1  }
0x8: {  	s24 =	sor.u32 $0x200, s1;
	s8 =	sor.u32 $0x280, s1;
	s10 =	sor.u32 $0x300, s1  }
0x9: {  	s3 =	sadd.s32 s30, s13;
	s14 =	sadd.s32 s0, s5;
	s16 =	sshrl.u32 s15, $0x3  }
0xa: {  	s5 =	sshll.u32 s15, $0x4;
	s18 =	sshrl.u32 s6, $0x3;
	s20 =	sshll.u32 s6, $0x4  }
0xb: {  	s23 =	sshrl.u32 s22, $0x3;
	s26 =	sshrl.u32 s24, $0x3;
	s6 =	sshll.u32 s24, $0x4  }
0xc: {  	s9 =	sshrl.u32 s8, $0x3;
	s12 =	sshrl.u32 s10, $0x3;
	[dreg:$0x3] =	wrdreg s3  }
0xd: {  	s24 =	sor.u32 $0x480, s1;
	[dreg:$0x4] =	wrdreg s14;
	s3 =	sadd.s32 s30, s16  }
0xe: {  	s17 =	sadd.s32 s0, s5;
	s19 =	sadd.s32 s30, s18;
	s21 =	sadd.s32 s0, s20  }
0xf: {  	s5 =	sshll.u32 s22, $0x4;
	s7 =	sadd.s32 s0, s6;
	[dreg:$0x5] =	wrdreg s3  }
0x10: {  	s13 =	sadd.s32 s30, s12;
	s14 =	sshll.u32 s10, $0x4;
	[dreg:$0x6] =	wrdreg s17  }
0x11: {  	s16 =	sor.u32 $0x380, s1;
	s18 =	sor.u32 $0x400, s1;
	[dreg:$0x7] =	wrdreg s19  }
0x12: {  	s12 =	sor.u32 $0x580, s1;
	s6 =	sor.u32 $0x780, s1;
	[dreg:$0x8] =	wrdreg s21  }
0x13: {  	s3 =	sadd.s32 s30, s23;
	s25 =	sadd.s32 s0, s5;
	[dreg:$0xc] =	wrdreg s7  }
0x14: {  	s5 =	sadd.s32 s30, s26;
	[dreg:$0xf] =	wrdreg s13;
	s15 =	sadd.s32 s0, s14  }
0x15: {  	s17 =	sshrl.u32 s16, $0x3;
	s20 =	sshrl.u32 s18, $0x3;
	[dreg:$0x9] =	wrdreg s3  }
0x16: {  	s22 =	sshll.u32 s18, $0x4;
	s26 =	sor.u32 $0x500, s1;
	[dreg:$0xa] =	wrdreg s25  }
0x17: {  	s13 =	sshrl.u32 s12, $0x3;
	s14 =	sor.u32 $0x600, s1;
	[dreg:$0xb] =	wrdreg s5  }
0x18: {  	s3 =	sadd.s32 s30, s9;
	s5 =	sshll.u32 s8, $0x4;
	[dreg:$0x10] =	wrdreg s15  }
0x19: {  	s21 =	sadd.s32 s30, s20;
	s23 =	sadd.s32 s0, s22;
	[dreg:$0xd] =	wrdreg s3  }
0x1a: {  	s25 =	sshrl.u32 s24, $0x3;
	s8 =	sshrl.u32 s26, $0x3;
	[dreg:$0x13] =	wrdreg s21  }
0x1b: {  	s10 =	sshll.u32 s26, $0x4;
	s11 =	sadd.s32 s0, s5;
	[dreg:$0x14] =	wrdreg s23  }
0x1c: {  	s18 =	sshll.u32 s14, $0x4;
	s3 =	sadd.s32 s30, s17;
	[dreg:$0xe] =	wrdreg s11  }
0x1d: {  	s5 =	sshll.u32 s16, $0x4;
	s9 =	sadd.s32 s30, s8;
	[dreg:$0x11] =	wrdreg s3  }
0x1e: {  	s20 =	sor.u32 $0x680, s1;
	s19 =	sadd.s32 s0, s5;
	[dreg:$0x17] =	wrdreg s9  }
0x1f: {  	s22 =	sor.u32 $0x700, s1;
	s3 =	sadd.s32 s30, s25;
	[dreg:$0x12] =	wrdreg s19  }
0x20: {  	s16 =	sshrl.u32 s14, $0x3;
	s11 =	sadd.s32 s0, s10;
	[dreg:$0x15] =	wrdreg s3  }
0x21: {  	s21 =	sshrl.u32 s20, $0x3;
	s17 =	sadd.s32 s30, s16;
	[dreg:$0x18] =	wrdreg s11  }
0x22: {  	s5 =	sshll.u32 s24, $0x4;
	s24 =	sshrl.u32 s22, $0x3;
	[dreg:$0x1b] =	wrdreg s17  }
0x23: {  	s7 =	sadd.s32 s0, s5;
	s25 =	sadd.s32 s30, s24;
	s24 =	rddreg [dreg:$0x3]  }
0x24: {  	s26 =	sshll.u32 s22, $0x4;
	s3 =	sadd.s32 s30, s13;
	[dreg:$0x16] =	wrdreg s7  }
0x25: {  	s8 =	sor.u32 $0x800, s1;
	s19 =	sadd.s32 s0, s18;
	[dreg:$0x19] =	wrdreg s3  }
0x26: {  	s14 =	sor.u32 $0x880, s1;
	s10 =	sshrl.u32 s8, $0x3;
	[dreg:$0x1c] =	wrdreg s19  }
0x27: {  	s5 =	sshll.u32 s12, $0x4;
	s11 =	sadd.s32 s30, s10;
	[dreg:$0x1f] =	wrdreg s25  }
0x28: {  	s16 =	sor.u32 $0x900, s1;
	s15 =	sadd.s32 s0, s5;
	[smem:$0x7F4] =	sst s11  }
0x29: {  	[tilespmem:s2], [sflag:$0x2] =	stream.linear.gather [hbm4b:s24+s2], $0x80, $0x38;
	[tilespmem:$0x4080] =	vst v63  }
0x2a: {  	s12 =	sshll.u32 s8, $0x4;
	s3 =	sadd.s32 s30, s21;
	[dreg:$0x1a] =	wrdreg s15  }
0x2b: {  	s18 =	sshrl.u32 s16, $0x3;
	s13 =	sadd.s32 s0, s12;
	[dreg:$0x1d] =	wrdreg s3  }
0x2c: {  	s5 =	sshll.u32 s20, $0x4;
	s19 =	sadd.s32 s30, s18;
	[smem:$0x7F5] =	sst s13  }
0x2d: {  	s22 =	sor.u32 $0x980, s1;
	s23 =	sadd.s32 s0, s5;
	[smem:$0x7F8] =	sst s19  }
0x2e: {  	s7 =	sshrl.u32 s6, $0x3;
	s5 =	sadd.s32 s0, s26;
	[dreg:$0x1e] =	wrdreg s23  }
0x2f: {  	s20 =	sshll.u32 s16, $0x4;
	s3 =	sadd.s32 s30, s7;
	[smem:$0x7F1] =	sst s5  }
0x30: {  	s15 =	sshrl.u32 s14, $0x3;
	s21 =	sadd.s32 s0, s20;
	[smem:$0x7F2] =	sst s3  }
0x31: {  	s5 =	sshll.u32 s6, $0x4;
	s3 =	sadd.s32 s30, s15;
	[smem:$0x7F9] =	sst s21  }
0x32: {  	s23 =	sshrl.u32 s22, $0x3;
	s9 =	sadd.s32 s0, s5;
	[smem:$0x7F6] =	sst s3  }
0x33: {  	s5 =	sshll.u32 s14, $0x4;
	s3 =	sadd.s32 s30, s23;
	[smem:$0x7F3] =	sst s9  }
0x34: {  	s17 =	sadd.s32 s0, s5;
	s5 =	sshll.u32 s22, $0x4;
	[smem:$0x7FA] =	sst s3  }
0x35: {  	[smem:$0x7F7] =	sst s17;
	s25 =	sadd.s32 s0, s5  }
0x36: {  	s3 =	simm.s32 $0x2;
	[smem:$0x7FB] =	sst s25  }
0x37: {  	_ =	swait.ge [sflag:s3], $0x80  }
0x38: {  	s4 =	sadd.s32 $0x2000, s4;
	[sflag:s3] =	ssyncset.done $0x0  }
0x39: {  	s6 =	simm.s32 $0x1;
	s5 =	simm.s32 $0x80;
	[sflag:s3] =	ssyncadd.s32 $0xFFFFFF80  }
0x3a: {  	[tilespmem:s5], [sflag:$0x1] =	stream.indirect.gather [hbm4b:s4+s5], $0x80, s2, s5, $0xb8;
	[tilespmem:$0x4080] =	vst v63  }
0x3b: {  	_ =	swait.ge [sflag:s6], $0x4000  }
0x3c: {  	[sflag:s6] =	ssyncset.done $0x0  }
0x3d: {  	s7 =	rddreg [dreg:$0x4];
	[sflag:s6] =	ssyncadd.s32 $0xFFFFC000  }
0x3e: {  	[hbm4b:s7+s2] =	stream.linear.scatter [tilespmem:s5], [sflag:$0x2], $0x4000, $0x38;
	[tilespmem:$0x4080] =	vst v63  }
0x3f: {  	_ =	swait.ge [sflag:s3], $0x4000  }
0x40: {  	[sflag:s3] =	ssyncset.done $0x0  }
0x41: {  	s26 =	rddreg [dreg:$0x5];
	[sflag:s3] =	ssyncadd.s32 $0xFFFFC000  }
0x42: {  	[tilespmem:s2], [sflag:$0x2] =	stream.linear.gather [hbm4b:s26+s2], $0x80, $0x38;
	[tilespmem:$0x4080] =	vst v63  }
0x43: {  	_ =	swait.ge [sflag:s3], $0x80  }
0x44: {  	[sflag:s3] =	ssyncset.done $0x0  }
0x45: {  	[sflag:s3] =	ssyncadd.s32 $0xFFFFFF80  }
0x46: {  	[tilespmem:s5], [sflag:$0x1] =	stream.indirect.gather [hbm4b:s4+s5], $0x80, s2, s5, $0xb8;
	[tilespmem:$0x4080] =	vst v63  }
0x47: {  	_ =	swait.ge [sflag:s6], $0x4000  }
0x48: {  	[sflag:s6] =	ssyncset.done $0x0  }
0x49: {  	s8 =	rddreg [dreg:$0x6];
	[sflag:s6] =	ssyncadd.s32 $0xFFFFC000  }
0x4a: {  	[hbm4b:s8+s2] =	stream.linear.scatter [tilespmem:s5], [sflag:$0x2], $0x4000, $0x38;
	[tilespmem:$0x4080] =	vst v63  }
0x4b: {  	_ =	swait.ge [sflag:s3], $0x4000  }
0x4c: {  	[sflag:s3] =	ssyncset.done $0x0  }
0x4d: {  	s9 =	rddreg [dreg:$0x7];
	[sflag:s3] =	ssyncadd.s32 $0xFFFFC000  }
0x4e: {  	[tilespmem:s2], [sflag:$0x2] =	stream.linear.gather [hbm4b:s9+s2], $0x80, $0x38;
	[tilespmem:$0x4080] =	vst v63  }
0x4f: {  	_ =	swait.ge [sflag:s3], $0x80  }
0x50: {  	[sflag:s3] =	ssyncset.done $0x0  }
0x51: {  	[sflag:s3] =	ssyncadd.s32 $0xFFFFFF80  }
0x52: {  	[tilespmem:s5], [sflag:$0x1] =	stream.indirect.gather [hbm4b:s4+s5], $0x80, s2, s5, $0xb8;
	[tilespmem:$0x4080] =	vst v63  }
0x53: {  	_ =	swait.ge [sflag:s6], $0x4000  }
0x54: {  	[sflag:s6] =	ssyncset.done $0x0  }
0x55: {  	s10 =	rddreg [dreg:$0x8];
	[sflag:s6] =	ssyncadd.s32 $0xFFFFC000  }
0x56: {  	[hbm4b:s10+s2] =	stream.linear.scatter [tilespmem:s5], [sflag:$0x2], $0x4000, $0x38;
	[tilespmem:$0x4080] =	vst v63  }
0x57: {  	_ =	swait.ge [sflag:s3], $0x4000  }
0x58: {  	[sflag:s3] =	ssyncset.done $0x0  }
0x59: {  	s11 =	rddreg [dreg:$0x9];
	[sflag:s3] =	ssyncadd.s32 $0xFFFFC000  }
0x5a: {  	[tilespmem:s2], [sflag:$0x2] =	stream.linear.gather [hbm4b:s11+s2], $0x80, $0x38;
	[tilespmem:$0x4080] =	vst v63  }
0x5b: {  	_ =	swait.ge [sflag:s3], $0x80  }
0x5c: {  	[sflag:s3] =	ssyncset.done $0x0  }
0x5d: {  	[sflag:s3] =	ssyncadd.s32 $0xFFFFFF80  }
0x5e: {  	[tilespmem:s5], [sflag:$0x1] =	stream.indirect.gather [hbm4b:s4+s5], $0x80, s2, s5, $0xb8;
	[tilespmem:$0x4080] =	vst v63  }
0x5f: {  	_ =	swait.ge [sflag:s6], $0x4000  }
0x60: {  	[sflag:s6] =	ssyncset.done $0x0  }
0x61: {  	s12 =	rddreg [dreg:$0xa];
	[sflag:s6] =	ssyncadd.s32 $0xFFFFC000  }
0x62: {  	[hbm4b:s12+s2] =	stream.linear.scatter [tilespmem:s5], [sflag:$0x2], $0x4000, $0x38;
	[tilespmem:$0x4080] =	vst v63  }
0x63: {  	_ =	swait.ge [sflag:s3], $0x4000  }
0x64: {  	[sflag:s3] =	ssyncset.done $0x0  }
0x65: {  	s13 =	rddreg [dreg:$0xb];
	[sflag:s3] =	ssyncadd.s32 $0xFFFFC000  }
0x66: {  	[tilespmem:s2], [sflag:$0x2] =	stream.linear.gather [hbm4b:s13+s2], $0x80, $0x38;
	[tilespmem:$0x4080] =	vst v63  }
0x67: {  	_ =	swait.ge [sflag:s3], $0x80  }
0x68: {  	[sflag:s3] =	ssyncset.done $0x0  }
0x69: {  	[sflag:s3] =	ssyncadd.s32 $0xFFFFFF80  }
0x6a: {  	[tilespmem:s5], [sflag:$0x1] =	stream.indirect.gather [hbm4b:s4+s5], $0x80, s2, s5, $0xb8;
	[tilespmem:$0x4080] =	vst v63  }
0x6b: {  	_ =	swait.ge [sflag:s6], $0x4000  }
0x6c: {  	[sflag:s6] =	ssyncset.done $0x0  }
0x6d: {  	s14 =	rddreg [dreg:$0xc];
	[sflag:s6] =	ssyncadd.s32 $0xFFFFC000  }
0x6e: {  	[hbm4b:s14+s2] =	stream.linear.scatter [tilespmem:s5], [sflag:$0x2], $0x4000, $0x38;
	[tilespmem:$0x4080] =	vst v63  }
0x6f: {  	_ =	swait.ge [sflag:s3], $0x4000  }
0x70: {  	[sflag:s3] =	ssyncset.done $0x0  }
0x71: {  	s15 =	rddreg [dreg:$0xd];
	[sflag:s3] =	ssyncadd.s32 $0xFFFFC000  }
0x72: {  	[tilespmem:s2], [sflag:$0x2] =	stream.linear.gather [hbm4b:s15+s2], $0x80, $0x38;
	[tilespmem:$0x4080] =	vst v63  }
0x73: {  	_ =	swait.ge [sflag:s3], $0x80  }
0x74: {  	[sflag:s3] =	ssyncset.done $0x0  }
0x75: {  	[sflag:s3] =	ssyncadd.s32 $0xFFFFFF80  }
0x76: {  	[tilespmem:s5], [sflag:$0x1] =	stream.indirect.gather [hbm4b:s4+s5], $0x80, s2, s5, $0xb8;
	[tilespmem:$0x4080] =	vst v63  }
0x77: {  	_ =	swait.ge [sflag:s6], $0x4000  }
0x78: {  	[sflag:s6] =	ssyncset.done $0x0  }
0x79: {  	s16 =	rddreg [dreg:$0xe];
	[sflag:s6] =	ssyncadd.s32 $0xFFFFC000  }
0x7a: {  	[hbm4b:s16+s2] =	stream.linear.scatter [tilespmem:s5], [sflag:$0x2], $0x4000, $0x38;
	[tilespmem:$0x4080] =	vst v63  }
0x7b: {  	_ =	swait.ge [sflag:s3], $0x4000  }
0x7c: {  	[sflag:s3] =	ssyncset.done $0x0  }
0x7d: {  	s17 =	rddreg [dreg:$0xf];
	[sflag:s3] =	ssyncadd.s32 $0xFFFFC000  }
0x7e: {  	[tilespmem:s2], [sflag:$0x2] =	stream.linear.gather [hbm4b:s17+s2], $0x80, $0x38;
	[tilespmem:$0x4080] =	vst v63  }
0x7f: {  	_ =	swait.ge [sflag:s3], $0x80  }
0x80: {  	[sflag:s3] =	ssyncset.done $0x0  }
0x81: {  	[sflag:s3] =	ssyncadd.s32 $0xFFFFFF80  }
0x82: {  	[tilespmem:s5], [sflag:$0x1] =	stream.indirect.gather [hbm4b:s4+s5], $0x80, s2, s5, $0xb8;
	[tilespmem:$0x4080] =	vst v63  }
0x83: {  	_ =	swait.ge [sflag:s6], $0x4000  }
0x84: {  	[sflag:s6] =	ssyncset.done $0x0  }
0x85: {  	s18 =	rddreg [dreg:$0x10];
	[sflag:s6] =	ssyncadd.s32 $0xFFFFC000  }
0x86: {  	[hbm4b:s18+s2] =	stream.linear.scatter [tilespmem:s5], [sflag:$0x2], $0x4000, $0x38;
	[tilespmem:$0x4080] =	vst v63  }
0x87: {  	_ =	swait.ge [sflag:s3], $0x4000  }
0x88: {  	[sflag:s3] =	ssyncset.done $0x0  }
0x89: {  	s19 =	rddreg [dreg:$0x11];
	[sflag:s3] =	ssyncadd.s32 $0xFFFFC000  }
0x8a: {  	[tilespmem:s2], [sflag:$0x2] =	stream.linear.gather [hbm4b:s19+s2], $0x80, $0x38;
	[tilespmem:$0x4080] =	vst v63  }
0x8b: {  	_ =	swait.ge [sflag:s3], $0x80  }
0x8c: {  	[sflag:s3] =	ssyncset.done $0x0  }
0x8d: {  	[sflag:s3] =	ssyncadd.s32 $0xFFFFFF80  }
0x8e: {  	[tilespmem:s5], [sflag:$0x1] =	stream.indirect.gather [hbm4b:s4+s5], $0x80, s2, s5, $0xb8;
	[tilespmem:$0x4080] =	vst v63  }
0x8f: {  	_ =	swait.ge [sflag:s6], $0x4000  }
0x90: {  	[sflag:s6] =	ssyncset.done $0x0  }
0x91: {  	s20 =	rddreg [dreg:$0x12];
	[sflag:s6] =	ssyncadd.s32 $0xFFFFC000  }
0x92: {  	[hbm4b:s20+s2] =	stream.linear.scatter [tilespmem:s5], [sflag:$0x2], $0x4000, $0x38;
	[tilespmem:$0x4080] =	vst v63  }
0x93: {  	_ =	swait.ge [sflag:s3], $0x4000  }
0x94: {  	[sflag:s3] =	ssyncset.done $0x0  }
0x95: {  	s21 =	rddreg [dreg:$0x13];
	[sflag:s3] =	ssyncadd.s32 $0xFFFFC000  }
0x96: {  	[tilespmem:s2], [sflag:$0x2] =	stream.linear.gather [hbm4b:s21+s2], $0x80, $0x38;
	[tilespmem:$0x4080] =	vst v63  }
0x97: {  	_ =	swait.ge [sflag:s3], $0x80  }
0x98: {  	[sflag:s3] =	ssyncset.done $0x0  }
0x99: {  	[sflag:s3] =	ssyncadd.s32 $0xFFFFFF80  }
0x9a: {  	[tilespmem:s5], [sflag:$0x1] =	stream.indirect.gather [hbm4b:s4+s5], $0x80, s2, s5, $0xb8;
	[tilespmem:$0x4080] =	vst v63  }
0x9b: {  	_ =	swait.ge [sflag:s6], $0x4000  }
0x9c: {  	[sflag:s6] =	ssyncset.done $0x0  }
0x9d: {  	s22 =	rddreg [dreg:$0x14];
	[sflag:s6] =	ssyncadd.s32 $0xFFFFC000  }
0x9e: {  	[hbm4b:s22+s2] =	stream.linear.scatter [tilespmem:s5], [sflag:$0x2], $0x4000, $0x38;
	[tilespmem:$0x4080] =	vst v63  }
0x9f: {  	_ =	swait.ge [sflag:s3], $0x4000  }
0xa0: {  	[sflag:s3] =	ssyncset.done $0x0  }
0xa1: {  	s23 =	rddreg [dreg:$0x15];
	[sflag:s3] =	ssyncadd.s32 $0xFFFFC000  }
0xa2: {  	[tilespmem:s2], [sflag:$0x2] =	stream.linear.gather [hbm4b:s23+s2], $0x80, $0x38;
	[tilespmem:$0x4080] =	vst v63  }
0xa3: {  	_ =	swait.ge [sflag:s3], $0x80  }
0xa4: {  	[sflag:s3] =	ssyncset.done $0x0  }
0xa5: {  	[sflag:s3] =	ssyncadd.s32 $0xFFFFFF80  }
0xa6: {  	[tilespmem:s5], [sflag:$0x1] =	stream.indirect.gather [hbm4b:s4+s5], $0x80, s2, s5, $0xb8;
	[tilespmem:$0x4080] =	vst v63  }
0xa7: {  	_ =	swait.ge [sflag:s6], $0x4000  }
0xa8: {  	[sflag:s6] =	ssyncset.done $0x0  }
0xa9: {  	s24 =	rddreg [dreg:$0x16];
	[sflag:s6] =	ssyncadd.s32 $0xFFFFC000  }
0xaa: {  	[hbm4b:s24+s2] =	stream.linear.scatter [tilespmem:s5], [sflag:$0x2], $0x4000, $0x38;
	[tilespmem:$0x4080] =	vst v63  }
0xab: {  	_ =	swait.ge [sflag:s3], $0x4000  }
0xac: {  	[sflag:s3] =	ssyncset.done $0x0  }
0xad: {  	s25 =	rddreg [dreg:$0x17];
	[sflag:s3] =	ssyncadd.s32 $0xFFFFC000  }
0xae: {  	[tilespmem:s2], [sflag:$0x2] =	stream.linear.gather [hbm4b:s25+s2], $0x80, $0x38;
	[tilespmem:$0x4080] =	vst v63  }
0xaf: {  	_ =	swait.ge [sflag:s3], $0x80  }
0xb0: {  	[sflag:s3] =	ssyncset.done $0x0  }
0xb1: {  	[sflag:s3] =	ssyncadd.s32 $0xFFFFFF80  }
0xb2: {  	[tilespmem:s5], [sflag:$0x1] =	stream.indirect.gather [hbm4b:s4+s5], $0x80, s2, s5, $0xb8;
	[tilespmem:$0x4080] =	vst v63  }
0xb3: {  	_ =	swait.ge [sflag:s6], $0x4000  }
0xb4: {  	[sflag:s6] =	ssyncset.done $0x0  }
0xb5: {  	s26 =	rddreg [dreg:$0x18];
	[sflag:s6] =	ssyncadd.s32 $0xFFFFC000  }
0xb6: {  	[hbm4b:s26+s2] =	stream.linear.scatter [tilespmem:s5], [sflag:$0x2], $0x4000, $0x38;
	[tilespmem:$0x4080] =	vst v63  }
0xb7: {  	_ =	swait.ge [sflag:s3], $0x4000  }
0xb8: {  	[sflag:s3] =	ssyncset.done $0x0  }
0xb9: {  	s8 =	rddreg [dreg:$0x19];
	[sflag:s3] =	ssyncadd.s32 $0xFFFFC000  }
0xba: {  	[tilespmem:s2], [sflag:$0x2] =	stream.linear.gather [hbm4b:s8+s2], $0x80, $0x38;
	[tilespmem:$0x4080] =	vst v63  }
0xbb: {  	_ =	swait.ge [sflag:s3], $0x80  }
0xbc: {  	[sflag:s3] =	ssyncset.done $0x0  }
0xbd: {  	[sflag:s3] =	ssyncadd.s32 $0xFFFFFF80  }
0xbe: {  	[tilespmem:s5], [sflag:$0x1] =	stream.indirect.gather [hbm4b:s4+s5], $0x80, s2, s5, $0xb8;
	[tilespmem:$0x4080] =	vst v63  }
0xbf: {  	_ =	swait.ge [sflag:s6], $0x4000  }
0xc0: {  	[sflag:s6] =	ssyncset.done $0x0  }
0xc1: {  	s9 =	rddreg [dreg:$0x1a];
	[sflag:s6] =	ssyncadd.s32 $0xFFFFC000  }
0xc2: {  	[hbm4b:s9+s2] =	stream.linear.scatter [tilespmem:s5], [sflag:$0x2], $0x4000, $0x38;
	[tilespmem:$0x4080] =	vst v63  }
0xc3: {  	_ =	swait.ge [sflag:s3], $0x4000  }
0xc4: {  	[sflag:s3] =	ssyncset.done $0x0  }
0xc5: {  	s10 =	rddreg [dreg:$0x1b];
	[sflag:s3] =	ssyncadd.s32 $0xFFFFC000  }
0xc6: {  	[tilespmem:s2], [sflag:$0x2] =	stream.linear.gather [hbm4b:s10+s2], $0x80, $0x38;
	[tilespmem:$0x4080] =	vst v63  }
0xc7: {  	_ =	swait.ge [sflag:s3], $0x80  }
0xc8: {  	[sflag:s3] =	ssyncset.done $0x0  }
0xc9: {  	[sflag:s3] =	ssyncadd.s32 $0xFFFFFF80  }
0xca: {  	[tilespmem:s5], [sflag:$0x1] =	stream.indirect.gather [hbm4b:s4+s5], $0x80, s2, s5, $0xb8;
	[tilespmem:$0x4080] =	vst v63  }
0xcb: {  	_ =	swait.ge [sflag:s6], $0x4000  }
0xcc: {  	[sflag:s6] =	ssyncset.done $0x0  }
0xcd: {  	s11 =	rddreg [dreg:$0x1c];
	[sflag:s6] =	ssyncadd.s32 $0xFFFFC000  }
0xce: {  	[hbm4b:s11+s2] =	stream.linear.scatter [tilespmem:s5], [sflag:$0x2], $0x4000, $0x38;
	[tilespmem:$0x4080] =	vst v63  }
0xcf: {  	_ =	swait.ge [sflag:s3], $0x4000  }
0xd0: {  	[sflag:s3] =	ssyncset.done $0x0  }
0xd1: {  	s12 =	rddreg [dreg:$0x1d];
	[sflag:s3] =	ssyncadd.s32 $0xFFFFC000  }
0xd2: {  	[tilespmem:s2], [sflag:$0x2] =	stream.linear.gather [hbm4b:s12+s2], $0x80, $0x38;
	[tilespmem:$0x4080] =	vst v63  }
0xd3: {  	_ =	swait.ge [sflag:s3], $0x80  }
0xd4: {  	[sflag:s3] =	ssyncset.done $0x0  }
0xd5: {  	[sflag:s3] =	ssyncadd.s32 $0xFFFFFF80  }
0xd6: {  	[tilespmem:s5], [sflag:$0x1] =	stream.indirect.gather [hbm4b:s4+s5], $0x80, s2, s5, $0xb8;
	[tilespmem:$0x4080] =	vst v63  }
0xd7: {  	_ =	swait.ge [sflag:s6], $0x4000  }
0xd8: {  	[sflag:s6] =	ssyncset.done $0x0  }
0xd9: {  	s13 =	rddreg [dreg:$0x1e];
	[sflag:s6] =	ssyncadd.s32 $0xFFFFC000  }
0xda: {  	[hbm4b:s13+s2] =	stream.linear.scatter [tilespmem:s5], [sflag:$0x2], $0x4000, $0x38;
	[tilespmem:$0x4080] =	vst v63  }
0xdb: {  	_ =	swait.ge [sflag:s3], $0x4000  }
0xdc: {  	[sflag:s3] =	ssyncset.done $0x0  }
0xdd: {  	s14 =	rddreg [dreg:$0x1f];
	[sflag:s3] =	ssyncadd.s32 $0xFFFFC000  }
0xde: {  	[tilespmem:s2], [sflag:$0x2] =	stream.linear.gather [hbm4b:s14+s2], $0x80, $0x38;
	[tilespmem:$0x4080] =	vst v63  }
0xdf: {  	_ =	swait.ge [sflag:s3], $0x80  }
0xe0: {  	[sflag:s3] =	ssyncset.done $0x0  }
0xe1: {  	[sflag:s3] =	ssyncadd.s32 $0xFFFFFF80  }
0xe2: {  	[tilespmem:s5], [sflag:$0x1] =	stream.indirect.gather [hbm4b:s4+s5], $0x80, s2, s5, $0xb8;
	[tilespmem:$0x4080] =	vst v63  }
0xe3: {  	_ =	swait.ge [sflag:s6], $0x4000  }
0xe4: {  	s15 =	sld [smem:$0x7F1]  }
0xe5: {  	[sflag:s6] =	ssyncset.done $0x0  }
0xe6: {  	[sflag:s6] =	ssyncadd.s32 $0xFFFFC000  }
0xe7: {  	[hbm4b:s15+s2] =	stream.linear.scatter [tilespmem:s5], [sflag:$0x2], $0x4000, $0x38;
	[tilespmem:$0x4080] =	vst v63  }
0xe8: {  	_ =	swait.ge [sflag:s3], $0x4000  }
0xe9: {  	s16 =	sld [smem:$0x7F2]  }
0xea: {  	[sflag:s3] =	ssyncset.done $0x0  }
0xeb: {  	[sflag:s3] =	ssyncadd.s32 $0xFFFFC000  }
0xec: {  	[tilespmem:s2], [sflag:$0x2] =	stream.linear.gather [hbm4b:s16+s2], $0x80, $0x38;
	[tilespmem:$0x4080] =	vst v63  }
0xed: {  	_ =	swait.ge [sflag:s3], $0x80  }
0xee: {  	[sflag:s3] =	ssyncset.done $0x0  }
0xef: {  	[sflag:s3] =	ssyncadd.s32 $0xFFFFFF80  }
0xf0: {  	[tilespmem:s5], [sflag:$0x1] =	stream.indirect.gather [hbm4b:s4+s5], $0x80, s2, s5, $0xb8;
	[tilespmem:$0x4080] =	vst v63  }
0xf1: {  	_ =	swait.ge [sflag:s6], $0x4000  }
0xf2: {  	s17 =	sld [smem:$0x7F3]  }
0xf3: {  	[sflag:s6] =	ssyncset.done $0x0  }
0xf4: {  	[sflag:s6] =	ssyncadd.s32 $0xFFFFC000  }
0xf5: {  	[hbm4b:s17+s2] =	stream.linear.scatter [tilespmem:s5], [sflag:$0x2], $0x4000, $0x38;
	[tilespmem:$0x4080] =	vst v63  }
0xf6: {  	_ =	swait.ge [sflag:s3], $0x4000  }
0xf7: {  	s18 =	sld [smem:$0x7F4]  }
0xf8: {  	[sflag:s3] =	ssyncset.done $0x0  }
0xf9: {  	[sflag:s3] =	ssyncadd.s32 $0xFFFFC000  }
0xfa: {  	[tilespmem:s2], [sflag:$0x2] =	stream.linear.gather [hbm4b:s18+s2], $0x80, $0x38;
	[tilespmem:$0x4080] =	vst v63  }
0xfb: {  	_ =	swait.ge [sflag:s3], $0x80  }
0xfc: {  	[sflag:s3] =	ssyncset.done $0x0  }
0xfd: {  	[sflag:s3] =	ssyncadd.s32 $0xFFFFFF80  }
0xfe: {  	[tilespmem:s5], [sflag:$0x1] =	stream.indirect.gather [hbm4b:s4+s5], $0x80, s2, s5, $0xb8;
	[tilespmem:$0x4080] =	vst v63  }
0xff: {  	_ =	swait.ge [sflag:s6], $0x4000  }
0x100: {  	s19 =	sld [smem:$0x7F5]  }
0x101: {  	[sflag:s6] =	ssyncset.done $0x0  }
0x102: {  	[sflag:s6] =	ssyncadd.s32 $0xFFFFC000  }
0x103: {  	[hbm4b:s19+s2] =	stream.linear.scatter [tilespmem:s5], [sflag:$0x2], $0x4000, $0x38;
	[tilespmem:$0x4080] =	vst v63  }
0x104: {  	_ =	swait.ge [sflag:s3], $0x4000  }
0x105: {  	s20 =	sld [smem:$0x7F6]  }
0x106: {  	[sflag:s3] =	ssyncset.done $0x0  }
0x107: {  	[sflag:s3] =	ssyncadd.s32 $0xFFFFC000  }
0x108: {  	[tilespmem:s2], [sflag:$0x2] =	stream.linear.gather [hbm4b:s20+s2], $0x80, $0x38;
	[tilespmem:$0x4080] =	vst v63  }
0x109: {  	_ =	swait.ge [sflag:s3], $0x80  }
0x10a: {  	[sflag:s3] =	ssyncset.done $0x0  }
0x10b: {  	[sflag:s3] =	ssyncadd.s32 $0xFFFFFF80  }
0x10c: {  	[tilespmem:s5], [sflag:$0x1] =	stream.indirect.gather [hbm4b:s4+s5], $0x80, s2, s5, $0xb8;
	[tilespmem:$0x4080] =	vst v63  }
0x10d: {  	_ =	swait.ge [sflag:s6], $0x4000  }
0x10e: {  	s21 =	sld [smem:$0x7F7]  }
0x10f: {  	[sflag:s6] =	ssyncset.done $0x0  }
0x110: {  	[sflag:s6] =	ssyncadd.s32 $0xFFFFC000  }
0x111: {  	[hbm4b:s21+s2] =	stream.linear.scatter [tilespmem:s5], [sflag:$0x2], $0x4000, $0x38;
	[tilespmem:$0x4080] =	vst v63  }
0x112: {  	_ =	swait.ge [sflag:s3], $0x4000  }
0x113: {  	s22 =	sld [smem:$0x7F8]  }
0x114: {  	[sflag:s3] =	ssyncset.done $0x0  }
0x115: {  	[sflag:s3] =	ssyncadd.s32 $0xFFFFC000  }
0x116: {  	[tilespmem:s2], [sflag:$0x2] =	stream.linear.gather [hbm4b:s22+s2], $0x80, $0x38;
	[tilespmem:$0x4080] =	vst v63  }
0x117: {  	_ =	swait.ge [sflag:s3], $0x80  }
0x118: {  	[sflag:s3] =	ssyncset.done $0x0  }
0x119: {  	[sflag:s3] =	ssyncadd.s32 $0xFFFFFF80  }
0x11a: {  	[tilespmem:s5], [sflag:$0x1] =	stream.indirect.gather [hbm4b:s4+s5], $0x80, s2, s5, $0xb8;
	[tilespmem:$0x4080] =	vst v63  }
0x11b: {  	_ =	swait.ge [sflag:s6], $0x4000  }
0x11c: {  	s23 =	sld [smem:$0x7F9]  }
0x11d: {  	[sflag:s6] =	ssyncset.done $0x0  }
0x11e: {  	[sflag:s6] =	ssyncadd.s32 $0xFFFFC000  }
0x11f: {  	[hbm4b:s23+s2] =	stream.linear.scatter [tilespmem:s5], [sflag:$0x2], $0x4000, $0x38;
	[tilespmem:$0x4080] =	vst v63  }
0x120: {  	_ =	swait.ge [sflag:s3], $0x4000  }
0x121: {  	s24 =	sld [smem:$0x7FA]  }
0x122: {  	[sflag:s3] =	ssyncset.done $0x0  }
0x123: {  	[sflag:s3] =	ssyncadd.s32 $0xFFFFC000  }
0x124: {  	[tilespmem:s2], [sflag:$0x2] =	stream.linear.gather [hbm4b:s24+s2], $0x80, $0x38;
	[tilespmem:$0x4080] =	vst v63  }
0x125: {  	_ =	swait.ge [sflag:s3], $0x80  }
0x126: {  	[sflag:s3] =	ssyncset.done $0x0  }
0x127: {  	[sflag:s3] =	ssyncadd.s32 $0xFFFFFF80  }
0x128: {  	[tilespmem:s5], [sflag:$0x1] =	stream.indirect.gather [hbm4b:s4+s5], $0x80, s2, s5, $0xb8;
	[tilespmem:$0x4080] =	vst v63  }
0x129: {  	_ =	swait.ge [sflag:s6], $0x4000  }
0x12a: {  	s25 =	sld [smem:$0x7FB]  }
0x12b: {  	[sflag:s6] =	ssyncset.done $0x0  }
0x12c: {  	[sflag:s6] =	ssyncadd.s32 $0xFFFFC000  }
0x12d: {  	[hbm4b:s25+s2] =	stream.linear.scatter [tilespmem:s5], [sflag:$0x2], $0x4000, $0x38;
	[tilespmem:$0x4080] =	vst v63  }
0x12e: {  	s8 =	sor.u32 $0xA00, s1;
	_ =	swait.ge [sflag:s3], $0x4000  }
0x12f: {  	s26 =	sshrl.u32 s8, $0x3;
	[sflag:s3] =	ssyncset.done $0x0  }
0x130: {  	s7 =	sadd.s32 s30, s26;
	[sflag:s3] =	ssyncadd.s32 $0xFFFFC000  }
0x131: {  	[tilespmem:s2], [sflag:$0x2] =	stream.linear.gather [hbm4b:s7+s2], $0x80, $0x38;
	[tilespmem:$0x4080] =	vst v63  }
0x132: {  	_ =	swait.ge [sflag:s3], $0x80  }
0x133: {  	[sflag:s3] =	ssyncset.done $0x0  }
0x134: {  	[sflag:s3] =	ssyncadd.s32 $0xFFFFFF80  }
0x135: {  	[tilespmem:s5], [sflag:$0x1] =	stream.indirect.gather [hbm4b:s4+s5], $0x80, s2, s5, $0xb8;
	[tilespmem:$0x4080] =	vst v63  }
0x136: {  	_ =	swait.ge [sflag:s6], $0x4000  }
0x137: {  	s8 =	sshll.u32 s8, $0x4;
	[sflag:s6] =	ssyncset.done $0x0  }
0x138: {  	s8 =	sadd.s32 s0, s8;
	[sflag:s6] =	ssyncadd.s32 $0xFFFFC000  }
0x139: {  	[hbm4b:s8+s2] =	stream.linear.scatter [tilespmem:s5], [sflag:$0x2], $0x4000, $0x38;
	[tilespmem:$0x4080] =	vst v63  }
0x13a: {  	s10 =	sor.u32 $0xA80, s1;
	_ =	swait.ge [sflag:s3], $0x4000  }
0x13b: {  	s9 =	sshrl.u32 s10, $0x3;
	[sflag:s3] =	ssyncset.done $0x0  }
0x13c: {  	s9 =	sadd.s32 s30, s9;
	[sflag:s3] =	ssyncadd.s32 $0xFFFFC000  }
0x13d: {  	[tilespmem:s2], [sflag:$0x2] =	stream.linear.gather [hbm4b:s9+s2], $0x80, $0x38;
	[tilespmem:$0x4080] =	vst v63  }
0x13e: {  	_ =	swait.ge [sflag:s3], $0x80  }
0x13f: {  	[sflag:s3] =	ssyncset.done $0x0  }
0x140: {  	[sflag:s3] =	ssyncadd.s32 $0xFFFFFF80  }
0x141: {  	[tilespmem:s5], [sflag:$0x1] =	stream.indirect.gather [hbm4b:s4+s5], $0x80, s2, s5, $0xb8;
	[tilespmem:$0x4080] =	vst v63  }
0x142: {  	_ =	swait.ge [sflag:s6], $0x4000  }
0x143: {  	s10 =	sshll.u32 s10, $0x4;
	[sflag:s6] =	ssyncset.done $0x0  }
0x144: {  	s10 =	sadd.s32 s0, s10;
	[sflag:s6] =	ssyncadd.s32 $0xFFFFC000  }
0x145: {  	[hbm4b:s10+s2] =	stream.linear.scatter [tilespmem:s5], [sflag:$0x2], $0x4000, $0x38;
	[tilespmem:$0x4080] =	vst v63  }
0x146: {  	s12 =	sor.u32 $0xB00, s1;
	_ =	swait.ge [sflag:s3], $0x4000  }
0x147: {  	s11 =	sshrl.u32 s12, $0x3;
	[sflag:s3] =	ssyncset.done $0x0  }
0x148: {  	s11 =	sadd.s32 s30, s11;
	[sflag:s3] =	ssyncadd.s32 $0xFFFFC000  }
0x149: {  	[tilespmem:s2], [sflag:$0x2] =	stream.linear.gather [hbm4b:s11+s2], $0x80, $0x38;
	[tilespmem:$0x4080] =	vst v63  }
0x14a: {  	_ =	swait.ge [sflag:s3], $0x80  }
0x14b: {  	[sflag:s3] =	ssyncset.done $0x0  }
0x14c: {  	[sflag:s3] =	ssyncadd.s32 $0xFFFFFF80  }
0x14d: {  	[tilespmem:s5], [sflag:$0x1] =	stream.indirect.gather [hbm4b:s4+s5], $0x80, s2, s5, $0xb8;
	[tilespmem:$0x4080] =	vst v63  }
0x14e: {  	_ =	swait.ge [sflag:s6], $0x4000  }
0x14f: {  	s12 =	sshll.u32 s12, $0x4;
	[sflag:s6] =	ssyncset.done $0x0  }
0x150: {  	s12 =	sadd.s32 s0, s12;
	[sflag:s6] =	ssyncadd.s32 $0xFFFFC000  }
0x151: {  	[hbm4b:s12+s2] =	stream.linear.scatter [tilespmem:s5], [sflag:$0x2], $0x4000, $0x38;
	[tilespmem:$0x4080] =	vst v63  }
0x152: {  	s14 =	sor.u32 $0xB80, s1;
	_ =	swait.ge [sflag:s3], $0x4000  }
0x153: {  	s13 =	sshrl.u32 s14, $0x3;
	[sflag:s3] =	ssyncset.done $0x0  }
0x154: {  	s13 =	sadd.s32 s30, s13;
	[sflag:s3] =	ssyncadd.s32 $0xFFFFC000  }
0x155: {  	[tilespmem:s2], [sflag:$0x2] =	stream.linear.gather [hbm4b:s13+s2], $0x80, $0x38;
	[tilespmem:$0x4080] =	vst v63  }
0x156: {  	_ =	swait.ge [sflag:s3], $0x80  }
0x157: {  	[sflag:s3] =	ssyncset.done $0x0  }
0x158: {  	[sflag:s3] =	ssyncadd.s32 $0xFFFFFF80  }
0x159: {  	[tilespmem:s5], [sflag:$0x1] =	stream.indirect.gather [hbm4b:s4+s5], $0x80, s2, s5, $0xb8;
	[tilespmem:$0x4080] =	vst v63  }
0x15a: {  	_ =	swait.ge [sflag:s6], $0x4000  }
0x15b: {  	s14 =	sshll.u32 s14, $0x4;
	[sflag:s6] =	ssyncset.done $0x0  }
0x15c: {  	s14 =	sadd.s32 s0, s14;
	[sflag:s6] =	ssyncadd.s32 $0xFFFFC000  }
0x15d: {  	[hbm4b:s14+s2] =	stream.linear.scatter [tilespmem:s5], [sflag:$0x2], $0x4000, $0x38;
	[tilespmem:$0x4080] =	vst v63  }
0x15e: {  	s16 =	sor.u32 $0xC00, s1;
	_ =	swait.ge [sflag:s3], $0x4000  }
0x15f: {  	s15 =	sshrl.u32 s16, $0x3;
	[sflag:s3] =	ssyncset.done $0x0  }
0x160: {  	s15 =	sadd.s32 s30, s15;
	[sflag:s3] =	ssyncadd.s32 $0xFFFFC000  }
0x161: {  	[tilespmem:s2], [sflag:$0x2] =	stream.linear.gather [hbm4b:s15+s2], $0x80, $0x38;
	[tilespmem:$0x4080] =	vst v63  }
0x162: {  	_ =	swait.ge [sflag:s3], $0x80  }
0x163: {  	[sflag:s3] =	ssyncset.done $0x0  }
0x164: {  	[sflag:s3] =	ssyncadd.s32 $0xFFFFFF80  }
0x165: {  	[tilespmem:s5], [sflag:$0x1] =	stream.indirect.gather [hbm4b:s4+s5], $0x80, s2, s5, $0xb8;
	[tilespmem:$0x4080] =	vst v63  }
0x166: {  	_ =	swait.ge [sflag:s6], $0x4000  }
0x167: {  	s16 =	sshll.u32 s16, $0x4;
	[sflag:s6] =	ssyncset.done $0x0  }
0x168: {  	s16 =	sadd.s32 s0, s16;
	[sflag:s6] =	ssyncadd.s32 $0xFFFFC000  }
0x169: {  	[hbm4b:s16+s2] =	stream.linear.scatter [tilespmem:s5], [sflag:$0x2], $0x4000, $0x38;
	[tilespmem:$0x4080] =	vst v63  }
0x16a: {  	s18 =	sor.u32 $0xC80, s1;
	_ =	swait.ge [sflag:s3], $0x4000  }
0x16b: {  	s17 =	sshrl.u32 s18, $0x3;
	[sflag:s3] =	ssyncset.done $0x0  }
0x16c: {  	s17 =	sadd.s32 s30, s17;
	[sflag:s3] =	ssyncadd.s32 $0xFFFFC000  }
0x16d: {  	[tilespmem:s2], [sflag:$0x2] =	stream.linear.gather [hbm4b:s17+s2], $0x80, $0x38;
	[tilespmem:$0x4080] =	vst v63  }
0x16e: {  	_ =	swait.ge [sflag:s3], $0x80  }
0x16f: {  	[sflag:s3] =	ssyncset.done $0x0  }
0x170: {  	[sflag:s3] =	ssyncadd.s32 $0xFFFFFF80  }
0x171: {  	[tilespmem:s5], [sflag:$0x1] =	stream.indirect.gather [hbm4b:s4+s5], $0x80, s2, s5, $0xb8;
	[tilespmem:$0x4080] =	vst v63  }
0x172: {  	_ =	swait.ge [sflag:s6], $0x4000  }
0x173: {  	s18 =	sshll.u32 s18, $0x4;
	[sflag:s6] =	ssyncset.done $0x0  }
0x174: {  	s18 =	sadd.s32 s0, s18;
	[sflag:s6] =	ssyncadd.s32 $0xFFFFC000  }
0x175: {  	[hbm4b:s18+s2] =	stream.linear.scatter [tilespmem:s5], [sflag:$0x2], $0x4000, $0x38;
	[tilespmem:$0x4080] =	vst v63  }
0x176: {  	s20 =	sor.u32 $0xD00, s1;
	_ =	swait.ge [sflag:s3], $0x4000  }
0x177: {  	s19 =	sshrl.u32 s20, $0x3;
	[sflag:s3] =	ssyncset.done $0x0  }
0x178: {  	s19 =	sadd.s32 s30, s19;
	[sflag:s3] =	ssyncadd.s32 $0xFFFFC000  }
0x179: {  	[tilespmem:s2], [sflag:$0x2] =	stream.linear.gather [hbm4b:s19+s2], $0x80, $0x38;
	[tilespmem:$0x4080] =	vst v63  }
0x17a: {  	_ =	swait.ge [sflag:s3], $0x80  }
0x17b: {  	[sflag:s3] =	ssyncset.done $0x0  }
0x17c: {  	[sflag:s3] =	ssyncadd.s32 $0xFFFFFF80  }
0x17d: {  	[tilespmem:s5], [sflag:$0x1] =	stream.indirect.gather [hbm4b:s4+s5], $0x80, s2, s5, $0xb8;
	[tilespmem:$0x4080] =	vst v63  }
0x17e: {  	_ =	swait.ge [sflag:s6], $0x4000  }
0x17f: {  	s20 =	sshll.u32 s20, $0x4;
	[sflag:s6] =	ssyncset.done $0x0  }
0x180: {  	s20 =	sadd.s32 s0, s20;
	[sflag:s6] =	ssyncadd.s32 $0xFFFFC000  }
0x181: {  	[hbm4b:s20+s2] =	stream.linear.scatter [tilespmem:s5], [sflag:$0x2], $0x4000, $0x38;
	[tilespmem:$0x4080] =	vst v63  }
0x182: {  	s22 =	sor.u32 $0xD80, s1;
	_ =	swait.ge [sflag:s3], $0x4000  }
0x183: {  	s21 =	sshrl.u32 s22, $0x3;
	[sflag:s3] =	ssyncset.done $0x0  }
0x184: {  	s21 =	sadd.s32 s30, s21;
	[sflag:s3] =	ssyncadd.s32 $0xFFFFC000  }
0x185: {  	[tilespmem:s2], [sflag:$0x2] =	stream.linear.gather [hbm4b:s21+s2], $0x80, $0x38;
	[tilespmem:$0x4080] =	vst v63  }
0x186: {  	_ =	swait.ge [sflag:s3], $0x80  }
0x187: {  	[sflag:s3] =	ssyncset.done $0x0  }
0x188: {  	[sflag:s3] =	ssyncadd.s32 $0xFFFFFF80  }
0x189: {  	[tilespmem:s5], [sflag:$0x1] =	stream.indirect.gather [hbm4b:s4+s5], $0x80, s2, s5, $0xb8;
	[tilespmem:$0x4080] =	vst v63  }
0x18a: {  	_ =	swait.ge [sflag:s6], $0x4000  }
0x18b: {  	s22 =	sshll.u32 s22, $0x4;
	[sflag:s6] =	ssyncset.done $0x0  }
0x18c: {  	s22 =	sadd.s32 s0, s22;
	[sflag:s6] =	ssyncadd.s32 $0xFFFFC000  }
0x18d: {  	[hbm4b:s22+s2] =	stream.linear.scatter [tilespmem:s5], [sflag:$0x2], $0x4000, $0x38;
	[tilespmem:$0x4080] =	vst v63  }
0x18e: {  	s24 =	sor.u32 $0xE00, s1;
	_ =	swait.ge [sflag:s3], $0x4000  }
0x18f: {  	s23 =	sshrl.u32 s24, $0x3;
	[sflag:s3] =	ssyncset.done $0x0  }
0x190: {  	s23 =	sadd.s32 s30, s23;
	[sflag:s3] =	ssyncadd.s32 $0xFFFFC000  }
0x191: {  	[tilespmem:s2], [sflag:$0x2] =	stream.linear.gather [hbm4b:s23+s2], $0x80, $0x38;
	[tilespmem:$0x4080] =	vst v63  }
0x192: {  	_ =	swait.ge [sflag:s3], $0x80  }
0x193: {  	[sflag:s3] =	ssyncset.done $0x0  }
0x194: {  	[sflag:s3] =	ssyncadd.s32 $0xFFFFFF80  }
0x195: {  	[tilespmem:s5], [sflag:$0x1] =	stream.indirect.gather [hbm4b:s4+s5], $0x80, s2, s5, $0xb8;
	[tilespmem:$0x4080] =	vst v63  }
0x196: {  	_ =	swait.ge [sflag:s6], $0x4000  }
0x197: {  	s24 =	sshll.u32 s24, $0x4;
	[sflag:s6] =	ssyncset.done $0x0  }
0x198: {  	s24 =	sadd.s32 s0, s24;
	[sflag:s6] =	ssyncadd.s32 $0xFFFFC000  }
0x199: {  	[hbm4b:s24+s2] =	stream.linear.scatter [tilespmem:s5], [sflag:$0x2], $0x4000, $0x38;
	[tilespmem:$0x4080] =	vst v63  }
0x19a: {  	s26 =	sor.u32 $0xE80, s1;
	_ =	swait.ge [sflag:s3], $0x4000  }
0x19b: {  	s25 =	sshrl.u32 s26, $0x3;
	[sflag:s3] =	ssyncset.done $0x0  }
0x19c: {  	s25 =	sadd.s32 s30, s25;
	[sflag:s3] =	ssyncadd.s32 $0xFFFFC000  }
0x19d: {  	[tilespmem:s2], [sflag:$0x2] =	stream.linear.gather [hbm4b:s25+s2], $0x80, $0x38;
	[tilespmem:$0x4080] =	vst v63  }
0x19e: {  	_ =	swait.ge [sflag:s3], $0x80  }
0x19f: {  	[sflag:s3] =	ssyncset.done $0x0  }
0x1a0: {  	[sflag:s3] =	ssyncadd.s32 $0xFFFFFF80  }
0x1a1: {  	[tilespmem:s5], [sflag:$0x1] =	stream.indirect.gather [hbm4b:s4+s5], $0x80, s2, s5, $0xb8;
	[tilespmem:$0x4080] =	vst v63  }
0x1a2: {  	_ =	swait.ge [sflag:s6], $0x4000  }
0x1a3: {  	s26 =	sshll.u32 s26, $0x4;
	[sflag:s6] =	ssyncset.done $0x0  }
0x1a4: {  	s26 =	sadd.s32 s0, s26;
	[smem:$0x7FD] =	sst s0;
	[sflag:s6] =	ssyncadd.s32 $0xFFFFC000  }
0x1a5: {  	[hbm4b:s26+s2] =	stream.linear.scatter [tilespmem:s5], [sflag:$0x2], $0x4000, $0x38;
	[tilespmem:$0x4080] =	vst v63  }
0x1a6: {  	s29 =	sor.u32 $0xF00, s1;
	_ =	swait.ge [sflag:s3], $0x4000  }
0x1a7: {  	s28 =	sshrl.u32 s29, $0x3;
	[sflag:s3] =	ssyncset.done $0x0  }
0x1a8: {  	s28 =	sadd.s32 s30, s28;
	[sflag:s3] =	ssyncadd.s32 $0xFFFFC000  }
0x1a9: {  	[tilespmem:s2], [sflag:$0x2] =	stream.linear.gather [hbm4b:s28+s2], $0x80, $0x38;
	[tilespmem:$0x4080] =	vst v63  }
0x1aa: {  	_ =	swait.ge [sflag:s3], $0x80  }
0x1ab: {  	[sflag:s3] =	ssyncset.done $0x0  }
0x1ac: {  	[sflag:s3] =	ssyncadd.s32 $0xFFFFFF80  }
0x1ad: {  	[tilespmem:s5], [sflag:$0x1] =	stream.indirect.gather [hbm4b:s4+s5], $0x80, s2, s5, $0xb8;
	[tilespmem:$0x4080] =	vst v63  }
0x1ae: {  	_ =	swait.ge [sflag:s6], $0x4000  }
0x1af: {  	s29 =	sshll.u32 s29, $0x4;
	[sflag:s6] =	ssyncset.done $0x0  }
0x1b0: {  	s29 =	sadd.s32 s0, s29;
	[sflag:s6] =	ssyncadd.s32 $0xFFFFC000  }
0x1b1: {  	[hbm4b:s29+s2] =	stream.linear.scatter [tilespmem:s5], [sflag:$0x2], $0x4000, $0x38;
	[tilespmem:$0x4080] =	vst v63  }
0x1b2: {  	s1 =	sor.u32 $0xF80, s1;
	_ =	swait.ge [sflag:s3], $0x4000  }
0x1b3: {  	s31 =	sshrl.u32 s1, $0x3;
	[sflag:s3] =	ssyncset.done $0x0  }
0x1b4: {  	s30 =	sadd.s32 s30, s31;
	[sflag:s3] =	ssyncadd.s32 $0xFFFFC000  }
0x1b5: {  	[tilespmem:s2], [sflag:$0x2] =	stream.linear.gather [hbm4b:s30+s2], $0x80, $0x38;
	[tilespmem:$0x4080] =	vst v63  }
0x1b6: {  	_ =	swait.ge [sflag:s3], $0x80  }
0x1b7: {  	[sflag:s3] =	ssyncset.done $0x0;
	s0 =	sld [smem:$0x7FC]  }
0x1b8: {  	[sflag:s3] =	ssyncadd.s32 $0xFFFFFF80  }
0x1b9: {  	[tilespmem:s5], [sflag:$0x1] =	stream.indirect.gather [hbm4b:s4+s5], $0x80, s2, s5, $0xb8;
	[tilespmem:$0x4080] =	vst v63  }
0x1ba: {  	s31 =	ssub.s32 $0x2, s0  }
0x1bb: {  	s0 =	sshrl.u32 s31, $0x1  }
0x1bc: {  	s0 =	ssub.s32 s31, s0  }
0x1bd: {  	_ =	swait.ge [sflag:s6], $0x4000;
	s0 =	smax.u32 s0, $0x1  }
0x1be: {  	s31 =	sld [smem:$0x7FD];
	p0 =	sne.s32 s0, $0x1  }
.Ltmp0:
0x1bf: {  	_ = 	snop;
	(pc) =	sbr.rel @!p0 .LBB2_2-.Ltmp0, $4  }
0x1c0: {  	s1 =	sshll.u32 s1, $0x4;
	[sflag:s6] =	ssyncset.done $0x0  }
0x1c1: {  	[sflag:s6] =	ssyncadd.s32 $0xFFFFC000;
	s31 =	sadd.s32 s31, s1  }
0x1c2: {  	[hbm4b:s31+s2] =	stream.linear.scatter [tilespmem:s5], [sflag:$0x2], $0x4000, $0x38;
	[tilespmem:$0x4080] =	vst v63  }
0x1c3: {  	s0 =	sadd.s32 $0xFFFFFFFF, s0;
	_ =	swait.ge [sflag:s3], $0x4000  }
.LBB2_1:
0x1c4: {  	[sflag:s3] =	ssyncset.done $0x0  }
0x1c5: {  	s1 =	rddreg [dreg:$0x3];
	[sflag:s3] =	ssyncadd.s32 $0xFFFFC000  }
0x1c6: {  	[tilespmem:s2], [sflag:$0x2] =	stream.linear.gather [hbm4b:s1+s2], $0x80, $0x38;
	[tilespmem:$0x4080] =	vst v63  }
0x1c7: {  	_ =	swait.ge [sflag:s3], $0x80  }
0x1c8: {  	[sflag:s3] =	ssyncset.done $0x0  }
0x1c9: {  	[sflag:s3] =	ssyncadd.s32 $0xFFFFFF80  }
0x1ca: {  	[tilespmem:s5], [sflag:$0x1] =	stream.indirect.gather [hbm4b:s4+s5], $0x80, s2, s5, $0xb8;
	[tilespmem:$0x4080] =	vst v63  }
0x1cb: {  	_ =	swait.ge [sflag:s6], $0x4000  }
0x1cc: {  	[sflag:s6] =	ssyncset.done $0x0  }
0x1cd: {  	s1 =	rddreg [dreg:$0x4];
	[sflag:s6] =	ssyncadd.s32 $0xFFFFC000  }
0x1ce: {  	[hbm4b:s1+s2] =	stream.linear.scatter [tilespmem:s5], [sflag:$0x2], $0x4000, $0x38;
	[tilespmem:$0x4080] =	vst v63  }
0x1cf: {  	_ =	swait.ge [sflag:s3], $0x4000  }
0x1d0: {  	[sflag:s3] =	ssyncset.done $0x0  }
0x1d1: {  	s1 =	rddreg [dreg:$0x5];
	[sflag:s3] =	ssyncadd.s32 $0xFFFFC000  }
0x1d2: {  	[tilespmem:s2], [sflag:$0x2] =	stream.linear.gather [hbm4b:s1+s2], $0x80, $0x38;
	[tilespmem:$0x4080] =	vst v63  }
0x1d3: {  	_ =	swait.ge [sflag:s3], $0x80  }
0x1d4: {  	[sflag:s3] =	ssyncset.done $0x0  }
0x1d5: {  	[sflag:s3] =	ssyncadd.s32 $0xFFFFFF80  }
0x1d6: {  	[tilespmem:s5], [sflag:$0x1] =	stream.indirect.gather [hbm4b:s4+s5], $0x80, s2, s5, $0xb8;
	[tilespmem:$0x4080] =	vst v63  }
0x1d7: {  	_ =	swait.ge [sflag:s6], $0x4000  }
0x1d8: {  	[sflag:s6] =	ssyncset.done $0x0  }
0x1d9: {  	s1 =	rddreg [dreg:$0x6];
	[sflag:s6] =	ssyncadd.s32 $0xFFFFC000  }
0x1da: {  	[hbm4b:s1+s2] =	stream.linear.scatter [tilespmem:s5], [sflag:$0x2], $0x4000, $0x38;
	[tilespmem:$0x4080] =	vst v63  }
0x1db: {  	_ =	swait.ge [sflag:s3], $0x4000  }
0x1dc: {  	[sflag:s3] =	ssyncset.done $0x0  }
0x1dd: {  	s1 =	rddreg [dreg:$0x7];
	[sflag:s3] =	ssyncadd.s32 $0xFFFFC000  }
0x1de: {  	[tilespmem:s2], [sflag:$0x2] =	stream.linear.gather [hbm4b:s1+s2], $0x80, $0x38;
	[tilespmem:$0x4080] =	vst v63  }
0x1df: {  	_ =	swait.ge [sflag:s3], $0x80  }
0x1e0: {  	[sflag:s3] =	ssyncset.done $0x0  }
0x1e1: {  	[sflag:s3] =	ssyncadd.s32 $0xFFFFFF80  }
0x1e2: {  	[tilespmem:s5], [sflag:$0x1] =	stream.indirect.gather [hbm4b:s4+s5], $0x80, s2, s5, $0xb8;
	[tilespmem:$0x4080] =	vst v63  }
0x1e3: {  	_ =	swait.ge [sflag:s6], $0x4000  }
0x1e4: {  	[sflag:s6] =	ssyncset.done $0x0  }
0x1e5: {  	s1 =	rddreg [dreg:$0x8];
	[sflag:s6] =	ssyncadd.s32 $0xFFFFC000  }
0x1e6: {  	[hbm4b:s1+s2] =	stream.linear.scatter [tilespmem:s5], [sflag:$0x2], $0x4000, $0x38;
	[tilespmem:$0x4080] =	vst v63  }
0x1e7: {  	_ =	swait.ge [sflag:s3], $0x4000  }
0x1e8: {  	[sflag:s3] =	ssyncset.done $0x0  }
0x1e9: {  	s1 =	rddreg [dreg:$0x9];
	[sflag:s3] =	ssyncadd.s32 $0xFFFFC000  }
0x1ea: {  	[tilespmem:s2], [sflag:$0x2] =	stream.linear.gather [hbm4b:s1+s2], $0x80, $0x38;
	[tilespmem:$0x4080] =	vst v63  }
0x1eb: {  	_ =	swait.ge [sflag:s3], $0x80  }
0x1ec: {  	[sflag:s3] =	ssyncset.done $0x0  }
0x1ed: {  	[sflag:s3] =	ssyncadd.s32 $0xFFFFFF80  }
0x1ee: {  	[tilespmem:s5], [sflag:$0x1] =	stream.indirect.gather [hbm4b:s4+s5], $0x80, s2, s5, $0xb8;
	[tilespmem:$0x4080] =	vst v63  }
0x1ef: {  	_ =	swait.ge [sflag:s6], $0x4000  }
0x1f0: {  	[sflag:s6] =	ssyncset.done $0x0  }
0x1f1: {  	s1 =	rddreg [dreg:$0xa];
	[sflag:s6] =	ssyncadd.s32 $0xFFFFC000  }
0x1f2: {  	[hbm4b:s1+s2] =	stream.linear.scatter [tilespmem:s5], [sflag:$0x2], $0x4000, $0x38;
	[tilespmem:$0x4080] =	vst v63  }
0x1f3: {  	_ =	swait.ge [sflag:s3], $0x4000  }
0x1f4: {  	[sflag:s3] =	ssyncset.done $0x0  }
0x1f5: {  	s1 =	rddreg [dreg:$0xb];
	[sflag:s3] =	ssyncadd.s32 $0xFFFFC000  }
0x1f6: {  	[tilespmem:s2], [sflag:$0x2] =	stream.linear.gather [hbm4b:s1+s2], $0x80, $0x38;
	[tilespmem:$0x4080] =	vst v63  }
0x1f7: {  	_ =	swait.ge [sflag:s3], $0x80  }
0x1f8: {  	[sflag:s3] =	ssyncset.done $0x0  }
0x1f9: {  	[sflag:s3] =	ssyncadd.s32 $0xFFFFFF80  }
0x1fa: {  	[tilespmem:s5], [sflag:$0x1] =	stream.indirect.gather [hbm4b:s4+s5], $0x80, s2, s5, $0xb8;
	[tilespmem:$0x4080] =	vst v63  }
0x1fb: {  	_ =	swait.ge [sflag:s6], $0x4000  }
0x1fc: {  	[sflag:s6] =	ssyncset.done $0x0  }
0x1fd: {  	s1 =	rddreg [dreg:$0xc];
	[sflag:s6] =	ssyncadd.s32 $0xFFFFC000  }
0x1fe: {  	[hbm4b:s1+s2] =	stream.linear.scatter [tilespmem:s5], [sflag:$0x2], $0x4000, $0x38;
	[tilespmem:$0x4080] =	vst v63  }
0x1ff: {  	_ =	swait.ge [sflag:s3], $0x4000  }
0x200: {  	[sflag:s3] =	ssyncset.done $0x0  }
0x201: {  	s1 =	rddreg [dreg:$0xd];
	[sflag:s3] =	ssyncadd.s32 $0xFFFFC000  }
0x202: {  	[tilespmem:s2], [sflag:$0x2] =	stream.linear.gather [hbm4b:s1+s2], $0x80, $0x38;
	[tilespmem:$0x4080] =	vst v63  }
0x203: {  	_ =	swait.ge [sflag:s3], $0x80  }
0x204: {  	[sflag:s3] =	ssyncset.done $0x0  }
0x205: {  	[sflag:s3] =	ssyncadd.s32 $0xFFFFFF80  }
0x206: {  	[tilespmem:s5], [sflag:$0x1] =	stream.indirect.gather [hbm4b:s4+s5], $0x80, s2, s5, $0xb8;
	[tilespmem:$0x4080] =	vst v63  }
0x207: {  	_ =	swait.ge [sflag:s6], $0x4000  }
0x208: {  	[sflag:s6] =	ssyncset.done $0x0  }
0x209: {  	s1 =	rddreg [dreg:$0xe];
	[sflag:s6] =	ssyncadd.s32 $0xFFFFC000  }
0x20a: {  	[hbm4b:s1+s2] =	stream.linear.scatter [tilespmem:s5], [sflag:$0x2], $0x4000, $0x38;
	[tilespmem:$0x4080] =	vst v63  }
0x20b: {  	_ =	swait.ge [sflag:s3], $0x4000  }
0x20c: {  	[sflag:s3] =	ssyncset.done $0x0  }
0x20d: {  	s1 =	rddreg [dreg:$0xf];
	[sflag:s3] =	ssyncadd.s32 $0xFFFFC000  }
0x20e: {  	[tilespmem:s2], [sflag:$0x2] =	stream.linear.gather [hbm4b:s1+s2], $0x80, $0x38;
	[tilespmem:$0x4080] =	vst v63  }
0x20f: {  	_ =	swait.ge [sflag:s3], $0x80  }
0x210: {  	[sflag:s3] =	ssyncset.done $0x0  }
0x211: {  	[sflag:s3] =	ssyncadd.s32 $0xFFFFFF80  }
0x212: {  	[tilespmem:s5], [sflag:$0x1] =	stream.indirect.gather [hbm4b:s4+s5], $0x80, s2, s5, $0xb8;
	[tilespmem:$0x4080] =	vst v63  }
0x213: {  	_ =	swait.ge [sflag:s6], $0x4000  }
0x214: {  	[sflag:s6] =	ssyncset.done $0x0  }
0x215: {  	s1 =	rddreg [dreg:$0x10];
	[sflag:s6] =	ssyncadd.s32 $0xFFFFC000  }
0x216: {  	[hbm4b:s1+s2] =	stream.linear.scatter [tilespmem:s5], [sflag:$0x2], $0x4000, $0x38;
	[tilespmem:$0x4080] =	vst v63  }
0x217: {  	_ =	swait.ge [sflag:s3], $0x4000  }
0x218: {  	[sflag:s3] =	ssyncset.done $0x0  }
0x219: {  	s1 =	rddreg [dreg:$0x11];
	[sflag:s3] =	ssyncadd.s32 $0xFFFFC000  }
0x21a: {  	[tilespmem:s2], [sflag:$0x2] =	stream.linear.gather [hbm4b:s1+s2], $0x80, $0x38;
	[tilespmem:$0x4080] =	vst v63  }
0x21b: {  	_ =	swait.ge [sflag:s3], $0x80  }
0x21c: {  	[sflag:s3] =	ssyncset.done $0x0  }
0x21d: {  	[sflag:s3] =	ssyncadd.s32 $0xFFFFFF80  }
0x21e: {  	[tilespmem:s5], [sflag:$0x1] =	stream.indirect.gather [hbm4b:s4+s5], $0x80, s2, s5, $0xb8;
	[tilespmem:$0x4080] =	vst v63  }
0x21f: {  	_ =	swait.ge [sflag:s6], $0x4000  }
0x220: {  	[sflag:s6] =	ssyncset.done $0x0  }
0x221: {  	s1 =	rddreg [dreg:$0x12];
	[sflag:s6] =	ssyncadd.s32 $0xFFFFC000  }
0x222: {  	[hbm4b:s1+s2] =	stream.linear.scatter [tilespmem:s5], [sflag:$0x2], $0x4000, $0x38;
	[tilespmem:$0x4080] =	vst v63  }
0x223: {  	_ =	swait.ge [sflag:s3], $0x4000  }
0x224: {  	[sflag:s3] =	ssyncset.done $0x0  }
0x225: {  	s1 =	rddreg [dreg:$0x13];
	[sflag:s3] =	ssyncadd.s32 $0xFFFFC000  }
0x226: {  	[tilespmem:s2], [sflag:$0x2] =	stream.linear.gather [hbm4b:s1+s2], $0x80, $0x38;
	[tilespmem:$0x4080] =	vst v63  }
0x227: {  	_ =	swait.ge [sflag:s3], $0x80  }
0x228: {  	[sflag:s3] =	ssyncset.done $0x0  }
0x229: {  	[sflag:s3] =	ssyncadd.s32 $0xFFFFFF80  }
0x22a: {  	[tilespmem:s5], [sflag:$0x1] =	stream.indirect.gather [hbm4b:s4+s5], $0x80, s2, s5, $0xb8;
	[tilespmem:$0x4080] =	vst v63  }
0x22b: {  	_ =	swait.ge [sflag:s6], $0x4000  }
0x22c: {  	[sflag:s6] =	ssyncset.done $0x0  }
0x22d: {  	s1 =	rddreg [dreg:$0x14];
	[sflag:s6] =	ssyncadd.s32 $0xFFFFC000  }
0x22e: {  	[hbm4b:s1+s2] =	stream.linear.scatter [tilespmem:s5], [sflag:$0x2], $0x4000, $0x38;
	[tilespmem:$0x4080] =	vst v63  }
0x22f: {  	_ =	swait.ge [sflag:s3], $0x4000  }
0x230: {  	[sflag:s3] =	ssyncset.done $0x0  }
0x231: {  	s1 =	rddreg [dreg:$0x15];
	[sflag:s3] =	ssyncadd.s32 $0xFFFFC000  }
0x232: {  	[tilespmem:s2], [sflag:$0x2] =	stream.linear.gather [hbm4b:s1+s2], $0x80, $0x38;
	[tilespmem:$0x4080] =	vst v63  }
0x233: {  	_ =	swait.ge [sflag:s3], $0x80  }
0x234: {  	[sflag:s3] =	ssyncset.done $0x0  }
0x235: {  	[sflag:s3] =	ssyncadd.s32 $0xFFFFFF80  }
0x236: {  	[tilespmem:s5], [sflag:$0x1] =	stream.indirect.gather [hbm4b:s4+s5], $0x80, s2, s5, $0xb8;
	[tilespmem:$0x4080] =	vst v63  }
0x237: {  	_ =	swait.ge [sflag:s6], $0x4000  }
0x238: {  	[sflag:s6] =	ssyncset.done $0x0  }
0x239: {  	s1 =	rddreg [dreg:$0x16];
	[sflag:s6] =	ssyncadd.s32 $0xFFFFC000  }
0x23a: {  	[hbm4b:s1+s2] =	stream.linear.scatter [tilespmem:s5], [sflag:$0x2], $0x4000, $0x38;
	[tilespmem:$0x4080] =	vst v63  }
0x23b: {  	_ =	swait.ge [sflag:s3], $0x4000  }
0x23c: {  	[sflag:s3] =	ssyncset.done $0x0  }
0x23d: {  	s1 =	rddreg [dreg:$0x17];
	[sflag:s3] =	ssyncadd.s32 $0xFFFFC000  }
0x23e: {  	[tilespmem:s2], [sflag:$0x2] =	stream.linear.gather [hbm4b:s1+s2], $0x80, $0x38;
	[tilespmem:$0x4080] =	vst v63  }
0x23f: {  	_ =	swait.ge [sflag:s3], $0x80  }
0x240: {  	[sflag:s3] =	ssyncset.done $0x0  }
0x241: {  	[sflag:s3] =	ssyncadd.s32 $0xFFFFFF80  }
0x242: {  	[tilespmem:s5], [sflag:$0x1] =	stream.indirect.gather [hbm4b:s4+s5], $0x80, s2, s5, $0xb8;
	[tilespmem:$0x4080] =	vst v63  }
0x243: {  	_ =	swait.ge [sflag:s6], $0x4000  }
0x244: {  	[sflag:s6] =	ssyncset.done $0x0  }
0x245: {  	s1 =	rddreg [dreg:$0x18];
	[sflag:s6] =	ssyncadd.s32 $0xFFFFC000  }
0x246: {  	[hbm4b:s1+s2] =	stream.linear.scatter [tilespmem:s5], [sflag:$0x2], $0x4000, $0x38;
	[tilespmem:$0x4080] =	vst v63  }
0x247: {  	_ =	swait.ge [sflag:s3], $0x4000  }
0x248: {  	[sflag:s3] =	ssyncset.done $0x0  }
0x249: {  	s1 =	rddreg [dreg:$0x19];
	[sflag:s3] =	ssyncadd.s32 $0xFFFFC000  }
0x24a: {  	[tilespmem:s2], [sflag:$0x2] =	stream.linear.gather [hbm4b:s1+s2], $0x80, $0x38;
	[tilespmem:$0x4080] =	vst v63  }
0x24b: {  	_ =	swait.ge [sflag:s3], $0x80  }
0x24c: {  	[sflag:s3] =	ssyncset.done $0x0  }
0x24d: {  	[sflag:s3] =	ssyncadd.s32 $0xFFFFFF80  }
0x24e: {  	[tilespmem:s5], [sflag:$0x1] =	stream.indirect.gather [hbm4b:s4+s5], $0x80, s2, s5, $0xb8;
	[tilespmem:$0x4080] =	vst v63  }
0x24f: {  	_ =	swait.ge [sflag:s6], $0x4000  }
0x250: {  	[sflag:s6] =	ssyncset.done $0x0  }
0x251: {  	s1 =	rddreg [dreg:$0x1a];
	[sflag:s6] =	ssyncadd.s32 $0xFFFFC000  }
0x252: {  	[hbm4b:s1+s2] =	stream.linear.scatter [tilespmem:s5], [sflag:$0x2], $0x4000, $0x38;
	[tilespmem:$0x4080] =	vst v63  }
0x253: {  	_ =	swait.ge [sflag:s3], $0x4000  }
0x254: {  	[sflag:s3] =	ssyncset.done $0x0  }
0x255: {  	s1 =	rddreg [dreg:$0x1b];
	[sflag:s3] =	ssyncadd.s32 $0xFFFFC000  }
0x256: {  	[tilespmem:s2], [sflag:$0x2] =	stream.linear.gather [hbm4b:s1+s2], $0x80, $0x38;
	[tilespmem:$0x4080] =	vst v63  }
0x257: {  	_ =	swait.ge [sflag:s3], $0x80  }
0x258: {  	[sflag:s3] =	ssyncset.done $0x0  }
0x259: {  	[sflag:s3] =	ssyncadd.s32 $0xFFFFFF80  }
0x25a: {  	[tilespmem:s5], [sflag:$0x1] =	stream.indirect.gather [hbm4b:s4+s5], $0x80, s2, s5, $0xb8;
	[tilespmem:$0x4080] =	vst v63  }
0x25b: {  	_ =	swait.ge [sflag:s6], $0x4000  }
0x25c: {  	[sflag:s6] =	ssyncset.done $0x0  }
0x25d: {  	s1 =	rddreg [dreg:$0x1c];
	[sflag:s6] =	ssyncadd.s32 $0xFFFFC000  }
0x25e: {  	[hbm4b:s1+s2] =	stream.linear.scatter [tilespmem:s5], [sflag:$0x2], $0x4000, $0x38;
	[tilespmem:$0x4080] =	vst v63  }
0x25f: {  	_ =	swait.ge [sflag:s3], $0x4000  }
0x260: {  	[sflag:s3] =	ssyncset.done $0x0  }
0x261: {  	s1 =	rddreg [dreg:$0x1d];
	[sflag:s3] =	ssyncadd.s32 $0xFFFFC000  }
0x262: {  	[tilespmem:s2], [sflag:$0x2] =	stream.linear.gather [hbm4b:s1+s2], $0x80, $0x38;
	[tilespmem:$0x4080] =	vst v63  }
0x263: {  	_ =	swait.ge [sflag:s3], $0x80  }
0x264: {  	[sflag:s3] =	ssyncset.done $0x0  }
0x265: {  	[sflag:s3] =	ssyncadd.s32 $0xFFFFFF80  }
0x266: {  	[tilespmem:s5], [sflag:$0x1] =	stream.indirect.gather [hbm4b:s4+s5], $0x80, s2, s5, $0xb8;
	[tilespmem:$0x4080] =	vst v63  }
0x267: {  	_ =	swait.ge [sflag:s6], $0x4000  }
0x268: {  	[sflag:s6] =	ssyncset.done $0x0  }
0x269: {  	s1 =	rddreg [dreg:$0x1e];
	[sflag:s6] =	ssyncadd.s32 $0xFFFFC000  }
0x26a: {  	[hbm4b:s1+s2] =	stream.linear.scatter [tilespmem:s5], [sflag:$0x2], $0x4000, $0x38;
	[tilespmem:$0x4080] =	vst v63  }
0x26b: {  	_ =	swait.ge [sflag:s3], $0x4000  }
0x26c: {  	[sflag:s3] =	ssyncset.done $0x0  }
0x26d: {  	s1 =	rddreg [dreg:$0x1f];
	[sflag:s3] =	ssyncadd.s32 $0xFFFFC000  }
0x26e: {  	[tilespmem:s2], [sflag:$0x2] =	stream.linear.gather [hbm4b:s1+s2], $0x80, $0x38;
	[tilespmem:$0x4080] =	vst v63  }
0x26f: {  	_ =	swait.ge [sflag:s3], $0x80  }
0x270: {  	[sflag:s3] =	ssyncset.done $0x0  }
0x271: {  	[sflag:s3] =	ssyncadd.s32 $0xFFFFFF80  }
0x272: {  	[tilespmem:s5], [sflag:$0x1] =	stream.indirect.gather [hbm4b:s4+s5], $0x80, s2, s5, $0xb8;
	[tilespmem:$0x4080] =	vst v63  }
0x273: {  	_ =	swait.ge [sflag:s6], $0x4000  }
0x274: {  	s1 =	sld [smem:$0x7F1]  }
0x275: {  	[sflag:s6] =	ssyncset.done $0x0  }
0x276: {  	[sflag:s6] =	ssyncadd.s32 $0xFFFFC000  }
0x277: {  	[hbm4b:s1+s2] =	stream.linear.scatter [tilespmem:s5], [sflag:$0x2], $0x4000, $0x38;
	[tilespmem:$0x4080] =	vst v63  }
0x278: {  	_ =	swait.ge [sflag:s3], $0x4000  }
0x279: {  	s1 =	sld [smem:$0x7F2]  }
0x27a: {  	[sflag:s3] =	ssyncset.done $0x0  }
0x27b: {  	[sflag:s3] =	ssyncadd.s32 $0xFFFFC000  }
0x27c: {  	[tilespmem:s2], [sflag:$0x2] =	stream.linear.gather [hbm4b:s1+s2], $0x80, $0x38;
	[tilespmem:$0x4080] =	vst v63  }
0x27d: {  	_ =	swait.ge [sflag:s3], $0x80  }
0x27e: {  	[sflag:s3] =	ssyncset.done $0x0  }
0x27f: {  	[sflag:s3] =	ssyncadd.s32 $0xFFFFFF80  }
0x280: {  	[tilespmem:s5], [sflag:$0x1] =	stream.indirect.gather [hbm4b:s4+s5], $0x80, s2, s5, $0xb8;
	[tilespmem:$0x4080] =	vst v63  }
0x281: {  	_ =	swait.ge [sflag:s6], $0x4000  }
0x282: {  	s1 =	sld [smem:$0x7F3]  }
0x283: {  	[sflag:s6] =	ssyncset.done $0x0  }
0x284: {  	[sflag:s6] =	ssyncadd.s32 $0xFFFFC000  }
0x285: {  	[hbm4b:s1+s2] =	stream.linear.scatter [tilespmem:s5], [sflag:$0x2], $0x4000, $0x38;
	[tilespmem:$0x4080] =	vst v63  }
0x286: {  	_ =	swait.ge [sflag:s3], $0x4000  }
0x287: {  	s1 =	sld [smem:$0x7F4]  }
0x288: {  	[sflag:s3] =	ssyncset.done $0x0  }
0x289: {  	[sflag:s3] =	ssyncadd.s32 $0xFFFFC000  }
0x28a: {  	[tilespmem:s2], [sflag:$0x2] =	stream.linear.gather [hbm4b:s1+s2], $0x80, $0x38;
	[tilespmem:$0x4080] =	vst v63  }
0x28b: {  	_ =	swait.ge [sflag:s3], $0x80  }
0x28c: {  	[sflag:s3] =	ssyncset.done $0x0  }
0x28d: {  	[sflag:s3] =	ssyncadd.s32 $0xFFFFFF80  }
0x28e: {  	[tilespmem:s5], [sflag:$0x1] =	stream.indirect.gather [hbm4b:s4+s5], $0x80, s2, s5, $0xb8;
	[tilespmem:$0x4080] =	vst v63  }
0x28f: {  	_ =	swait.ge [sflag:s6], $0x4000  }
0x290: {  	s1 =	sld [smem:$0x7F5]  }
0x291: {  	[sflag:s6] =	ssyncset.done $0x0  }
0x292: {  	[sflag:s6] =	ssyncadd.s32 $0xFFFFC000  }
0x293: {  	[hbm4b:s1+s2] =	stream.linear.scatter [tilespmem:s5], [sflag:$0x2], $0x4000, $0x38;
	[tilespmem:$0x4080] =	vst v63  }
0x294: {  	_ =	swait.ge [sflag:s3], $0x4000  }
0x295: {  	s1 =	sld [smem:$0x7F6]  }
0x296: {  	[sflag:s3] =	ssyncset.done $0x0  }
0x297: {  	[sflag:s3] =	ssyncadd.s32 $0xFFFFC000  }
0x298: {  	[tilespmem:s2], [sflag:$0x2] =	stream.linear.gather [hbm4b:s1+s2], $0x80, $0x38;
	[tilespmem:$0x4080] =	vst v63  }
0x299: {  	_ =	swait.ge [sflag:s3], $0x80  }
0x29a: {  	[sflag:s3] =	ssyncset.done $0x0  }
0x29b: {  	[sflag:s3] =	ssyncadd.s32 $0xFFFFFF80  }
0x29c: {  	[tilespmem:s5], [sflag:$0x1] =	stream.indirect.gather [hbm4b:s4+s5], $0x80, s2, s5, $0xb8;
	[tilespmem:$0x4080] =	vst v63  }
0x29d: {  	_ =	swait.ge [sflag:s6], $0x4000  }
0x29e: {  	s1 =	sld [smem:$0x7F7]  }
0x29f: {  	[sflag:s6] =	ssyncset.done $0x0  }
0x2a0: {  	[sflag:s6] =	ssyncadd.s32 $0xFFFFC000  }
0x2a1: {  	[hbm4b:s1+s2] =	stream.linear.scatter [tilespmem:s5], [sflag:$0x2], $0x4000, $0x38;
	[tilespmem:$0x4080] =	vst v63  }
0x2a2: {  	_ =	swait.ge [sflag:s3], $0x4000  }
0x2a3: {  	s1 =	sld [smem:$0x7F8]  }
0x2a4: {  	[sflag:s3] =	ssyncset.done $0x0  }
0x2a5: {  	[sflag:s3] =	ssyncadd.s32 $0xFFFFC000  }
0x2a6: {  	[tilespmem:s2], [sflag:$0x2] =	stream.linear.gather [hbm4b:s1+s2], $0x80, $0x38;
	[tilespmem:$0x4080] =	vst v63  }
0x2a7: {  	_ =	swait.ge [sflag:s3], $0x80  }
0x2a8: {  	[sflag:s3] =	ssyncset.done $0x0  }
0x2a9: {  	[sflag:s3] =	ssyncadd.s32 $0xFFFFFF80  }
0x2aa: {  	[tilespmem:s5], [sflag:$0x1] =	stream.indirect.gather [hbm4b:s4+s5], $0x80, s2, s5, $0xb8;
	[tilespmem:$0x4080] =	vst v63  }
0x2ab: {  	_ =	swait.ge [sflag:s6], $0x4000  }
0x2ac: {  	s1 =	sld [smem:$0x7F9]  }
0x2ad: {  	[sflag:s6] =	ssyncset.done $0x0  }
0x2ae: {  	[sflag:s6] =	ssyncadd.s32 $0xFFFFC000  }
0x2af: {  	[hbm4b:s1+s2] =	stream.linear.scatter [tilespmem:s5], [sflag:$0x2], $0x4000, $0x38;
	[tilespmem:$0x4080] =	vst v63  }
0x2b0: {  	_ =	swait.ge [sflag:s3], $0x4000  }
0x2b1: {  	s1 =	sld [smem:$0x7FA]  }
0x2b2: {  	[sflag:s3] =	ssyncset.done $0x0  }
0x2b3: {  	[sflag:s3] =	ssyncadd.s32 $0xFFFFC000  }
0x2b4: {  	[tilespmem:s2], [sflag:$0x2] =	stream.linear.gather [hbm4b:s1+s2], $0x80, $0x38;
	[tilespmem:$0x4080] =	vst v63  }
0x2b5: {  	_ =	swait.ge [sflag:s3], $0x80  }
0x2b6: {  	[sflag:s3] =	ssyncset.done $0x0  }
0x2b7: {  	[sflag:s3] =	ssyncadd.s32 $0xFFFFFF80  }
0x2b8: {  	[tilespmem:s5], [sflag:$0x1] =	stream.indirect.gather [hbm4b:s4+s5], $0x80, s2, s5, $0xb8;
	[tilespmem:$0x4080] =	vst v63  }
0x2b9: {  	_ =	swait.ge [sflag:s6], $0x4000  }
0x2ba: {  	s1 =	sld [smem:$0x7FB]  }
0x2bb: {  	[sflag:s6] =	ssyncset.done $0x0  }
0x2bc: {  	[sflag:s6] =	ssyncadd.s32 $0xFFFFC000  }
0x2bd: {  	[hbm4b:s1+s2] =	stream.linear.scatter [tilespmem:s5], [sflag:$0x2], $0x4000, $0x38;
	[tilespmem:$0x4080] =	vst v63  }
0x2be: {  	_ =	swait.ge [sflag:s3], $0x4000  }
0x2bf: {  	[sflag:s3] =	ssyncset.done $0x0  }
0x2c0: {  	[sflag:s3] =	ssyncadd.s32 $0xFFFFC000  }
0x2c1: {  	[tilespmem:s2], [sflag:$0x2] =	stream.linear.gather [hbm4b:s7+s2], $0x80, $0x38;
	[tilespmem:$0x4080] =	vst v63  }
0x2c2: {  	_ =	swait.ge [sflag:s3], $0x80  }
0x2c3: {  	[sflag:s3] =	ssyncset.done $0x0  }
0x2c4: {  	[sflag:s3] =	ssyncadd.s32 $0xFFFFFF80  }
0x2c5: {  	[tilespmem:s5], [sflag:$0x1] =	stream.indirect.gather [hbm4b:s4+s5], $0x80, s2, s5, $0xb8;
	[tilespmem:$0x4080] =	vst v63  }
0x2c6: {  	_ =	swait.ge [sflag:s6], $0x4000  }
0x2c7: {  	[sflag:s6] =	ssyncset.done $0x0  }
0x2c8: {  	[sflag:s6] =	ssyncadd.s32 $0xFFFFC000  }
0x2c9: {  	[hbm4b:s8+s2] =	stream.linear.scatter [tilespmem:s5], [sflag:$0x2], $0x4000, $0x38;
	[tilespmem:$0x4080] =	vst v63  }
0x2ca: {  	_ =	swait.ge [sflag:s3], $0x4000  }
0x2cb: {  	[sflag:s3] =	ssyncset.done $0x0  }
0x2cc: {  	[sflag:s3] =	ssyncadd.s32 $0xFFFFC000  }
0x2cd: {  	[tilespmem:s2], [sflag:$0x2] =	stream.linear.gather [hbm4b:s9+s2], $0x80, $0x38;
	[tilespmem:$0x4080] =	vst v63  }
0x2ce: {  	_ =	swait.ge [sflag:s3], $0x80  }
0x2cf: {  	[sflag:s3] =	ssyncset.done $0x0  }
0x2d0: {  	[sflag:s3] =	ssyncadd.s32 $0xFFFFFF80  }
0x2d1: {  	[tilespmem:s5], [sflag:$0x1] =	stream.indirect.gather [hbm4b:s4+s5], $0x80, s2, s5, $0xb8;
	[tilespmem:$0x4080] =	vst v63  }
0x2d2: {  	_ =	swait.ge [sflag:s6], $0x4000  }
0x2d3: {  	[sflag:s6] =	ssyncset.done $0x0  }
0x2d4: {  	[sflag:s6] =	ssyncadd.s32 $0xFFFFC000  }
0x2d5: {  	[hbm4b:s10+s2] =	stream.linear.scatter [tilespmem:s5], [sflag:$0x2], $0x4000, $0x38;
	[tilespmem:$0x4080] =	vst v63  }
0x2d6: {  	_ =	swait.ge [sflag:s3], $0x4000  }
0x2d7: {  	[sflag:s3] =	ssyncset.done $0x0  }
0x2d8: {  	[sflag:s3] =	ssyncadd.s32 $0xFFFFC000  }
0x2d9: {  	[tilespmem:s2], [sflag:$0x2] =	stream.linear.gather [hbm4b:s11+s2], $0x80, $0x38;
	[tilespmem:$0x4080] =	vst v63  }
0x2da: {  	_ =	swait.ge [sflag:s3], $0x80  }
0x2db: {  	[sflag:s3] =	ssyncset.done $0x0  }
0x2dc: {  	[sflag:s3] =	ssyncadd.s32 $0xFFFFFF80  }
0x2dd: {  	[tilespmem:s5], [sflag:$0x1] =	stream.indirect.gather [hbm4b:s4+s5], $0x80, s2, s5, $0xb8;
	[tilespmem:$0x4080] =	vst v63  }
0x2de: {  	_ =	swait.ge [sflag:s6], $0x4000  }
0x2df: {  	[sflag:s6] =	ssyncset.done $0x0  }
0x2e0: {  	[sflag:s6] =	ssyncadd.s32 $0xFFFFC000  }
0x2e1: {  	[hbm4b:s12+s2] =	stream.linear.scatter [tilespmem:s5], [sflag:$0x2], $0x4000, $0x38;
	[tilespmem:$0x4080] =	vst v63  }
0x2e2: {  	_ =	swait.ge [sflag:s3], $0x4000  }
0x2e3: {  	[sflag:s3] =	ssyncset.done $0x0  }
0x2e4: {  	[sflag:s3] =	ssyncadd.s32 $0xFFFFC000  }
0x2e5: {  	[tilespmem:s2], [sflag:$0x2] =	stream.linear.gather [hbm4b:s13+s2], $0x80, $0x38;
	[tilespmem:$0x4080] =	vst v63  }
0x2e6: {  	_ =	swait.ge [sflag:s3], $0x80  }
0x2e7: {  	[sflag:s3] =	ssyncset.done $0x0  }
0x2e8: {  	[sflag:s3] =	ssyncadd.s32 $0xFFFFFF80  }
0x2e9: {  	[tilespmem:s5], [sflag:$0x1] =	stream.indirect.gather [hbm4b:s4+s5], $0x80, s2, s5, $0xb8;
	[tilespmem:$0x4080] =	vst v63  }
0x2ea: {  	_ =	swait.ge [sflag:s6], $0x4000  }
0x2eb: {  	[sflag:s6] =	ssyncset.done $0x0  }
0x2ec: {  	[sflag:s6] =	ssyncadd.s32 $0xFFFFC000  }
0x2ed: {  	[hbm4b:s14+s2] =	stream.linear.scatter [tilespmem:s5], [sflag:$0x2], $0x4000, $0x38;
	[tilespmem:$0x4080] =	vst v63  }
0x2ee: {  	_ =	swait.ge [sflag:s3], $0x4000  }
0x2ef: {  	[sflag:s3] =	ssyncset.done $0x0  }
0x2f0: {  	[sflag:s3] =	ssyncadd.s32 $0xFFFFC000  }
0x2f1: {  	[tilespmem:s2], [sflag:$0x2] =	stream.linear.gather [hbm4b:s15+s2], $0x80, $0x38;
	[tilespmem:$0x4080] =	vst v63  }
0x2f2: {  	_ =	swait.ge [sflag:s3], $0x80  }
0x2f3: {  	[sflag:s3] =	ssyncset.done $0x0  }
0x2f4: {  	[sflag:s3] =	ssyncadd.s32 $0xFFFFFF80  }
0x2f5: {  	[tilespmem:s5], [sflag:$0x1] =	stream.indirect.gather [hbm4b:s4+s5], $0x80, s2, s5, $0xb8;
	[tilespmem:$0x4080] =	vst v63  }
0x2f6: {  	_ =	swait.ge [sflag:s6], $0x4000  }
0x2f7: {  	[sflag:s6] =	ssyncset.done $0x0  }
0x2f8: {  	[sflag:s6] =	ssyncadd.s32 $0xFFFFC000  }
0x2f9: {  	[hbm4b:s16+s2] =	stream.linear.scatter [tilespmem:s5], [sflag:$0x2], $0x4000, $0x38;
	[tilespmem:$0x4080] =	vst v63  }
0x2fa: {  	_ =	swait.ge [sflag:s3], $0x4000  }
0x2fb: {  	[sflag:s3] =	ssyncset.done $0x0  }
0x2fc: {  	[sflag:s3] =	ssyncadd.s32 $0xFFFFC000  }
0x2fd: {  	[tilespmem:s2], [sflag:$0x2] =	stream.linear.gather [hbm4b:s17+s2], $0x80, $0x38;
	[tilespmem:$0x4080] =	vst v63  }
0x2fe: {  	_ =	swait.ge [sflag:s3], $0x80  }
0x2ff: {  	[sflag:s3] =	ssyncset.done $0x0  }
0x300: {  	[sflag:s3] =	ssyncadd.s32 $0xFFFFFF80  }
0x301: {  	[tilespmem:s5], [sflag:$0x1] =	stream.indirect.gather [hbm4b:s4+s5], $0x80, s2, s5, $0xb8;
	[tilespmem:$0x4080] =	vst v63  }
0x302: {  	_ =	swait.ge [sflag:s6], $0x4000  }
0x303: {  	[sflag:s6] =	ssyncset.done $0x0  }
0x304: {  	[sflag:s6] =	ssyncadd.s32 $0xFFFFC000  }
0x305: {  	[hbm4b:s18+s2] =	stream.linear.scatter [tilespmem:s5], [sflag:$0x2], $0x4000, $0x38;
	[tilespmem:$0x4080] =	vst v63  }
0x306: {  	_ =	swait.ge [sflag:s3], $0x4000  }
0x307: {  	[sflag:s3] =	ssyncset.done $0x0  }
0x308: {  	[sflag:s3] =	ssyncadd.s32 $0xFFFFC000  }
0x309: {  	[tilespmem:s2], [sflag:$0x2] =	stream.linear.gather [hbm4b:s19+s2], $0x80, $0x38;
	[tilespmem:$0x4080] =	vst v63  }
0x30a: {  	_ =	swait.ge [sflag:s3], $0x80  }
0x30b: {  	[sflag:s3] =	ssyncset.done $0x0  }
0x30c: {  	[sflag:s3] =	ssyncadd.s32 $0xFFFFFF80  }
0x30d: {  	[tilespmem:s5], [sflag:$0x1] =	stream.indirect.gather [hbm4b:s4+s5], $0x80, s2, s5, $0xb8;
	[tilespmem:$0x4080] =	vst v63  }
0x30e: {  	_ =	swait.ge [sflag:s6], $0x4000  }
0x30f: {  	[sflag:s6] =	ssyncset.done $0x0  }
0x310: {  	[sflag:s6] =	ssyncadd.s32 $0xFFFFC000  }
0x311: {  	[hbm4b:s20+s2] =	stream.linear.scatter [tilespmem:s5], [sflag:$0x2], $0x4000, $0x38;
	[tilespmem:$0x4080] =	vst v63  }
0x312: {  	_ =	swait.ge [sflag:s3], $0x4000  }
0x313: {  	[sflag:s3] =	ssyncset.done $0x0  }
0x314: {  	[sflag:s3] =	ssyncadd.s32 $0xFFFFC000  }
0x315: {  	[tilespmem:s2], [sflag:$0x2] =	stream.linear.gather [hbm4b:s21+s2], $0x80, $0x38;
	[tilespmem:$0x4080] =	vst v63  }
0x316: {  	_ =	swait.ge [sflag:s3], $0x80  }
0x317: {  	[sflag:s3] =	ssyncset.done $0x0  }
0x318: {  	[sflag:s3] =	ssyncadd.s32 $0xFFFFFF80  }
0x319: {  	[tilespmem:s5], [sflag:$0x1] =	stream.indirect.gather [hbm4b:s4+s5], $0x80, s2, s5, $0xb8;
	[tilespmem:$0x4080] =	vst v63  }
0x31a: {  	_ =	swait.ge [sflag:s6], $0x4000  }
0x31b: {  	[sflag:s6] =	ssyncset.done $0x0  }
0x31c: {  	[sflag:s6] =	ssyncadd.s32 $0xFFFFC000  }
0x31d: {  	[hbm4b:s22+s2] =	stream.linear.scatter [tilespmem:s5], [sflag:$0x2], $0x4000, $0x38;
	[tilespmem:$0x4080] =	vst v63  }
0x31e: {  	_ =	swait.ge [sflag:s3], $0x4000  }
0x31f: {  	[sflag:s3] =	ssyncset.done $0x0  }
0x320: {  	[sflag:s3] =	ssyncadd.s32 $0xFFFFC000  }
0x321: {  	[tilespmem:s2], [sflag:$0x2] =	stream.linear.gather [hbm4b:s23+s2], $0x80, $0x38;
	[tilespmem:$0x4080] =	vst v63  }
0x322: {  	_ =	swait.ge [sflag:s3], $0x80  }
0x323: {  	[sflag:s3] =	ssyncset.done $0x0  }
0x324: {  	[sflag:s3] =	ssyncadd.s32 $0xFFFFFF80  }
0x325: {  	[tilespmem:s5], [sflag:$0x1] =	stream.indirect.gather [hbm4b:s4+s5], $0x80, s2, s5, $0xb8;
	[tilespmem:$0x4080] =	vst v63  }
0x326: {  	_ =	swait.ge [sflag:s6], $0x4000  }
0x327: {  	[sflag:s6] =	ssyncset.done $0x0  }
0x328: {  	[sflag:s6] =	ssyncadd.s32 $0xFFFFC000  }
0x329: {  	[hbm4b:s24+s2] =	stream.linear.scatter [tilespmem:s5], [sflag:$0x2], $0x4000, $0x38;
	[tilespmem:$0x4080] =	vst v63  }
0x32a: {  	_ =	swait.ge [sflag:s3], $0x4000  }
0x32b: {  	[sflag:s3] =	ssyncset.done $0x0  }
0x32c: {  	[sflag:s3] =	ssyncadd.s32 $0xFFFFC000  }
0x32d: {  	[tilespmem:s2], [sflag:$0x2] =	stream.linear.gather [hbm4b:s25+s2], $0x80, $0x38;
	[tilespmem:$0x4080] =	vst v63  }
0x32e: {  	_ =	swait.ge [sflag:s3], $0x80  }
0x32f: {  	[sflag:s3] =	ssyncset.done $0x0  }
0x330: {  	[sflag:s3] =	ssyncadd.s32 $0xFFFFFF80  }
0x331: {  	[tilespmem:s5], [sflag:$0x1] =	stream.indirect.gather [hbm4b:s4+s5], $0x80, s2, s5, $0xb8;
	[tilespmem:$0x4080] =	vst v63  }
0x332: {  	_ =	swait.ge [sflag:s6], $0x4000  }
0x333: {  	[sflag:s6] =	ssyncset.done $0x0  }
0x334: {  	[sflag:s6] =	ssyncadd.s32 $0xFFFFC000  }
0x335: {  	[hbm4b:s26+s2] =	stream.linear.scatter [tilespmem:s5], [sflag:$0x2], $0x4000, $0x38;
	[tilespmem:$0x4080] =	vst v63  }
0x336: {  	_ =	swait.ge [sflag:s3], $0x4000  }
0x337: {  	[sflag:s3] =	ssyncset.done $0x0  }
0x338: {  	[sflag:s3] =	ssyncadd.s32 $0xFFFFC000  }
0x339: {  	[tilespmem:s2], [sflag:$0x2] =	stream.linear.gather [hbm4b:s28+s2], $0x80, $0x38;
	[tilespmem:$0x4080] =	vst v63  }
0x33a: {  	_ =	swait.ge [sflag:s3], $0x80  }
0x33b: {  	[sflag:s3] =	ssyncset.done $0x0  }
0x33c: {  	[sflag:s3] =	ssyncadd.s32 $0xFFFFFF80  }
0x33d: {  	[tilespmem:s5], [sflag:$0x1] =	stream.indirect.gather [hbm4b:s4+s5], $0x80, s2, s5, $0xb8;
	[tilespmem:$0x4080] =	vst v63  }
0x33e: {  	_ =	swait.ge [sflag:s6], $0x4000  }
0x33f: {  	[sflag:s6] =	ssyncset.done $0x0  }
0x340: {  	[sflag:s6] =	ssyncadd.s32 $0xFFFFC000  }
0x341: {  	[hbm4b:s29+s2] =	stream.linear.scatter [tilespmem:s5], [sflag:$0x2], $0x4000, $0x38;
	[tilespmem:$0x4080] =	vst v63  }
0x342: {  	_ =	swait.ge [sflag:s3], $0x4000  }
0x343: {  	[sflag:s3] =	ssyncset.done $0x0  }
0x344: {  	[sflag:s3] =	ssyncadd.s32 $0xFFFFC000  }
0x345: {  	[tilespmem:s2], [sflag:$0x2] =	stream.linear.gather [hbm4b:s30+s2], $0x80, $0x38;
	[tilespmem:$0x4080] =	vst v63  }
0x346: {  	_ =	swait.ge [sflag:s3], $0x80  }
0x347: {  	[sflag:s3] =	ssyncset.done $0x0  }
0x348: {  	p0 =	sne.s32 s0, $0x1;
	[sflag:s3] =	ssyncadd.s32 $0xFFFFFF80  }
0x349: {  	[tilespmem:s5], [sflag:$0x1] =	stream.indirect.gather [hbm4b:s4+s5], $0x80, s2, s5, $0xb8;
	[tilespmem:$0x4080] =	vst v63  }
.Ltmp1:
0x34a: {  	_ =	swait.ge [sflag:s6], $0x4000;
	(pc) =	sbr.rel @p0 .LBB2_1-.Ltmp1, $4  }
0x34b: {  	[sflag:s6] =	ssyncset.done $0x0  }
0x34c: {  	[sflag:s6] =	ssyncadd.s32 $0xFFFFC000  }
0x34d: {  	[hbm4b:s31+s2] =	stream.linear.scatter [tilespmem:s5], [sflag:$0x2], $0x4000, $0x38;
	[tilespmem:$0x4080] =	vst v63  }
0x34e: {  	s0 =	sadd.s32 $0xFFFFFFFF, s0;
	_ =	swait.ge [sflag:s3], $0x4000  }
.LBB2_2:
0x34f: {  	[sflag:s3] =	ssyncset.done $0x0  }
0x350: {  	[sflag:s3] =	ssyncadd.s32 $0xFFFFC000  }
0x351: {  	_ =	sfence.sel $0x180000  }
0x352: {  	[bflag:$0x0] =	sbarrier.arrive $0xFFFF  }
0x353: {  	_ =	strace $0x90000047  }
0x354: {  	s0 =	stileid.u32;
	[bflag:$0x2] =	sbarrier.arrive $0xFFFF  }
0x355: {  	p0 =	sne.s32 s0, $0x0;
	s0 =	rddreg [dreg:$0x2]  }
0x356: {  	s0 =	sadd.s32 @!p0 $0x100000, s0  }
0x357: {  	[sflag:s0] =	ssyncadd.tile.s32 @!p0 $0x1;
	_ =	shalt  }
.Lfunc_end2:
_tile_overlayer_lowered:
.L_overlay_start_2:
0x358: {  	(tag) =	ssettag $0x2  }
0x359: {  	s0 =	rddreg [dreg:$0x0];
	s2 =	stileid.u32  }
0x35a: {  	s1 =	rddreg [dreg:$0x1];
	p0 =	sne.s32 s2, $0x0  }
0x35b: {  	s3 =	rddreg [dreg:$0x2];
	[bflag:$0x3] =	sbarrier.arrive $0xFFFF;
	s2 =	simm.s32 @!p0 $0x1C02  }
0x35c: {  	[timem:s3], [sflag:s2] =	dma.local @!p0 [hbm:s0], s1  }
0x35d: {  	s0 =	simm.s32 @!p0 $0x2  }
0x35e: {  	_ =	swait.ge @!p0 [sflag:s0], s1  }
0x35f: {  	s1 =	ssub.s32 @!p0 $0x0, s1;
	[sflag:s0] =	ssyncset.done @!p0 $0x0  }
0x360: {  	[sflag:s0] =	ssyncadd.s32 @!p0 s1  }
0x361: {  	[bflag:$0x3] =	sbarrier.arrive $0xFFFF  }
0x362: {  	_ =	shalt  }

</sc_bundles>
